<compile_context>
chip_gen: v7x
topology: tpu7x:2x2x1
jax: 0.10.2.dev20260603
libtpu: 0.0.44.dev20260713+nightly
codegen_flags: <defaults>
</compile_context>

<pallas_src>
import functools

import jax
import jax.numpy as jnp
from jax import lax
from jax.experimental import pallas as pl
from jax.experimental.pallas import tpu as pltpu
from jax.experimental.pallas import tpu_sc as plsc

_B = 16384
_ZD = 16
_M_PAD = 1024
_NW = 32
_B_SC = 1024
_B_TC_BLK = 1024
_PPW = _B_SC // _NW
_NBLK = _PPW // 32
_M_TRUE = 1000
_ECH = 100


def _sc_stage1(zt_hbm, e2_hbm, part_hbm, zt_v, e_v, mins_v, row_v, e_sm):
    ci = lax.axis_index("c")
    si = lax.axis_index("s")
    wid = si * 2 + ci

    pltpu.sync_copy(zt_hbm.at[wid], zt_v)
    pltpu.sync_copy(e2_hbm, e_v)

    def cbody(c, _):
        def kbody(k, _):
            er = e_v[pl.ds((c * _ECH + k) * _ZD, _ZD)]
            for j in range(_ZD):
                e_sm[k * _ZD + j] = er[j]
            return _

        lax.fori_loop(0, _ECH, kbody, None)

        for blk in range(_NBLK):
            off = blk * 32
            za = [zt_v[j, pl.ds(off, 16)] for j in range(_ZD)]
            zb = [zt_v[j, pl.ds(off + 16, 16)] for j in range(_ZD)]
            zn_a = za[0] * za[0]
            zn_b = zb[0] * zb[0]
            for j in range(1, _ZD):
                zn_a = zn_a + za[j] * za[j]
                zn_b = zn_b + zb[j] * zb[j]

            def mbody(mm, _, za=za, zb=zb, zn_a=zn_a, zn_b=zn_b, blk=blk):
                ko = mm * _ZD
                s0 = e_sm[ko]
                acc_a = s0 * za[0]
                acc_b = s0 * zb[0]
                for j in range(1, _ZD):
                    sj = e_sm[ko + j]
                    acc_a = acc_a + sj * za[j]
                    acc_b = acc_b + sj * zb[j]
                d = jnp.minimum(acc_a + zn_a, acc_b + zn_b)
                sl = pl.ds((c * _ECH + mm) * 16, 16)
                if blk == 0:
                    mins_v[sl] = d
                else:
                    mins_v[sl] = jnp.minimum(mins_v[sl], d)
                return _

            lax.fori_loop(0, _ECH, mbody, None)
        return _

    lax.fori_loop(0, _M_TRUE // _ECH, cbody, None)

    def rbody(g, _):
        ss = []
        for l in range(16):
            v = mins_v[pl.ds((g * 16 + l) * 16, 16)]
            m0 = jnp.minimum(jnp.minimum(v[0], v[1]),
                             jnp.minimum(v[2], v[3]))
            m1 = jnp.minimum(jnp.minimum(v[4], v[5]),
                             jnp.minimum(v[6], v[7]))
            m2 = jnp.minimum(jnp.minimum(v[8], v[9]),
                             jnp.minimum(v[10], v[11]))
            m3 = jnp.minimum(jnp.minimum(v[12], v[13]),
                             jnp.minimum(v[14], v[15]))
            ss.append(jnp.minimum(jnp.minimum(m0, m1),
                                  jnp.minimum(m2, m3)))
        lane = lax.iota(jnp.int32, 16)
        rv = jnp.full((16,), ss[0], jnp.float32)
        for l in range(1, 16):
            rv = jnp.where(lane == l, jnp.full((16,), ss[l], jnp.float32),
                           rv)
        row_v[pl.ds(g * 16, 16)] = rv
        return _

    lax.fori_loop(0, _M_PAD // 16, rbody, None)
    pltpu.sync_copy(row_v, part_hbm.at[wid])


def _tc_dense(z_ref, et_ref, out_ref, acc_ref):
    i = pl.program_id(0)
    nblk = pl.num_programs(0)

    @pl.when(i == 0)
    def _init():
        acc_ref[...] = jnp.full(acc_ref.shape, jnp.inf, dtype=jnp.float32)

    zv = z_ref[...]
    g = jax.lax.dot_general(
        zv, et_ref[...], (((1,), (0,)), ((), ())),
        preferred_element_type=jnp.float32,
    )
    znorm = jnp.sum(zv * zv, axis=1, keepdims=True)
    d = znorm + g
    d8 = jnp.min(d.reshape(_B_TC_BLK // 8, 8, _M_PAD), axis=0)
    acc_ref[...] = jnp.minimum(acc_ref[...], d8)

    @pl.when(i == nblk - 1)
    def _fin():
        out_ref[...] = jnp.min(acc_ref[...], axis=0, keepdims=True)


def _sc_stage2(part_hbm, tc_hbm, et_hbm, out_hbm, part_v, tc_v, et_v, out_v,
               *, m_true):
    ci = lax.axis_index("c")
    si = lax.axis_index("s")

    @pl.when(jnp.logical_and(ci == 0, si == 0))
    def _():
        pltpu.sync_copy(part_hbm, part_v)
        pltpu.sync_copy(tc_hbm, tc_v)
        pltpu.sync_copy(et_hbm, et_v)

        def gbody(g, sacc):
            sl = pl.ds(g * 16, 16)
            mv = jnp.minimum(part_v[0, sl], tc_v[sl])
            for r in range(1, _NW):
                mv = jnp.minimum(mv, part_v[r, sl])
            en = et_v[0, sl] * et_v[0, sl]
            for j in range(1, _ZD):
                en = en + et_v[j, sl] * et_v[j, sl]
            ok = g * 16 + lax.iota(jnp.int32, 16) < m_true
            return sacc + jnp.where(ok, mv + en, 0.0)

        sacc = lax.fori_loop(0, _M_PAD // 16, gbody,
                             jnp.zeros((16,), jnp.float32))
        res = sacc[0]
        for k in range(1, 16):
            res = res + sacc[k]
        res = res * (1.0 / float(m_true))
        out_v[:] = jnp.full((16,), res, jnp.float32)
        pltpu.sync_copy(out_v, out_hbm)


def kernel(z, e, M):
    del M
    m_true = e.shape[0]
    zt = z[:_B_SC].T.reshape(_ZD, _NW, _PPW).swapaxes(0, 1)
    e2 = (-2.0 * e).reshape(-1)
    et = jnp.pad(e, ((0, _M_PAD - m_true), (0, 0))).T
    etm2 = -2.0 * et

    mesh = plsc.VectorSubcoreMesh(core_axis_name="c", subcore_axis_name="s")

    k1 = functools.partial(
        pl.kernel,
        mesh=mesh,
        out_type=jax.ShapeDtypeStruct((_NW, _M_PAD), jnp.float32),
        scratch_types=[
            pltpu.VMEM((_ZD, _PPW), jnp.float32),
            pltpu.VMEM((e.shape[0] * _ZD,), jnp.float32),
            pltpu.VMEM((_M_PAD * 16,), jnp.float32),
            pltpu.VMEM((_M_PAD,), jnp.float32),
            pltpu.SMEM((_ECH * _ZD,), jnp.float32),
        ],
    )(_sc_stage1)
    partial = k1(zt, e2)

    tc_row = pl.pallas_call(
        _tc_dense,
        grid=((_B - _B_SC) // _B_TC_BLK,),
        in_specs=[
            pl.BlockSpec((_B_TC_BLK, _ZD), lambda i: (i + _B_SC // _B_TC_BLK, 0)),
            pl.BlockSpec((_ZD, _M_PAD), lambda i: (0, 0)),
        ],
        out_specs=pl.BlockSpec((1, _M_PAD), lambda i: (0, 0)),
        out_shape=jax.ShapeDtypeStruct((1, _M_PAD), jnp.float32),
        scratch_shapes=[pltpu.VMEM((8, _M_PAD), jnp.float32)],
    )(z, etm2).reshape(-1)

    k2 = functools.partial(
        pl.kernel,
        mesh=mesh,
        out_type=jax.ShapeDtypeStruct((16,), jnp.float32),
        scratch_types=[
            pltpu.VMEM((_NW, _M_PAD), jnp.float32),
            pltpu.VMEM((_M_PAD,), jnp.float32),
            pltpu.VMEM((_ZD, _M_PAD), jnp.float32),
            pltpu.VMEM((16,), jnp.float32),
        ],
    )(functools.partial(_sc_stage2, m_true=m_true))
    out16 = k2(partial, tc_row, et)
    return out16[0]

# --- scband reference (transcript-rebuilt; emitter-appended) ---
"""Pipeline reference for scband-latent-layer-88441966559691 (READ-ONLY COPY).

The authoritative reference and input builder live on the scoring server;
editing this copy changes nothing except your own understanding.
"""

import jax, jax.numpy as jnp
import numpy as np


def setup_inputs(seed: int = 0) -> dict:
    key = jax.random.key(seed)
    k1, k2 = jax.random.split(key)
    B, M, z_dim = 16384, 1000, 16
    z = jax.random.normal(k1, (B, z_dim), dtype=jnp.float32)
    # e is torch.randn(M, z_dim) noise generated inside forward; materialized here
    # for determinism.
    e = jax.random.normal(k2, (M, z_dim), dtype=jnp.float32)
    return {"z": z, "e": e, "M": M}


def reference(z, e, M):
    # distance = torch.norm(mean.unsqueeze(1) - e.unsqueeze(0), dim=2) ** 2
    diff = z[:, None, :] - e[None, :, :]          # [B, M, z_dim]
    distance = jnp.sqrt(jnp.sum(diff * diff, axis=2)) ** 2  # [B, M]
    # loss = mean over M of (min over batch dim 0)
    loss = jnp.mean(jnp.min(distance, axis=0))
    return loss

if __name__ == "__main__":
    import jax
    _d = setup_inputs()
    print(jax.jit(kernel)(*tuple(_d.values())))

</pallas_src>

<mosaic_0001>
#map = affine_map<(d0, d1) -> (0, 0, 0)>
#map1 = affine_map<(d0, d1) -> (0)>
#map2 = affine_map<(d0, d1) -> (0, 0)>
module attributes {stable_mosaic.version = 14 : i64} {
  func.func @_sc_stage1(%arg0: i32, %arg1: i32, %arg2: memref<32x16x32xf32, #tpu.memory_space<hbm>>, %arg3: memref<16000xf32, #tpu.memory_space<hbm>>, %arg4: memref<32x1024xf32, #tpu.memory_space<hbm>>, %arg5: memref<16x32xf32, #tpu.memory_space<vmem>>, %arg6: memref<16000xf32, #tpu.memory_space<vmem>>, %arg7: memref<16384xf32, #tpu.memory_space<vmem>>, %arg8: memref<1024xf32, #tpu.memory_space<vmem>>, %arg9: memref<1600xf32, #tpu.memory_space<smem>>) attributes {dimension_semantics = [#tpu.dimension_semantics<core_parallel>, #tpu.dimension_semantics<subcore_parallel>], iteration_bounds = array<i64: 2, 16>, scalar_prefetch = 0 : i64, scratch_operands = 5 : i64, tpu.core_type = #tpu.core_type<sc_vector_subcore>, window_params = [{transform_indices = #map}, {transform_indices = #map1}, {transform_indices = #map2}]} {
    %mul3A = arith.constant 2 : i32
    %mul3A_0 = arith.muli %arg1, %mul3A : i32
    %add3A = arith.addi %mul3A_0, %arg0 : i32
    "tpu.region"() ({
      %run_scoped3A = tpu.sem_alloc : memref<!tpu.dma_semaphore, #tpu.memory_space<semaphore_mem>>
      %dma_start3A = arith.constant 0 : i32
      %dma_start3A_10 = arith.constant 0 : i32
      %dma_start3A_11 = tpu.memref_slice %arg2[%add3A, %dma_start3A, %dma_start3A_10] : memref<32x16x32xf32, #tpu.memory_space<hbm>> -> memref<1x16x32xf32, #tpu.memory_space<hbm>>
      %dma_start3A_12 = tpu.memref_squeeze %dma_start3A_11 : memref<1x16x32xf32, #tpu.memory_space<hbm>> -> memref<16x32xf32, #tpu.memory_space<hbm>>
      %dma_start3A_13 = arith.constant 0 : i32
      %dma_start3A_14 = arith.constant 0 : i32
      %dma_start3A_15 = tpu.memref_slice %arg2[%add3A, %dma_start3A_13, %dma_start3A_14] : memref<32x16x32xf32, #tpu.memory_space<hbm>> -> memref<1x16x32xf32, #tpu.memory_space<hbm>>
      %dma_start3A_16 = tpu.memref_squeeze %dma_start3A_15 : memref<1x16x32xf32, #tpu.memory_space<hbm>> -> memref<16x32xf32, #tpu.memory_space<hbm>>
      tpu.enqueue_dma source(%dma_start3A_16 : memref<16x32xf32, #tpu.memory_space<hbm>>) target(%arg5 : memref<16x32xf32, #tpu.memory_space<vmem>>) target_semaphore(%run_scoped3A : memref<!tpu.dma_semaphore, #tpu.memory_space<semaphore_mem>>)
      %dma_wait3A = arith.constant 0 : i32
      %dma_wait3A_17 = arith.constant 0 : i32
      %dma_wait3A_18 = tpu.memref_slice %arg2[%add3A, %dma_wait3A, %dma_wait3A_17] : memref<32x16x32xf32, #tpu.memory_space<hbm>> -> memref<1x16x32xf32, #tpu.memory_space<hbm>>
      %dma_wait3A_19 = tpu.memref_squeeze %dma_wait3A_18 : memref<1x16x32xf32, #tpu.memory_space<hbm>> -> memref<16x32xf32, #tpu.memory_space<hbm>>
      %dma_wait3A_20 = arith.constant 0 : i32
      %dma_wait3A_21 = arith.constant 0 : i32
      %dma_wait3A_22 = tpu.memref_slice %arg2[%add3A, %dma_wait3A_20, %dma_wait3A_21] : memref<32x16x32xf32, #tpu.memory_space<hbm>> -> memref<1x16x32xf32, #tpu.memory_space<hbm>>
      %dma_wait3A_23 = tpu.memref_squeeze %dma_wait3A_22 : memref<1x16x32xf32, #tpu.memory_space<hbm>> -> memref<16x32xf32, #tpu.memory_space<hbm>>
      tpu.wait_dma2 semaphore(%run_scoped3A : memref<!tpu.dma_semaphore, #tpu.memory_space<semaphore_mem>>) src(%dma_wait3A_23 : memref<16x32xf32, #tpu.memory_space<hbm>>) dst(%arg5 : memref<16x32xf32, #tpu.memory_space<vmem>>)
      tpu.yield
    }) : () -> ()
    "tpu.region"() ({
      %run_scoped3A = tpu.sem_alloc : memref<!tpu.dma_semaphore, #tpu.memory_space<semaphore_mem>>
      tpu.enqueue_dma source(%arg3 : memref<16000xf32, #tpu.memory_space<hbm>>) target(%arg6 : memref<16000xf32, #tpu.memory_space<vmem>>) target_semaphore(%run_scoped3A : memref<!tpu.dma_semaphore, #tpu.memory_space<semaphore_mem>>)
      tpu.wait_dma2 semaphore(%run_scoped3A : memref<!tpu.dma_semaphore, #tpu.memory_space<semaphore_mem>>) src(%arg3 : memref<16000xf32, #tpu.memory_space<hbm>>) dst(%arg6 : memref<16000xf32, #tpu.memory_space<vmem>>)
      tpu.yield
    }) : () -> ()
    %scan3A = arith.constant 0 : i32
    %scan3A_1 = arith.constant 10 : i32
    %scan3A_2 = arith.addi %scan3A, %scan3A_1 : i32
    %scan3A_3 = arith.constant 1 : i32
    scf.for %scan3A_10 = %scan3A to %scan3A_2 step %scan3A_3  : i32 {
      %scan3A_11 = arith.constant 0 : i32
      %scan3A_12 = arith.constant 100 : i32
      %scan3A_13 = arith.addi %scan3A_11, %scan3A_12 : i32
      %scan3A_14 = arith.constant 1 : i32
      scf.for %scan3A_242 = %scan3A_11 to %scan3A_13 step %scan3A_14  : i32 {
        %mul3A_243 = arith.constant 100 : i32
        %mul3A_244 = arith.muli %scan3A_10, %mul3A_243 : i32
        %add3A_245 = arith.addi %mul3A_244, %scan3A_242 : i32
        %mul3A_246 = arith.constant 16 : i32
        %mul3A_247 = arith.muli %add3A_245, %mul3A_246 : i32
        %get3A_248 = arith.index_cast %mul3A_247 : i32 to index
        %get3A_249 = tpu.vector_load %arg6[%get3A_248] {strides = array<i32>} : memref<16000xf32, #tpu.memory_space<vmem>>, vector<16xf32>,
        %get3A_250 = vector.shape_cast %get3A_249 : vector<16xf32> to vector<16xf32>
        %slice3A = vector.extract_strided_slice %get3A_250 {offsets = [0], sizes = [1], strides = [1]} : vector<16xf32> to vector<1xf32>
        %squeeze3A = vector.extract %slice3A[0] : f32 from vector<1xf32>
        %mul3A_251 = arith.constant 16 : i32
        %mul3A_252 = arith.muli %scan3A_242, %mul3A_251 : i32
        %add3A_253 = arith.constant 0 : i32
        %add3A_254 = arith.addi %mul3A_252, %add3A_253 : i32
        %swap3A = arith.index_cast %add3A_254 : i32 to index
        %swap3A_255 = memref.load %arg9[%swap3A] : memref<1600xf32, #tpu.memory_space<smem>>
        memref.store %squeeze3A, %arg9[%swap3A] : memref<1600xf32, #tpu.memory_space<smem>>
        %slice3A_256 = vector.extract_strided_slice %get3A_250 {offsets = [1], sizes = [1], strides = [1]} : vector<16xf32> to vector<1xf32>
        %squeeze3A_257 = vector.extract %slice3A_256[0] : f32 from vector<1xf32>
        %mul3A_258 = arith.constant 16 : i32
        %mul3A_259 = arith.muli %scan3A_242, %mul3A_258 : i32
        %add3A_260 = arith.constant 1 : i32
        %add3A_261 = arith.addi %mul3A_259, %add3A_260 : i32
        %swap3A_262 = arith.index_cast %add3A_261 : i32 to index
        %swap3A_263 = memref.load %arg9[%swap3A_262] : memref<1600xf32, #tpu.memory_space<smem>>
        memref.store %squeeze3A_257, %arg9[%swap3A_262] : memref<1600xf32, #tpu.memory_space<smem>>
        %slice3A_264 = vector.extract_strided_slice %get3A_250 {offsets = [2], sizes = [1], strides = [1]} : vector<16xf32> to vector<1xf32>
        %squeeze3A_265 = vector.extract %slice3A_264[0] : f32 from vector<1xf32>
        %mul3A_266 = arith.constant 16 : i32
        %mul3A_267 = arith.muli %scan3A_242, %mul3A_266 : i32
        %add3A_268 = arith.constant 2 : i32
        %add3A_269 = arith.addi %mul3A_267, %add3A_268 : i32
        %swap3A_270 = arith.index_cast %add3A_269 : i32 to index
        %swap3A_271 = memref.load %arg9[%swap3A_270] : memref<1600xf32, #tpu.memory_space<smem>>
        memref.store %squeeze3A_265, %arg9[%swap3A_270] : memref<1600xf32, #tpu.memory_space<smem>>
        %slice3A_272 = vector.extract_strided_slice %get3A_250 {offsets = [3], sizes = [1], strides = [1]} : vector<16xf32> to vector<1xf32>
        %squeeze3A_273 = vector.extract %slice3A_272[0] : f32 from vector<1xf32>
        %mul3A_274 = arith.constant 16 : i32
        %mul3A_275 = arith.muli %scan3A_242, %mul3A_274 : i32
        %add3A_276 = arith.constant 3 : i32
        %add3A_277 = arith.addi %mul3A_275, %add3A_276 : i32
        %swap3A_278 = arith.index_cast %add3A_277 : i32 to index
        %swap3A_279 = memref.load %arg9[%swap3A_278] : memref<1600xf32, #tpu.memory_space<smem>>
        memref.store %squeeze3A_273, %arg9[%swap3A_278] : memref<1600xf32, #tpu.memory_space<smem>>
        %slice3A_280 = vector.extract_strided_slice %get3A_250 {offsets = [4], sizes = [1], strides = [1]} : vector<16xf32> to vector<1xf32>
        %squeeze3A_281 = vector.extract %slice3A_280[0] : f32 from vector<1xf32>
        %mul3A_282 = arith.constant 16 : i32
        %mul3A_283 = arith.muli %scan3A_242, %mul3A_282 : i32
        %add3A_284 = arith.constant 4 : i32
        %add3A_285 = arith.addi %mul3A_283, %add3A_284 : i32
        %swap3A_286 = arith.index_cast %add3A_285 : i32 to index
        %swap3A_287 = memref.load %arg9[%swap3A_286] : memref<1600xf32, #tpu.memory_space<smem>>
        memref.store %squeeze3A_281, %arg9[%swap3A_286] : memref<1600xf32, #tpu.memory_space<smem>>
        %slice3A_288 = vector.extract_strided_slice %get3A_250 {offsets = [5], sizes = [1], strides = [1]} : vector<16xf32> to vector<1xf32>
        %squeeze3A_289 = vector.extract %slice3A_288[0] : f32 from vector<1xf32>
        %mul3A_290 = arith.constant 16 : i32
        %mul3A_291 = arith.muli %scan3A_242, %mul3A_290 : i32
        %add3A_292 = arith.constant 5 : i32
        %add3A_293 = arith.addi %mul3A_291, %add3A_292 : i32
        %swap3A_294 = arith.index_cast %add3A_293 : i32 to index
        %swap3A_295 = memref.load %arg9[%swap3A_294] : memref<1600xf32, #tpu.memory_space<smem>>
        memref.store %squeeze3A_289, %arg9[%swap3A_294] : memref<1600xf32, #tpu.memory_space<smem>>
        %slice3A_296 = vector.extract_strided_slice %get3A_250 {offsets = [6], sizes = [1], strides = [1]} : vector<16xf32> to vector<1xf32>
        %squeeze3A_297 = vector.extract %slice3A_296[0] : f32 from vector<1xf32>
        %mul3A_298 = arith.constant 16 : i32
        %mul3A_299 = arith.muli %scan3A_242, %mul3A_298 : i32
        %add3A_300 = arith.constant 6 : i32
        %add3A_301 = arith.addi %mul3A_299, %add3A_300 : i32
        %swap3A_302 = arith.index_cast %add3A_301 : i32 to index
        %swap3A_303 = memref.load %arg9[%swap3A_302] : memref<1600xf32, #tpu.memory_space<smem>>
        memref.store %squeeze3A_297, %arg9[%swap3A_302] : memref<1600xf32, #tpu.memory_space<smem>>
        %slice3A_304 = vector.extract_strided_slice %get3A_250 {offsets = [7], sizes = [1], strides = [1]} : vector<16xf32> to vector<1xf32>
        %squeeze3A_305 = vector.extract %slice3A_304[0] : f32 from vector<1xf32>
        %mul3A_306 = arith.constant 16 : i32
        %mul3A_307 = arith.muli %scan3A_242, %mul3A_306 : i32
        %add3A_308 = arith.constant 7 : i32
        %add3A_309 = arith.addi %mul3A_307, %add3A_308 : i32
        %swap3A_310 = arith.index_cast %add3A_309 : i32 to index
        %swap3A_311 = memref.load %arg9[%swap3A_310] : memref<1600xf32, #tpu.memory_space<smem>>
        memref.store %squeeze3A_305, %arg9[%swap3A_310] : memref<1600xf32, #tpu.memory_space<smem>>
        %slice3A_312 = vector.extract_strided_slice %get3A_250 {offsets = [8], sizes = [1], strides = [1]} : vector<16xf32> to vector<1xf32>
        %squeeze3A_313 = vector.extract %slice3A_312[0] : f32 from vector<1xf32>
        %mul3A_314 = arith.constant 16 : i32
        %mul3A_315 = arith.muli %scan3A_242, %mul3A_314 : i32
        %add3A_316 = arith.constant 8 : i32
        %add3A_317 = arith.addi %mul3A_315, %add3A_316 : i32
        %swap3A_318 = arith.index_cast %add3A_317 : i32 to index
        %swap3A_319 = memref.load %arg9[%swap3A_318] : memref<1600xf32, #tpu.memory_space<smem>>
        memref.store %squeeze3A_313, %arg9[%swap3A_318] : memref<1600xf32, #tpu.memory_space<smem>>
        %slice3A_320 = vector.extract_strided_slice %get3A_250 {offsets = [9], sizes = [1], strides = [1]} : vector<16xf32> to vector<1xf32>
        %squeeze3A_321 = vector.extract %slice3A_320[0] : f32 from vector<1xf32>
        %mul3A_322 = arith.constant 16 : i32
        %mul3A_323 = arith.muli %scan3A_242, %mul3A_322 : i32
        %add3A_324 = arith.constant 9 : i32
        %add3A_325 = arith.addi %mul3A_323, %add3A_324 : i32
        %swap3A_326 = arith.index_cast %add3A_325 : i32 to index
        %swap3A_327 = memref.load %arg9[%swap3A_326] : memref<1600xf32, #tpu.memory_space<smem>>
        memref.store %squeeze3A_321, %arg9[%swap3A_326] : memref<1600xf32, #tpu.memory_space<smem>>
        %slice3A_328 = vector.extract_strided_slice %get3A_250 {offsets = [10], sizes = [1], strides = [1]} : vector<16xf32> to vector<1xf32>
        %squeeze3A_329 = vector.extract %slice3A_328[0] : f32 from vector<1xf32>
        %mul3A_330 = arith.constant 16 : i32
        %mul3A_331 = arith.muli %scan3A_242, %mul3A_330 : i32
        %add3A_332 = arith.constant 10 : i32
        %add3A_333 = arith.addi %mul3A_331, %add3A_332 : i32
        %swap3A_334 = arith.index_cast %add3A_333 : i32 to index
        %swap3A_335 = memref.load %arg9[%swap3A_334] : memref<1600xf32, #tpu.memory_space<smem>>
        memref.store %squeeze3A_329, %arg9[%swap3A_334] : memref<1600xf32, #tpu.memory_space<smem>>
        %slice3A_336 = vector.extract_strided_slice %get3A_250 {offsets = [11], sizes = [1], strides = [1]} : vector<16xf32> to vector<1xf32>
        %squeeze3A_337 = vector.extract %slice3A_336[0] : f32 from vector<1xf32>
        %mul3A_338 = arith.constant 16 : i32
        %mul3A_339 = arith.muli %scan3A_242, %mul3A_338 : i32
        %add3A_340 = arith.constant 11 : i32
        %add3A_341 = arith.addi %mul3A_339, %add3A_340 : i32
        %swap3A_342 = arith.index_cast %add3A_341 : i32 to index
        %swap3A_343 = memref.load %arg9[%swap3A_342] : memref<1600xf32, #tpu.memory_space<smem>>
        memref.store %squeeze3A_337, %arg9[%swap3A_342] : memref<1600xf32, #tpu.memory_space<smem>>
        %slice3A_344 = vector.extract_strided_slice %get3A_250 {offsets = [12], sizes = [1], strides = [1]} : vector<16xf32> to vector<1xf32>
        %squeeze3A_345 = vector.extract %slice3A_344[0] : f32 from vector<1xf32>
        %mul3A_346 = arith.constant 16 : i32
        %mul3A_347 = arith.muli %scan3A_242, %mul3A_346 : i32
        %add3A_348 = arith.constant 12 : i32
        %add3A_349 = arith.addi %mul3A_347, %add3A_348 : i32
        %swap3A_350 = arith.index_cast %add3A_349 : i32 to index
        %swap3A_351 = memref.load %arg9[%swap3A_350] : memref<1600xf32, #tpu.memory_space<smem>>
        memref.store %squeeze3A_345, %arg9[%swap3A_350] : memref<1600xf32, #tpu.memory_space<smem>>
        %slice3A_352 = vector.extract_strided_slice %get3A_250 {offsets = [13], sizes = [1], strides = [1]} : vector<16xf32> to vector<1xf32>
        %squeeze3A_353 = vector.extract %slice3A_352[0] : f32 from vector<1xf32>
        %mul3A_354 = arith.constant 16 : i32
        %mul3A_355 = arith.muli %scan3A_242, %mul3A_354 : i32
        %add3A_356 = arith.constant 13 : i32
        %add3A_357 = arith.addi %mul3A_355, %add3A_356 : i32
        %swap3A_358 = arith.index_cast %add3A_357 : i32 to index
        %swap3A_359 = memref.load %arg9[%swap3A_358] : memref<1600xf32, #tpu.memory_space<smem>>
        memref.store %squeeze3A_353, %arg9[%swap3A_358] : memref<1600xf32, #tpu.memory_space<smem>>
        %slice3A_360 = vector.extract_strided_slice %get3A_250 {offsets = [14], sizes = [1], strides = [1]} : vector<16xf32> to vector<1xf32>
        %squeeze3A_361 = vector.extract %slice3A_360[0] : f32 from vector<1xf32>
        %mul3A_362 = arith.constant 16 : i32
        %mul3A_363 = arith.muli %scan3A_242, %mul3A_362 : i32
        %add3A_364 = arith.constant 14 : i32
        %add3A_365 = arith.addi %mul3A_363, %add3A_364 : i32
        %swap3A_366 = arith.index_cast %add3A_365 : i32 to index
        %swap3A_367 = memref.load %arg9[%swap3A_366] : memref<1600xf32, #tpu.memory_space<smem>>
        memref.store %squeeze3A_361, %arg9[%swap3A_366] : memref<1600xf32, #tpu.memory_space<smem>>
        %slice3A_368 = vector.extract_strided_slice %get3A_250 {offsets = [15], sizes = [1], strides = [1]} : vector<16xf32> to vector<1xf32>
        %squeeze3A_369 = vector.extract %slice3A_368[0] : f32 from vector<1xf32>
        %mul3A_370 = arith.constant 16 : i32
        %mul3A_371 = arith.muli %scan3A_242, %mul3A_370 : i32
        %add3A_372 = arith.constant 15 : i32
        %add3A_373 = arith.addi %mul3A_371, %add3A_372 : i32
        %swap3A_374 = arith.index_cast %add3A_373 : i32 to index
        %swap3A_375 = memref.load %arg9[%swap3A_374] : memref<1600xf32, #tpu.memory_space<smem>>
        memref.store %squeeze3A_369, %arg9[%swap3A_374] : memref<1600xf32, #tpu.memory_space<smem>>
      }
      %scan3A_15 = arith.constant 100 : i32
      %get3A = arith.constant 0 : i32
      %get3A_16 = arith.index_cast %get3A : i32 to index
      %get3A_17 = arith.constant 0 : index
      %get3A_18 = tpu.vector_load %arg5[%get3A_16, %get3A_17] {strides = array<i32>} : memref<16x32xf32, #tpu.memory_space<vmem>>, vector<1x16xf32>,
      %get3A_19 = vector.shape_cast %get3A_18 : vector<1x16xf32> to vector<16xf32>
      %get3A_20 = arith.constant 1 : i32
      %get3A_21 = arith.index_cast %get3A_20 : i32 to index
      %get3A_22 = arith.constant 0 : index
      %get3A_23 = tpu.vector_load %arg5[%get3A_21, %get3A_22] {strides = array<i32>} : memref<16x32xf32, #tpu.memory_space<vmem>>, vector<1x16xf32>,
      %get3A_24 = vector.shape_cast %get3A_23 : vector<1x16xf32> to vector<16xf32>
      %get3A_25 = arith.constant 2 : i32
      %get3A_26 = arith.index_cast %get3A_25 : i32 to index
      %get3A_27 = arith.constant 0 : index
      %get3A_28 = tpu.vector_load %arg5[%get3A_26, %get3A_27] {strides = array<i32>} : memref<16x32xf32, #tpu.memory_space<vmem>>, vector<1x16xf32>,
      %get3A_29 = vector.shape_cast %get3A_28 : vector<1x16xf32> to vector<16xf32>
      %get3A_30 = arith.constant 3 : i32
      %get3A_31 = arith.index_cast %get3A_30 : i32 to index
      %get3A_32 = arith.constant 0 : index
      %get3A_33 = tpu.vector_load %arg5[%get3A_31, %get3A_32] {strides = array<i32>} : memref<16x32xf32, #tpu.memory_space<vmem>>, vector<1x16xf32>,
      %get3A_34 = vector.shape_cast %get3A_33 : vector<1x16xf32> to vector<16xf32>
      %get3A_35 = arith.constant 4 : i32
      %get3A_36 = arith.index_cast %get3A_35 : i32 to index
      %get3A_37 = arith.constant 0 : index
      %get3A_38 = tpu.vector_load %arg5[%get3A_36, %get3A_37] {strides = array<i32>} : memref<16x32xf32, #tpu.memory_space<vmem>>, vector<1x16xf32>,
      %get3A_39 = vector.shape_cast %get3A_38 : vector<1x16xf32> to vector<16xf32>
      %get3A_40 = arith.constant 5 : i32
      %get3A_41 = arith.index_cast %get3A_40 : i32 to index
      %get3A_42 = arith.constant 0 : index
      %get3A_43 = tpu.vector_load %arg5[%get3A_41, %get3A_42] {strides = array<i32>} : memref<16x32xf32, #tpu.memory_space<vmem>>, vector<1x16xf32>,
      %get3A_44 = vector.shape_cast %get3A_43 : vector<1x16xf32> to vector<16xf32>
      %get3A_45 = arith.constant 6 : i32
      %get3A_46 = arith.index_cast %get3A_45 : i32 to index
      %get3A_47 = arith.constant 0 : index
      %get3A_48 = tpu.vector_load %arg5[%get3A_46, %get3A_47] {strides = array<i32>} : memref<16x32xf32, #tpu.memory_space<vmem>>, vector<1x16xf32>,
      %get3A_49 = vector.shape_cast %get3A_48 : vector<1x16xf32> to vector<16xf32>
      %get3A_50 = arith.constant 7 : i32
      %get3A_51 = arith.index_cast %get3A_50 : i32 to index
      %get3A_52 = arith.constant 0 : index
      %get3A_53 = tpu.vector_load %arg5[%get3A_51, %get3A_52] {strides = array<i32>} : memref<16x32xf32, #tpu.memory_space<vmem>>, vector<1x16xf32>,
      %get3A_54 = vector.shape_cast %get3A_53 : vector<1x16xf32> to vector<16xf32>
      %get3A_55 = arith.constant 8 : i32
      %get3A_56 = arith.index_cast %get3A_55 : i32 to index
      %get3A_57 = arith.constant 0 : index
      %get3A_58 = tpu.vector_load %arg5[%get3A_56, %get3A_57] {strides = array<i32>} : memref<16x32xf32, #tpu.memory_space<vmem>>, vector<1x16xf32>,
      %get3A_59 = vector.shape_cast %get3A_58 : vector<1x16xf32> to vector<16xf32>
      %get3A_60 = arith.constant 9 : i32
      %get3A_61 = arith.index_cast %get3A_60 : i32 to index
      %get3A_62 = arith.constant 0 : index
      %get3A_63 = tpu.vector_load %arg5[%get3A_61, %get3A_62] {strides = array<i32>} : memref<16x32xf32, #tpu.memory_space<vmem>>, vector<1x16xf32>,
      %get3A_64 = vector.shape_cast %get3A_63 : vector<1x16xf32> to vector<16xf32>
      %get3A_65 = arith.constant 10 : i32
      %get3A_66 = arith.index_cast %get3A_65 : i32 to index
      %get3A_67 = arith.constant 0 : index
      %get3A_68 = tpu.vector_load %arg5[%get3A_66, %get3A_67] {strides = array<i32>} : memref<16x32xf32, #tpu.memory_space<vmem>>, vector<1x16xf32>,
      %get3A_69 = vector.shape_cast %get3A_68 : vector<1x16xf32> to vector<16xf32>
      %get3A_70 = arith.constant 11 : i32
      %get3A_71 = arith.index_cast %get3A_70 : i32 to index
      %get3A_72 = arith.constant 0 : index
      %get3A_73 = tpu.vector_load %arg5[%get3A_71, %get3A_72] {strides = array<i32>} : memref<16x32xf32, #tpu.memory_space<vmem>>, vector<1x16xf32>,
      %get3A_74 = vector.shape_cast %get3A_73 : vector<1x16xf32> to vector<16xf32>
      %get3A_75 = arith.constant 12 : i32
      %get3A_76 = arith.index_cast %get3A_75 : i32 to index
      %get3A_77 = arith.constant 0 : index
      %get3A_78 = tpu.vector_load %arg5[%get3A_76, %get3A_77] {strides = array<i32>} : memref<16x32xf32, #tpu.memory_space<vmem>>, vector<1x16xf32>,
      %get3A_79 = vector.shape_cast %get3A_78 : vector<1x16xf32> to vector<16xf32>
      %get3A_80 = arith.constant 13 : i32
      %get3A_81 = arith.index_cast %get3A_80 : i32 to index
      %get3A_82 = arith.constant 0 : index
      %get3A_83 = tpu.vector_load %arg5[%get3A_81, %get3A_82] {strides = array<i32>} : memref<16x32xf32, #tpu.memory_space<vmem>>, vector<1x16xf32>,
      %get3A_84 = vector.shape_cast %get3A_83 : vector<1x16xf32> to vector<16xf32>
      %get3A_85 = arith.constant 14 : i32
      %get3A_86 = arith.index_cast %get3A_85 : i32 to index
      %get3A_87 = arith.constant 0 : index
      %get3A_88 = tpu.vector_load %arg5[%get3A_86, %get3A_87] {strides = array<i32>} : memref<16x32xf32, #tpu.memory_space<vmem>>, vector<1x16xf32>,
      %get3A_89 = vector.shape_cast %get3A_88 : vector<1x16xf32> to vector<16xf32>
      %get3A_90 = arith.constant 15 : i32
      %get3A_91 = arith.index_cast %get3A_90 : i32 to index
      %get3A_92 = arith.constant 0 : index
      %get3A_93 = tpu.vector_load %arg5[%get3A_91, %get3A_92] {strides = array<i32>} : memref<16x32xf32, #tpu.memory_space<vmem>>, vector<1x16xf32>,
      %get3A_94 = vector.shape_cast %get3A_93 : vector<1x16xf32> to vector<16xf32>
      %get3A_95 = arith.constant 0 : i32
      %get3A_96 = arith.index_cast %get3A_95 : i32 to index
      %get3A_97 = arith.constant 16 : index
      %get3A_98 = tpu.vector_load %arg5[%get3A_96, %get3A_97] {strides = array<i32>} : memref<16x32xf32, #tpu.memory_space<vmem>>, vector<1x16xf32>,
      %get3A_99 = vector.shape_cast %get3A_98 : vector<1x16xf32> to vector<16xf32>
      %get3A_100 = arith.constant 1 : i32
      %get3A_101 = arith.index_cast %get3A_100 : i32 to index
      %get3A_102 = arith.constant 16 : index
      %get3A_103 = tpu.vector_load %arg5[%get3A_101, %get3A_102] {strides = array<i32>} : memref<16x32xf32, #tpu.memory_space<vmem>>, vector<1x16xf32>,
      %get3A_104 = vector.shape_cast %get3A_103 : vector<1x16xf32> to vector<16xf32>
      %get3A_105 = arith.constant 2 : i32
      %get3A_106 = arith.index_cast %get3A_105 : i32 to index
      %get3A_107 = arith.constant 16 : index
      %get3A_108 = tpu.vector_load %arg5[%get3A_106, %get3A_107] {strides = array<i32>} : memref<16x32xf32, #tpu.memory_space<vmem>>, vector<1x16xf32>,
      %get3A_109 = vector.shape_cast %get3A_108 : vector<1x16xf32> to vector<16xf32>
      %get3A_110 = arith.constant 3 : i32
      %get3A_111 = arith.index_cast %get3A_110 : i32 to index
      %get3A_112 = arith.constant 16 : index
      %get3A_113 = tpu.vector_load %arg5[%get3A_111, %get3A_112] {strides = array<i32>} : memref<16x32xf32, #tpu.memory_space<vmem>>, vector<1x16xf32>,
      %get3A_114 = vector.shape_cast %get3A_113 : vector<1x16xf32> to vector<16xf32>
      %get3A_115 = arith.constant 4 : i32
      %get3A_116 = arith.index_cast %get3A_115 : i32 to index
      %get3A_117 = arith.constant 16 : index
      %get3A_118 = tpu.vector_load %arg5[%get3A_116, %get3A_117] {strides = array<i32>} : memref<16x32xf32, #tpu.memory_space<vmem>>, vector<1x16xf32>,
      %get3A_119 = vector.shape_cast %get3A_118 : vector<1x16xf32> to vector<16xf32>
      %get3A_120 = arith.constant 5 : i32
      %get3A_121 = arith.index_cast %get3A_120 : i32 to index
      %get3A_122 = arith.constant 16 : index
      %get3A_123 = tpu.vector_load %arg5[%get3A_121, %get3A_122] {strides = array<i32>} : memref<16x32xf32, #tpu.memory_space<vmem>>, vector<1x16xf32>,
      %get3A_124 = vector.shape_cast %get3A_123 : vector<1x16xf32> to vector<16xf32>
      %get3A_125 = arith.constant 6 : i32
      %get3A_126 = arith.index_cast %get3A_125 : i32 to index
      %get3A_127 = arith.constant 16 : index
      %get3A_128 = tpu.vector_load %arg5[%get3A_126, %get3A_127] {strides = array<i32>} : memref<16x32xf32, #tpu.memory_space<vmem>>, vector<1x16xf32>,
      %get3A_129 = vector.shape_cast %get3A_128 : vector<1x16xf32> to vector<16xf32>
      %get3A_130 = arith.constant 7 : i32
      %get3A_131 = arith.index_cast %get3A_130 : i32 to index
      %get3A_132 = arith.constant 16 : index
      %get3A_133 = tpu.vector_load %arg5[%get3A_131, %get3A_132] {strides = array<i32>} : memref<16x32xf32, #tpu.memory_space<vmem>>, vector<1x16xf32>,
      %get3A_134 = vector.shape_cast %get3A_133 : vector<1x16xf32> to vector<16xf32>
      %get3A_135 = arith.constant 8 : i32
      %get3A_136 = arith.index_cast %get3A_135 : i32 to index
      %get3A_137 = arith.constant 16 : index
      %get3A_138 = tpu.vector_load %arg5[%get3A_136, %get3A_137] {strides = array<i32>} : memref<16x32xf32, #tpu.memory_space<vmem>>, vector<1x16xf32>,
      %get3A_139 = vector.shape_cast %get3A_138 : vector<1x16xf32> to vector<16xf32>
      %get3A_140 = arith.constant 9 : i32
      %get3A_141 = arith.index_cast %get3A_140 : i32 to index
      %get3A_142 = arith.constant 16 : index
      %get3A_143 = tpu.vector_load %arg5[%get3A_141, %get3A_142] {strides = array<i32>} : memref<16x32xf32, #tpu.memory_space<vmem>>, vector<1x16xf32>,
      %get3A_144 = vector.shape_cast %get3A_143 : vector<1x16xf32> to vector<16xf32>
      %get3A_145 = arith.constant 10 : i32
      %get3A_146 = arith.index_cast %get3A_145 : i32 to index
      %get3A_147 = arith.constant 16 : index
      %get3A_148 = tpu.vector_load %arg5[%get3A_146, %get3A_147] {strides = array<i32>} : memref<16x32xf32, #tpu.memory_space<vmem>>, vector<1x16xf32>,
      %get3A_149 = vector.shape_cast %get3A_148 : vector<1x16xf32> to vector<16xf32>
      %get3A_150 = arith.constant 11 : i32
      %get3A_151 = arith.index_cast %get3A_150 : i32 to index
      %get3A_152 = arith.constant 16 : index
      %get3A_153 = tpu.vector_load %arg5[%get3A_151, %get3A_152] {strides = array<i32>} : memref<16x32xf32, #tpu.memory_space<vmem>>, vector<1x16xf32>,
      %get3A_154 = vector.shape_cast %get3A_153 : vector<1x16xf32> to vector<16xf32>
      %get3A_155 = arith.constant 12 : i32
      %get3A_156 = arith.index_cast %get3A_155 : i32 to index
      %get3A_157 = arith.constant 16 : index
      %get3A_158 = tpu.vector_load %arg5[%get3A_156, %get3A_157] {strides = array<i32>} : memref<16x32xf32, #tpu.memory_space<vmem>>, vector<1x16xf32>,
      %get3A_159 = vector.shape_cast %get3A_158 : vector<1x16xf32> to vector<16xf32>
      %get3A_160 = arith.constant 13 : i32
      %get3A_161 = arith.index_cast %get3A_160 : i32 to index
      %get3A_162 = arith.constant 16 : index
      %get3A_163 = tpu.vector_load %arg5[%get3A_161, %get3A_162] {strides = array<i32>} : memref<16x32xf32, #tpu.memory_space<vmem>>, vector<1x16xf32>,
      %get3A_164 = vector.shape_cast %get3A_163 : vector<1x16xf32> to vector<16xf32>
      %get3A_165 = arith.constant 14 : i32
      %get3A_166 = arith.index_cast %get3A_165 : i32 to index
      %get3A_167 = arith.constant 16 : index
      %get3A_168 = tpu.vector_load %arg5[%get3A_166, %get3A_167] {strides = array<i32>} : memref<16x32xf32, #tpu.memory_space<vmem>>, vector<1x16xf32>,
      %get3A_169 = vector.shape_cast %get3A_168 : vector<1x16xf32> to vector<16xf32>
      %get3A_170 = arith.constant 15 : i32
      %get3A_171 = arith.index_cast %get3A_170 : i32 to index
      %get3A_172 = arith.constant 16 : index
      %get3A_173 = tpu.vector_load %arg5[%get3A_171, %get3A_172] {strides = array<i32>} : memref<16x32xf32, #tpu.memory_space<vmem>>, vector<1x16xf32>,
      %get3A_174 = vector.shape_cast %get3A_173 : vector<1x16xf32> to vector<16xf32>
      %mul3A_175 = arith.mulf %get3A_19, %get3A_19 : vector<16xf32>
      %mul3A_176 = arith.mulf %get3A_99, %get3A_99 : vector<16xf32>
      %mul3A_177 = arith.mulf %get3A_24, %get3A_24 : vector<16xf32>
      %add3A_178 = arith.addf %mul3A_175, %mul3A_177 : vector<16xf32>
      %mul3A_179 = arith.mulf %get3A_104, %get3A_104 : vector<16xf32>
      %add3A_180 = arith.addf %mul3A_176, %mul3A_179 : vector<16xf32>
      %mul3A_181 = arith.mulf %get3A_29, %get3A_29 : vector<16xf32>
      %add3A_182 = arith.addf %add3A_178, %mul3A_181 : vector<16xf32>
      %mul3A_183 = arith.mulf %get3A_109, %get3A_109 : vector<16xf32>
      %add3A_184 = arith.addf %add3A_180, %mul3A_183 : vector<16xf32>
      %mul3A_185 = arith.mulf %get3A_34, %get3A_34 : vector<16xf32>
      %add3A_186 = arith.addf %add3A_182, %mul3A_185 : vector<16xf32>
      %mul3A_187 = arith.mulf %get3A_114, %get3A_114 : vector<16xf32>
      %add3A_188 = arith.addf %add3A_184, %mul3A_187 : vector<16xf32>
      %mul3A_189 = arith.mulf %get3A_39, %get3A_39 : vector<16xf32>
      %add3A_190 = arith.addf %add3A_186, %mul3A_189 : vector<16xf32>
      %mul3A_191 = arith.mulf %get3A_119, %get3A_119 : vector<16xf32>
      %add3A_192 = arith.addf %add3A_188, %mul3A_191 : vector<16xf32>
      %mul3A_193 = arith.mulf %get3A_44, %get3A_44 : vector<16xf32>
      %add3A_194 = arith.addf %add3A_190, %mul3A_193 : vector<16xf32>
      %mul3A_195 = arith.mulf %get3A_124, %get3A_124 : vector<16xf32>
      %add3A_196 = arith.addf %add3A_192, %mul3A_195 : vector<16xf32>
      %mul3A_197 = arith.mulf %get3A_49, %get3A_49 : vector<16xf32>
      %add3A_198 = arith.addf %add3A_194, %mul3A_197 : vector<16xf32>
      %mul3A_199 = arith.mulf %get3A_129, %get3A_129 : vector<16xf32>
      %add3A_200 = arith.addf %add3A_196, %mul3A_199 : vector<16xf32>
      %mul3A_201 = arith.mulf %get3A_54, %get3A_54 : vector<16xf32>
      %add3A_202 = arith.addf %add3A_198, %mul3A_201 : vector<16xf32>
      %mul3A_203 = arith.mulf %get3A_134, %get3A_134 : vector<16xf32>
      %add3A_204 = arith.addf %add3A_200, %mul3A_203 : vector<16xf32>
      %mul3A_205 = arith.mulf %get3A_59, %get3A_59 : vector<16xf32>
      %add3A_206 = arith.addf %add3A_202, %mul3A_205 : vector<16xf32>
      %mul3A_207 = arith.mulf %get3A_139, %get3A_139 : vector<16xf32>
      %add3A_208 = arith.addf %add3A_204, %mul3A_207 : vector<16xf32>
      %mul3A_209 = arith.mulf %get3A_64, %get3A_64 : vector<16xf32>
      %add3A_210 = arith.addf %add3A_206, %mul3A_209 : vector<16xf32>
      %mul3A_211 = arith.mulf %get3A_144, %get3A_144 : vector<16xf32>
      %add3A_212 = arith.addf %add3A_208, %mul3A_211 : vector<16xf32>
      %mul3A_213 = arith.mulf %get3A_69, %get3A_69 : vector<16xf32>
      %add3A_214 = arith.addf %add3A_210, %mul3A_213 : vector<16xf32>
      %mul3A_215 = arith.mulf %get3A_149, %get3A_149 : vector<16xf32>
      %add3A_216 = arith.addf %add3A_212, %mul3A_215 : vector<16xf32>
      %mul3A_217 = arith.mulf %get3A_74, %get3A_74 : vector<16xf32>
      %add3A_218 = arith.addf %add3A_214, %mul3A_217 : vector<16xf32>
      %mul3A_219 = arith.mulf %get3A_154, %get3A_154 : vector<16xf32>
      %add3A_220 = arith.addf %add3A_216, %mul3A_219 : vector<16xf32>
      %mul3A_221 = arith.mulf %get3A_79, %get3A_79 : vector<16xf32>
      %add3A_222 = arith.addf %add3A_218, %mul3A_221 : vector<16xf32>
      %mul3A_223 = arith.mulf %get3A_159, %get3A_159 : vector<16xf32>
      %add3A_224 = arith.addf %add3A_220, %mul3A_223 : vector<16xf32>
      %mul3A_225 = arith.mulf %get3A_84, %get3A_84 : vector<16xf32>
      %add3A_226 = arith.addf %add3A_222, %mul3A_225 : vector<16xf32>
      %mul3A_227 = arith.mulf %get3A_164, %get3A_164 : vector<16xf32>
      %add3A_228 = arith.addf %add3A_224, %mul3A_227 : vector<16xf32>
      %mul3A_229 = arith.mulf %get3A_89, %get3A_89 : vector<16xf32>
      %add3A_230 = arith.addf %add3A_226, %mul3A_229 : vector<16xf32>
      %mul3A_231 = arith.mulf %get3A_169, %get3A_169 : vector<16xf32>
      %add3A_232 = arith.addf %add3A_228, %mul3A_231 : vector<16xf32>
      %mul3A_233 = arith.mulf %get3A_94, %get3A_94 : vector<16xf32>
      %add3A_234 = arith.addf %add3A_230, %mul3A_233 : vector<16xf32>
      %mul3A_235 = arith.mulf %get3A_174, %get3A_174 : vector<16xf32>
      %add3A_236 = arith.addf %add3A_232, %mul3A_235 : vector<16xf32>
      %scan3A_237 = arith.constant 0 : i32
      %scan3A_238 = arith.constant 100 : i32
      %scan3A_239 = arith.addi %scan3A_237, %scan3A_238 : i32
      %scan3A_240 = arith.constant 1 : i32
      scf.for %scan3A_242 = %scan3A_237 to %scan3A_239 step %scan3A_240  : i32 {
        %mul3A_243 = arith.constant 16 : i32
        %mul3A_244 = arith.muli %scan3A_242, %mul3A_243 : i32
        %get3A_245 = arith.index_cast %mul3A_244 : i32 to index
        %get3A_246 = memref.load %arg9[%get3A_245] : memref<1600xf32, #tpu.memory_space<smem>>
        %mul3A_247 = vector.broadcast %get3A_246 : f32 to vector<16xf32>
        %mul3A_248 = arith.mulf %mul3A_247, %get3A_19 : vector<16xf32>
        %mul3A_249 = vector.broadcast %get3A_246 : f32 to vector<16xf32>
        %mul3A_250 = arith.mulf %mul3A_249, %get3A_99 : vector<16xf32>
        %add3A_251 = arith.constant 1 : i32
        %add3A_252 = arith.addi %mul3A_244, %add3A_251 : i32
        %get3A_253 = arith.index_cast %add3A_252 : i32 to index
        %get3A_254 = memref.load %arg9[%get3A_253] : memref<1600xf32, #tpu.memory_space<smem>>
        %mul3A_255 = vector.broadcast %get3A_254 : f32 to vector<16xf32>
        %mul3A_256 = arith.mulf %mul3A_255, %get3A_24 : vector<16xf32>
        %add3A_257 = arith.addf %mul3A_248, %mul3A_256 : vector<16xf32>
        %mul3A_258 = vector.broadcast %get3A_254 : f32 to vector<16xf32>
        %mul3A_259 = arith.mulf %mul3A_258, %get3A_104 : vector<16xf32>
        %add3A_260 = arith.addf %mul3A_250, %mul3A_259 : vector<16xf32>
        %add3A_261 = arith.constant 2 : i32
        %add3A_262 = arith.addi %mul3A_244, %add3A_261 : i32
        %get3A_263 = arith.index_cast %add3A_262 : i32 to index
        %get3A_264 = memref.load %arg9[%get3A_263] : memref<1600xf32, #tpu.memory_space<smem>>
        %mul3A_265 = vector.broadcast %get3A_264 : f32 to vector<16xf32>
        %mul3A_266 = arith.mulf %mul3A_265, %get3A_29 : vector<16xf32>
        %add3A_267 = arith.addf %add3A_257, %mul3A_266 : vector<16xf32>
        %mul3A_268 = vector.broadcast %get3A_264 : f32 to vector<16xf32>
        %mul3A_269 = arith.mulf %mul3A_268, %get3A_109 : vector<16xf32>
        %add3A_270 = arith.addf %add3A_260, %mul3A_269 : vector<16xf32>
        %add3A_271 = arith.constant 3 : i32
        %add3A_272 = arith.addi %mul3A_244, %add3A_271 : i32
        %get3A_273 = arith.index_cast %add3A_272 : i32 to index
        %get3A_274 = memref.load %arg9[%get3A_273] : memref<1600xf32, #tpu.memory_space<smem>>
        %mul3A_275 = vector.broadcast %get3A_274 : f32 to vector<16xf32>
        %mul3A_276 = arith.mulf %mul3A_275, %get3A_34 : vector<16xf32>
        %add3A_277 = arith.addf %add3A_267, %mul3A_276 : vector<16xf32>
        %mul3A_278 = vector.broadcast %get3A_274 : f32 to vector<16xf32>
        %mul3A_279 = arith.mulf %mul3A_278, %get3A_114 : vector<16xf32>
        %add3A_280 = arith.addf %add3A_270, %mul3A_279 : vector<16xf32>
        %add3A_281 = arith.constant 4 : i32
        %add3A_282 = arith.addi %mul3A_244, %add3A_281 : i32
        %get3A_283 = arith.index_cast %add3A_282 : i32 to index
        %get3A_284 = memref.load %arg9[%get3A_283] : memref<1600xf32, #tpu.memory_space<smem>>
        %mul3A_285 = vector.broadcast %get3A_284 : f32 to vector<16xf32>
        %mul3A_286 = arith.mulf %mul3A_285, %get3A_39 : vector<16xf32>
        %add3A_287 = arith.addf %add3A_277, %mul3A_286 : vector<16xf32>
        %mul3A_288 = vector.broadcast %get3A_284 : f32 to vector<16xf32>
        %mul3A_289 = arith.mulf %mul3A_288, %get3A_119 : vector<16xf32>
        %add3A_290 = arith.addf %add3A_280, %mul3A_289 : vector<16xf32>
        %add3A_291 = arith.constant 5 : i32
        %add3A_292 = arith.addi %mul3A_244, %add3A_291 : i32
        %get3A_293 = arith.index_cast %add3A_292 : i32 to index
        %get3A_294 = memref.load %arg9[%get3A_293] : memref<1600xf32, #tpu.memory_space<smem>>
        %mul3A_295 = vector.broadcast %get3A_294 : f32 to vector<16xf32>
        %mul3A_296 = arith.mulf %mul3A_295, %get3A_44 : vector<16xf32>
        %add3A_297 = arith.addf %add3A_287, %mul3A_296 : vector<16xf32>
        %mul3A_298 = vector.broadcast %get3A_294 : f32 to vector<16xf32>
        %mul3A_299 = arith.mulf %mul3A_298, %get3A_124 : vector<16xf32>
        %add3A_300 = arith.addf %add3A_290, %mul3A_299 : vector<16xf32>
        %add3A_301 = arith.constant 6 : i32
        %add3A_302 = arith.addi %mul3A_244, %add3A_301 : i32
        %get3A_303 = arith.index_cast %add3A_302 : i32 to index
        %get3A_304 = memref.load %arg9[%get3A_303] : memref<1600xf32, #tpu.memory_space<smem>>
        %mul3A_305 = vector.broadcast %get3A_304 : f32 to vector<16xf32>
        %mul3A_306 = arith.mulf %mul3A_305, %get3A_49 : vector<16xf32>
        %add3A_307 = arith.addf %add3A_297, %mul3A_306 : vector<16xf32>
        %mul3A_308 = vector.broadcast %get3A_304 : f32 to vector<16xf32>
        %mul3A_309 = arith.mulf %mul3A_308, %get3A_129 : vector<16xf32>
        %add3A_310 = arith.addf %add3A_300, %mul3A_309 : vector<16xf32>
        %add3A_311 = arith.constant 7 : i32
        %add3A_312 = arith.addi %mul3A_244, %add3A_311 : i32
        %get3A_313 = arith.index_cast %add3A_312 : i32 to index
        %get3A_314 = memref.load %arg9[%get3A_313] : memref<1600xf32, #tpu.memory_space<smem>>
        %mul3A_315 = vector.broadcast %get3A_314 : f32 to vector<16xf32>
        %mul3A_316 = arith.mulf %mul3A_315, %get3A_54 : vector<16xf32>
        %add3A_317 = arith.addf %add3A_307, %mul3A_316 : vector<16xf32>
        %mul3A_318 = vector.broadcast %get3A_314 : f32 to vector<16xf32>
        %mul3A_319 = arith.mulf %mul3A_318, %get3A_134 : vector<16xf32>
        %add3A_320 = arith.addf %add3A_310, %mul3A_319 : vector<16xf32>
        %add3A_321 = arith.constant 8 : i32
        %add3A_322 = arith.addi %mul3A_244, %add3A_321 : i32
        %get3A_323 = arith.index_cast %add3A_322 : i32 to index
        %get3A_324 = memref.load %arg9[%get3A_323] : memref<1600xf32, #tpu.memory_space<smem>>
        %mul3A_325 = vector.broadcast %get3A_324 : f32 to vector<16xf32>
        %mul3A_326 = arith.mulf %mul3A_325, %get3A_59 : vector<16xf32>
        %add3A_327 = arith.addf %add3A_317, %mul3A_326 : vector<16xf32>
        %mul3A_328 = vector.broadcast %get3A_324 : f32 to vector<16xf32>
        %mul3A_329 = arith.mulf %mul3A_328, %get3A_139 : vector<16xf32>
        %add3A_330 = arith.addf %add3A_320, %mul3A_329 : vector<16xf32>
        %add3A_331 = arith.constant 9 : i32
        %add3A_332 = arith.addi %mul3A_244, %add3A_331 : i32
        %get3A_333 = arith.index_cast %add3A_332 : i32 to index
        %get3A_334 = memref.load %arg9[%get3A_333] : memref<1600xf32, #tpu.memory_space<smem>>
        %mul3A_335 = vector.broadcast %get3A_334 : f32 to vector<16xf32>
        %mul3A_336 = arith.mulf %mul3A_335, %get3A_64 : vector<16xf32>
        %add3A_337 = arith.addf %add3A_327, %mul3A_336 : vector<16xf32>
        %mul3A_338 = vector.broadcast %get3A_334 : f32 to vector<16xf32>
        %mul3A_339 = arith.mulf %mul3A_338, %get3A_144 : vector<16xf32>
        %add3A_340 = arith.addf %add3A_330, %mul3A_339 : vector<16xf32>
        %add3A_341 = arith.constant 10 : i32
        %add3A_342 = arith.addi %mul3A_244, %add3A_341 : i32
        %get3A_343 = arith.index_cast %add3A_342 : i32 to index
        %get3A_344 = memref.load %arg9[%get3A_343] : memref<1600xf32, #tpu.memory_space<smem>>
        %mul3A_345 = vector.broadcast %get3A_344 : f32 to vector<16xf32>
        %mul3A_346 = arith.mulf %mul3A_345, %get3A_69 : vector<16xf32>
        %add3A_347 = arith.addf %add3A_337, %mul3A_346 : vector<16xf32>
        %mul3A_348 = vector.broadcast %get3A_344 : f32 to vector<16xf32>
        %mul3A_349 = arith.mulf %mul3A_348, %get3A_149 : vector<16xf32>
        %add3A_350 = arith.addf %add3A_340, %mul3A_349 : vector<16xf32>
        %add3A_351 = arith.constant 11 : i32
        %add3A_352 = arith.addi %mul3A_244, %add3A_351 : i32
        %get3A_353 = arith.index_cast %add3A_352 : i32 to index
        %get3A_354 = memref.load %arg9[%get3A_353] : memref<1600xf32, #tpu.memory_space<smem>>
        %mul3A_355 = vector.broadcast %get3A_354 : f32 to vector<16xf32>
        %mul3A_356 = arith.mulf %mul3A_355, %get3A_74 : vector<16xf32>
        %add3A_357 = arith.addf %add3A_347, %mul3A_356 : vector<16xf32>
        %mul3A_358 = vector.broadcast %get3A_354 : f32 to vector<16xf32>
        %mul3A_359 = arith.mulf %mul3A_358, %get3A_154 : vector<16xf32>
        %add3A_360 = arith.addf %add3A_350, %mul3A_359 : vector<16xf32>
        %add3A_361 = arith.constant 12 : i32
        %add3A_362 = arith.addi %mul3A_244, %add3A_361 : i32
        %get3A_363 = arith.index_cast %add3A_362 : i32 to index
        %get3A_364 = memref.load %arg9[%get3A_363] : memref<1600xf32, #tpu.memory_space<smem>>
        %mul3A_365 = vector.broadcast %get3A_364 : f32 to vector<16xf32>
        %mul3A_366 = arith.mulf %mul3A_365, %get3A_79 : vector<16xf32>
        %add3A_367 = arith.addf %add3A_357, %mul3A_366 : vector<16xf32>
        %mul3A_368 = vector.broadcast %get3A_364 : f32 to vector<16xf32>
        %mul3A_369 = arith.mulf %mul3A_368, %get3A_159 : vector<16xf32>
        %add3A_370 = arith.addf %add3A_360, %mul3A_369 : vector<16xf32>
        %add3A_371 = arith.constant 13 : i32
        %add3A_372 = arith.addi %mul3A_244, %add3A_371 : i32
        %get3A_373 = arith.index_cast %add3A_372 : i32 to index
        %get3A_374 = memref.load %arg9[%get3A_373] : memref<1600xf32, #tpu.memory_space<smem>>
        %mul3A_375 = vector.broadcast %get3A_374 : f32 to vector<16xf32>
        %mul3A_376 = arith.mulf %mul3A_375, %get3A_84 : vector<16xf32>
        %add3A_377 = arith.addf %add3A_367, %mul3A_376 : vector<16xf32>
        %mul3A_378 = vector.broadcast %get3A_374 : f32 to vector<16xf32>
        %mul3A_379 = arith.mulf %mul3A_378, %get3A_164 : vector<16xf32>
        %add3A_380 = arith.addf %add3A_370, %mul3A_379 : vector<16xf32>
        %add3A_381 = arith.constant 14 : i32
        %add3A_382 = arith.addi %mul3A_244, %add3A_381 : i32
        %get3A_383 = arith.index_cast %add3A_382 : i32 to index
        %get3A_384 = memref.load %arg9[%get3A_383] : memref<1600xf32, #tpu.memory_space<smem>>
        %mul3A_385 = vector.broadcast %get3A_384 : f32 to vector<16xf32>
        %mul3A_386 = arith.mulf %mul3A_385, %get3A_89 : vector<16xf32>
        %add3A_387 = arith.addf %add3A_377, %mul3A_386 : vector<16xf32>
        %mul3A_388 = vector.broadcast %get3A_384 : f32 to vector<16xf32>
        %mul3A_389 = arith.mulf %mul3A_388, %get3A_169 : vector<16xf32>
        %add3A_390 = arith.addf %add3A_380, %mul3A_389 : vector<16xf32>
        %add3A_391 = arith.constant 15 : i32
        %add3A_392 = arith.addi %mul3A_244, %add3A_391 : i32
        %get3A_393 = arith.index_cast %add3A_392 : i32 to index
        %get3A_394 = memref.load %arg9[%get3A_393] : memref<1600xf32, #tpu.memory_space<smem>>
        %mul3A_395 = vector.broadcast %get3A_394 : f32 to vector<16xf32>
        %mul3A_396 = arith.mulf %mul3A_395, %get3A_94 : vector<16xf32>
        %add3A_397 = arith.addf %add3A_387, %mul3A_396 : vector<16xf32>
        %mul3A_398 = vector.broadcast %get3A_394 : f32 to vector<16xf32>
        %mul3A_399 = arith.mulf %mul3A_398, %get3A_174 : vector<16xf32>
        %add3A_400 = arith.addf %add3A_390, %mul3A_399 : vector<16xf32>
        %add3A_401 = arith.addf %add3A_397, %add3A_234 : vector<16xf32>
        %add3A_402 = arith.addf %add3A_400, %add3A_236 : vector<16xf32>
        %min3A = arith.minimumf %add3A_401, %add3A_402 : vector<16xf32>
        %mul3A_403 = arith.constant 100 : i32
        %mul3A_404 = arith.muli %scan3A_10, %mul3A_403 : i32
        %add3A_405 = arith.addi %mul3A_404, %scan3A_242 : i32
        %mul3A_406 = arith.constant 16 : i32
        %mul3A_407 = arith.muli %add3A_405, %mul3A_406 : i32
        %swap3A = arith.index_cast %mul3A_407 : i32 to index
        %swap3A_408 = tpu.vector_load %arg7[%swap3A] {strides = array<i32>} : memref<16384xf32, #tpu.memory_space<vmem>>, vector<16xf32>,
        %swap3A_409 = vector.shape_cast %swap3A_408 : vector<16xf32> to vector<16xf32>
        %swap3A_410 = vector.shape_cast %min3A : vector<16xf32> to vector<16xf32>
        tpu.vector_store %arg7[%swap3A], %swap3A_410 {strides = array<i32>} : memref<16384xf32, #tpu.memory_space<vmem>>, vector<16xf32>,
      }
      %scan3A_241 = arith.constant 100 : i32
    }
    %scan3A_4 = arith.constant 10 : i32
    %scan3A_5 = arith.constant 0 : i32
    %scan3A_6 = arith.constant 64 : i32
    %scan3A_7 = arith.addi %scan3A_5, %scan3A_6 : i32
    %scan3A_8 = arith.constant 1 : i32
    scf.for %scan3A_10 = %scan3A_5 to %scan3A_7 step %scan3A_8  : i32 {
      %mul3A_11 = arith.constant 16 : i32
      %mul3A_12 = arith.muli %scan3A_10, %mul3A_11 : i32
      %add3A_13 = arith.constant 0 : i32
      %add3A_14 = arith.addi %mul3A_12, %add3A_13 : i32
      %mul3A_15 = arith.constant 16 : i32
      %mul3A_16 = arith.muli %add3A_14, %mul3A_15 : i32
      %get3A = arith.index_cast %mul3A_16 : i32 to index
      %get3A_17 = tpu.vector_load %arg7[%get3A] {strides = array<i32>} : memref<16384xf32, #tpu.memory_space<vmem>>, vector<16xf32>,
      %get3A_18 = vector.shape_cast %get3A_17 : vector<16xf32> to vector<16xf32>
      %slice3A = vector.extract_strided_slice %get3A_18 {offsets = [0], sizes = [1], strides = [1]} : vector<16xf32> to vector<1xf32>
      %squeeze3A = vector.extract %slice3A[0] : f32 from vector<1xf32>
      %slice3A_19 = vector.extract_strided_slice %get3A_18 {offsets = [1], sizes = [1], strides = [1]} : vector<16xf32> to vector<1xf32>
      %squeeze3A_20 = vector.extract %slice3A_19[0] : f32 from vector<1xf32>
      %min3A = arith.minimumf %squeeze3A, %squeeze3A_20 : f32
      %slice3A_21 = vector.extract_strided_slice %get3A_18 {offsets = [2], sizes = [1], strides = [1]} : vector<16xf32> to vector<1xf32>
      %squeeze3A_22 = vector.extract %slice3A_21[0] : f32 from vector<1xf32>
      %slice3A_23 = vector.extract_strided_slice %get3A_18 {offsets = [3], sizes = [1], strides = [1]} : vector<16xf32> to vector<1xf32>
      %squeeze3A_24 = vector.extract %slice3A_23[0] : f32 from vector<1xf32>
      %min3A_25 = arith.minimumf %squeeze3A_22, %squeeze3A_24 : f32
      %min3A_26 = arith.minimumf %min3A, %min3A_25 : f32
      %slice3A_27 = vector.extract_strided_slice %get3A_18 {offsets = [4], sizes = [1], strides = [1]} : vector<16xf32> to vector<1xf32>
      %squeeze3A_28 = vector.extract %slice3A_27[0] : f32 from vector<1xf32>
      %slice3A_29 = vector.extract_strided_slice %get3A_18 {offsets = [5], sizes = [1], strides = [1]} : vector<16xf32> to vector<1xf32>
      %squeeze3A_30 = vector.extract %slice3A_29[0] : f32 from vector<1xf32>
      %min3A_31 = arith.minimumf %squeeze3A_28, %squeeze3A_30 : f32
      %slice3A_32 = vector.extract_strided_slice %get3A_18 {offsets = [6], sizes = [1], strides = [1]} : vector<16xf32> to vector<1xf32>
      %squeeze3A_33 = vector.extract %slice3A_32[0] : f32 from vector<1xf32>
      %slice3A_34 = vector.extract_strided_slice %get3A_18 {offsets = [7], sizes = [1], strides = [1]} : vector<16xf32> to vector<1xf32>
      %squeeze3A_35 = vector.extract %slice3A_34[0] : f32 from vector<1xf32>
      %min3A_36 = arith.minimumf %squeeze3A_33, %squeeze3A_35 : f32
      %min3A_37 = arith.minimumf %min3A_31, %min3A_36 : f32
      %slice3A_38 = vector.extract_strided_slice %get3A_18 {offsets = [8], sizes = [1], strides = [1]} : vector<16xf32> to vector<1xf32>
      %squeeze3A_39 = vector.extract %slice3A_38[0] : f32 from vector<1xf32>
      %slice3A_40 = vector.extract_strided_slice %get3A_18 {offsets = [9], sizes = [1], strides = [1]} : vector<16xf32> to vector<1xf32>
      %squeeze3A_41 = vector.extract %slice3A_40[0] : f32 from vector<1xf32>
      %min3A_42 = arith.minimumf %squeeze3A_39, %squeeze3A_41 : f32
      %slice3A_43 = vector.extract_strided_slice %get3A_18 {offsets = [10], sizes = [1], strides = [1]} : vector<16xf32> to vector<1xf32>
      %squeeze3A_44 = vector.extract %slice3A_43[0] : f32 from vector<1xf32>
      %slice3A_45 = vector.extract_strided_slice %get3A_18 {offsets = [11], sizes = [1], strides = [1]} : vector<16xf32> to vector<1xf32>
      %squeeze3A_46 = vector.extract %slice3A_45[0] : f32 from vector<1xf32>
      %min3A_47 = arith.minimumf %squeeze3A_44, %squeeze3A_46 : f32
      %min3A_48 = arith.minimumf %min3A_42, %min3A_47 : f32
      %slice3A_49 = vector.extract_strided_slice %get3A_18 {offsets = [12], sizes = [1], strides = [1]} : vector<16xf32> to vector<1xf32>
      %squeeze3A_50 = vector.extract %slice3A_49[0] : f32 from vector<1xf32>
      %slice3A_51 = vector.extract_strided_slice %get3A_18 {offsets = [13], sizes = [1], strides = [1]} : vector<16xf32> to vector<1xf32>
      %squeeze3A_52 = vector.extract %slice3A_51[0] : f32 from vector<1xf32>
      %min3A_53 = arith.minimumf %squeeze3A_50, %squeeze3A_52 : f32
      %slice3A_54 = vector.extract_strided_slice %get3A_18 {offsets = [14], sizes = [1], strides = [1]} : vector<16xf32> to vector<1xf32>
      %squeeze3A_55 = vector.extract %slice3A_54[0] : f32 from vector<1xf32>
      %slice3A_56 = vector.extract_strided_slice %get3A_18 {offsets = [15], sizes = [1], strides = [1]} : vector<16xf32> to vector<1xf32>
      %squeeze3A_57 = vector.extract %slice3A_56[0] : f32 from vector<1xf32>
      %min3A_58 = arith.minimumf %squeeze3A_55, %squeeze3A_57 : f32
      %min3A_59 = arith.minimumf %min3A_53, %min3A_58 : f32
      %min3A_60 = arith.minimumf %min3A_26, %min3A_37 : f32
      %min3A_61 = arith.minimumf %min3A_48, %min3A_59 : f32
      %min3A_62 = arith.minimumf %min3A_60, %min3A_61 : f32
      %mul3A_63 = arith.constant 16 : i32
      %mul3A_64 = arith.muli %scan3A_10, %mul3A_63 : i32
      %add3A_65 = arith.constant 1 : i32
      %add3A_66 = arith.addi %mul3A_64, %add3A_65 : i32
      %mul3A_67 = arith.constant 16 : i32
      %mul3A_68 = arith.muli %add3A_66, %mul3A_67 : i32
      %get3A_69 = arith.index_cast %mul3A_68 : i32 to index
      %get3A_70 = tpu.vector_load %arg7[%get3A_69] {strides = array<i32>} : memref<16384xf32, #tpu.memory_space<vmem>>, vector<16xf32>,
      %get3A_71 = vector.shape_cast %get3A_70 : vector<16xf32> to vector<16xf32>
      %slice3A_72 = vector.extract_strided_slice %get3A_71 {offsets = [0], sizes = [1], strides = [1]} : vector<16xf32> to vector<1xf32>
      %squeeze3A_73 = vector.extract %slice3A_72[0] : f32 from vector<1xf32>
      %slice3A_74 = vector.extract_strided_slice %get3A_71 {offsets = [1], sizes = [1], strides = [1]} : vector<16xf32> to vector<1xf32>
      %squeeze3A_75 = vector.extract %slice3A_74[0] : f32 from vector<1xf32>
      %min3A_76 = arith.minimumf %squeeze3A_73, %squeeze3A_75 : f32
      %slice3A_77 = vector.extract_strided_slice %get3A_71 {offsets = [2], sizes = [1], strides = [1]} : vector<16xf32> to vector<1xf32>
      %squeeze3A_78 = vector.extract %slice3A_77[0] : f32 from vector<1xf32>
      %slice3A_79 = vector.extract_strided_slice %get3A_71 {offsets = [3], sizes = [1], strides = [1]} : vector<16xf32> to vector<1xf32>
      %squeeze3A_80 = vector.extract %slice3A_79[0] : f32 from vector<1xf32>
      %min3A_81 = arith.minimumf %squeeze3A_78, %squeeze3A_80 : f32
      %min3A_82 = arith.minimumf %min3A_76, %min3A_81 : f32
      %slice3A_83 = vector.extract_strided_slice %get3A_71 {offsets = [4], sizes = [1], strides = [1]} : vector<16xf32> to vector<1xf32>
      %squeeze3A_84 = vector.extract %slice3A_83[0] : f32 from vector<1xf32>
      %slice3A_85 = vector.extract_strided_slice %get3A_71 {offsets = [5], sizes = [1], strides = [1]} : vector<16xf32> to vector<1xf32>
      %squeeze3A_86 = vector.extract %slice3A_85[0] : f32 from vector<1xf32>
      %min3A_87 = arith.minimumf %squeeze3A_84, %squeeze3A_86 : f32
      %slice3A_88 = vector.extract_strided_slice %get3A_71 {offsets = [6], sizes = [1], strides = [1]} : vector<16xf32> to vector<1xf32>
      %squeeze3A_89 = vector.extract %slice3A_88[0] : f32 from vector<1xf32>
      %slice3A_90 = vector.extract_strided_slice %get3A_71 {offsets = [7], sizes = [1], strides = [1]} : vector<16xf32> to vector<1xf32>
      %squeeze3A_91 = vector.extract %slice3A_90[0] : f32 from vector<1xf32>
      %min3A_92 = arith.minimumf %squeeze3A_89, %squeeze3A_91 : f32
      %min3A_93 = arith.minimumf %min3A_87, %min3A_92 : f32
      %slice3A_94 = vector.extract_strided_slice %get3A_71 {offsets = [8], sizes = [1], strides = [1]} : vector<16xf32> to vector<1xf32>
      %squeeze3A_95 = vector.extract %slice3A_94[0] : f32 from vector<1xf32>
      %slice3A_96 = vector.extract_strided_slice %get3A_71 {offsets = [9], sizes = [1], strides = [1]} : vector<16xf32> to vector<1xf32>
      %squeeze3A_97 = vector.extract %slice3A_96[0] : f32 from vector<1xf32>
      %min3A_98 = arith.minimumf %squeeze3A_95, %squeeze3A_97 : f32
      %slice3A_99 = vector.extract_strided_slice %get3A_71 {offsets = [10], sizes = [1], strides = [1]} : vector<16xf32> to vector<1xf32>
      %squeeze3A_100 = vector.extract %slice3A_99[0] : f32 from vector<1xf32>
      %slice3A_101 = vector.extract_strided_slice %get3A_71 {offsets = [11], sizes = [1], strides = [1]} : vector<16xf32> to vector<1xf32>
      %squeeze3A_102 = vector.extract %slice3A_101[0] : f32 from vector<1xf32>
      %min3A_103 = arith.minimumf %squeeze3A_100, %squeeze3A_102 : f32
      %min3A_104 = arith.minimumf %min3A_98, %min3A_103 : f32
      %slice3A_105 = vector.extract_strided_slice %get3A_71 {offsets = [12], sizes = [1], strides = [1]} : vector<16xf32> to vector<1xf32>
      %squeeze3A_106 = vector.extract %slice3A_105[0] : f32 from vector<1xf32>
      %slice3A_107 = vector.extract_strided_slice %get3A_71 {offsets = [13], sizes = [1], strides = [1]} : vector<16xf32> to vector<1xf32>
      %squeeze3A_108 = vector.extract %slice3A_107[0] : f32 from vector<1xf32>
      %min3A_109 = arith.minimumf %squeeze3A_106, %squeeze3A_108 : f32
      %slice3A_110 = vector.extract_strided_slice %get3A_71 {offsets = [14], sizes = [1], strides = [1]} : vector<16xf32> to vector<1xf32>
      %squeeze3A_111 = vector.extract %slice3A_110[0] : f32 from vector<1xf32>
      %slice3A_112 = vector.extract_strided_slice %get3A_71 {offsets = [15], sizes = [1], strides = [1]} : vector<16xf32> to vector<1xf32>
      %squeeze3A_113 = vector.extract %slice3A_112[0] : f32 from vector<1xf32>
      %min3A_114 = arith.minimumf %squeeze3A_111, %squeeze3A_113 : f32
      %min3A_115 = arith.minimumf %min3A_109, %min3A_114 : f32
      %min3A_116 = arith.minimumf %min3A_82, %min3A_93 : f32
      %min3A_117 = arith.minimumf %min3A_104, %min3A_115 : f32
      %min3A_118 = arith.minimumf %min3A_116, %min3A_117 : f32
      %mul3A_119 = arith.constant 16 : i32
      %mul3A_120 = arith.muli %scan3A_10, %mul3A_119 : i32
      %add3A_121 = arith.constant 2 : i32
      %add3A_122 = arith.addi %mul3A_120, %add3A_121 : i32
      %mul3A_123 = arith.constant 16 : i32
      %mul3A_124 = arith.muli %add3A_122, %mul3A_123 : i32
      %get3A_125 = arith.index_cast %mul3A_124 : i32 to index
      %get3A_126 = tpu.vector_load %arg7[%get3A_125] {strides = array<i32>} : memref<16384xf32, #tpu.memory_space<vmem>>, vector<16xf32>,
      %get3A_127 = vector.shape_cast %get3A_126 : vector<16xf32> to vector<16xf32>
      %slice3A_128 = vector.extract_strided_slice %get3A_127 {offsets = [0], sizes = [1], strides = [1]} : vector<16xf32> to vector<1xf32>
      %squeeze3A_129 = vector.extract %slice3A_128[0] : f32 from vector<1xf32>
      %slice3A_130 = vector.extract_strided_slice %get3A_127 {offsets = [1], sizes = [1], strides = [1]} : vector<16xf32> to vector<1xf32>
      %squeeze3A_131 = vector.extract %slice3A_130[0] : f32 from vector<1xf32>
      %min3A_132 = arith.minimumf %squeeze3A_129, %squeeze3A_131 : f32
      %slice3A_133 = vector.extract_strided_slice %get3A_127 {offsets = [2], sizes = [1], strides = [1]} : vector<16xf32> to vector<1xf32>
      %squeeze3A_134 = vector.extract %slice3A_133[0] : f32 from vector<1xf32>
      %slice3A_135 = vector.extract_strided_slice %get3A_127 {offsets = [3], sizes = [1], strides = [1]} : vector<16xf32> to vector<1xf32>
      %squeeze3A_136 = vector.extract %slice3A_135[0] : f32 from vector<1xf32>
      %min3A_137 = arith.minimumf %squeeze3A_134, %squeeze3A_136 : f32
      %min3A_138 = arith.minimumf %min3A_132, %min3A_137 : f32
      %slice3A_139 = vector.extract_strided_slice %get3A_127 {offsets = [4], sizes = [1], strides = [1]} : vector<16xf32> to vector<1xf32>
      %squeeze3A_140 = vector.extract %slice3A_139[0] : f32 from vector<1xf32>
      %slice3A_141 = vector.extract_strided_slice %get3A_127 {offsets = [5], sizes = [1], strides = [1]} : vector<16xf32> to vector<1xf32>
      %squeeze3A_142 = vector.extract %slice3A_141[0] : f32 from vector<1xf32>
      %min3A_143 = arith.minimumf %squeeze3A_140, %squeeze3A_142 : f32
      %slice3A_144 = vector.extract_strided_slice %get3A_127 {offsets = [6], sizes = [1], strides = [1]} : vector<16xf32> to vector<1xf32>
      %squeeze3A_145 = vector.extract %slice3A_144[0] : f32 from vector<1xf32>
      %slice3A_146 = vector.extract_strided_slice %get3A_127 {offsets = [7], sizes = [1], strides = [1]} : vector<16xf32> to vector<1xf32>
      %squeeze3A_147 = vector.extract %slice3A_146[0] : f32 from vector<1xf32>
      %min3A_148 = arith.minimumf %squeeze3A_145, %squeeze3A_147 : f32
      %min3A_149 = arith.minimumf %min3A_143, %min3A_148 : f32
      %slice3A_150 = vector.extract_strided_slice %get3A_127 {offsets = [8], sizes = [1], strides = [1]} : vector<16xf32> to vector<1xf32>
      %squeeze3A_151 = vector.extract %slice3A_150[0] : f32 from vector<1xf32>
      %slice3A_152 = vector.extract_strided_slice %get3A_127 {offsets = [9], sizes = [1], strides = [1]} : vector<16xf32> to vector<1xf32>
      %squeeze3A_153 = vector.extract %slice3A_152[0] : f32 from vector<1xf32>
      %min3A_154 = arith.minimumf %squeeze3A_151, %squeeze3A_153 : f32
      %slice3A_155 = vector.extract_strided_slice %get3A_127 {offsets = [10], sizes = [1], strides = [1]} : vector<16xf32> to vector<1xf32>
      %squeeze3A_156 = vector.extract %slice3A_155[0] : f32 from vector<1xf32>
      %slice3A_157 = vector.extract_strided_slice %get3A_127 {offsets = [11], sizes = [1], strides = [1]} : vector<16xf32> to vector<1xf32>
      %squeeze3A_158 = vector.extract %slice3A_157[0] : f32 from vector<1xf32>
      %min3A_159 = arith.minimumf %squeeze3A_156, %squeeze3A_158 : f32
      %min3A_160 = arith.minimumf %min3A_154, %min3A_159 : f32
      %slice3A_161 = vector.extract_strided_slice %get3A_127 {offsets = [12], sizes = [1], strides = [1]} : vector<16xf32> to vector<1xf32>
      %squeeze3A_162 = vector.extract %slice3A_161[0] : f32 from vector<1xf32>
      %slice3A_163 = vector.extract_strided_slice %get3A_127 {offsets = [13], sizes = [1], strides = [1]} : vector<16xf32> to vector<1xf32>
      %squeeze3A_164 = vector.extract %slice3A_163[0] : f32 from vector<1xf32>
      %min3A_165 = arith.minimumf %squeeze3A_162, %squeeze3A_164 : f32
      %slice3A_166 = vector.extract_strided_slice %get3A_127 {offsets = [14], sizes = [1], strides = [1]} : vector<16xf32> to vector<1xf32>
      %squeeze3A_167 = vector.extract %slice3A_166[0] : f32 from vector<1xf32>
      %slice3A_168 = vector.extract_strided_slice %get3A_127 {offsets = [15], sizes = [1], strides = [1]} : vector<16xf32> to vector<1xf32>
      %squeeze3A_169 = vector.extract %slice3A_168[0] : f32 from vector<1xf32>
      %min3A_170 = arith.minimumf %squeeze3A_167, %squeeze3A_169 : f32
      %min3A_171 = arith.minimumf %min3A_165, %min3A_170 : f32
      %min3A_172 = arith.minimumf %min3A_138, %min3A_149 : f32
      %min3A_173 = arith.minimumf %min3A_160, %min3A_171 : f32
      %min3A_174 = arith.minimumf %min3A_172, %min3A_173 : f32
      %mul3A_175 = arith.constant 16 : i32
      %mul3A_176 = arith.muli %scan3A_10, %mul3A_175 : i32
      %add3A_177 = arith.constant 3 : i32
      %add3A_178 = arith.addi %mul3A_176, %add3A_177 : i32
      %mul3A_179 = arith.constant 16 : i32
      %mul3A_180 = arith.muli %add3A_178, %mul3A_179 : i32
      %get3A_181 = arith.index_cast %mul3A_180 : i32 to index
      %get3A_182 = tpu.vector_load %arg7[%get3A_181] {strides = array<i32>} : memref<16384xf32, #tpu.memory_space<vmem>>, vector<16xf32>,
      %get3A_183 = vector.shape_cast %get3A_182 : vector<16xf32> to vector<16xf32>
      %slice3A_184 = vector.extract_strided_slice %get3A_183 {offsets = [0], sizes = [1], strides = [1]} : vector<16xf32> to vector<1xf32>
      %squeeze3A_185 = vector.extract %slice3A_184[0] : f32 from vector<1xf32>
      %slice3A_186 = vector.extract_strided_slice %get3A_183 {offsets = [1], sizes = [1], strides = [1]} : vector<16xf32> to vector<1xf32>
      %squeeze3A_187 = vector.extract %slice3A_186[0] : f32 from vector<1xf32>
      %min3A_188 = arith.minimumf %squeeze3A_185, %squeeze3A_187 : f32
      %slice3A_189 = vector.extract_strided_slice %get3A_183 {offsets = [2], sizes = [1], strides = [1]} : vector<16xf32> to vector<1xf32>
      %squeeze3A_190 = vector.extract %slice3A_189[0] : f32 from vector<1xf32>
      %slice3A_191 = vector.extract_strided_slice %get3A_183 {offsets = [3], sizes = [1], strides = [1]} : vector<16xf32> to vector<1xf32>
      %squeeze3A_192 = vector.extract %slice3A_191[0] : f32 from vector<1xf32>
      %min3A_193 = arith.minimumf %squeeze3A_190, %squeeze3A_192 : f32
      %min3A_194 = arith.minimumf %min3A_188, %min3A_193 : f32
      %slice3A_195 = vector.extract_strided_slice %get3A_183 {offsets = [4], sizes = [1], strides = [1]} : vector<16xf32> to vector<1xf32>
      %squeeze3A_196 = vector.extract %slice3A_195[0] : f32 from vector<1xf32>
      %slice3A_197 = vector.extract_strided_slice %get3A_183 {offsets = [5], sizes = [1], strides = [1]} : vector<16xf32> to vector<1xf32>
      %squeeze3A_198 = vector.extract %slice3A_197[0] : f32 from vector<1xf32>
      %min3A_199 = arith.minimumf %squeeze3A_196, %squeeze3A_198 : f32
      %slice3A_200 = vector.extract_strided_slice %get3A_183 {offsets = [6], sizes = [1], strides = [1]} : vector<16xf32> to vector<1xf32>
      %squeeze3A_201 = vector.extract %slice3A_200[0] : f32 from vector<1xf32>
      %slice3A_202 = vector.extract_strided_slice %get3A_183 {offsets = [7], sizes = [1], strides = [1]} : vector<16xf32> to vector<1xf32>
      %squeeze3A_203 = vector.extract %slice3A_202[0] : f32 from vector<1xf32>
      %min3A_204 = arith.minimumf %squeeze3A_201, %squeeze3A_203 : f32
      %min3A_205 = arith.minimumf %min3A_199, %min3A_204 : f32
      %slice3A_206 = vector.extract_strided_slice %get3A_183 {offsets = [8], sizes = [1], strides = [1]} : vector<16xf32> to vector<1xf32>
      %squeeze3A_207 = vector.extract %slice3A_206[0] : f32 from vector<1xf32>
      %slice3A_208 = vector.extract_strided_slice %get3A_183 {offsets = [9], sizes = [1], strides = [1]} : vector<16xf32> to vector<1xf32>
      %squeeze3A_209 = vector.extract %slice3A_208[0] : f32 from vector<1xf32>
      %min3A_210 = arith.minimumf %squeeze3A_207, %squeeze3A_209 : f32
      %slice3A_211 = vector.extract_strided_slice %get3A_183 {offsets = [10], sizes = [1], strides = [1]} : vector<16xf32> to vector<1xf32>
      %squeeze3A_212 = vector.extract %slice3A_211[0] : f32 from vector<1xf32>
      %slice3A_213 = vector.extract_strided_slice %get3A_183 {offsets = [11], sizes = [1], strides = [1]} : vector<16xf32> to vector<1xf32>
      %squeeze3A_214 = vector.extract %slice3A_213[0] : f32 from vector<1xf32>
      %min3A_215 = arith.minimumf %squeeze3A_212, %squeeze3A_214 : f32
      %min3A_216 = arith.minimumf %min3A_210, %min3A_215 : f32
      %slice3A_217 = vector.extract_strided_slice %get3A_183 {offsets = [12], sizes = [1], strides = [1]} : vector<16xf32> to vector<1xf32>
      %squeeze3A_218 = vector.extract %slice3A_217[0] : f32 from vector<1xf32>
      %slice3A_219 = vector.extract_strided_slice %get3A_183 {offsets = [13], sizes = [1], strides = [1]} : vector<16xf32> to vector<1xf32>
      %squeeze3A_220 = vector.extract %slice3A_219[0] : f32 from vector<1xf32>
      %min3A_221 = arith.minimumf %squeeze3A_218, %squeeze3A_220 : f32
      %slice3A_222 = vector.extract_strided_slice %get3A_183 {offsets = [14], sizes = [1], strides = [1]} : vector<16xf32> to vector<1xf32>
      %squeeze3A_223 = vector.extract %slice3A_222[0] : f32 from vector<1xf32>
      %slice3A_224 = vector.extract_strided_slice %get3A_183 {offsets = [15], sizes = [1], strides = [1]} : vector<16xf32> to vector<1xf32>
      %squeeze3A_225 = vector.extract %slice3A_224[0] : f32 from vector<1xf32>
      %min3A_226 = arith.minimumf %squeeze3A_223, %squeeze3A_225 : f32
      %min3A_227 = arith.minimumf %min3A_221, %min3A_226 : f32
      %min3A_228 = arith.minimumf %min3A_194, %min3A_205 : f32
      %min3A_229 = arith.minimumf %min3A_216, %min3A_227 : f32
      %min3A_230 = arith.minimumf %min3A_228, %min3A_229 : f32
      %mul3A_231 = arith.constant 16 : i32
      %mul3A_232 = arith.muli %scan3A_10, %mul3A_231 : i32
      %add3A_233 = arith.constant 4 : i32
      %add3A_234 = arith.addi %mul3A_232, %add3A_233 : i32
      %mul3A_235 = arith.constant 16 : i32
      %mul3A_236 = arith.muli %add3A_234, %mul3A_235 : i32
      %get3A_237 = arith.index_cast %mul3A_236 : i32 to index
      %get3A_238 = tpu.vector_load %arg7[%get3A_237] {strides = array<i32>} : memref<16384xf32, #tpu.memory_space<vmem>>, vector<16xf32>,
      %get3A_239 = vector.shape_cast %get3A_238 : vector<16xf32> to vector<16xf32>
      %slice3A_240 = vector.extract_strided_slice %get3A_239 {offsets = [0], sizes = [1], strides = [1]} : vector<16xf32> to vector<1xf32>
      %squeeze3A_241 = vector.extract %slice3A_240[0] : f32 from vector<1xf32>
      %slice3A_242 = vector.extract_strided_slice %get3A_239 {offsets = [1], sizes = [1], strides = [1]} : vector<16xf32> to vector<1xf32>
      %squeeze3A_243 = vector.extract %slice3A_242[0] : f32 from vector<1xf32>
      %min3A_244 = arith.minimumf %squeeze3A_241, %squeeze3A_243 : f32
      %slice3A_245 = vector.extract_strided_slice %get3A_239 {offsets = [2], sizes = [1], strides = [1]} : vector<16xf32> to vector<1xf32>
      %squeeze3A_246 = vector.extract %slice3A_245[0] : f32 from vector<1xf32>
      %slice3A_247 = vector.extract_strided_slice %get3A_239 {offsets = [3], sizes = [1], strides = [1]} : vector<16xf32> to vector<1xf32>
      %squeeze3A_248 = vector.extract %slice3A_247[0] : f32 from vector<1xf32>
      %min3A_249 = arith.minimumf %squeeze3A_246, %squeeze3A_248 : f32
      %min3A_250 = arith.minimumf %min3A_244, %min3A_249 : f32
      %slice3A_251 = vector.extract_strided_slice %get3A_239 {offsets = [4], sizes = [1], strides = [1]} : vector<16xf32> to vector<1xf32>
      %squeeze3A_252 = vector.extract %slice3A_251[0] : f32 from vector<1xf32>
      %slice3A_253 = vector.extract_strided_slice %get3A_239 {offsets = [5], sizes = [1], strides = [1]} : vector<16xf32> to vector<1xf32>
      %squeeze3A_254 = vector.extract %slice3A_253[0] : f32 from vector<1xf32>
      %min3A_255 = arith.minimumf %squeeze3A_252, %squeeze3A_254 : f32
      %slice3A_256 = vector.extract_strided_slice %get3A_239 {offsets = [6], sizes = [1], strides = [1]} : vector<16xf32> to vector<1xf32>
      %squeeze3A_257 = vector.extract %slice3A_256[0] : f32 from vector<1xf32>
      %slice3A_258 = vector.extract_strided_slice %get3A_239 {offsets = [7], sizes = [1], strides = [1]} : vector<16xf32> to vector<1xf32>
      %squeeze3A_259 = vector.extract %slice3A_258[0] : f32 from vector<1xf32>
      %min3A_260 = arith.minimumf %squeeze3A_257, %squeeze3A_259 : f32
      %min3A_261 = arith.minimumf %min3A_255, %min3A_260 : f32
      %slice3A_262 = vector.extract_strided_slice %get3A_239 {offsets = [8], sizes = [1], strides = [1]} : vector<16xf32> to vector<1xf32>
      %squeeze3A_263 = vector.extract %slice3A_262[0] : f32 from vector<1xf32>
      %slice3A_264 = vector.extract_strided_slice %get3A_239 {offsets = [9], sizes = [1], strides = [1]} : vector<16xf32> to vector<1xf32>
      %squeeze3A_265 = vector.extract %slice3A_264[0] : f32 from vector<1xf32>
      %min3A_266 = arith.minimumf %squeeze3A_263, %squeeze3A_265 : f32
      %slice3A_267 = vector.extract_strided_slice %get3A_239 {offsets = [10], sizes = [1], strides = [1]} : vector<16xf32> to vector<1xf32>
      %squeeze3A_268 = vector.extract %slice3A_267[0] : f32 from vector<1xf32>
      %slice3A_269 = vector.extract_strided_slice %get3A_239 {offsets = [11], sizes = [1], strides = [1]} : vector<16xf32> to vector<1xf32>
      %squeeze3A_270 = vector.extract %slice3A_269[0] : f32 from vector<1xf32>
      %min3A_271 = arith.minimumf %squeeze3A_268, %squeeze3A_270 : f32
      %min3A_272 = arith.minimumf %min3A_266, %min3A_271 : f32
      %slice3A_273 = vector.extract_strided_slice %get3A_239 {offsets = [12], sizes = [1], strides = [1]} : vector<16xf32> to vector<1xf32>
      %squeeze3A_274 = vector.extract %slice3A_273[0] : f32 from vector<1xf32>
      %slice3A_275 = vector.extract_strided_slice %get3A_239 {offsets = [13], sizes = [1], strides = [1]} : vector<16xf32> to vector<1xf32>
      %squeeze3A_276 = vector.extract %slice3A_275[0] : f32 from vector<1xf32>
      %min3A_277 = arith.minimumf %squeeze3A_274, %squeeze3A_276 : f32
      %slice3A_278 = vector.extract_strided_slice %get3A_239 {offsets = [14], sizes = [1], strides = [1]} : vector<16xf32> to vector<1xf32>
      %squeeze3A_279 = vector.extract %slice3A_278[0] : f32 from vector<1xf32>
      %slice3A_280 = vector.extract_strided_slice %get3A_239 {offsets = [15], sizes = [1], strides = [1]} : vector<16xf32> to vector<1xf32>
      %squeeze3A_281 = vector.extract %slice3A_280[0] : f32 from vector<1xf32>
      %min3A_282 = arith.minimumf %squeeze3A_279, %squeeze3A_281 : f32
      %min3A_283 = arith.minimumf %min3A_277, %min3A_282 : f32
      %min3A_284 = arith.minimumf %min3A_250, %min3A_261 : f32
      %min3A_285 = arith.minimumf %min3A_272, %min3A_283 : f32
      %min3A_286 = arith.minimumf %min3A_284, %min3A_285 : f32
      %mul3A_287 = arith.constant 16 : i32
      %mul3A_288 = arith.muli %scan3A_10, %mul3A_287 : i32
      %add3A_289 = arith.constant 5 : i32
      %add3A_290 = arith.addi %mul3A_288, %add3A_289 : i32
      %mul3A_291 = arith.constant 16 : i32
      %mul3A_292 = arith.muli %add3A_290, %mul3A_291 : i32
      %get3A_293 = arith.index_cast %mul3A_292 : i32 to index
      %get3A_294 = tpu.vector_load %arg7[%get3A_293] {strides = array<i32>} : memref<16384xf32, #tpu.memory_space<vmem>>, vector<16xf32>,
      %get3A_295 = vector.shape_cast %get3A_294 : vector<16xf32> to vector<16xf32>
      %slice3A_296 = vector.extract_strided_slice %get3A_295 {offsets = [0], sizes = [1], strides = [1]} : vector<16xf32> to vector<1xf32>
      %squeeze3A_297 = vector.extract %slice3A_296[0] : f32 from vector<1xf32>
      %slice3A_298 = vector.extract_strided_slice %get3A_295 {offsets = [1], sizes = [1], strides = [1]} : vector<16xf32> to vector<1xf32>
      %squeeze3A_299 = vector.extract %slice3A_298[0] : f32 from vector<1xf32>
      %min3A_300 = arith.minimumf %squeeze3A_297, %squeeze3A_299 : f32
      %slice3A_301 = vector.extract_strided_slice %get3A_295 {offsets = [2], sizes = [1], strides = [1]} : vector<16xf32> to vector<1xf32>
      %squeeze3A_302 = vector.extract %slice3A_301[0] : f32 from vector<1xf32>
      %slice3A_303 = vector.extract_strided_slice %get3A_295 {offsets = [3], sizes = [1], strides = [1]} : vector<16xf32> to vector<1xf32>
      %squeeze3A_304 = vector.extract %slice3A_303[0] : f32 from vector<1xf32>
      %min3A_305 = arith.minimumf %squeeze3A_302, %squeeze3A_304 : f32
      %min3A_306 = arith.minimumf %min3A_300, %min3A_305 : f32
      %slice3A_307 = vector.extract_strided_slice %get3A_295 {offsets = [4], sizes = [1], strides = [1]} : vector<16xf32> to vector<1xf32>
      %squeeze3A_308 = vector.extract %slice3A_307[0] : f32 from vector<1xf32>
      %slice3A_309 = vector.extract_strided_slice %get3A_295 {offsets = [5], sizes = [1], strides = [1]} : vector<16xf32> to vector<1xf32>
      %squeeze3A_310 = vector.extract %slice3A_309[0] : f32 from vector<1xf32>
      %min3A_311 = arith.minimumf %squeeze3A_308, %squeeze3A_310 : f32
      %slice3A_312 = vector.extract_strided_slice %get3A_295 {offsets = [6], sizes = [1], strides = [1]} : vector<16xf32> to vector<1xf32>
      %squeeze3A_313 = vector.extract %slice3A_312[0] : f32 from vector<1xf32>
      %slice3A_314 = vector.extract_strided_slice %get3A_295 {offsets = [7], sizes = [1], strides = [1]} : vector<16xf32> to vector<1xf32>
      %squeeze3A_315 = vector.extract %slice3A_314[0] : f32 from vector<1xf32>
      %min3A_316 = arith.minimumf %squeeze3A_313, %squeeze3A_315 : f32
      %min3A_317 = arith.minimumf %min3A_311, %min3A_316 : f32
      %slice3A_318 = vector.extract_strided_slice %get3A_295 {offsets = [8], sizes = [1], strides = [1]} : vector<16xf32> to vector<1xf32>
      %squeeze3A_319 = vector.extract %slice3A_318[0] : f32 from vector<1xf32>
      %slice3A_320 = vector.extract_strided_slice %get3A_295 {offsets = [9], sizes = [1], strides = [1]} : vector<16xf32> to vector<1xf32>
      %squeeze3A_321 = vector.extract %slice3A_320[0] : f32 from vector<1xf32>
      %min3A_322 = arith.minimumf %squeeze3A_319, %squeeze3A_321 : f32
      %slice3A_323 = vector.extract_strided_slice %get3A_295 {offsets = [10], sizes = [1], strides = [1]} : vector<16xf32> to vector<1xf32>
      %squeeze3A_324 = vector.extract %slice3A_323[0] : f32 from vector<1xf32>
      %slice3A_325 = vector.extract_strided_slice %get3A_295 {offsets = [11], sizes = [1], strides = [1]} : vector<16xf32> to vector<1xf32>
      %squeeze3A_326 = vector.extract %slice3A_325[0] : f32 from vector<1xf32>
      %min3A_327 = arith.minimumf %squeeze3A_324, %squeeze3A_326 : f32
      %min3A_328 = arith.minimumf %min3A_322, %min3A_327 : f32
      %slice3A_329 = vector.extract_strided_slice %get3A_295 {offsets = [12], sizes = [1], strides = [1]} : vector<16xf32> to vector<1xf32>
      %squeeze3A_330 = vector.extract %slice3A_329[0] : f32 from vector<1xf32>
      %slice3A_331 = vector.extract_strided_slice %get3A_295 {offsets = [13], sizes = [1], strides = [1]} : vector<16xf32> to vector<1xf32>
      %squeeze3A_332 = vector.extract %slice3A_331[0] : f32 from vector<1xf32>
      %min3A_333 = arith.minimumf %squeeze3A_330, %squeeze3A_332 : f32
      %slice3A_334 = vector.extract_strided_slice %get3A_295 {offsets = [14], sizes = [1], strides = [1]} : vector<16xf32> to vector<1xf32>
      %squeeze3A_335 = vector.extract %slice3A_334[0] : f32 from vector<1xf32>
      %slice3A_336 = vector.extract_strided_slice %get3A_295 {offsets = [15], sizes = [1], strides = [1]} : vector<16xf32> to vector<1xf32>
      %squeeze3A_337 = vector.extract %slice3A_336[0] : f32 from vector<1xf32>
      %min3A_338 = arith.minimumf %squeeze3A_335, %squeeze3A_337 : f32
      %min3A_339 = arith.minimumf %min3A_333, %min3A_338 : f32
      %min3A_340 = arith.minimumf %min3A_306, %min3A_317 : f32
      %min3A_341 = arith.minimumf %min3A_328, %min3A_339 : f32
      %min3A_342 = arith.minimumf %min3A_340, %min3A_341 : f32
      %mul3A_343 = arith.constant 16 : i32
      %mul3A_344 = arith.muli %scan3A_10, %mul3A_343 : i32
      %add3A_345 = arith.constant 6 : i32
      %add3A_346 = arith.addi %mul3A_344, %add3A_345 : i32
      %mul3A_347 = arith.constant 16 : i32
      %mul3A_348 = arith.muli %add3A_346, %mul3A_347 : i32
      %get3A_349 = arith.index_cast %mul3A_348 : i32 to index
      %get3A_350 = tpu.vector_load %arg7[%get3A_349] {strides = array<i32>} : memref<16384xf32, #tpu.memory_space<vmem>>, vector<16xf32>,
      %get3A_351 = vector.shape_cast %get3A_350 : vector<16xf32> to vector<16xf32>
      %slice3A_352 = vector.extract_strided_slice %get3A_351 {offsets = [0], sizes = [1], strides = [1]} : vector<16xf32> to vector<1xf32>
      %squeeze3A_353 = vector.extract %slice3A_352[0] : f32 from vector<1xf32>
      %slice3A_354 = vector.extract_strided_slice %get3A_351 {offsets = [1], sizes = [1], strides = [1]} : vector<16xf32> to vector<1xf32>
      %squeeze3A_355 = vector.extract %slice3A_354[0] : f32 from vector<1xf32>
      %min3A_356 = arith.minimumf %squeeze3A_353, %squeeze3A_355 : f32
      %slice3A_357 = vector.extract_strided_slice %get3A_351 {offsets = [2], sizes = [1], strides = [1]} : vector<16xf32> to vector<1xf32>
      %squeeze3A_358 = vector.extract %slice3A_357[0] : f32 from vector<1xf32>
      %slice3A_359 = vector.extract_strided_slice %get3A_351 {offsets = [3], sizes = [1], strides = [1]} : vector<16xf32> to vector<1xf32>
      %squeeze3A_360 = vector.extract %slice3A_359[0] : f32 from vector<1xf32>
      %min3A_361 = arith.minimumf %squeeze3A_358, %squeeze3A_360 : f32
      %min3A_362 = arith.minimumf %min3A_356, %min3A_361 : f32
      %slice3A_363 = vector.extract_strided_slice %get3A_351 {offsets = [4], sizes = [1], strides = [1]} : vector<16xf32> to vector<1xf32>
      %squeeze3A_364 = vector.extract %slice3A_363[0] : f32 from vector<1xf32>
      %slice3A_365 = vector.extract_strided_slice %get3A_351 {offsets = [5], sizes = [1], strides = [1]} : vector<16xf32> to vector<1xf32>
      %squeeze3A_366 = vector.extract %slice3A_365[0] : f32 from vector<1xf32>
      %min3A_367 = arith.minimumf %squeeze3A_364, %squeeze3A_366 : f32
      %slice3A_368 = vector.extract_strided_slice %get3A_351 {offsets = [6], sizes = [1], strides = [1]} : vector<16xf32> to vector<1xf32>
      %squeeze3A_369 = vector.extract %slice3A_368[0] : f32 from vector<1xf32>
      %slice3A_370 = vector.extract_strided_slice %get3A_351 {offsets = [7], sizes = [1], strides = [1]} : vector<16xf32> to vector<1xf32>
      %squeeze3A_371 = vector.extract %slice3A_370[0] : f32 from vector<1xf32>
      %min3A_372 = arith.minimumf %squeeze3A_369, %squeeze3A_371 : f32
      %min3A_373 = arith.minimumf %min3A_367, %min3A_372 : f32
      %slice3A_374 = vector.extract_strided_slice %get3A_351 {offsets = [8], sizes = [1], strides = [1]} : vector<16xf32> to vector<1xf32>
      %squeeze3A_375 = vector.extract %slice3A_374[0] : f32 from vector<1xf32>
      %slice3A_376 = vector.extract_strided_slice %get3A_351 {offsets = [9], sizes = [1], strides = [1]} : vector<16xf32> to vector<1xf32>
      %squeeze3A_377 = vector.extract %slice3A_376[0] : f32 from vector<1xf32>
      %min3A_378 = arith.minimumf %squeeze3A_375, %squeeze3A_377 : f32
      %slice3A_379 = vector.extract_strided_slice %get3A_351 {offsets = [10], sizes = [1], strides = [1]} : vector<16xf32> to vector<1xf32>
      %squeeze3A_380 = vector.extract %slice3A_379[0] : f32 from vector<1xf32>
      %slice3A_381 = vector.extract_strided_slice %get3A_351 {offsets = [11], sizes = [1], strides = [1]} : vector<16xf32> to vector<1xf32>
      %squeeze3A_382 = vector.extract %slice3A_381[0] : f32 from vector<1xf32>
      %min3A_383 = arith.minimumf %squeeze3A_380, %squeeze3A_382 : f32
      %min3A_384 = arith.minimumf %min3A_378, %min3A_383 : f32
      %slice3A_385 = vector.extract_strided_slice %get3A_351 {offsets = [12], sizes = [1], strides = [1]} : vector<16xf32> to vector<1xf32>
      %squeeze3A_386 = vector.extract %slice3A_385[0] : f32 from vector<1xf32>
      %slice3A_387 = vector.extract_strided_slice %get3A_351 {offsets = [13], sizes = [1], strides = [1]} : vector<16xf32> to vector<1xf32>
      %squeeze3A_388 = vector.extract %slice3A_387[0] : f32 from vector<1xf32>
      %min3A_389 = arith.minimumf %squeeze3A_386, %squeeze3A_388 : f32
      %slice3A_390 = vector.extract_strided_slice %get3A_351 {offsets = [14], sizes = [1], strides = [1]} : vector<16xf32> to vector<1xf32>
      %squeeze3A_391 = vector.extract %slice3A_390[0] : f32 from vector<1xf32>
      %slice3A_392 = vector.extract_strided_slice %get3A_351 {offsets = [15], sizes = [1], strides = [1]} : vector<16xf32> to vector<1xf32>
      %squeeze3A_393 = vector.extract %slice3A_392[0] : f32 from vector<1xf32>
      %min3A_394 = arith.minimumf %squeeze3A_391, %squeeze3A_393 : f32
      %min3A_395 = arith.minimumf %min3A_389, %min3A_394 : f32
      %min3A_396 = arith.minimumf %min3A_362, %min3A_373 : f32
      %min3A_397 = arith.minimumf %min3A_384, %min3A_395 : f32
      %min3A_398 = arith.minimumf %min3A_396, %min3A_397 : f32
      %mul3A_399 = arith.constant 16 : i32
      %mul3A_400 = arith.muli %scan3A_10, %mul3A_399 : i32
      %add3A_401 = arith.constant 7 : i32
      %add3A_402 = arith.addi %mul3A_400, %add3A_401 : i32
      %mul3A_403 = arith.constant 16 : i32
      %mul3A_404 = arith.muli %add3A_402, %mul3A_403 : i32
      %get3A_405 = arith.index_cast %mul3A_404 : i32 to index
      %get3A_406 = tpu.vector_load %arg7[%get3A_405] {strides = array<i32>} : memref<16384xf32, #tpu.memory_space<vmem>>, vector<16xf32>,
      %get3A_407 = vector.shape_cast %get3A_406 : vector<16xf32> to vector<16xf32>
      %slice3A_408 = vector.extract_strided_slice %get3A_407 {offsets = [0], sizes = [1], strides = [1]} : vector<16xf32> to vector<1xf32>
      %squeeze3A_409 = vector.extract %slice3A_408[0] : f32 from vector<1xf32>
      %slice3A_410 = vector.extract_strided_slice %get3A_407 {offsets = [1], sizes = [1], strides = [1]} : vector<16xf32> to vector<1xf32>
      %squeeze3A_411 = vector.extract %slice3A_410[0] : f32 from vector<1xf32>
      %min3A_412 = arith.minimumf %squeeze3A_409, %squeeze3A_411 : f32
      %slice3A_413 = vector.extract_strided_slice %get3A_407 {offsets = [2], sizes = [1], strides = [1]} : vector<16xf32> to vector<1xf32>
      %squeeze3A_414 = vector.extract %slice3A_413[0] : f32 from vector<1xf32>
      %slice3A_415 = vector.extract_strided_slice %get3A_407 {offsets = [3], sizes = [1], strides = [1]} : vector<16xf32> to vector<1xf32>
      %squeeze3A_416 = vector.extract %slice3A_415[0] : f32 from vector<1xf32>
      %min3A_417 = arith.minimumf %squeeze3A_414, %squeeze3A_416 : f32
      %min3A_418 = arith.minimumf %min3A_412, %min3A_417 : f32
      %slice3A_419 = vector.extract_strided_slice %get3A_407 {offsets = [4], sizes = [1], strides = [1]} : vector<16xf32> to vector<1xf32>
      %squeeze3A_420 = vector.extract %slice3A_419[0] : f32 from vector<1xf32>
      %slice3A_421 = vector.extract_strided_slice %get3A_407 {offsets = [5], sizes = [1], strides = [1]} : vector<16xf32> to vector<1xf32>
      %squeeze3A_422 = vector.extract %slice3A_421[0] : f32 from vector<1xf32>
      %min3A_423 = arith.minimumf %squeeze3A_420, %squeeze3A_422 : f32
      %slice3A_424 = vector.extract_strided_slice %get3A_407 {offsets = [6], sizes = [1], strides = [1]} : vector<16xf32> to vector<1xf32>
      %squeeze3A_425 = vector.extract %slice3A_424[0] : f32 from vector<1xf32>
      %slice3A_426 = vector.extract_strided_slice %get3A_407 {offsets = [7], sizes = [1], strides = [1]} : vector<16xf32> to vector<1xf32>
      %squeeze3A_427 = vector.extract %slice3A_426[0] : f32 from vector<1xf32>
      %min3A_428 = arith.minimumf %squeeze3A_425, %squeeze3A_427 : f32
      %min3A_429 = arith.minimumf %min3A_423, %min3A_428 : f32
      %slice3A_430 = vector.extract_strided_slice %get3A_407 {offsets = [8], sizes = [1], strides = [1]} : vector<16xf32> to vector<1xf32>
      %squeeze3A_431 = vector.extract %slice3A_430[0] : f32 from vector<1xf32>
      %slice3A_432 = vector.extract_strided_slice %get3A_407 {offsets = [9], sizes = [1], strides = [1]} : vector<16xf32> to vector<1xf32>
      %squeeze3A_433 = vector.extract %slice3A_432[0] : f32 from vector<1xf32>
      %min3A_434 = arith.minimumf %squeeze3A_431, %squeeze3A_433 : f32
      %slice3A_435 = vector.extract_strided_slice %get3A_407 {offsets = [10], sizes = [1], strides = [1]} : vector<16xf32> to vector<1xf32>
      %squeeze3A_436 = vector.extract %slice3A_435[0] : f32 from vector<1xf32>
      %slice3A_437 = vector.extract_strided_slice %get3A_407 {offsets = [11], sizes = [1], strides = [1]} : vector<16xf32> to vector<1xf32>
      %squeeze3A_438 = vector.extract %slice3A_437[0] : f32 from vector<1xf32>
      %min3A_439 = arith.minimumf %squeeze3A_436, %squeeze3A_438 : f32
      %min3A_440 = arith.minimumf %min3A_434, %min3A_439 : f32
      %slice3A_441 = vector.extract_strided_slice %get3A_407 {offsets = [12], sizes = [1], strides = [1]} : vector<16xf32> to vector<1xf32>
      %squeeze3A_442 = vector.extract %slice3A_441[0] : f32 from vector<1xf32>
      %slice3A_443 = vector.extract_strided_slice %get3A_407 {offsets = [13], sizes = [1], strides = [1]} : vector<16xf32> to vector<1xf32>
      %squeeze3A_444 = vector.extract %slice3A_443[0] : f32 from vector<1xf32>
      %min3A_445 = arith.minimumf %squeeze3A_442, %squeeze3A_444 : f32
      %slice3A_446 = vector.extract_strided_slice %get3A_407 {offsets = [14], sizes = [1], strides = [1]} : vector<16xf32> to vector<1xf32>
      %squeeze3A_447 = vector.extract %slice3A_446[0] : f32 from vector<1xf32>
      %slice3A_448 = vector.extract_strided_slice %get3A_407 {offsets = [15], sizes = [1], strides = [1]} : vector<16xf32> to vector<1xf32>
      %squeeze3A_449 = vector.extract %slice3A_448[0] : f32 from vector<1xf32>
      %min3A_450 = arith.minimumf %squeeze3A_447, %squeeze3A_449 : f32
      %min3A_451 = arith.minimumf %min3A_445, %min3A_450 : f32
      %min3A_452 = arith.minimumf %min3A_418, %min3A_429 : f32
      %min3A_453 = arith.minimumf %min3A_440, %min3A_451 : f32
      %min3A_454 = arith.minimumf %min3A_452, %min3A_453 : f32
      %mul3A_455 = arith.constant 16 : i32
      %mul3A_456 = arith.muli %scan3A_10, %mul3A_455 : i32
      %add3A_457 = arith.constant 8 : i32
      %add3A_458 = arith.addi %mul3A_456, %add3A_457 : i32
      %mul3A_459 = arith.constant 16 : i32
      %mul3A_460 = arith.muli %add3A_458, %mul3A_459 : i32
      %get3A_461 = arith.index_cast %mul3A_460 : i32 to index
      %get3A_462 = tpu.vector_load %arg7[%get3A_461] {strides = array<i32>} : memref<16384xf32, #tpu.memory_space<vmem>>, vector<16xf32>,
      %get3A_463 = vector.shape_cast %get3A_462 : vector<16xf32> to vector<16xf32>
      %slice3A_464 = vector.extract_strided_slice %get3A_463 {offsets = [0], sizes = [1], strides = [1]} : vector<16xf32> to vector<1xf32>
      %squeeze3A_465 = vector.extract %slice3A_464[0] : f32 from vector<1xf32>
      %slice3A_466 = vector.extract_strided_slice %get3A_463 {offsets = [1], sizes = [1], strides = [1]} : vector<16xf32> to vector<1xf32>
      %squeeze3A_467 = vector.extract %slice3A_466[0] : f32 from vector<1xf32>
      %min3A_468 = arith.minimumf %squeeze3A_465, %squeeze3A_467 : f32
      %slice3A_469 = vector.extract_strided_slice %get3A_463 {offsets = [2], sizes = [1], strides = [1]} : vector<16xf32> to vector<1xf32>
      %squeeze3A_470 = vector.extract %slice3A_469[0] : f32 from vector<1xf32>
      %slice3A_471 = vector.extract_strided_slice %get3A_463 {offsets = [3], sizes = [1], strides = [1]} : vector<16xf32> to vector<1xf32>
      %squeeze3A_472 = vector.extract %slice3A_471[0] : f32 from vector<1xf32>
      %min3A_473 = arith.minimumf %squeeze3A_470, %squeeze3A_472 : f32
      %min3A_474 = arith.minimumf %min3A_468, %min3A_473 : f32
      %slice3A_475 = vector.extract_strided_slice %get3A_463 {offsets = [4], sizes = [1], strides = [1]} : vector<16xf32> to vector<1xf32>
      %squeeze3A_476 = vector.extract %slice3A_475[0] : f32 from vector<1xf32>
      %slice3A_477 = vector.extract_strided_slice %get3A_463 {offsets = [5], sizes = [1], strides = [1]} : vector<16xf32> to vector<1xf32>
      %squeeze3A_478 = vector.extract %slice3A_477[0] : f32 from vector<1xf32>
      %min3A_479 = arith.minimumf %squeeze3A_476, %squeeze3A_478 : f32
      %slice3A_480 = vector.extract_strided_slice %get3A_463 {offsets = [6], sizes = [1], strides = [1]} : vector<16xf32> to vector<1xf32>
      %squeeze3A_481 = vector.extract %slice3A_480[0] : f32 from vector<1xf32>
      %slice3A_482 = vector.extract_strided_slice %get3A_463 {offsets = [7], sizes = [1], strides = [1]} : vector<16xf32> to vector<1xf32>
      %squeeze3A_483 = vector.extract %slice3A_482[0] : f32 from vector<1xf32>
      %min3A_484 = arith.minimumf %squeeze3A_481, %squeeze3A_483 : f32
      %min3A_485 = arith.minimumf %min3A_479, %min3A_484 : f32
      %slice3A_486 = vector.extract_strided_slice %get3A_463 {offsets = [8], sizes = [1], strides = [1]} : vector<16xf32> to vector<1xf32>
      %squeeze3A_487 = vector.extract %slice3A_486[0] : f32 from vector<1xf32>
      %slice3A_488 = vector.extract_strided_slice %get3A_463 {offsets = [9], sizes = [1], strides = [1]} : vector<16xf32> to vector<1xf32>
      %squeeze3A_489 = vector.extract %slice3A_488[0] : f32 from vector<1xf32>
      %min3A_490 = arith.minimumf %squeeze3A_487, %squeeze3A_489 : f32
      %slice3A_491 = vector.extract_strided_slice %get3A_463 {offsets = [10], sizes = [1], strides = [1]} : vector<16xf32> to vector<1xf32>
      %squeeze3A_492 = vector.extract %slice3A_491[0] : f32 from vector<1xf32>
      %slice3A_493 = vector.extract_strided_slice %get3A_463 {offsets = [11], sizes = [1], strides = [1]} : vector<16xf32> to vector<1xf32>
      %squeeze3A_494 = vector.extract %slice3A_493[0] : f32 from vector<1xf32>
      %min3A_495 = arith.minimumf %squeeze3A_492, %squeeze3A_494 : f32
      %min3A_496 = arith.minimumf %min3A_490, %min3A_495 : f32
      %slice3A_497 = vector.extract_strided_slice %get3A_463 {offsets = [12], sizes = [1], strides = [1]} : vector<16xf32> to vector<1xf32>
      %squeeze3A_498 = vector.extract %slice3A_497[0] : f32 from vector<1xf32>
      %slice3A_499 = vector.extract_strided_slice %get3A_463 {offsets = [13], sizes = [1], strides = [1]} : vector<16xf32> to vector<1xf32>
      %squeeze3A_500 = vector.extract %slice3A_499[0] : f32 from vector<1xf32>
      %min3A_501 = arith.minimumf %squeeze3A_498, %squeeze3A_500 : f32
      %slice3A_502 = vector.extract_strided_slice %get3A_463 {offsets = [14], sizes = [1], strides = [1]} : vector<16xf32> to vector<1xf32>
      %squeeze3A_503 = vector.extract %slice3A_502[0] : f32 from vector<1xf32>
      %slice3A_504 = vector.extract_strided_slice %get3A_463 {offsets = [15], sizes = [1], strides = [1]} : vector<16xf32> to vector<1xf32>
      %squeeze3A_505 = vector.extract %slice3A_504[0] : f32 from vector<1xf32>
      %min3A_506 = arith.minimumf %squeeze3A_503, %squeeze3A_505 : f32
      %min3A_507 = arith.minimumf %min3A_501, %min3A_506 : f32
      %min3A_508 = arith.minimumf %min3A_474, %min3A_485 : f32
      %min3A_509 = arith.minimumf %min3A_496, %min3A_507 : f32
      %min3A_510 = arith.minimumf %min3A_508, %min3A_509 : f32
      %mul3A_511 = arith.constant 16 : i32
      %mul3A_512 = arith.muli %scan3A_10, %mul3A_511 : i32
      %add3A_513 = arith.constant 9 : i32
      %add3A_514 = arith.addi %mul3A_512, %add3A_513 : i32
      %mul3A_515 = arith.constant 16 : i32
      %mul3A_516 = arith.muli %add3A_514, %mul3A_515 : i32
      %get3A_517 = arith.index_cast %mul3A_516 : i32 to index
      %get3A_518 = tpu.vector_load %arg7[%get3A_517] {strides = array<i32>} : memref<16384xf32, #tpu.memory_space<vmem>>, vector<16xf32>,
      %get3A_519 = vector.shape_cast %get3A_518 : vector<16xf32> to vector<16xf32>
      %slice3A_520 = vector.extract_strided_slice %get3A_519 {offsets = [0], sizes = [1], strides = [1]} : vector<16xf32> to vector<1xf32>
      %squeeze3A_521 = vector.extract %slice3A_520[0] : f32 from vector<1xf32>
      %slice3A_522 = vector.extract_strided_slice %get3A_519 {offsets = [1], sizes = [1], strides = [1]} : vector<16xf32> to vector<1xf32>
      %squeeze3A_523 = vector.extract %slice3A_522[0] : f32 from vector<1xf32>
      %min3A_524 = arith.minimumf %squeeze3A_521, %squeeze3A_523 : f32
      %slice3A_525 = vector.extract_strided_slice %get3A_519 {offsets = [2], sizes = [1], strides = [1]} : vector<16xf32> to vector<1xf32>
      %squeeze3A_526 = vector.extract %slice3A_525[0] : f32 from vector<1xf32>
      %slice3A_527 = vector.extract_strided_slice %get3A_519 {offsets = [3], sizes = [1], strides = [1]} : vector<16xf32> to vector<1xf32>
      %squeeze3A_528 = vector.extract %slice3A_527[0] : f32 from vector<1xf32>
      %min3A_529 = arith.minimumf %squeeze3A_526, %squeeze3A_528 : f32
      %min3A_530 = arith.minimumf %min3A_524, %min3A_529 : f32
      %slice3A_531 = vector.extract_strided_slice %get3A_519 {offsets = [4], sizes = [1], strides = [1]} : vector<16xf32> to vector<1xf32>
      %squeeze3A_532 = vector.extract %slice3A_531[0] : f32 from vector<1xf32>
      %slice3A_533 = vector.extract_strided_slice %get3A_519 {offsets = [5], sizes = [1], strides = [1]} : vector<16xf32> to vector<1xf32>
      %squeeze3A_534 = vector.extract %slice3A_533[0] : f32 from vector<1xf32>
      %min3A_535 = arith.minimumf %squeeze3A_532, %squeeze3A_534 : f32
      %slice3A_536 = vector.extract_strided_slice %get3A_519 {offsets = [6], sizes = [1], strides = [1]} : vector<16xf32> to vector<1xf32>
      %squeeze3A_537 = vector.extract %slice3A_536[0] : f32 from vector<1xf32>
      %slice3A_538 = vector.extract_strided_slice %get3A_519 {offsets = [7], sizes = [1], strides = [1]} : vector<16xf32> to vector<1xf32>
      %squeeze3A_539 = vector.extract %slice3A_538[0] : f32 from vector<1xf32>
      %min3A_540 = arith.minimumf %squeeze3A_537, %squeeze3A_539 : f32
      %min3A_541 = arith.minimumf %min3A_535, %min3A_540 : f32
      %slice3A_542 = vector.extract_strided_slice %get3A_519 {offsets = [8], sizes = [1], strides = [1]} : vector<16xf32> to vector<1xf32>
      %squeeze3A_543 = vector.extract %slice3A_542[0] : f32 from vector<1xf32>
      %slice3A_544 = vector.extract_strided_slice %get3A_519 {offsets = [9], sizes = [1], strides = [1]} : vector<16xf32> to vector<1xf32>
      %squeeze3A_545 = vector.extract %slice3A_544[0] : f32 from vector<1xf32>
      %min3A_546 = arith.minimumf %squeeze3A_543, %squeeze3A_545 : f32
      %slice3A_547 = vector.extract_strided_slice %get3A_519 {offsets = [10], sizes = [1], strides = [1]} : vector<16xf32> to vector<1xf32>
      %squeeze3A_548 = vector.extract %slice3A_547[0] : f32 from vector<1xf32>
      %slice3A_549 = vector.extract_strided_slice %get3A_519 {offsets = [11], sizes = [1], strides = [1]} : vector<16xf32> to vector<1xf32>
      %squeeze3A_550 = vector.extract %slice3A_549[0] : f32 from vector<1xf32>
      %min3A_551 = arith.minimumf %squeeze3A_548, %squeeze3A_550 : f32
      %min3A_552 = arith.minimumf %min3A_546, %min3A_551 : f32
      %slice3A_553 = vector.extract_strided_slice %get3A_519 {offsets = [12], sizes = [1], strides = [1]} : vector<16xf32> to vector<1xf32>
      %squeeze3A_554 = vector.extract %slice3A_553[0] : f32 from vector<1xf32>
      %slice3A_555 = vector.extract_strided_slice %get3A_519 {offsets = [13], sizes = [1], strides = [1]} : vector<16xf32> to vector<1xf32>
      %squeeze3A_556 = vector.extract %slice3A_555[0] : f32 from vector<1xf32>
      %min3A_557 = arith.minimumf %squeeze3A_554, %squeeze3A_556 : f32
      %slice3A_558 = vector.extract_strided_slice %get3A_519 {offsets = [14], sizes = [1], strides = [1]} : vector<16xf32> to vector<1xf32>
      %squeeze3A_559 = vector.extract %slice3A_558[0] : f32 from vector<1xf32>
      %slice3A_560 = vector.extract_strided_slice %get3A_519 {offsets = [15], sizes = [1], strides = [1]} : vector<16xf32> to vector<1xf32>
      %squeeze3A_561 = vector.extract %slice3A_560[0] : f32 from vector<1xf32>
      %min3A_562 = arith.minimumf %squeeze3A_559, %squeeze3A_561 : f32
      %min3A_563 = arith.minimumf %min3A_557, %min3A_562 : f32
      %min3A_564 = arith.minimumf %min3A_530, %min3A_541 : f32
      %min3A_565 = arith.minimumf %min3A_552, %min3A_563 : f32
      %min3A_566 = arith.minimumf %min3A_564, %min3A_565 : f32
      %mul3A_567 = arith.constant 16 : i32
      %mul3A_568 = arith.muli %scan3A_10, %mul3A_567 : i32
      %add3A_569 = arith.constant 10 : i32
      %add3A_570 = arith.addi %mul3A_568, %add3A_569 : i32
      %mul3A_571 = arith.constant 16 : i32
      %mul3A_572 = arith.muli %add3A_570, %mul3A_571 : i32
      %get3A_573 = arith.index_cast %mul3A_572 : i32 to index
      %get3A_574 = tpu.vector_load %arg7[%get3A_573] {strides = array<i32>} : memref<16384xf32, #tpu.memory_space<vmem>>, vector<16xf32>,
      %get3A_575 = vector.shape_cast %get3A_574 : vector<16xf32> to vector<16xf32>
      %slice3A_576 = vector.extract_strided_slice %get3A_575 {offsets = [0], sizes = [1], strides = [1]} : vector<16xf32> to vector<1xf32>
      %squeeze3A_577 = vector.extract %slice3A_576[0] : f32 from vector<1xf32>
      %slice3A_578 = vector.extract_strided_slice %get3A_575 {offsets = [1], sizes = [1], strides = [1]} : vector<16xf32> to vector<1xf32>
      %squeeze3A_579 = vector.extract %slice3A_578[0] : f32 from vector<1xf32>
      %min3A_580 = arith.minimumf %squeeze3A_577, %squeeze3A_579 : f32
      %slice3A_581 = vector.extract_strided_slice %get3A_575 {offsets = [2], sizes = [1], strides = [1]} : vector<16xf32> to vector<1xf32>
      %squeeze3A_582 = vector.extract %slice3A_581[0] : f32 from vector<1xf32>
      %slice3A_583 = vector.extract_strided_slice %get3A_575 {offsets = [3], sizes = [1], strides = [1]} : vector<16xf32> to vector<1xf32>
      %squeeze3A_584 = vector.extract %slice3A_583[0] : f32 from vector<1xf32>
      %min3A_585 = arith.minimumf %squeeze3A_582, %squeeze3A_584 : f32
      %min3A_586 = arith.minimumf %min3A_580, %min3A_585 : f32
      %slice3A_587 = vector.extract_strided_slice %get3A_575 {offsets = [4], sizes = [1], strides = [1]} : vector<16xf32> to vector<1xf32>
      %squeeze3A_588 = vector.extract %slice3A_587[0] : f32 from vector<1xf32>
      %slice3A_589 = vector.extract_strided_slice %get3A_575 {offsets = [5], sizes = [1], strides = [1]} : vector<16xf32> to vector<1xf32>
      %squeeze3A_590 = vector.extract %slice3A_589[0] : f32 from vector<1xf32>
      %min3A_591 = arith.minimumf %squeeze3A_588, %squeeze3A_590 : f32
      %slice3A_592 = vector.extract_strided_slice %get3A_575 {offsets = [6], sizes = [1], strides = [1]} : vector<16xf32> to vector<1xf32>
      %squeeze3A_593 = vector.extract %slice3A_592[0] : f32 from vector<1xf32>
      %slice3A_594 = vector.extract_strided_slice %get3A_575 {offsets = [7], sizes = [1], strides = [1]} : vector<16xf32> to vector<1xf32>
      %squeeze3A_595 = vector.extract %slice3A_594[0] : f32 from vector<1xf32>
      %min3A_596 = arith.minimumf %squeeze3A_593, %squeeze3A_595 : f32
      %min3A_597 = arith.minimumf %min3A_591, %min3A_596 : f32
      %slice3A_598 = vector.extract_strided_slice %get3A_575 {offsets = [8], sizes = [1], strides = [1]} : vector<16xf32> to vector<1xf32>
      %squeeze3A_599 = vector.extract %slice3A_598[0] : f32 from vector<1xf32>
      %slice3A_600 = vector.extract_strided_slice %get3A_575 {offsets = [9], sizes = [1], strides = [1]} : vector<16xf32> to vector<1xf32>
      %squeeze3A_601 = vector.extract %slice3A_600[0] : f32 from vector<1xf32>
      %min3A_602 = arith.minimumf %squeeze3A_599, %squeeze3A_601 : f32
      %slice3A_603 = vector.extract_strided_slice %get3A_575 {offsets = [10], sizes = [1], strides = [1]} : vector<16xf32> to vector<1xf32>
      %squeeze3A_604 = vector.extract %slice3A_603[0] : f32 from vector<1xf32>
      %slice3A_605 = vector.extract_strided_slice %get3A_575 {offsets = [11], sizes = [1], strides = [1]} : vector<16xf32> to vector<1xf32>
      %squeeze3A_606 = vector.extract %slice3A_605[0] : f32 from vector<1xf32>
      %min3A_607 = arith.minimumf %squeeze3A_604, %squeeze3A_606 : f32
      %min3A_608 = arith.minimumf %min3A_602, %min3A_607 : f32
      %slice3A_609 = vector.extract_strided_slice %get3A_575 {offsets = [12], sizes = [1], strides = [1]} : vector<16xf32> to vector<1xf32>
      %squeeze3A_610 = vector.extract %slice3A_609[0] : f32 from vector<1xf32>
      %slice3A_611 = vector.extract_strided_slice %get3A_575 {offsets = [13], sizes = [1], strides = [1]} : vector<16xf32> to vector<1xf32>
      %squeeze3A_612 = vector.extract %slice3A_611[0] : f32 from vector<1xf32>
      %min3A_613 = arith.minimumf %squeeze3A_610, %squeeze3A_612 : f32
      %slice3A_614 = vector.extract_strided_slice %get3A_575 {offsets = [14], sizes = [1], strides = [1]} : vector<16xf32> to vector<1xf32>
      %squeeze3A_615 = vector.extract %slice3A_614[0] : f32 from vector<1xf32>
      %slice3A_616 = vector.extract_strided_slice %get3A_575 {offsets = [15], sizes = [1], strides = [1]} : vector<16xf32> to vector<1xf32>
      %squeeze3A_617 = vector.extract %slice3A_616[0] : f32 from vector<1xf32>
      %min3A_618 = arith.minimumf %squeeze3A_615, %squeeze3A_617 : f32
      %min3A_619 = arith.minimumf %min3A_613, %min3A_618 : f32
      %min3A_620 = arith.minimumf %min3A_586, %min3A_597 : f32
      %min3A_621 = arith.minimumf %min3A_608, %min3A_619 : f32
      %min3A_622 = arith.minimumf %min3A_620, %min3A_621 : f32
      %mul3A_623 = arith.constant 16 : i32
      %mul3A_624 = arith.muli %scan3A_10, %mul3A_623 : i32
      %add3A_625 = arith.constant 11 : i32
      %add3A_626 = arith.addi %mul3A_624, %add3A_625 : i32
      %mul3A_627 = arith.constant 16 : i32
      %mul3A_628 = arith.muli %add3A_626, %mul3A_627 : i32
      %get3A_629 = arith.index_cast %mul3A_628 : i32 to index
      %get3A_630 = tpu.vector_load %arg7[%get3A_629] {strides = array<i32>} : memref<16384xf32, #tpu.memory_space<vmem>>, vector<16xf32>,
      %get3A_631 = vector.shape_cast %get3A_630 : vector<16xf32> to vector<16xf32>
      %slice3A_632 = vector.extract_strided_slice %get3A_631 {offsets = [0], sizes = [1], strides = [1]} : vector<16xf32> to vector<1xf32>
      %squeeze3A_633 = vector.extract %slice3A_632[0] : f32 from vector<1xf32>
      %slice3A_634 = vector.extract_strided_slice %get3A_631 {offsets = [1], sizes = [1], strides = [1]} : vector<16xf32> to vector<1xf32>
      %squeeze3A_635 = vector.extract %slice3A_634[0] : f32 from vector<1xf32>
      %min3A_636 = arith.minimumf %squeeze3A_633, %squeeze3A_635 : f32
      %slice3A_637 = vector.extract_strided_slice %get3A_631 {offsets = [2], sizes = [1], strides = [1]} : vector<16xf32> to vector<1xf32>
      %squeeze3A_638 = vector.extract %slice3A_637[0] : f32 from vector<1xf32>
      %slice3A_639 = vector.extract_strided_slice %get3A_631 {offsets = [3], sizes = [1], strides = [1]} : vector<16xf32> to vector<1xf32>
      %squeeze3A_640 = vector.extract %slice3A_639[0] : f32 from vector<1xf32>
      %min3A_641 = arith.minimumf %squeeze3A_638, %squeeze3A_640 : f32
      %min3A_642 = arith.minimumf %min3A_636, %min3A_641 : f32
      %slice3A_643 = vector.extract_strided_slice %get3A_631 {offsets = [4], sizes = [1], strides = [1]} : vector<16xf32> to vector<1xf32>
      %squeeze3A_644 = vector.extract %slice3A_643[0] : f32 from vector<1xf32>
      %slice3A_645 = vector.extract_strided_slice %get3A_631 {offsets = [5], sizes = [1], strides = [1]} : vector<16xf32> to vector<1xf32>
      %squeeze3A_646 = vector.extract %slice3A_645[0] : f32 from vector<1xf32>
      %min3A_647 = arith.minimumf %squeeze3A_644, %squeeze3A_646 : f32
      %slice3A_648 = vector.extract_strided_slice %get3A_631 {offsets = [6], sizes = [1], strides = [1]} : vector<16xf32> to vector<1xf32>
      %squeeze3A_649 = vector.extract %slice3A_648[0] : f32 from vector<1xf32>
      %slice3A_650 = vector.extract_strided_slice %get3A_631 {offsets = [7], sizes = [1], strides = [1]} : vector<16xf32> to vector<1xf32>
      %squeeze3A_651 = vector.extract %slice3A_650[0] : f32 from vector<1xf32>
      %min3A_652 = arith.minimumf %squeeze3A_649, %squeeze3A_651 : f32
      %min3A_653 = arith.minimumf %min3A_647, %min3A_652 : f32
      %slice3A_654 = vector.extract_strided_slice %get3A_631 {offsets = [8], sizes = [1], strides = [1]} : vector<16xf32> to vector<1xf32>
      %squeeze3A_655 = vector.extract %slice3A_654[0] : f32 from vector<1xf32>
      %slice3A_656 = vector.extract_strided_slice %get3A_631 {offsets = [9], sizes = [1], strides = [1]} : vector<16xf32> to vector<1xf32>
      %squeeze3A_657 = vector.extract %slice3A_656[0] : f32 from vector<1xf32>
      %min3A_658 = arith.minimumf %squeeze3A_655, %squeeze3A_657 : f32
      %slice3A_659 = vector.extract_strided_slice %get3A_631 {offsets = [10], sizes = [1], strides = [1]} : vector<16xf32> to vector<1xf32>
      %squeeze3A_660 = vector.extract %slice3A_659[0] : f32 from vector<1xf32>
      %slice3A_661 = vector.extract_strided_slice %get3A_631 {offsets = [11], sizes = [1], strides = [1]} : vector<16xf32> to vector<1xf32>
      %squeeze3A_662 = vector.extract %slice3A_661[0] : f32 from vector<1xf32>
      %min3A_663 = arith.minimumf %squeeze3A_660, %squeeze3A_662 : f32
      %min3A_664 = arith.minimumf %min3A_658, %min3A_663 : f32
      %slice3A_665 = vector.extract_strided_slice %get3A_631 {offsets = [12], sizes = [1], strides = [1]} : vector<16xf32> to vector<1xf32>
      %squeeze3A_666 = vector.extract %slice3A_665[0] : f32 from vector<1xf32>
      %slice3A_667 = vector.extract_strided_slice %get3A_631 {offsets = [13], sizes = [1], strides = [1]} : vector<16xf32> to vector<1xf32>
      %squeeze3A_668 = vector.extract %slice3A_667[0] : f32 from vector<1xf32>
      %min3A_669 = arith.minimumf %squeeze3A_666, %squeeze3A_668 : f32
      %slice3A_670 = vector.extract_strided_slice %get3A_631 {offsets = [14], sizes = [1], strides = [1]} : vector<16xf32> to vector<1xf32>
      %squeeze3A_671 = vector.extract %slice3A_670[0] : f32 from vector<1xf32>
      %slice3A_672 = vector.extract_strided_slice %get3A_631 {offsets = [15], sizes = [1], strides = [1]} : vector<16xf32> to vector<1xf32>
      %squeeze3A_673 = vector.extract %slice3A_672[0] : f32 from vector<1xf32>
      %min3A_674 = arith.minimumf %squeeze3A_671, %squeeze3A_673 : f32
      %min3A_675 = arith.minimumf %min3A_669, %min3A_674 : f32
      %min3A_676 = arith.minimumf %min3A_642, %min3A_653 : f32
      %min3A_677 = arith.minimumf %min3A_664, %min3A_675 : f32
      %min3A_678 = arith.minimumf %min3A_676, %min3A_677 : f32
      %mul3A_679 = arith.constant 16 : i32
      %mul3A_680 = arith.muli %scan3A_10, %mul3A_679 : i32
      %add3A_681 = arith.constant 12 : i32
      %add3A_682 = arith.addi %mul3A_680, %add3A_681 : i32
      %mul3A_683 = arith.constant 16 : i32
      %mul3A_684 = arith.muli %add3A_682, %mul3A_683 : i32
      %get3A_685 = arith.index_cast %mul3A_684 : i32 to index
      %get3A_686 = tpu.vector_load %arg7[%get3A_685] {strides = array<i32>} : memref<16384xf32, #tpu.memory_space<vmem>>, vector<16xf32>,
      %get3A_687 = vector.shape_cast %get3A_686 : vector<16xf32> to vector<16xf32>
      %slice3A_688 = vector.extract_strided_slice %get3A_687 {offsets = [0], sizes = [1], strides = [1]} : vector<16xf32> to vector<1xf32>
      %squeeze3A_689 = vector.extract %slice3A_688[0] : f32 from vector<1xf32>
      %slice3A_690 = vector.extract_strided_slice %get3A_687 {offsets = [1], sizes = [1], strides = [1]} : vector<16xf32> to vector<1xf32>
      %squeeze3A_691 = vector.extract %slice3A_690[0] : f32 from vector<1xf32>
      %min3A_692 = arith.minimumf %squeeze3A_689, %squeeze3A_691 : f32
      %slice3A_693 = vector.extract_strided_slice %get3A_687 {offsets = [2], sizes = [1], strides = [1]} : vector<16xf32> to vector<1xf32>
      %squeeze3A_694 = vector.extract %slice3A_693[0] : f32 from vector<1xf32>
      %slice3A_695 = vector.extract_strided_slice %get3A_687 {offsets = [3], sizes = [1], strides = [1]} : vector<16xf32> to vector<1xf32>
      %squeeze3A_696 = vector.extract %slice3A_695[0] : f32 from vector<1xf32>
      %min3A_697 = arith.minimumf %squeeze3A_694, %squeeze3A_696 : f32
      %min3A_698 = arith.minimumf %min3A_692, %min3A_697 : f32
      %slice3A_699 = vector.extract_strided_slice %get3A_687 {offsets = [4], sizes = [1], strides = [1]} : vector<16xf32> to vector<1xf32>
      %squeeze3A_700 = vector.extract %slice3A_699[0] : f32 from vector<1xf32>
      %slice3A_701 = vector.extract_strided_slice %get3A_687 {offsets = [5], sizes = [1], strides = [1]} : vector<16xf32> to vector<1xf32>
      %squeeze3A_702 = vector.extract %slice3A_701[0] : f32 from vector<1xf32>
      %min3A_703 = arith.minimumf %squeeze3A_700, %squeeze3A_702 : f32
      %slice3A_704 = vector.extract_strided_slice %get3A_687 {offsets = [6], sizes = [1], strides = [1]} : vector<16xf32> to vector<1xf32>
      %squeeze3A_705 = vector.extract %slice3A_704[0] : f32 from vector<1xf32>
      %slice3A_706 = vector.extract_strided_slice %get3A_687 {offsets = [7], sizes = [1], strides = [1]} : vector<16xf32> to vector<1xf32>
      %squeeze3A_707 = vector.extract %slice3A_706[0] : f32 from vector<1xf32>
      %min3A_708 = arith.minimumf %squeeze3A_705, %squeeze3A_707 : f32
      %min3A_709 = arith.minimumf %min3A_703, %min3A_708 : f32
      %slice3A_710 = vector.extract_strided_slice %get3A_687 {offsets = [8], sizes = [1], strides = [1]} : vector<16xf32> to vector<1xf32>
      %squeeze3A_711 = vector.extract %slice3A_710[0] : f32 from vector<1xf32>
      %slice3A_712 = vector.extract_strided_slice %get3A_687 {offsets = [9], sizes = [1], strides = [1]} : vector<16xf32> to vector<1xf32>
      %squeeze3A_713 = vector.extract %slice3A_712[0] : f32 from vector<1xf32>
      %min3A_714 = arith.minimumf %squeeze3A_711, %squeeze3A_713 : f32
      %slice3A_715 = vector.extract_strided_slice %get3A_687 {offsets = [10], sizes = [1], strides = [1]} : vector<16xf32> to vector<1xf32>
      %squeeze3A_716 = vector.extract %slice3A_715[0] : f32 from vector<1xf32>
      %slice3A_717 = vector.extract_strided_slice %get3A_687 {offsets = [11], sizes = [1], strides = [1]} : vector<16xf32> to vector<1xf32>
      %squeeze3A_718 = vector.extract %slice3A_717[0] : f32 from vector<1xf32>
      %min3A_719 = arith.minimumf %squeeze3A_716, %squeeze3A_718 : f32
      %min3A_720 = arith.minimumf %min3A_714, %min3A_719 : f32
      %slice3A_721 = vector.extract_strided_slice %get3A_687 {offsets = [12], sizes = [1], strides = [1]} : vector<16xf32> to vector<1xf32>
      %squeeze3A_722 = vector.extract %slice3A_721[0] : f32 from vector<1xf32>
      %slice3A_723 = vector.extract_strided_slice %get3A_687 {offsets = [13], sizes = [1], strides = [1]} : vector<16xf32> to vector<1xf32>
      %squeeze3A_724 = vector.extract %slice3A_723[0] : f32 from vector<1xf32>
      %min3A_725 = arith.minimumf %squeeze3A_722, %squeeze3A_724 : f32
      %slice3A_726 = vector.extract_strided_slice %get3A_687 {offsets = [14], sizes = [1], strides = [1]} : vector<16xf32> to vector<1xf32>
      %squeeze3A_727 = vector.extract %slice3A_726[0] : f32 from vector<1xf32>
      %slice3A_728 = vector.extract_strided_slice %get3A_687 {offsets = [15], sizes = [1], strides = [1]} : vector<16xf32> to vector<1xf32>
      %squeeze3A_729 = vector.extract %slice3A_728[0] : f32 from vector<1xf32>
      %min3A_730 = arith.minimumf %squeeze3A_727, %squeeze3A_729 : f32
      %min3A_731 = arith.minimumf %min3A_725, %min3A_730 : f32
      %min3A_732 = arith.minimumf %min3A_698, %min3A_709 : f32
      %min3A_733 = arith.minimumf %min3A_720, %min3A_731 : f32
      %min3A_734 = arith.minimumf %min3A_732, %min3A_733 : f32
      %mul3A_735 = arith.constant 16 : i32
      %mul3A_736 = arith.muli %scan3A_10, %mul3A_735 : i32
      %add3A_737 = arith.constant 13 : i32
      %add3A_738 = arith.addi %mul3A_736, %add3A_737 : i32
      %mul3A_739 = arith.constant 16 : i32
      %mul3A_740 = arith.muli %add3A_738, %mul3A_739 : i32
      %get3A_741 = arith.index_cast %mul3A_740 : i32 to index
      %get3A_742 = tpu.vector_load %arg7[%get3A_741] {strides = array<i32>} : memref<16384xf32, #tpu.memory_space<vmem>>, vector<16xf32>,
      %get3A_743 = vector.shape_cast %get3A_742 : vector<16xf32> to vector<16xf32>
      %slice3A_744 = vector.extract_strided_slice %get3A_743 {offsets = [0], sizes = [1], strides = [1]} : vector<16xf32> to vector<1xf32>
      %squeeze3A_745 = vector.extract %slice3A_744[0] : f32 from vector<1xf32>
      %slice3A_746 = vector.extract_strided_slice %get3A_743 {offsets = [1], sizes = [1], strides = [1]} : vector<16xf32> to vector<1xf32>
      %squeeze3A_747 = vector.extract %slice3A_746[0] : f32 from vector<1xf32>
      %min3A_748 = arith.minimumf %squeeze3A_745, %squeeze3A_747 : f32
      %slice3A_749 = vector.extract_strided_slice %get3A_743 {offsets = [2], sizes = [1], strides = [1]} : vector<16xf32> to vector<1xf32>
      %squeeze3A_750 = vector.extract %slice3A_749[0] : f32 from vector<1xf32>
      %slice3A_751 = vector.extract_strided_slice %get3A_743 {offsets = [3], sizes = [1], strides = [1]} : vector<16xf32> to vector<1xf32>
      %squeeze3A_752 = vector.extract %slice3A_751[0] : f32 from vector<1xf32>
      %min3A_753 = arith.minimumf %squeeze3A_750, %squeeze3A_752 : f32
      %min3A_754 = arith.minimumf %min3A_748, %min3A_753 : f32
      %slice3A_755 = vector.extract_strided_slice %get3A_743 {offsets = [4], sizes = [1], strides = [1]} : vector<16xf32> to vector<1xf32>
      %squeeze3A_756 = vector.extract %slice3A_755[0] : f32 from vector<1xf32>
      %slice3A_757 = vector.extract_strided_slice %get3A_743 {offsets = [5], sizes = [1], strides = [1]} : vector<16xf32> to vector<1xf32>
      %squeeze3A_758 = vector.extract %slice3A_757[0] : f32 from vector<1xf32>
      %min3A_759 = arith.minimumf %squeeze3A_756, %squeeze3A_758 : f32
      %slice3A_760 = vector.extract_strided_slice %get3A_743 {offsets = [6], sizes = [1], strides = [1]} : vector<16xf32> to vector<1xf32>
      %squeeze3A_761 = vector.extract %slice3A_760[0] : f32 from vector<1xf32>
      %slice3A_762 = vector.extract_strided_slice %get3A_743 {offsets = [7], sizes = [1], strides = [1]} : vector<16xf32> to vector<1xf32>
      %squeeze3A_763 = vector.extract %slice3A_762[0] : f32 from vector<1xf32>
      %min3A_764 = arith.minimumf %squeeze3A_761, %squeeze3A_763 : f32
      %min3A_765 = arith.minimumf %min3A_759, %min3A_764 : f32
      %slice3A_766 = vector.extract_strided_slice %get3A_743 {offsets = [8], sizes = [1], strides = [1]} : vector<16xf32> to vector<1xf32>
      %squeeze3A_767 = vector.extract %slice3A_766[0] : f32 from vector<1xf32>
      %slice3A_768 = vector.extract_strided_slice %get3A_743 {offsets = [9], sizes = [1], strides = [1]} : vector<16xf32> to vector<1xf32>
      %squeeze3A_769 = vector.extract %slice3A_768[0] : f32 from vector<1xf32>
      %min3A_770 = arith.minimumf %squeeze3A_767, %squeeze3A_769 : f32
      %slice3A_771 = vector.extract_strided_slice %get3A_743 {offsets = [10], sizes = [1], strides = [1]} : vector<16xf32> to vector<1xf32>
      %squeeze3A_772 = vector.extract %slice3A_771[0] : f32 from vector<1xf32>
      %slice3A_773 = vector.extract_strided_slice %get3A_743 {offsets = [11], sizes = [1], strides = [1]} : vector<16xf32> to vector<1xf32>
      %squeeze3A_774 = vector.extract %slice3A_773[0] : f32 from vector<1xf32>
      %min3A_775 = arith.minimumf %squeeze3A_772, %squeeze3A_774 : f32
      %min3A_776 = arith.minimumf %min3A_770, %min3A_775 : f32
      %slice3A_777 = vector.extract_strided_slice %get3A_743 {offsets = [12], sizes = [1], strides = [1]} : vector<16xf32> to vector<1xf32>
      %squeeze3A_778 = vector.extract %slice3A_777[0] : f32 from vector<1xf32>
      %slice3A_779 = vector.extract_strided_slice %get3A_743 {offsets = [13], sizes = [1], strides = [1]} : vector<16xf32> to vector<1xf32>
      %squeeze3A_780 = vector.extract %slice3A_779[0] : f32 from vector<1xf32>
      %min3A_781 = arith.minimumf %squeeze3A_778, %squeeze3A_780 : f32
      %slice3A_782 = vector.extract_strided_slice %get3A_743 {offsets = [14], sizes = [1], strides = [1]} : vector<16xf32> to vector<1xf32>
      %squeeze3A_783 = vector.extract %slice3A_782[0] : f32 from vector<1xf32>
      %slice3A_784 = vector.extract_strided_slice %get3A_743 {offsets = [15], sizes = [1], strides = [1]} : vector<16xf32> to vector<1xf32>
      %squeeze3A_785 = vector.extract %slice3A_784[0] : f32 from vector<1xf32>
      %min3A_786 = arith.minimumf %squeeze3A_783, %squeeze3A_785 : f32
      %min3A_787 = arith.minimumf %min3A_781, %min3A_786 : f32
      %min3A_788 = arith.minimumf %min3A_754, %min3A_765 : f32
      %min3A_789 = arith.minimumf %min3A_776, %min3A_787 : f32
      %min3A_790 = arith.minimumf %min3A_788, %min3A_789 : f32
      %mul3A_791 = arith.constant 16 : i32
      %mul3A_792 = arith.muli %scan3A_10, %mul3A_791 : i32
      %add3A_793 = arith.constant 14 : i32
      %add3A_794 = arith.addi %mul3A_792, %add3A_793 : i32
      %mul3A_795 = arith.constant 16 : i32
      %mul3A_796 = arith.muli %add3A_794, %mul3A_795 : i32
      %get3A_797 = arith.index_cast %mul3A_796 : i32 to index
      %get3A_798 = tpu.vector_load %arg7[%get3A_797] {strides = array<i32>} : memref<16384xf32, #tpu.memory_space<vmem>>, vector<16xf32>,
      %get3A_799 = vector.shape_cast %get3A_798 : vector<16xf32> to vector<16xf32>
      %slice3A_800 = vector.extract_strided_slice %get3A_799 {offsets = [0], sizes = [1], strides = [1]} : vector<16xf32> to vector<1xf32>
      %squeeze3A_801 = vector.extract %slice3A_800[0] : f32 from vector<1xf32>
      %slice3A_802 = vector.extract_strided_slice %get3A_799 {offsets = [1], sizes = [1], strides = [1]} : vector<16xf32> to vector<1xf32>
      %squeeze3A_803 = vector.extract %slice3A_802[0] : f32 from vector<1xf32>
      %min3A_804 = arith.minimumf %squeeze3A_801, %squeeze3A_803 : f32
      %slice3A_805 = vector.extract_strided_slice %get3A_799 {offsets = [2], sizes = [1], strides = [1]} : vector<16xf32> to vector<1xf32>
      %squeeze3A_806 = vector.extract %slice3A_805[0] : f32 from vector<1xf32>
      %slice3A_807 = vector.extract_strided_slice %get3A_799 {offsets = [3], sizes = [1], strides = [1]} : vector<16xf32> to vector<1xf32>
      %squeeze3A_808 = vector.extract %slice3A_807[0] : f32 from vector<1xf32>
      %min3A_809 = arith.minimumf %squeeze3A_806, %squeeze3A_808 : f32
      %min3A_810 = arith.minimumf %min3A_804, %min3A_809 : f32
      %slice3A_811 = vector.extract_strided_slice %get3A_799 {offsets = [4], sizes = [1], strides = [1]} : vector<16xf32> to vector<1xf32>
      %squeeze3A_812 = vector.extract %slice3A_811[0] : f32 from vector<1xf32>
      %slice3A_813 = vector.extract_strided_slice %get3A_799 {offsets = [5], sizes = [1], strides = [1]} : vector<16xf32> to vector<1xf32>
      %squeeze3A_814 = vector.extract %slice3A_813[0] : f32 from vector<1xf32>
      %min3A_815 = arith.minimumf %squeeze3A_812, %squeeze3A_814 : f32
      %slice3A_816 = vector.extract_strided_slice %get3A_799 {offsets = [6], sizes = [1], strides = [1]} : vector<16xf32> to vector<1xf32>
      %squeeze3A_817 = vector.extract %slice3A_816[0] : f32 from vector<1xf32>
      %slice3A_818 = vector.extract_strided_slice %get3A_799 {offsets = [7], sizes = [1], strides = [1]} : vector<16xf32> to vector<1xf32>
      %squeeze3A_819 = vector.extract %slice3A_818[0] : f32 from vector<1xf32>
      %min3A_820 = arith.minimumf %squeeze3A_817, %squeeze3A_819 : f32
      %min3A_821 = arith.minimumf %min3A_815, %min3A_820 : f32
      %slice3A_822 = vector.extract_strided_slice %get3A_799 {offsets = [8], sizes = [1], strides = [1]} : vector<16xf32> to vector<1xf32>
      %squeeze3A_823 = vector.extract %slice3A_822[0] : f32 from vector<1xf32>
      %slice3A_824 = vector.extract_strided_slice %get3A_799 {offsets = [9], sizes = [1], strides = [1]} : vector<16xf32> to vector<1xf32>
      %squeeze3A_825 = vector.extract %slice3A_824[0] : f32 from vector<1xf32>
      %min3A_826 = arith.minimumf %squeeze3A_823, %squeeze3A_825 : f32
      %slice3A_827 = vector.extract_strided_slice %get3A_799 {offsets = [10], sizes = [1], strides = [1]} : vector<16xf32> to vector<1xf32>
      %squeeze3A_828 = vector.extract %slice3A_827[0] : f32 from vector<1xf32>
      %slice3A_829 = vector.extract_strided_slice %get3A_799 {offsets = [11], sizes = [1], strides = [1]} : vector<16xf32> to vector<1xf32>
      %squeeze3A_830 = vector.extract %slice3A_829[0] : f32 from vector<1xf32>
      %min3A_831 = arith.minimumf %squeeze3A_828, %squeeze3A_830 : f32
      %min3A_832 = arith.minimumf %min3A_826, %min3A_831 : f32
      %slice3A_833 = vector.extract_strided_slice %get3A_799 {offsets = [12], sizes = [1], strides = [1]} : vector<16xf32> to vector<1xf32>
      %squeeze3A_834 = vector.extract %slice3A_833[0] : f32 from vector<1xf32>
      %slice3A_835 = vector.extract_strided_slice %get3A_799 {offsets = [13], sizes = [1], strides = [1]} : vector<16xf32> to vector<1xf32>
      %squeeze3A_836 = vector.extract %slice3A_835[0] : f32 from vector<1xf32>
      %min3A_837 = arith.minimumf %squeeze3A_834, %squeeze3A_836 : f32
      %slice3A_838 = vector.extract_strided_slice %get3A_799 {offsets = [14], sizes = [1], strides = [1]} : vector<16xf32> to vector<1xf32>
      %squeeze3A_839 = vector.extract %slice3A_838[0] : f32 from vector<1xf32>
      %slice3A_840 = vector.extract_strided_slice %get3A_799 {offsets = [15], sizes = [1], strides = [1]} : vector<16xf32> to vector<1xf32>
      %squeeze3A_841 = vector.extract %slice3A_840[0] : f32 from vector<1xf32>
      %min3A_842 = arith.minimumf %squeeze3A_839, %squeeze3A_841 : f32
      %min3A_843 = arith.minimumf %min3A_837, %min3A_842 : f32
      %min3A_844 = arith.minimumf %min3A_810, %min3A_821 : f32
      %min3A_845 = arith.minimumf %min3A_832, %min3A_843 : f32
      %min3A_846 = arith.minimumf %min3A_844, %min3A_845 : f32
      %mul3A_847 = arith.constant 16 : i32
      %mul3A_848 = arith.muli %scan3A_10, %mul3A_847 : i32
      %add3A_849 = arith.constant 15 : i32
      %add3A_850 = arith.addi %mul3A_848, %add3A_849 : i32
      %mul3A_851 = arith.constant 16 : i32
      %mul3A_852 = arith.muli %add3A_850, %mul3A_851 : i32
      %get3A_853 = arith.index_cast %mul3A_852 : i32 to index
      %get3A_854 = tpu.vector_load %arg7[%get3A_853] {strides = array<i32>} : memref<16384xf32, #tpu.memory_space<vmem>>, vector<16xf32>,
      %get3A_855 = vector.shape_cast %get3A_854 : vector<16xf32> to vector<16xf32>
      %slice3A_856 = vector.extract_strided_slice %get3A_855 {offsets = [0], sizes = [1], strides = [1]} : vector<16xf32> to vector<1xf32>
      %squeeze3A_857 = vector.extract %slice3A_856[0] : f32 from vector<1xf32>
      %slice3A_858 = vector.extract_strided_slice %get3A_855 {offsets = [1], sizes = [1], strides = [1]} : vector<16xf32> to vector<1xf32>
      %squeeze3A_859 = vector.extract %slice3A_858[0] : f32 from vector<1xf32>
      %min3A_860 = arith.minimumf %squeeze3A_857, %squeeze3A_859 : f32
      %slice3A_861 = vector.extract_strided_slice %get3A_855 {offsets = [2], sizes = [1], strides = [1]} : vector<16xf32> to vector<1xf32>
      %squeeze3A_862 = vector.extract %slice3A_861[0] : f32 from vector<1xf32>
      %slice3A_863 = vector.extract_strided_slice %get3A_855 {offsets = [3], sizes = [1], strides = [1]} : vector<16xf32> to vector<1xf32>
      %squeeze3A_864 = vector.extract %slice3A_863[0] : f32 from vector<1xf32>
      %min3A_865 = arith.minimumf %squeeze3A_862, %squeeze3A_864 : f32
      %min3A_866 = arith.minimumf %min3A_860, %min3A_865 : f32
      %slice3A_867 = vector.extract_strided_slice %get3A_855 {offsets = [4], sizes = [1], strides = [1]} : vector<16xf32> to vector<1xf32>
      %squeeze3A_868 = vector.extract %slice3A_867[0] : f32 from vector<1xf32>
      %slice3A_869 = vector.extract_strided_slice %get3A_855 {offsets = [5], sizes = [1], strides = [1]} : vector<16xf32> to vector<1xf32>
      %squeeze3A_870 = vector.extract %slice3A_869[0] : f32 from vector<1xf32>
      %min3A_871 = arith.minimumf %squeeze3A_868, %squeeze3A_870 : f32
      %slice3A_872 = vector.extract_strided_slice %get3A_855 {offsets = [6], sizes = [1], strides = [1]} : vector<16xf32> to vector<1xf32>
      %squeeze3A_873 = vector.extract %slice3A_872[0] : f32 from vector<1xf32>
      %slice3A_874 = vector.extract_strided_slice %get3A_855 {offsets = [7], sizes = [1], strides = [1]} : vector<16xf32> to vector<1xf32>
      %squeeze3A_875 = vector.extract %slice3A_874[0] : f32 from vector<1xf32>
      %min3A_876 = arith.minimumf %squeeze3A_873, %squeeze3A_875 : f32
      %min3A_877 = arith.minimumf %min3A_871, %min3A_876 : f32
      %slice3A_878 = vector.extract_strided_slice %get3A_855 {offsets = [8], sizes = [1], strides = [1]} : vector<16xf32> to vector<1xf32>
      %squeeze3A_879 = vector.extract %slice3A_878[0] : f32 from vector<1xf32>
      %slice3A_880 = vector.extract_strided_slice %get3A_855 {offsets = [9], sizes = [1], strides = [1]} : vector<16xf32> to vector<1xf32>
      %squeeze3A_881 = vector.extract %slice3A_880[0] : f32 from vector<1xf32>
      %min3A_882 = arith.minimumf %squeeze3A_879, %squeeze3A_881 : f32
      %slice3A_883 = vector.extract_strided_slice %get3A_855 {offsets = [10], sizes = [1], strides = [1]} : vector<16xf32> to vector<1xf32>
      %squeeze3A_884 = vector.extract %slice3A_883[0] : f32 from vector<1xf32>
      %slice3A_885 = vector.extract_strided_slice %get3A_855 {offsets = [11], sizes = [1], strides = [1]} : vector<16xf32> to vector<1xf32>
      %squeeze3A_886 = vector.extract %slice3A_885[0] : f32 from vector<1xf32>
      %min3A_887 = arith.minimumf %squeeze3A_884, %squeeze3A_886 : f32
      %min3A_888 = arith.minimumf %min3A_882, %min3A_887 : f32
      %slice3A_889 = vector.extract_strided_slice %get3A_855 {offsets = [12], sizes = [1], strides = [1]} : vector<16xf32> to vector<1xf32>
      %squeeze3A_890 = vector.extract %slice3A_889[0] : f32 from vector<1xf32>
      %slice3A_891 = vector.extract_strided_slice %get3A_855 {offsets = [13], sizes = [1], strides = [1]} : vector<16xf32> to vector<1xf32>
      %squeeze3A_892 = vector.extract %slice3A_891[0] : f32 from vector<1xf32>
      %min3A_893 = arith.minimumf %squeeze3A_890, %squeeze3A_892 : f32
      %slice3A_894 = vector.extract_strided_slice %get3A_855 {offsets = [14], sizes = [1], strides = [1]} : vector<16xf32> to vector<1xf32>
      %squeeze3A_895 = vector.extract %slice3A_894[0] : f32 from vector<1xf32>
      %slice3A_896 = vector.extract_strided_slice %get3A_855 {offsets = [15], sizes = [1], strides = [1]} : vector<16xf32> to vector<1xf32>
      %squeeze3A_897 = vector.extract %slice3A_896[0] : f32 from vector<1xf32>
      %min3A_898 = arith.minimumf %squeeze3A_895, %squeeze3A_897 : f32
      %min3A_899 = arith.minimumf %min3A_893, %min3A_898 : f32
      %min3A_900 = arith.minimumf %min3A_866, %min3A_877 : f32
      %min3A_901 = arith.minimumf %min3A_888, %min3A_899 : f32
      %min3A_902 = arith.minimumf %min3A_900, %min3A_901 : f32
      %iota3A = tpu.iota {dimensions = array<i32: 0>} : vector<16xi32>
      %broadcast_in_dim3A = vector.broadcast %min3A_62 : f32 to vector<16xf32>
      %eq3A = arith.constant 1 : i32
      %eq3A_903 = vector.broadcast %eq3A : i32 to vector<16xi32>
      %eq3A_904 = arith.cmpi eq, %iota3A, %eq3A_903 : vector<16xi32>
      %broadcast_in_dim3A_905 = vector.broadcast %min3A_118 : f32 to vector<16xf32>
      %select_n3A = arith.select %eq3A_904, %broadcast_in_dim3A_905, %broadcast_in_dim3A : vector<16xi1>, vector<16xf32>
      %eq3A_906 = arith.constant 2 : i32
      %eq3A_907 = vector.broadcast %eq3A_906 : i32 to vector<16xi32>
      %eq3A_908 = arith.cmpi eq, %iota3A, %eq3A_907 : vector<16xi32>
      %broadcast_in_dim3A_909 = vector.broadcast %min3A_174 : f32 to vector<16xf32>
      %select_n3A_910 = arith.select %eq3A_908, %broadcast_in_dim3A_909, %select_n3A : vector<16xi1>, vector<16xf32>
      %eq3A_911 = arith.constant 3 : i32
      %eq3A_912 = vector.broadcast %eq3A_911 : i32 to vector<16xi32>
      %eq3A_913 = arith.cmpi eq, %iota3A, %eq3A_912 : vector<16xi32>
      %broadcast_in_dim3A_914 = vector.broadcast %min3A_230 : f32 to vector<16xf32>
      %select_n3A_915 = arith.select %eq3A_913, %broadcast_in_dim3A_914, %select_n3A_910 : vector<16xi1>, vector<16xf32>
      %eq3A_916 = arith.constant 4 : i32
      %eq3A_917 = vector.broadcast %eq3A_916 : i32 to vector<16xi32>
      %eq3A_918 = arith.cmpi eq, %iota3A, %eq3A_917 : vector<16xi32>
      %broadcast_in_dim3A_919 = vector.broadcast %min3A_286 : f32 to vector<16xf32>
      %select_n3A_920 = arith.select %eq3A_918, %broadcast_in_dim3A_919, %select_n3A_915 : vector<16xi1>, vector<16xf32>
      %eq3A_921 = arith.constant 5 : i32
      %eq3A_922 = vector.broadcast %eq3A_921 : i32 to vector<16xi32>
      %eq3A_923 = arith.cmpi eq, %iota3A, %eq3A_922 : vector<16xi32>
      %broadcast_in_dim3A_924 = vector.broadcast %min3A_342 : f32 to vector<16xf32>
      %select_n3A_925 = arith.select %eq3A_923, %broadcast_in_dim3A_924, %select_n3A_920 : vector<16xi1>, vector<16xf32>
      %eq3A_926 = arith.constant 6 : i32
      %eq3A_927 = vector.broadcast %eq3A_926 : i32 to vector<16xi32>
      %eq3A_928 = arith.cmpi eq, %iota3A, %eq3A_927 : vector<16xi32>
      %broadcast_in_dim3A_929 = vector.broadcast %min3A_398 : f32 to vector<16xf32>
      %select_n3A_930 = arith.select %eq3A_928, %broadcast_in_dim3A_929, %select_n3A_925 : vector<16xi1>, vector<16xf32>
      %eq3A_931 = arith.constant 7 : i32
      %eq3A_932 = vector.broadcast %eq3A_931 : i32 to vector<16xi32>
      %eq3A_933 = arith.cmpi eq, %iota3A, %eq3A_932 : vector<16xi32>
      %broadcast_in_dim3A_934 = vector.broadcast %min3A_454 : f32 to vector<16xf32>
      %select_n3A_935 = arith.select %eq3A_933, %broadcast_in_dim3A_934, %select_n3A_930 : vector<16xi1>, vector<16xf32>
      %eq3A_936 = arith.constant 8 : i32
      %eq3A_937 = vector.broadcast %eq3A_936 : i32 to vector<16xi32>
      %eq3A_938 = arith.cmpi eq, %iota3A, %eq3A_937 : vector<16xi32>
      %broadcast_in_dim3A_939 = vector.broadcast %min3A_510 : f32 to vector<16xf32>
      %select_n3A_940 = arith.select %eq3A_938, %broadcast_in_dim3A_939, %select_n3A_935 : vector<16xi1>, vector<16xf32>
      %eq3A_941 = arith.constant 9 : i32
      %eq3A_942 = vector.broadcast %eq3A_941 : i32 to vector<16xi32>
      %eq3A_943 = arith.cmpi eq, %iota3A, %eq3A_942 : vector<16xi32>
      %broadcast_in_dim3A_944 = vector.broadcast %min3A_566 : f32 to vector<16xf32>
      %select_n3A_945 = arith.select %eq3A_943, %broadcast_in_dim3A_944, %select_n3A_940 : vector<16xi1>, vector<16xf32>
      %eq3A_946 = arith.constant 10 : i32
      %eq3A_947 = vector.broadcast %eq3A_946 : i32 to vector<16xi32>
      %eq3A_948 = arith.cmpi eq, %iota3A, %eq3A_947 : vector<16xi32>
      %broadcast_in_dim3A_949 = vector.broadcast %min3A_622 : f32 to vector<16xf32>
      %select_n3A_950 = arith.select %eq3A_948, %broadcast_in_dim3A_949, %select_n3A_945 : vector<16xi1>, vector<16xf32>
      %eq3A_951 = arith.constant 11 : i32
      %eq3A_952 = vector.broadcast %eq3A_951 : i32 to vector<16xi32>
      %eq3A_953 = arith.cmpi eq, %iota3A, %eq3A_952 : vector<16xi32>
      %broadcast_in_dim3A_954 = vector.broadcast %min3A_678 : f32 to vector<16xf32>
      %select_n3A_955 = arith.select %eq3A_953, %broadcast_in_dim3A_954, %select_n3A_950 : vector<16xi1>, vector<16xf32>
      %eq3A_956 = arith.constant 12 : i32
      %eq3A_957 = vector.broadcast %eq3A_956 : i32 to vector<16xi32>
      %eq3A_958 = arith.cmpi eq, %iota3A, %eq3A_957 : vector<16xi32>
      %broadcast_in_dim3A_959 = vector.broadcast %min3A_734 : f32 to vector<16xf32>
      %select_n3A_960 = arith.select %eq3A_958, %broadcast_in_dim3A_959, %select_n3A_955 : vector<16xi1>, vector<16xf32>
      %eq3A_961 = arith.constant 13 : i32
      %eq3A_962 = vector.broadcast %eq3A_961 : i32 to vector<16xi32>
      %eq3A_963 = arith.cmpi eq, %iota3A, %eq3A_962 : vector<16xi32>
      %broadcast_in_dim3A_964 = vector.broadcast %min3A_790 : f32 to vector<16xf32>
      %select_n3A_965 = arith.select %eq3A_963, %broadcast_in_dim3A_964, %select_n3A_960 : vector<16xi1>, vector<16xf32>
      %eq3A_966 = arith.constant 14 : i32
      %eq3A_967 = vector.broadcast %eq3A_966 : i32 to vector<16xi32>
      %eq3A_968 = arith.cmpi eq, %iota3A, %eq3A_967 : vector<16xi32>
      %broadcast_in_dim3A_969 = vector.broadcast %min3A_846 : f32 to vector<16xf32>
      %select_n3A_970 = arith.select %eq3A_968, %broadcast_in_dim3A_969, %select_n3A_965 : vector<16xi1>, vector<16xf32>
      %eq3A_971 = arith.constant 15 : i32
      %eq3A_972 = vector.broadcast %eq3A_971 : i32 to vector<16xi32>
      %eq3A_973 = arith.cmpi eq, %iota3A, %eq3A_972 : vector<16xi32>
      %broadcast_in_dim3A_974 = vector.broadcast %min3A_902 : f32 to vector<16xf32>
      %select_n3A_975 = arith.select %eq3A_973, %broadcast_in_dim3A_974, %select_n3A_970 : vector<16xi1>, vector<16xf32>
      %mul3A_976 = arith.constant 16 : i32
      %mul3A_977 = arith.muli %scan3A_10, %mul3A_976 : i32
      %swap3A = arith.index_cast %mul3A_977 : i32 to index
      %swap3A_978 = tpu.vector_load %arg8[%swap3A] {strides = array<i32>} : memref<1024xf32, #tpu.memory_space<vmem>>, vector<16xf32>,
      %swap3A_979 = vector.shape_cast %swap3A_978 : vector<16xf32> to vector<16xf32>
      %swap3A_980 = vector.shape_cast %select_n3A_975 : vector<16xf32> to vector<16xf32>
      tpu.vector_store %arg8[%swap3A], %swap3A_980 {strides = array<i32>} : memref<1024xf32, #tpu.memory_space<vmem>>, vector<16xf32>,
    }
    %scan3A_9 = arith.constant 64 : i32
    "tpu.region"() ({
      %run_scoped3A = tpu.sem_alloc : memref<!tpu.dma_semaphore, #tpu.memory_space<semaphore_mem>>
      %dma_start3A = arith.constant 0 : i32
      %dma_start3A_10 = tpu.memref_slice %arg4[%add3A, %dma_start3A] : memref<32x1024xf32, #tpu.memory_space<hbm>> -> memref<1x1024xf32, #tpu.memory_space<hbm>>
      %dma_start3A_11 = tpu.memref_squeeze %dma_start3A_10 : memref<1x1024xf32, #tpu.memory_space<hbm>> -> memref<1024xf32, #tpu.memory_space<hbm>>
      %dma_start3A_12 = arith.constant 0 : i32
      %dma_start3A_13 = tpu.memref_slice %arg4[%add3A, %dma_start3A_12] : memref<32x1024xf32, #tpu.memory_space<hbm>> -> memref<1x1024xf32, #tpu.memory_space<hbm>>
      %dma_start3A_14 = tpu.memref_squeeze %dma_start3A_13 : memref<1x1024xf32, #tpu.memory_space<hbm>> -> memref<1024xf32, #tpu.memory_space<hbm>>
      tpu.enqueue_dma source(%arg8 : memref<1024xf32, #tpu.memory_space<vmem>>) target(%dma_start3A_14 : memref<1024xf32, #tpu.memory_space<hbm>>) target_semaphore(%run_scoped3A : memref<!tpu.dma_semaphore, #tpu.memory_space<semaphore_mem>>)
      %dma_wait3A = arith.constant 0 : i32
      %dma_wait3A_15 = tpu.memref_slice %arg4[%add3A, %dma_wait3A] : memref<32x1024xf32, #tpu.memory_space<hbm>> -> memref<1x1024xf32, #tpu.memory_space<hbm>>
      %dma_wait3A_16 = tpu.memref_squeeze %dma_wait3A_15 : memref<1x1024xf32, #tpu.memory_space<hbm>> -> memref<1024xf32, #tpu.memory_space<hbm>>
      %dma_wait3A_17 = arith.constant 0 : i32
      %dma_wait3A_18 = tpu.memref_slice %arg4[%add3A, %dma_wait3A_17] : memref<32x1024xf32, #tpu.memory_space<hbm>> -> memref<1x1024xf32, #tpu.memory_space<hbm>>
      %dma_wait3A_19 = tpu.memref_squeeze %dma_wait3A_18 : memref<1x1024xf32, #tpu.memory_space<hbm>> -> memref<1024xf32, #tpu.memory_space<hbm>>
      tpu.wait_dma2 semaphore(%run_scoped3A : memref<!tpu.dma_semaphore, #tpu.memory_space<semaphore_mem>>) src(%arg8 : memref<1024xf32, #tpu.memory_space<vmem>>) dst(%dma_wait3A_19 : memref<1024xf32, #tpu.memory_space<hbm>>)
      tpu.yield
    }) : () -> ()
    return
  }
}

#map = affine_map<(d0, d1) -> (0, 0)>
#map1 = affine_map<(d0, d1) -> (0)>
module attributes {stable_mosaic.version = 14 : i64} {
  func.func @_sc_stage2(%arg0: i32, %arg1: i32, %arg2: memref<32x1024xf32, #tpu.memory_space<hbm>>, %arg3: memref<1024xf32, #tpu.memory_space<hbm>>, %arg4: memref<16x1024xf32, #tpu.memory_space<hbm>>, %arg5: memref<16xf32, #tpu.memory_space<hbm>>, %arg6: memref<32x1024xf32, #tpu.memory_space<vmem>>, %arg7: memref<1024xf32, #tpu.memory_space<vmem>>, %arg8: memref<16x1024xf32, #tpu.memory_space<vmem>>, %arg9: memref<16xf32, #tpu.memory_space<vmem>>) attributes {dimension_semantics = [#tpu.dimension_semantics<core_parallel>, #tpu.dimension_semantics<subcore_parallel>], iteration_bounds = array<i64: 2, 16>, scalar_prefetch = 0 : i64, scratch_operands = 4 : i64, tpu.core_type = #tpu.core_type<sc_vector_subcore>, window_params = [{transform_indices = #map}, {transform_indices = #map1}, {transform_indices = #map}, {transform_indices = #map1}]} {
    %eq3A = arith.constant 0 : i32
    %eq3A_0 = arith.cmpi eq, %arg0, %eq3A : i32
    %eq3A_1 = arith.constant 0 : i32
    %eq3A_2 = arith.cmpi eq, %arg1, %eq3A_1 : i32
    %and3A = arith.andi %eq3A_0, %eq3A_2 : i1
    %convert_element_type3A = arith.extui %and3A : i1 to i32
    %cond3A = arith.constant 0 : i32
    %cond3A_3 = arith.cmpi ne, %convert_element_type3A, %cond3A : i32
    scf.if %cond3A_3 {
      "tpu.region"() ({
        %run_scoped3A = tpu.sem_alloc : memref<!tpu.dma_semaphore, #tpu.memory_space<semaphore_mem>>
        tpu.enqueue_dma source(%arg2 : memref<32x1024xf32, #tpu.memory_space<hbm>>) target(%arg6 : memref<32x1024xf32, #tpu.memory_space<vmem>>) target_semaphore(%run_scoped3A : memref<!tpu.dma_semaphore, #tpu.memory_space<semaphore_mem>>)
        tpu.wait_dma2 semaphore(%run_scoped3A : memref<!tpu.dma_semaphore, #tpu.memory_space<semaphore_mem>>) src(%arg2 : memref<32x1024xf32, #tpu.memory_space<hbm>>) dst(%arg6 : memref<32x1024xf32, #tpu.memory_space<vmem>>)
        tpu.yield
      }) : () -> ()
      "tpu.region"() ({
        %run_scoped3A = tpu.sem_alloc : memref<!tpu.dma_semaphore, #tpu.memory_space<semaphore_mem>>
        tpu.enqueue_dma source(%arg3 : memref<1024xf32, #tpu.memory_space<hbm>>) target(%arg7 : memref<1024xf32, #tpu.memory_space<vmem>>) target_semaphore(%run_scoped3A : memref<!tpu.dma_semaphore, #tpu.memory_space<semaphore_mem>>)
        tpu.wait_dma2 semaphore(%run_scoped3A : memref<!tpu.dma_semaphore, #tpu.memory_space<semaphore_mem>>) src(%arg3 : memref<1024xf32, #tpu.memory_space<hbm>>) dst(%arg7 : memref<1024xf32, #tpu.memory_space<vmem>>)
        tpu.yield
      }) : () -> ()
      "tpu.region"() ({
        %run_scoped3A = tpu.sem_alloc : memref<!tpu.dma_semaphore, #tpu.memory_space<semaphore_mem>>
        tpu.enqueue_dma source(%arg4 : memref<16x1024xf32, #tpu.memory_space<hbm>>) target(%arg8 : memref<16x1024xf32, #tpu.memory_space<vmem>>) target_semaphore(%run_scoped3A : memref<!tpu.dma_semaphore, #tpu.memory_space<semaphore_mem>>)
        tpu.wait_dma2 semaphore(%run_scoped3A : memref<!tpu.dma_semaphore, #tpu.memory_space<semaphore_mem>>) src(%arg4 : memref<16x1024xf32, #tpu.memory_space<hbm>>) dst(%arg8 : memref<16x1024xf32, #tpu.memory_space<vmem>>)
        tpu.yield
      }) : () -> ()
      %broadcast_in_dim3A = arith.constant 0.000000e+00 : f32
      %broadcast_in_dim3A_4 = vector.broadcast %broadcast_in_dim3A : f32 to vector<16xf32>
      %scan3A = arith.constant 0 : i32
      %scan3A_5 = arith.constant 64 : i32
      %scan3A_6 = arith.addi %scan3A, %scan3A_5 : i32
      %scan3A_7 = arith.constant 1 : i32
      %scan3A_8 = scf.for %scan3A_59 = %scan3A to %scan3A_6 step %scan3A_7 iter_args(%scan3A_60 = %broadcast_in_dim3A_4) -> (vector<16xf32>)  : i32 {
        %mul3A_61 = arith.constant 16 : i32
        %mul3A_62 = arith.muli %scan3A_59, %mul3A_61 : i32
        %get3A = arith.constant 0 : i32
        %get3A_63 = arith.index_cast %get3A : i32 to index
        %get3A_64 = arith.index_cast %mul3A_62 : i32 to index
        %get3A_65 = tpu.vector_load %arg6[%get3A_63, %get3A_64] {strides = array<i32>} : memref<32x1024xf32, #tpu.memory_space<vmem>>, vector<1x16xf32>,
        %get3A_66 = vector.shape_cast %get3A_65 : vector<1x16xf32> to vector<16xf32>
        %get3A_67 = arith.index_cast %mul3A_62 : i32 to index
        %get3A_68 = tpu.vector_load %arg7[%get3A_67] {strides = array<i32>} : memref<1024xf32, #tpu.memory_space<vmem>>, vector<16xf32>,
        %get3A_69 = vector.shape_cast %get3A_68 : vector<16xf32> to vector<16xf32>
        %min3A = arith.minimumf %get3A_66, %get3A_69 : vector<16xf32>
        %get3A_70 = arith.constant 1 : i32
        %get3A_71 = arith.index_cast %get3A_70 : i32 to index
        %get3A_72 = arith.index_cast %mul3A_62 : i32 to index
        %get3A_73 = tpu.vector_load %arg6[%get3A_71, %get3A_72] {strides = array<i32>} : memref<32x1024xf32, #tpu.memory_space<vmem>>, vector<1x16xf32>,
        %get3A_74 = vector.shape_cast %get3A_73 : vector<1x16xf32> to vector<16xf32>
        %min3A_75 = arith.minimumf %min3A, %get3A_74 : vector<16xf32>
        %get3A_76 = arith.constant 2 : i32
        %get3A_77 = arith.index_cast %get3A_76 : i32 to index
        %get3A_78 = arith.index_cast %mul3A_62 : i32 to index
        %get3A_79 = tpu.vector_load %arg6[%get3A_77, %get3A_78] {strides = array<i32>} : memref<32x1024xf32, #tpu.memory_space<vmem>>, vector<1x16xf32>,
        %get3A_80 = vector.shape_cast %get3A_79 : vector<1x16xf32> to vector<16xf32>
        %min3A_81 = arith.minimumf %min3A_75, %get3A_80 : vector<16xf32>
        %get3A_82 = arith.constant 3 : i32
        %get3A_83 = arith.index_cast %get3A_82 : i32 to index
        %get3A_84 = arith.index_cast %mul3A_62 : i32 to index
        %get3A_85 = tpu.vector_load %arg6[%get3A_83, %get3A_84] {strides = array<i32>} : memref<32x1024xf32, #tpu.memory_space<vmem>>, vector<1x16xf32>,
        %get3A_86 = vector.shape_cast %get3A_85 : vector<1x16xf32> to vector<16xf32>
        %min3A_87 = arith.minimumf %min3A_81, %get3A_86 : vector<16xf32>
        %get3A_88 = arith.constant 4 : i32
        %get3A_89 = arith.index_cast %get3A_88 : i32 to index
        %get3A_90 = arith.index_cast %mul3A_62 : i32 to index
        %get3A_91 = tpu.vector_load %arg6[%get3A_89, %get3A_90] {strides = array<i32>} : memref<32x1024xf32, #tpu.memory_space<vmem>>, vector<1x16xf32>,
        %get3A_92 = vector.shape_cast %get3A_91 : vector<1x16xf32> to vector<16xf32>
        %min3A_93 = arith.minimumf %min3A_87, %get3A_92 : vector<16xf32>
        %get3A_94 = arith.constant 5 : i32
        %get3A_95 = arith.index_cast %get3A_94 : i32 to index
        %get3A_96 = arith.index_cast %mul3A_62 : i32 to index
        %get3A_97 = tpu.vector_load %arg6[%get3A_95, %get3A_96] {strides = array<i32>} : memref<32x1024xf32, #tpu.memory_space<vmem>>, vector<1x16xf32>,
        %get3A_98 = vector.shape_cast %get3A_97 : vector<1x16xf32> to vector<16xf32>
        %min3A_99 = arith.minimumf %min3A_93, %get3A_98 : vector<16xf32>
        %get3A_100 = arith.constant 6 : i32
        %get3A_101 = arith.index_cast %get3A_100 : i32 to index
        %get3A_102 = arith.index_cast %mul3A_62 : i32 to index
        %get3A_103 = tpu.vector_load %arg6[%get3A_101, %get3A_102] {strides = array<i32>} : memref<32x1024xf32, #tpu.memory_space<vmem>>, vector<1x16xf32>,
        %get3A_104 = vector.shape_cast %get3A_103 : vector<1x16xf32> to vector<16xf32>
        %min3A_105 = arith.minimumf %min3A_99, %get3A_104 : vector<16xf32>
        %get3A_106 = arith.constant 7 : i32
        %get3A_107 = arith.index_cast %get3A_106 : i32 to index
        %get3A_108 = arith.index_cast %mul3A_62 : i32 to index
        %get3A_109 = tpu.vector_load %arg6[%get3A_107, %get3A_108] {strides = array<i32>} : memref<32x1024xf32, #tpu.memory_space<vmem>>, vector<1x16xf32>,
        %get3A_110 = vector.shape_cast %get3A_109 : vector<1x16xf32> to vector<16xf32>
        %min3A_111 = arith.minimumf %min3A_105, %get3A_110 : vector<16xf32>
        %get3A_112 = arith.constant 8 : i32
        %get3A_113 = arith.index_cast %get3A_112 : i32 to index
        %get3A_114 = arith.index_cast %mul3A_62 : i32 to index
        %get3A_115 = tpu.vector_load %arg6[%get3A_113, %get3A_114] {strides = array<i32>} : memref<32x1024xf32, #tpu.memory_space<vmem>>, vector<1x16xf32>,
        %get3A_116 = vector.shape_cast %get3A_115 : vector<1x16xf32> to vector<16xf32>
        %min3A_117 = arith.minimumf %min3A_111, %get3A_116 : vector<16xf32>
        %get3A_118 = arith.constant 9 : i32
        %get3A_119 = arith.index_cast %get3A_118 : i32 to index
        %get3A_120 = arith.index_cast %mul3A_62 : i32 to index
        %get3A_121 = tpu.vector_load %arg6[%get3A_119, %get3A_120] {strides = array<i32>} : memref<32x1024xf32, #tpu.memory_space<vmem>>, vector<1x16xf32>,
        %get3A_122 = vector.shape_cast %get3A_121 : vector<1x16xf32> to vector<16xf32>
        %min3A_123 = arith.minimumf %min3A_117, %get3A_122 : vector<16xf32>
        %get3A_124 = arith.constant 10 : i32
        %get3A_125 = arith.index_cast %get3A_124 : i32 to index
        %get3A_126 = arith.index_cast %mul3A_62 : i32 to index
        %get3A_127 = tpu.vector_load %arg6[%get3A_125, %get3A_126] {strides = array<i32>} : memref<32x1024xf32, #tpu.memory_space<vmem>>, vector<1x16xf32>,
        %get3A_128 = vector.shape_cast %get3A_127 : vector<1x16xf32> to vector<16xf32>
        %min3A_129 = arith.minimumf %min3A_123, %get3A_128 : vector<16xf32>
        %get3A_130 = arith.constant 11 : i32
        %get3A_131 = arith.index_cast %get3A_130 : i32 to index
        %get3A_132 = arith.index_cast %mul3A_62 : i32 to index
        %get3A_133 = tpu.vector_load %arg6[%get3A_131, %get3A_132] {strides = array<i32>} : memref<32x1024xf32, #tpu.memory_space<vmem>>, vector<1x16xf32>,
        %get3A_134 = vector.shape_cast %get3A_133 : vector<1x16xf32> to vector<16xf32>
        %min3A_135 = arith.minimumf %min3A_129, %get3A_134 : vector<16xf32>
        %get3A_136 = arith.constant 12 : i32
        %get3A_137 = arith.index_cast %get3A_136 : i32 to index
        %get3A_138 = arith.index_cast %mul3A_62 : i32 to index
        %get3A_139 = tpu.vector_load %arg6[%get3A_137, %get3A_138] {strides = array<i32>} : memref<32x1024xf32, #tpu.memory_space<vmem>>, vector<1x16xf32>,
        %get3A_140 = vector.shape_cast %get3A_139 : vector<1x16xf32> to vector<16xf32>
        %min3A_141 = arith.minimumf %min3A_135, %get3A_140 : vector<16xf32>
        %get3A_142 = arith.constant 13 : i32
        %get3A_143 = arith.index_cast %get3A_142 : i32 to index
        %get3A_144 = arith.index_cast %mul3A_62 : i32 to index
        %get3A_145 = tpu.vector_load %arg6[%get3A_143, %get3A_144] {strides = array<i32>} : memref<32x1024xf32, #tpu.memory_space<vmem>>, vector<1x16xf32>,
        %get3A_146 = vector.shape_cast %get3A_145 : vector<1x16xf32> to vector<16xf32>
        %min3A_147 = arith.minimumf %min3A_141, %get3A_146 : vector<16xf32>
        %get3A_148 = arith.constant 14 : i32
        %get3A_149 = arith.index_cast %get3A_148 : i32 to index
        %get3A_150 = arith.index_cast %mul3A_62 : i32 to index
        %get3A_151 = tpu.vector_load %arg6[%get3A_149, %get3A_150] {strides = array<i32>} : memref<32x1024xf32, #tpu.memory_space<vmem>>, vector<1x16xf32>,
        %get3A_152 = vector.shape_cast %get3A_151 : vector<1x16xf32> to vector<16xf32>
        %min3A_153 = arith.minimumf %min3A_147, %get3A_152 : vector<16xf32>
        %get3A_154 = arith.constant 15 : i32
        %get3A_155 = arith.index_cast %get3A_154 : i32 to index
        %get3A_156 = arith.index_cast %mul3A_62 : i32 to index
        %get3A_157 = tpu.vector_load %arg6[%get3A_155, %get3A_156] {strides = array<i32>} : memref<32x1024xf32, #tpu.memory_space<vmem>>, vector<1x16xf32>,
        %get3A_158 = vector.shape_cast %get3A_157 : vector<1x16xf32> to vector<16xf32>
        %min3A_159 = arith.minimumf %min3A_153, %get3A_158 : vector<16xf32>
        %get3A_160 = arith.constant 16 : i32
        %get3A_161 = arith.index_cast %get3A_160 : i32 to index
        %get3A_162 = arith.index_cast %mul3A_62 : i32 to index
        %get3A_163 = tpu.vector_load %arg6[%get3A_161, %get3A_162] {strides = array<i32>} : memref<32x1024xf32, #tpu.memory_space<vmem>>, vector<1x16xf32>,
        %get3A_164 = vector.shape_cast %get3A_163 : vector<1x16xf32> to vector<16xf32>
        %min3A_165 = arith.minimumf %min3A_159, %get3A_164 : vector<16xf32>
        %get3A_166 = arith.constant 17 : i32
        %get3A_167 = arith.index_cast %get3A_166 : i32 to index
        %get3A_168 = arith.index_cast %mul3A_62 : i32 to index
        %get3A_169 = tpu.vector_load %arg6[%get3A_167, %get3A_168] {strides = array<i32>} : memref<32x1024xf32, #tpu.memory_space<vmem>>, vector<1x16xf32>,
        %get3A_170 = vector.shape_cast %get3A_169 : vector<1x16xf32> to vector<16xf32>
        %min3A_171 = arith.minimumf %min3A_165, %get3A_170 : vector<16xf32>
        %get3A_172 = arith.constant 18 : i32
        %get3A_173 = arith.index_cast %get3A_172 : i32 to index
        %get3A_174 = arith.index_cast %mul3A_62 : i32 to index
        %get3A_175 = tpu.vector_load %arg6[%get3A_173, %get3A_174] {strides = array<i32>} : memref<32x1024xf32, #tpu.memory_space<vmem>>, vector<1x16xf32>,
        %get3A_176 = vector.shape_cast %get3A_175 : vector<1x16xf32> to vector<16xf32>
        %min3A_177 = arith.minimumf %min3A_171, %get3A_176 : vector<16xf32>
        %get3A_178 = arith.constant 19 : i32
        %get3A_179 = arith.index_cast %get3A_178 : i32 to index
        %get3A_180 = arith.index_cast %mul3A_62 : i32 to index
        %get3A_181 = tpu.vector_load %arg6[%get3A_179, %get3A_180] {strides = array<i32>} : memref<32x1024xf32, #tpu.memory_space<vmem>>, vector<1x16xf32>,
        %get3A_182 = vector.shape_cast %get3A_181 : vector<1x16xf32> to vector<16xf32>
        %min3A_183 = arith.minimumf %min3A_177, %get3A_182 : vector<16xf32>
        %get3A_184 = arith.constant 20 : i32
        %get3A_185 = arith.index_cast %get3A_184 : i32 to index
        %get3A_186 = arith.index_cast %mul3A_62 : i32 to index
        %get3A_187 = tpu.vector_load %arg6[%get3A_185, %get3A_186] {strides = array<i32>} : memref<32x1024xf32, #tpu.memory_space<vmem>>, vector<1x16xf32>,
        %get3A_188 = vector.shape_cast %get3A_187 : vector<1x16xf32> to vector<16xf32>
        %min3A_189 = arith.minimumf %min3A_183, %get3A_188 : vector<16xf32>
        %get3A_190 = arith.constant 21 : i32
        %get3A_191 = arith.index_cast %get3A_190 : i32 to index
        %get3A_192 = arith.index_cast %mul3A_62 : i32 to index
        %get3A_193 = tpu.vector_load %arg6[%get3A_191, %get3A_192] {strides = array<i32>} : memref<32x1024xf32, #tpu.memory_space<vmem>>, vector<1x16xf32>,
        %get3A_194 = vector.shape_cast %get3A_193 : vector<1x16xf32> to vector<16xf32>
        %min3A_195 = arith.minimumf %min3A_189, %get3A_194 : vector<16xf32>
        %get3A_196 = arith.constant 22 : i32
        %get3A_197 = arith.index_cast %get3A_196 : i32 to index
        %get3A_198 = arith.index_cast %mul3A_62 : i32 to index
        %get3A_199 = tpu.vector_load %arg6[%get3A_197, %get3A_198] {strides = array<i32>} : memref<32x1024xf32, #tpu.memory_space<vmem>>, vector<1x16xf32>,
        %get3A_200 = vector.shape_cast %get3A_199 : vector<1x16xf32> to vector<16xf32>
        %min3A_201 = arith.minimumf %min3A_195, %get3A_200 : vector<16xf32>
        %get3A_202 = arith.constant 23 : i32
        %get3A_203 = arith.index_cast %get3A_202 : i32 to index
        %get3A_204 = arith.index_cast %mul3A_62 : i32 to index
        %get3A_205 = tpu.vector_load %arg6[%get3A_203, %get3A_204] {strides = array<i32>} : memref<32x1024xf32, #tpu.memory_space<vmem>>, vector<1x16xf32>,
        %get3A_206 = vector.shape_cast %get3A_205 : vector<1x16xf32> to vector<16xf32>
        %min3A_207 = arith.minimumf %min3A_201, %get3A_206 : vector<16xf32>
        %get3A_208 = arith.constant 24 : i32
        %get3A_209 = arith.index_cast %get3A_208 : i32 to index
        %get3A_210 = arith.index_cast %mul3A_62 : i32 to index
        %get3A_211 = tpu.vector_load %arg6[%get3A_209, %get3A_210] {strides = array<i32>} : memref<32x1024xf32, #tpu.memory_space<vmem>>, vector<1x16xf32>,
        %get3A_212 = vector.shape_cast %get3A_211 : vector<1x16xf32> to vector<16xf32>
        %min3A_213 = arith.minimumf %min3A_207, %get3A_212 : vector<16xf32>
        %get3A_214 = arith.constant 25 : i32
        %get3A_215 = arith.index_cast %get3A_214 : i32 to index
        %get3A_216 = arith.index_cast %mul3A_62 : i32 to index
        %get3A_217 = tpu.vector_load %arg6[%get3A_215, %get3A_216] {strides = array<i32>} : memref<32x1024xf32, #tpu.memory_space<vmem>>, vector<1x16xf32>,
        %get3A_218 = vector.shape_cast %get3A_217 : vector<1x16xf32> to vector<16xf32>
        %min3A_219 = arith.minimumf %min3A_213, %get3A_218 : vector<16xf32>
        %get3A_220 = arith.constant 26 : i32
        %get3A_221 = arith.index_cast %get3A_220 : i32 to index
        %get3A_222 = arith.index_cast %mul3A_62 : i32 to index
        %get3A_223 = tpu.vector_load %arg6[%get3A_221, %get3A_222] {strides = array<i32>} : memref<32x1024xf32, #tpu.memory_space<vmem>>, vector<1x16xf32>,
        %get3A_224 = vector.shape_cast %get3A_223 : vector<1x16xf32> to vector<16xf32>
        %min3A_225 = arith.minimumf %min3A_219, %get3A_224 : vector<16xf32>
        %get3A_226 = arith.constant 27 : i32
        %get3A_227 = arith.index_cast %get3A_226 : i32 to index
        %get3A_228 = arith.index_cast %mul3A_62 : i32 to index
        %get3A_229 = tpu.vector_load %arg6[%get3A_227, %get3A_228] {strides = array<i32>} : memref<32x1024xf32, #tpu.memory_space<vmem>>, vector<1x16xf32>,
        %get3A_230 = vector.shape_cast %get3A_229 : vector<1x16xf32> to vector<16xf32>
        %min3A_231 = arith.minimumf %min3A_225, %get3A_230 : vector<16xf32>
        %get3A_232 = arith.constant 28 : i32
        %get3A_233 = arith.index_cast %get3A_232 : i32 to index
        %get3A_234 = arith.index_cast %mul3A_62 : i32 to index
        %get3A_235 = tpu.vector_load %arg6[%get3A_233, %get3A_234] {strides = array<i32>} : memref<32x1024xf32, #tpu.memory_space<vmem>>, vector<1x16xf32>,
        %get3A_236 = vector.shape_cast %get3A_235 : vector<1x16xf32> to vector<16xf32>
        %min3A_237 = arith.minimumf %min3A_231, %get3A_236 : vector<16xf32>
        %get3A_238 = arith.constant 29 : i32
        %get3A_239 = arith.index_cast %get3A_238 : i32 to index
        %get3A_240 = arith.index_cast %mul3A_62 : i32 to index
        %get3A_241 = tpu.vector_load %arg6[%get3A_239, %get3A_240] {strides = array<i32>} : memref<32x1024xf32, #tpu.memory_space<vmem>>, vector<1x16xf32>,
        %get3A_242 = vector.shape_cast %get3A_241 : vector<1x16xf32> to vector<16xf32>
        %min3A_243 = arith.minimumf %min3A_237, %get3A_242 : vector<16xf32>
        %get3A_244 = arith.constant 30 : i32
        %get3A_245 = arith.index_cast %get3A_244 : i32 to index
        %get3A_246 = arith.index_cast %mul3A_62 : i32 to index
        %get3A_247 = tpu.vector_load %arg6[%get3A_245, %get3A_246] {strides = array<i32>} : memref<32x1024xf32, #tpu.memory_space<vmem>>, vector<1x16xf32>,
        %get3A_248 = vector.shape_cast %get3A_247 : vector<1x16xf32> to vector<16xf32>
        %min3A_249 = arith.minimumf %min3A_243, %get3A_248 : vector<16xf32>
        %get3A_250 = arith.constant 31 : i32
        %get3A_251 = arith.index_cast %get3A_250 : i32 to index
        %get3A_252 = arith.index_cast %mul3A_62 : i32 to index
        %get3A_253 = tpu.vector_load %arg6[%get3A_251, %get3A_252] {strides = array<i32>} : memref<32x1024xf32, #tpu.memory_space<vmem>>, vector<1x16xf32>,
        %get3A_254 = vector.shape_cast %get3A_253 : vector<1x16xf32> to vector<16xf32>
        %min3A_255 = arith.minimumf %min3A_249, %get3A_254 : vector<16xf32>
        %get3A_256 = arith.constant 0 : i32
        %get3A_257 = arith.index_cast %get3A_256 : i32 to index
        %get3A_258 = arith.index_cast %mul3A_62 : i32 to index
        %get3A_259 = tpu.vector_load %arg8[%get3A_257, %get3A_258] {strides = array<i32>} : memref<16x1024xf32, #tpu.memory_space<vmem>>, vector<1x16xf32>,
        %get3A_260 = vector.shape_cast %get3A_259 : vector<1x16xf32> to vector<16xf32>
        %get3A_261 = arith.constant 0 : i32
        %get3A_262 = arith.index_cast %get3A_261 : i32 to index
        %get3A_263 = arith.index_cast %mul3A_62 : i32 to index
        %get3A_264 = tpu.vector_load %arg8[%get3A_262, %get3A_263] {strides = array<i32>} : memref<16x1024xf32, #tpu.memory_space<vmem>>, vector<1x16xf32>,
        %get3A_265 = vector.shape_cast %get3A_264 : vector<1x16xf32> to vector<16xf32>
        %mul3A_266 = arith.mulf %get3A_260, %get3A_265 : vector<16xf32>
        %get3A_267 = arith.constant 1 : i32
        %get3A_268 = arith.index_cast %get3A_267 : i32 to index
        %get3A_269 = arith.index_cast %mul3A_62 : i32 to index
        %get3A_270 = tpu.vector_load %arg8[%get3A_268, %get3A_269] {strides = array<i32>} : memref<16x1024xf32, #tpu.memory_space<vmem>>, vector<1x16xf32>,
        %get3A_271 = vector.shape_cast %get3A_270 : vector<1x16xf32> to vector<16xf32>
        %get3A_272 = arith.constant 1 : i32
        %get3A_273 = arith.index_cast %get3A_272 : i32 to index
        %get3A_274 = arith.index_cast %mul3A_62 : i32 to index
        %get3A_275 = tpu.vector_load %arg8[%get3A_273, %get3A_274] {strides = array<i32>} : memref<16x1024xf32, #tpu.memory_space<vmem>>, vector<1x16xf32>,
        %get3A_276 = vector.shape_cast %get3A_275 : vector<1x16xf32> to vector<16xf32>
        %mul3A_277 = arith.mulf %get3A_271, %get3A_276 : vector<16xf32>
        %add3A_278 = arith.addf %mul3A_266, %mul3A_277 : vector<16xf32>
        %get3A_279 = arith.constant 2 : i32
        %get3A_280 = arith.index_cast %get3A_279 : i32 to index
        %get3A_281 = arith.index_cast %mul3A_62 : i32 to index
        %get3A_282 = tpu.vector_load %arg8[%get3A_280, %get3A_281] {strides = array<i32>} : memref<16x1024xf32, #tpu.memory_space<vmem>>, vector<1x16xf32>,
        %get3A_283 = vector.shape_cast %get3A_282 : vector<1x16xf32> to vector<16xf32>
        %get3A_284 = arith.constant 2 : i32
        %get3A_285 = arith.index_cast %get3A_284 : i32 to index
        %get3A_286 = arith.index_cast %mul3A_62 : i32 to index
        %get3A_287 = tpu.vector_load %arg8[%get3A_285, %get3A_286] {strides = array<i32>} : memref<16x1024xf32, #tpu.memory_space<vmem>>, vector<1x16xf32>,
        %get3A_288 = vector.shape_cast %get3A_287 : vector<1x16xf32> to vector<16xf32>
        %mul3A_289 = arith.mulf %get3A_283, %get3A_288 : vector<16xf32>
        %add3A_290 = arith.addf %add3A_278, %mul3A_289 : vector<16xf32>
        %get3A_291 = arith.constant 3 : i32
        %get3A_292 = arith.index_cast %get3A_291 : i32 to index
        %get3A_293 = arith.index_cast %mul3A_62 : i32 to index
        %get3A_294 = tpu.vector_load %arg8[%get3A_292, %get3A_293] {strides = array<i32>} : memref<16x1024xf32, #tpu.memory_space<vmem>>, vector<1x16xf32>,
        %get3A_295 = vector.shape_cast %get3A_294 : vector<1x16xf32> to vector<16xf32>
        %get3A_296 = arith.constant 3 : i32
        %get3A_297 = arith.index_cast %get3A_296 : i32 to index
        %get3A_298 = arith.index_cast %mul3A_62 : i32 to index
        %get3A_299 = tpu.vector_load %arg8[%get3A_297, %get3A_298] {strides = array<i32>} : memref<16x1024xf32, #tpu.memory_space<vmem>>, vector<1x16xf32>,
        %get3A_300 = vector.shape_cast %get3A_299 : vector<1x16xf32> to vector<16xf32>
        %mul3A_301 = arith.mulf %get3A_295, %get3A_300 : vector<16xf32>
        %add3A_302 = arith.addf %add3A_290, %mul3A_301 : vector<16xf32>
        %get3A_303 = arith.constant 4 : i32
        %get3A_304 = arith.index_cast %get3A_303 : i32 to index
        %get3A_305 = arith.index_cast %mul3A_62 : i32 to index
        %get3A_306 = tpu.vector_load %arg8[%get3A_304, %get3A_305] {strides = array<i32>} : memref<16x1024xf32, #tpu.memory_space<vmem>>, vector<1x16xf32>,
        %get3A_307 = vector.shape_cast %get3A_306 : vector<1x16xf32> to vector<16xf32>
        %get3A_308 = arith.constant 4 : i32
        %get3A_309 = arith.index_cast %get3A_308 : i32 to index
        %get3A_310 = arith.index_cast %mul3A_62 : i32 to index
        %get3A_311 = tpu.vector_load %arg8[%get3A_309, %get3A_310] {strides = array<i32>} : memref<16x1024xf32, #tpu.memory_space<vmem>>, vector<1x16xf32>,
        %get3A_312 = vector.shape_cast %get3A_311 : vector<1x16xf32> to vector<16xf32>
        %mul3A_313 = arith.mulf %get3A_307, %get3A_312 : vector<16xf32>
        %add3A_314 = arith.addf %add3A_302, %mul3A_313 : vector<16xf32>
        %get3A_315 = arith.constant 5 : i32
        %get3A_316 = arith.index_cast %get3A_315 : i32 to index
        %get3A_317 = arith.index_cast %mul3A_62 : i32 to index
        %get3A_318 = tpu.vector_load %arg8[%get3A_316, %get3A_317] {strides = array<i32>} : memref<16x1024xf32, #tpu.memory_space<vmem>>, vector<1x16xf32>,
        %get3A_319 = vector.shape_cast %get3A_318 : vector<1x16xf32> to vector<16xf32>
        %get3A_320 = arith.constant 5 : i32
        %get3A_321 = arith.index_cast %get3A_320 : i32 to index
        %get3A_322 = arith.index_cast %mul3A_62 : i32 to index
        %get3A_323 = tpu.vector_load %arg8[%get3A_321, %get3A_322] {strides = array<i32>} : memref<16x1024xf32, #tpu.memory_space<vmem>>, vector<1x16xf32>,
        %get3A_324 = vector.shape_cast %get3A_323 : vector<1x16xf32> to vector<16xf32>
        %mul3A_325 = arith.mulf %get3A_319, %get3A_324 : vector<16xf32>
        %add3A_326 = arith.addf %add3A_314, %mul3A_325 : vector<16xf32>
        %get3A_327 = arith.constant 6 : i32
        %get3A_328 = arith.index_cast %get3A_327 : i32 to index
        %get3A_329 = arith.index_cast %mul3A_62 : i32 to index
        %get3A_330 = tpu.vector_load %arg8[%get3A_328, %get3A_329] {strides = array<i32>} : memref<16x1024xf32, #tpu.memory_space<vmem>>, vector<1x16xf32>,
        %get3A_331 = vector.shape_cast %get3A_330 : vector<1x16xf32> to vector<16xf32>
        %get3A_332 = arith.constant 6 : i32
        %get3A_333 = arith.index_cast %get3A_332 : i32 to index
        %get3A_334 = arith.index_cast %mul3A_62 : i32 to index
        %get3A_335 = tpu.vector_load %arg8[%get3A_333, %get3A_334] {strides = array<i32>} : memref<16x1024xf32, #tpu.memory_space<vmem>>, vector<1x16xf32>,
        %get3A_336 = vector.shape_cast %get3A_335 : vector<1x16xf32> to vector<16xf32>
        %mul3A_337 = arith.mulf %get3A_331, %get3A_336 : vector<16xf32>
        %add3A_338 = arith.addf %add3A_326, %mul3A_337 : vector<16xf32>
        %get3A_339 = arith.constant 7 : i32
        %get3A_340 = arith.index_cast %get3A_339 : i32 to index
        %get3A_341 = arith.index_cast %mul3A_62 : i32 to index
        %get3A_342 = tpu.vector_load %arg8[%get3A_340, %get3A_341] {strides = array<i32>} : memref<16x1024xf32, #tpu.memory_space<vmem>>, vector<1x16xf32>,
        %get3A_343 = vector.shape_cast %get3A_342 : vector<1x16xf32> to vector<16xf32>
        %get3A_344 = arith.constant 7 : i32
        %get3A_345 = arith.index_cast %get3A_344 : i32 to index
        %get3A_346 = arith.index_cast %mul3A_62 : i32 to index
        %get3A_347 = tpu.vector_load %arg8[%get3A_345, %get3A_346] {strides = array<i32>} : memref<16x1024xf32, #tpu.memory_space<vmem>>, vector<1x16xf32>,
        %get3A_348 = vector.shape_cast %get3A_347 : vector<1x16xf32> to vector<16xf32>
        %mul3A_349 = arith.mulf %get3A_343, %get3A_348 : vector<16xf32>
        %add3A_350 = arith.addf %add3A_338, %mul3A_349 : vector<16xf32>
        %get3A_351 = arith.constant 8 : i32
        %get3A_352 = arith.index_cast %get3A_351 : i32 to index
        %get3A_353 = arith.index_cast %mul3A_62 : i32 to index
        %get3A_354 = tpu.vector_load %arg8[%get3A_352, %get3A_353] {strides = array<i32>} : memref<16x1024xf32, #tpu.memory_space<vmem>>, vector<1x16xf32>,
        %get3A_355 = vector.shape_cast %get3A_354 : vector<1x16xf32> to vector<16xf32>
        %get3A_356 = arith.constant 8 : i32
        %get3A_357 = arith.index_cast %get3A_356 : i32 to index
        %get3A_358 = arith.index_cast %mul3A_62 : i32 to index
        %get3A_359 = tpu.vector_load %arg8[%get3A_357, %get3A_358] {strides = array<i32>} : memref<16x1024xf32, #tpu.memory_space<vmem>>, vector<1x16xf32>,
        %get3A_360 = vector.shape_cast %get3A_359 : vector<1x16xf32> to vector<16xf32>
        %mul3A_361 = arith.mulf %get3A_355, %get3A_360 : vector<16xf32>
        %add3A_362 = arith.addf %add3A_350, %mul3A_361 : vector<16xf32>
        %get3A_363 = arith.constant 9 : i32
        %get3A_364 = arith.index_cast %get3A_363 : i32 to index
        %get3A_365 = arith.index_cast %mul3A_62 : i32 to index
        %get3A_366 = tpu.vector_load %arg8[%get3A_364, %get3A_365] {strides = array<i32>} : memref<16x1024xf32, #tpu.memory_space<vmem>>, vector<1x16xf32>,
        %get3A_367 = vector.shape_cast %get3A_366 : vector<1x16xf32> to vector<16xf32>
        %get3A_368 = arith.constant 9 : i32
        %get3A_369 = arith.index_cast %get3A_368 : i32 to index
        %get3A_370 = arith.index_cast %mul3A_62 : i32 to index
        %get3A_371 = tpu.vector_load %arg8[%get3A_369, %get3A_370] {strides = array<i32>} : memref<16x1024xf32, #tpu.memory_space<vmem>>, vector<1x16xf32>,
        %get3A_372 = vector.shape_cast %get3A_371 : vector<1x16xf32> to vector<16xf32>
        %mul3A_373 = arith.mulf %get3A_367, %get3A_372 : vector<16xf32>
        %add3A_374 = arith.addf %add3A_362, %mul3A_373 : vector<16xf32>
        %get3A_375 = arith.constant 10 : i32
        %get3A_376 = arith.index_cast %get3A_375 : i32 to index
        %get3A_377 = arith.index_cast %mul3A_62 : i32 to index
        %get3A_378 = tpu.vector_load %arg8[%get3A_376, %get3A_377] {strides = array<i32>} : memref<16x1024xf32, #tpu.memory_space<vmem>>, vector<1x16xf32>,
        %get3A_379 = vector.shape_cast %get3A_378 : vector<1x16xf32> to vector<16xf32>
        %get3A_380 = arith.constant 10 : i32
        %get3A_381 = arith.index_cast %get3A_380 : i32 to index
        %get3A_382 = arith.index_cast %mul3A_62 : i32 to index
        %get3A_383 = tpu.vector_load %arg8[%get3A_381, %get3A_382] {strides = array<i32>} : memref<16x1024xf32, #tpu.memory_space<vmem>>, vector<1x16xf32>,
        %get3A_384 = vector.shape_cast %get3A_383 : vector<1x16xf32> to vector<16xf32>
        %mul3A_385 = arith.mulf %get3A_379, %get3A_384 : vector<16xf32>
        %add3A_386 = arith.addf %add3A_374, %mul3A_385 : vector<16xf32>
        %get3A_387 = arith.constant 11 : i32
        %get3A_388 = arith.index_cast %get3A_387 : i32 to index
        %get3A_389 = arith.index_cast %mul3A_62 : i32 to index
        %get3A_390 = tpu.vector_load %arg8[%get3A_388, %get3A_389] {strides = array<i32>} : memref<16x1024xf32, #tpu.memory_space<vmem>>, vector<1x16xf32>,
        %get3A_391 = vector.shape_cast %get3A_390 : vector<1x16xf32> to vector<16xf32>
        %get3A_392 = arith.constant 11 : i32
        %get3A_393 = arith.index_cast %get3A_392 : i32 to index
        %get3A_394 = arith.index_cast %mul3A_62 : i32 to index
        %get3A_395 = tpu.vector_load %arg8[%get3A_393, %get3A_394] {strides = array<i32>} : memref<16x1024xf32, #tpu.memory_space<vmem>>, vector<1x16xf32>,
        %get3A_396 = vector.shape_cast %get3A_395 : vector<1x16xf32> to vector<16xf32>
        %mul3A_397 = arith.mulf %get3A_391, %get3A_396 : vector<16xf32>
        %add3A_398 = arith.addf %add3A_386, %mul3A_397 : vector<16xf32>
        %get3A_399 = arith.constant 12 : i32
        %get3A_400 = arith.index_cast %get3A_399 : i32 to index
        %get3A_401 = arith.index_cast %mul3A_62 : i32 to index
        %get3A_402 = tpu.vector_load %arg8[%get3A_400, %get3A_401] {strides = array<i32>} : memref<16x1024xf32, #tpu.memory_space<vmem>>, vector<1x16xf32>,
        %get3A_403 = vector.shape_cast %get3A_402 : vector<1x16xf32> to vector<16xf32>
        %get3A_404 = arith.constant 12 : i32
        %get3A_405 = arith.index_cast %get3A_404 : i32 to index
        %get3A_406 = arith.index_cast %mul3A_62 : i32 to index
        %get3A_407 = tpu.vector_load %arg8[%get3A_405, %get3A_406] {strides = array<i32>} : memref<16x1024xf32, #tpu.memory_space<vmem>>, vector<1x16xf32>,
        %get3A_408 = vector.shape_cast %get3A_407 : vector<1x16xf32> to vector<16xf32>
        %mul3A_409 = arith.mulf %get3A_403, %get3A_408 : vector<16xf32>
        %add3A_410 = arith.addf %add3A_398, %mul3A_409 : vector<16xf32>
        %get3A_411 = arith.constant 13 : i32
        %get3A_412 = arith.index_cast %get3A_411 : i32 to index
        %get3A_413 = arith.index_cast %mul3A_62 : i32 to index
        %get3A_414 = tpu.vector_load %arg8[%get3A_412, %get3A_413] {strides = array<i32>} : memref<16x1024xf32, #tpu.memory_space<vmem>>, vector<1x16xf32>,
        %get3A_415 = vector.shape_cast %get3A_414 : vector<1x16xf32> to vector<16xf32>
        %get3A_416 = arith.constant 13 : i32
        %get3A_417 = arith.index_cast %get3A_416 : i32 to index
        %get3A_418 = arith.index_cast %mul3A_62 : i32 to index
        %get3A_419 = tpu.vector_load %arg8[%get3A_417, %get3A_418] {strides = array<i32>} : memref<16x1024xf32, #tpu.memory_space<vmem>>, vector<1x16xf32>,
        %get3A_420 = vector.shape_cast %get3A_419 : vector<1x16xf32> to vector<16xf32>
        %mul3A_421 = arith.mulf %get3A_415, %get3A_420 : vector<16xf32>
        %add3A_422 = arith.addf %add3A_410, %mul3A_421 : vector<16xf32>
        %get3A_423 = arith.constant 14 : i32
        %get3A_424 = arith.index_cast %get3A_423 : i32 to index
        %get3A_425 = arith.index_cast %mul3A_62 : i32 to index
        %get3A_426 = tpu.vector_load %arg8[%get3A_424, %get3A_425] {strides = array<i32>} : memref<16x1024xf32, #tpu.memory_space<vmem>>, vector<1x16xf32>,
        %get3A_427 = vector.shape_cast %get3A_426 : vector<1x16xf32> to vector<16xf32>
        %get3A_428 = arith.constant 14 : i32
        %get3A_429 = arith.index_cast %get3A_428 : i32 to index
        %get3A_430 = arith.index_cast %mul3A_62 : i32 to index
        %get3A_431 = tpu.vector_load %arg8[%get3A_429, %get3A_430] {strides = array<i32>} : memref<16x1024xf32, #tpu.memory_space<vmem>>, vector<1x16xf32>,
        %get3A_432 = vector.shape_cast %get3A_431 : vector<1x16xf32> to vector<16xf32>
        %mul3A_433 = arith.mulf %get3A_427, %get3A_432 : vector<16xf32>
        %add3A_434 = arith.addf %add3A_422, %mul3A_433 : vector<16xf32>
        %get3A_435 = arith.constant 15 : i32
        %get3A_436 = arith.index_cast %get3A_435 : i32 to index
        %get3A_437 = arith.index_cast %mul3A_62 : i32 to index
        %get3A_438 = tpu.vector_load %arg8[%get3A_436, %get3A_437] {strides = array<i32>} : memref<16x1024xf32, #tpu.memory_space<vmem>>, vector<1x16xf32>,
        %get3A_439 = vector.shape_cast %get3A_438 : vector<1x16xf32> to vector<16xf32>
        %get3A_440 = arith.constant 15 : i32
        %get3A_441 = arith.index_cast %get3A_440 : i32 to index
        %get3A_442 = arith.index_cast %mul3A_62 : i32 to index
        %get3A_443 = tpu.vector_load %arg8[%get3A_441, %get3A_442] {strides = array<i32>} : memref<16x1024xf32, #tpu.memory_space<vmem>>, vector<1x16xf32>,
        %get3A_444 = vector.shape_cast %get3A_443 : vector<1x16xf32> to vector<16xf32>
        %mul3A_445 = arith.mulf %get3A_439, %get3A_444 : vector<16xf32>
        %add3A_446 = arith.addf %add3A_434, %mul3A_445 : vector<16xf32>
        %mul3A_447 = arith.constant 16 : i32
        %mul3A_448 = arith.muli %scan3A_59, %mul3A_447 : i32
        %iota3A = tpu.iota {dimensions = array<i32: 0>} : vector<16xi32>
        %add3A_449 = vector.broadcast %mul3A_448 : i32 to vector<16xi32>
        %add3A_450 = arith.addi %add3A_449, %iota3A : vector<16xi32>
        %lt3A = arith.constant 1000 : i32
        %lt3A_451 = vector.broadcast %lt3A : i32 to vector<16xi32>
        %lt3A_452 = arith.cmpi slt, %add3A_450, %lt3A_451 : vector<16xi32>
        %add3A_453 = arith.addf %min3A_255, %add3A_446 : vector<16xf32>
        %jit3A = arith.constant 0.000000e+00 : f32
        %broadcast_in_dim3A_454 = vector.broadcast %jit3A : f32 to vector<16xf32>
        %select_n3A = arith.select %lt3A_452, %add3A_453, %broadcast_in_dim3A_454 : vector<16xi1>, vector<16xf32>
        %add3A_455 = arith.addf %scan3A_60, %select_n3A : vector<16xf32>
        scf.yield %add3A_455 : vector<16xf32>
      }
      %scan3A_9 = arith.constant 64 : i32
      %slice3A = vector.extract_strided_slice %scan3A_8 {offsets = [0], sizes = [1], strides = [1]} : vector<16xf32> to vector<1xf32>
      %squeeze3A = vector.extract %slice3A[0] : f32 from vector<1xf32>
      %slice3A_10 = vector.extract_strided_slice %scan3A_8 {offsets = [1], sizes = [1], strides = [1]} : vector<16xf32> to vector<1xf32>
      %squeeze3A_11 = vector.extract %slice3A_10[0] : f32 from vector<1xf32>
      %add3A = arith.addf %squeeze3A, %squeeze3A_11 : f32
      %slice3A_12 = vector.extract_strided_slice %scan3A_8 {offsets = [2], sizes = [1], strides = [1]} : vector<16xf32> to vector<1xf32>
      %squeeze3A_13 = vector.extract %slice3A_12[0] : f32 from vector<1xf32>
      %add3A_14 = arith.addf %add3A, %squeeze3A_13 : f32
      %slice3A_15 = vector.extract_strided_slice %scan3A_8 {offsets = [3], sizes = [1], strides = [1]} : vector<16xf32> to vector<1xf32>
      %squeeze3A_16 = vector.extract %slice3A_15[0] : f32 from vector<1xf32>
      %add3A_17 = arith.addf %add3A_14, %squeeze3A_16 : f32
      %slice3A_18 = vector.extract_strided_slice %scan3A_8 {offsets = [4], sizes = [1], strides = [1]} : vector<16xf32> to vector<1xf32>
      %squeeze3A_19 = vector.extract %slice3A_18[0] : f32 from vector<1xf32>
      %add3A_20 = arith.addf %add3A_17, %squeeze3A_19 : f32
      %slice3A_21 = vector.extract_strided_slice %scan3A_8 {offsets = [5], sizes = [1], strides = [1]} : vector<16xf32> to vector<1xf32>
      %squeeze3A_22 = vector.extract %slice3A_21[0] : f32 from vector<1xf32>
      %add3A_23 = arith.addf %add3A_20, %squeeze3A_22 : f32
      %slice3A_24 = vector.extract_strided_slice %scan3A_8 {offsets = [6], sizes = [1], strides = [1]} : vector<16xf32> to vector<1xf32>
      %squeeze3A_25 = vector.extract %slice3A_24[0] : f32 from vector<1xf32>
      %add3A_26 = arith.addf %add3A_23, %squeeze3A_25 : f32
      %slice3A_27 = vector.extract_strided_slice %scan3A_8 {offsets = [7], sizes = [1], strides = [1]} : vector<16xf32> to vector<1xf32>
      %squeeze3A_28 = vector.extract %slice3A_27[0] : f32 from vector<1xf32>
      %add3A_29 = arith.addf %add3A_26, %squeeze3A_28 : f32
      %slice3A_30 = vector.extract_strided_slice %scan3A_8 {offsets = [8], sizes = [1], strides = [1]} : vector<16xf32> to vector<1xf32>
      %squeeze3A_31 = vector.extract %slice3A_30[0] : f32 from vector<1xf32>
      %add3A_32 = arith.addf %add3A_29, %squeeze3A_31 : f32
      %slice3A_33 = vector.extract_strided_slice %scan3A_8 {offsets = [9], sizes = [1], strides = [1]} : vector<16xf32> to vector<1xf32>
      %squeeze3A_34 = vector.extract %slice3A_33[0] : f32 from vector<1xf32>
      %add3A_35 = arith.addf %add3A_32, %squeeze3A_34 : f32
      %slice3A_36 = vector.extract_strided_slice %scan3A_8 {offsets = [10], sizes = [1], strides = [1]} : vector<16xf32> to vector<1xf32>
      %squeeze3A_37 = vector.extract %slice3A_36[0] : f32 from vector<1xf32>
      %add3A_38 = arith.addf %add3A_35, %squeeze3A_37 : f32
      %slice3A_39 = vector.extract_strided_slice %scan3A_8 {offsets = [11], sizes = [1], strides = [1]} : vector<16xf32> to vector<1xf32>
      %squeeze3A_40 = vector.extract %slice3A_39[0] : f32 from vector<1xf32>
      %add3A_41 = arith.addf %add3A_38, %squeeze3A_40 : f32
      %slice3A_42 = vector.extract_strided_slice %scan3A_8 {offsets = [12], sizes = [1], strides = [1]} : vector<16xf32> to vector<1xf32>
      %squeeze3A_43 = vector.extract %slice3A_42[0] : f32 from vector<1xf32>
      %add3A_44 = arith.addf %add3A_41, %squeeze3A_43 : f32
      %slice3A_45 = vector.extract_strided_slice %scan3A_8 {offsets = [13], sizes = [1], strides = [1]} : vector<16xf32> to vector<1xf32>
      %squeeze3A_46 = vector.extract %slice3A_45[0] : f32 from vector<1xf32>
      %add3A_47 = arith.addf %add3A_44, %squeeze3A_46 : f32
      %slice3A_48 = vector.extract_strided_slice %scan3A_8 {offsets = [14], sizes = [1], strides = [1]} : vector<16xf32> to vector<1xf32>
      %squeeze3A_49 = vector.extract %slice3A_48[0] : f32 from vector<1xf32>
      %add3A_50 = arith.addf %add3A_47, %squeeze3A_49 : f32
      %slice3A_51 = vector.extract_strided_slice %scan3A_8 {offsets = [15], sizes = [1], strides = [1]} : vector<16xf32> to vector<1xf32>
      %squeeze3A_52 = vector.extract %slice3A_51[0] : f32 from vector<1xf32>
      %add3A_53 = arith.addf %add3A_50, %squeeze3A_52 : f32
      %mul3A = arith.constant 1.000000e-03 : f32
      %mul3A_54 = arith.mulf %add3A_53, %mul3A : f32
      %broadcast_in_dim3A_55 = vector.broadcast %mul3A_54 : f32 to vector<16xf32>
      %swap3A = arith.constant 0 : index
      %swap3A_56 = tpu.vector_load %arg9[%swap3A] {strides = array<i32>} : memref<16xf32, #tpu.memory_space<vmem>>, vector<16xf32>,
      %swap3A_57 = vector.shape_cast %swap3A_56 : vector<16xf32> to vector<16xf32>
      %swap3A_58 = vector.shape_cast %broadcast_in_dim3A_55 : vector<16xf32> to vector<16xf32>
      tpu.vector_store %arg9[%swap3A], %swap3A_58 {strides = array<i32>} : memref<16xf32, #tpu.memory_space<vmem>>, vector<16xf32>,
      "tpu.region"() ({
        %run_scoped3A = tpu.sem_alloc : memref<!tpu.dma_semaphore, #tpu.memory_space<semaphore_mem>>
        tpu.enqueue_dma source(%arg9 : memref<16xf32, #tpu.memory_space<vmem>>) target(%arg5 : memref<16xf32, #tpu.memory_space<hbm>>) target_semaphore(%run_scoped3A : memref<!tpu.dma_semaphore, #tpu.memory_space<semaphore_mem>>)
        tpu.wait_dma2 semaphore(%run_scoped3A : memref<!tpu.dma_semaphore, #tpu.memory_space<semaphore_mem>>) src(%arg9 : memref<16xf32, #tpu.memory_space<vmem>>) dst(%arg5 : memref<16xf32, #tpu.memory_space<hbm>>)
        tpu.yield
      }) : () -> ()
    } else {
    }
    return
  }
}

module attributes {stable_mosaic.version = 14 : i64} {
  func.func @_tc_dense(%arg0: i32, %arg1: memref<1024x16xf32, #tpu.memory_space<vmem>>, %arg2: memref<16x1024xf32, #tpu.memory_space<vmem>>, %arg3: memref<1x1024xf32, #tpu.memory_space<vmem>>, %arg4: memref<8x1024xf32, #tpu.memory_space<vmem>>) attributes {dimension_semantics = [#tpu.dimension_semantics<arbitrary>], iteration_bounds = array<i64: 15>, scalar_prefetch = 0 : i64, scratch_operands = 1 : i64, tpu.core_type = #tpu.core_type<tc>, window_params = [{transform_indices = @transform_0, window_bounds = array<i64: 1024, 16>}, {pipeline_mode = #tpu.pipeline_mode<synchronous>, transform_indices = @transform_1, window_bounds = array<i64: 16, 1024>}, {pipeline_mode = #tpu.pipeline_mode<synchronous>, transform_indices = @transform_2, window_bounds = array<i64: 1, 1024>}]} {
    %eq3A = arith.constant 0 : i32
    %eq3A_0 = arith.cmpi eq, %arg0, %eq3A : i32
    %convert_element_type3A = arith.extui %eq3A_0 : i1 to i32
    %cond3A = arith.constant 0 : i32
    %cond3A_1 = arith.cmpi ne, %convert_element_type3A, %cond3A : i32
    scf.if %cond3A_1 {
      %broadcast_in_dim3A_21 = arith.constant 0x7F800000 : f32
      %broadcast_in_dim3A_22 = vector.broadcast %broadcast_in_dim3A_21 : f32 to vector<8x1024xf32>
      %swap3A_23 = arith.constant 0 : index
      %swap3A_24 = arith.constant 0 : index
      %swap3A_25 = vector.load %arg4[%swap3A_23, %swap3A_24] : memref<8x1024xf32, #tpu.memory_space<vmem>>, vector<8x1024xf32>
      tpu.vector_store %arg4[%swap3A_23, %swap3A_24], %broadcast_in_dim3A_22 {strides = array<i32>} : memref<8x1024xf32, #tpu.memory_space<vmem>>, vector<8x1024xf32>,
    } else {
    }
    %get3A = arith.constant 0 : index
    %get3A_2 = arith.constant 0 : index
    %get3A_3 = vector.load %arg1[%get3A, %get3A_2] : memref<1024x16xf32, #tpu.memory_space<vmem>>, vector<1024x16xf32>
    %get3A_4 = arith.constant 0 : index
    %get3A_5 = arith.constant 0 : index
    %get3A_6 = vector.load %arg2[%get3A_4, %get3A_5] : memref<16x1024xf32, #tpu.memory_space<vmem>>, vector<16x1024xf32>
    %dot_general3A = arith.constant dense<0.000000e+00> : vector<1024x1024xf32>
    %dot_general3A_7 = tpu.matmul %get3A_3, %get3A_6, %dot_general3A {dimension_numbers = #tpu.dot_dimension_numbers<[1], [0], [0], [1], [0, 0, 1, 1], [], []>, transpose_lhs_hint = false} : vector<1024x16xf32>, vector<16x1024xf32>, vector<1024x1024xf32> -> vector<1024x1024xf32>
    %mul3A = arith.mulf %get3A_3, %get3A_3 : vector<1024x16xf32>
    %reduce_sum3A = arith.constant dense<0.000000e+00> : vector<1024xf32>
    %reduce_sum3A_8 = vector.multi_reduction <add>, %mul3A, %reduce_sum3A [1] : vector<1024x16xf32> to vector<1024xf32>
    %broadcast_in_dim3A = vector.shape_cast %reduce_sum3A_8 : vector<1024xf32> to vector<1024x1xf32>
    %add3A = vector.broadcast %broadcast_in_dim3A : vector<1024x1xf32> to vector<1024x1024xf32>
    %add3A_9 = arith.addf %add3A, %dot_general3A_7 : vector<1024x1024xf32>
    %reshape3A = vector.shape_cast %add3A_9 : vector<1024x1024xf32> to vector<128x8x1024xf32>
    %reduce_min3A = arith.constant dense<0x7F800000> : vector<8x1024xf32>
    %reduce_min3A_10 = vector.multi_reduction <minimumf>, %reshape3A, %reduce_min3A [0] : vector<128x8x1024xf32> to vector<8x1024xf32>
    %get3A_11 = arith.constant 0 : index
    %get3A_12 = arith.constant 0 : index
    %get3A_13 = vector.load %arg4[%get3A_11, %get3A_12] : memref<8x1024xf32, #tpu.memory_space<vmem>>, vector<8x1024xf32>
    %min3A = arith.minimumf %get3A_13, %reduce_min3A_10 : vector<8x1024xf32>
    %swap3A = arith.constant 0 : index
    %swap3A_14 = arith.constant 0 : index
    %swap3A_15 = vector.load %arg4[%swap3A, %swap3A_14] : memref<8x1024xf32, #tpu.memory_space<vmem>>, vector<8x1024xf32>
    tpu.vector_store %arg4[%swap3A, %swap3A_14], %min3A {strides = array<i32>} : memref<8x1024xf32, #tpu.memory_space<vmem>>, vector<8x1024xf32>,
    %eq3A_16 = arith.constant 14 : i32
    %eq3A_17 = arith.cmpi eq, %arg0, %eq3A_16 : i32
    %convert_element_type3A_18 = arith.extui %eq3A_17 : i1 to i32
    %cond3A_19 = arith.constant 0 : i32
    %cond3A_20 = arith.cmpi ne, %convert_element_type3A_18, %cond3A_19 : i32
    scf.if %cond3A_20 {
      %get3A_21 = arith.constant 0 : index
      %get3A_22 = arith.constant 0 : index
      %get3A_23 = vector.load %arg4[%get3A_21, %get3A_22] : memref<8x1024xf32, #tpu.memory_space<vmem>>, vector<8x1024xf32>
      %reduce_min3A_24 = arith.constant dense<0x7F800000> : vector<1024xf32>
      %reduce_min3A_25 = vector.multi_reduction <minimumf>, %get3A_23, %reduce_min3A_24 [0] : vector<8x1024xf32> to vector<1024xf32>
      %broadcast_in_dim3A_26 = vector.shape_cast %reduce_min3A_25 : vector<1024xf32> to vector<1x1024xf32>
      %swap3A_27 = arith.constant 0 : index
      %swap3A_28 = arith.constant 0 : index
      %swap3A_29 = vector.load %arg3[%swap3A_27, %swap3A_28] : memref<1x1024xf32, #tpu.memory_space<vmem>>, vector<1x1024xf32>
      tpu.vector_store %arg3[%swap3A_27, %swap3A_28], %broadcast_in_dim3A_26 {strides = array<i32>} : memref<1x1024xf32, #tpu.memory_space<vmem>>, vector<1x1024xf32>,
    } else {
    }
    return
  }
  func.func @transform_0(%arg0: i32) -> (i32, i32) {
    %add3A = arith.constant 1 : i32
    %add3A_0 = arith.addi %arg0, %add3A : i32
    %c0_i32 = arith.constant 0 : i32
    %c0_i32_1 = arith.constant 0 : i32
    return %add3A_0, %c0_i32 : i32, i32
  }
  func.func @transform_1(%arg0: i32) -> (i32, i32) {
    %c0_i32 = arith.constant 0 : i32
    %c0_i32_0 = arith.constant 0 : i32
    %c0_i32_1 = arith.constant 0 : i32
    return %c0_i32, %c0_i32_0 : i32, i32
  }
  func.func @transform_2(%arg0: i32) -> (i32, i32) {
    %c0_i32 = arith.constant 0 : i32
    %c0_i32_0 = arith.constant 0 : i32
    %c0_i32_1 = arith.constant 0 : i32
    return %c0_i32, %c0_i32_0 : i32, i32
  }
}

</mosaic_0001>

<sc_bundles>
// kernel: kernel.5.cloned.1.call-start
scs
__scs_entry_jumppad:
0x0: {  	(pc) =	sbr.rel $0x88, $3  }
0x1: {  	(tag) =	ssettag $0x0;
	lr =	simm.s32 $0x1  }
0x2: {  	[smem:$0x3F9F] =	sst lr;
	_ =	strace $0xD0000000  }
0x3: {  	_ = 	snop  }
0x4: {  	_ = 	snop  }
0x5: {  	_ = 	snop  }
0x6: {  	_ = 	snop  }
0x7: {  	_ = 	snop  }
__scs_overlays_trampoline_lowered:
0x8: {  	[smem:$0x3FAE] =	sst s0  }
0x9: {  	[smem:$0x3FAF] =	sst s1  }
0xa: {  	[smem:$0x3FB0] =	sst s2  }
0xb: {  	[smem:$0x3FB1] =	sst s3  }
0xc: {  	[smem:$0x3FB2] =	sst s4  }
0xd: {  	[smem:$0x3FB3] =	sst s5  }
0xe: {  	[smem:$0x3FB4] =	sst s6  }
0xf: {  	[smem:$0x3FB5] =	sst s7  }
0x10: {  	[smem:$0x3FB6] =	sst s8  }
0x11: {  	[smem:$0x3FB7] =	sst s9;
	s0 =	simm.s32 @!p0 $0x0  }
0x12: {  	s1 =	sld [smem:$0x3F9D];
	s0 =	simm.s32 @p0 $0x1  }
0x13: {  	[smem:$0x3FB8] =	sst s0;
	s0 =	simm.s32 @!p1 $0x0  }
0x14: {  	s2 =	sld [smem:$0x3F9C];
	s0 =	simm.s32 @p1 $0x1  }
0x15: {  	[smem:$0x3FB9] =	sst s0;
	s0 =	simm.s32 @!p2 $0x0  }
0x16: {  	s3 =	sld [smem:$0x3FDB];
	s0 =	simm.s32 @p2 $0x1  }
0x17: {  	s4 =	simm.s32 $0x1BF5;
	[smem:$0x3FBB] =	sst s0  }
0x18: {  	s0 =	sld [smem:$0x3F9E];
	_ =	swait.ge [sflag:s4], $0x0  }
0x19: {  	s7 =	sld [smem:$0x3F9F]  }
0x1a: {  	s8 =	sadd.s32 $0xFFFFE003, lr  }
0x1b: {  	s9 =	sadd.s32 $0xFFFFFEF7, lr;
	s5 =	simm.s32 $0xFFFFFFFF;
	p2 =	slt.u32 s8, $0xFFFFF086  }
0x1c: {  	p1 =	slt.u32 s9, $0xF7A;
	s5 =	simm.s32 @!p2 $0x0  }
0x1d: {  	s5 =	simm.s32 @p1 $0x1;
	p0 =	seq.s32 s7, s2  }
0x1e: {  	s7 =	smul.u32 @!p0 $0xF7A, s2;
	p2 =	seq.s32 @!p0 s5, $0x0  }
0x1f: {  	s9 =	smul.u32 $0xF7A, s1;
	s8 =	simm.s32 @!p0 $0x1BF5;
	p2 =	por !p2, p0  }
0x20: {  	[sflag:s8] =	ssyncset.s32 @!p0 $0xFFFFF086;
	s6 =	sadd.s32 @!p0 s3, s7;
	s7 =	simm.s32 @!p0 $0x108  }
0x21: {  	s3 =	sadd.s32 s3, s9;
	s6 =	sadd.s32 @!p0 $0x88, s6;
	s7 =	simm.s32 @p2 $0x1082  }
0x22: {  	[simem:s7], [sflag:s8] =	dma.local @!p0 [hbm:s6], $0xF7A  }
0x23: {  	s9 =	sor.u32 $0xD0000000, s2;
	s6 =	simm.s32 $0x108;
	_ =	swait.ge @!p0 [sflag:s8], $0x0  }
0x24: {  	s3 =	sadd.s32 $0x88, s3;
	s6 =	simm.s32 @!p1 $0x1082;
	[sflag:s4] =	ssyncset.s32 $0xFFFFF086  }
0x25: {  	[simem:s6], [sflag:s4] =	dma.local [hbm:s3], $0xF7A  }
0x26: {  	[smem:$0x3F9F] =	sst s1;
	(tag) =	ssettag s2;
	_ =	strace s9  }
0x27: {  	s1 =	sld [smem:$0x3FAF]  }
0x28: {  	s2 =	sld [smem:$0x3FB0]  }
0x29: {  	s4 =	sld [smem:$0x3FB2]  }
0x2a: {  	p0 =	seq.s32 s5, $0x0;
	s5 =	sld [smem:$0x3FB3]  }
0x2b: {  	s6 =	sld [smem:$0x3FB4]  }
0x2c: {  	s7 =	sld [smem:$0x3FB5]  }
0x2d: {  	s3 =	simm.s32 $0x108;
	s8 =	sld [smem:$0x3FB6]  }
0x2e: {  	s3 =	simm.s32 @!p0 $0x1082;
	s9 =	sld [smem:$0x3FB7]  }
0x2f: {  	lr =	sadd.s32 s0, s3;
	s0 =	sld [smem:$0x3FAE]  }
0x30: {  	s3 =	sld [smem:$0x3FB1]  }
0x31: {  	[smem:$0x3FBA] =	sst s10  }
0x32: {  	s10 =	sld [smem:$0x3FB8];
	_ =	sdelay $0x3  }
0x33: {  	p0 =	seq.s32 s10, $0x1;
	s10 =	sld [smem:$0x3FBA];
	_ =	sdelay $0x3  }
0x34: {  	[smem:$0x3FBA] =	sst s10  }
0x35: {  	s10 =	sld [smem:$0x3FB9];
	_ =	sdelay $0x3  }
0x36: {  	p1 =	seq.s32 s10, $0x1;
	s10 =	sld [smem:$0x3FBA];
	_ =	sdelay $0x3  }
0x37: {  	[smem:$0x3FBA] =	sst s10  }
0x38: {  	s10 =	sld [smem:$0x3FBB]  }
0x39: {  	_ = 	snop;
	(pc) =	sbr.ind lr, $3  }
0x3a: {  	_ = 	snop  }
0x3b: {  	_ = 	snop  }
0x3c: {  	p2 =	seq.s32 s10, $0x1;
	s10 =	sld [smem:$0x3FBA]  }
0x3d: {  	_ =	shalt  }
0x3e: {  	_ =	shalt  }
0x3f: {  	_ =	shalt  }
0x40: {  	_ =	shalt  }
0x41: {  	_ =	shalt  }
0x42: {  	_ =	shalt  }
0x43: {  	_ =	shalt  }
0x44: {  	_ =	shalt  }
0x45: {  	_ =	shalt  }
0x46: {  	_ =	shalt  }
0x47: {  	_ =	shalt  }
0x48: {  	_ =	shalt  }
0x49: {  	_ =	shalt  }
0x4a: {  	_ =	shalt  }
0x4b: {  	_ =	shalt  }
0x4c: {  	_ =	shalt  }
0x4d: {  	_ =	shalt  }
0x4e: {  	_ =	shalt  }
0x4f: {  	_ =	shalt  }
0x50: {  	_ =	shalt  }
0x51: {  	_ =	shalt  }
0x52: {  	_ =	shalt  }
0x53: {  	_ =	shalt  }
0x54: {  	_ =	shalt  }
0x55: {  	_ =	shalt  }
0x56: {  	_ =	shalt  }
0x57: {  	_ =	shalt  }
0x58: {  	_ =	shalt  }
0x59: {  	_ =	shalt  }
0x5a: {  	_ =	shalt  }
0x5b: {  	_ =	shalt  }
0x5c: {  	_ =	shalt  }
0x5d: {  	_ =	shalt  }
0x5e: {  	_ =	shalt  }
0x5f: {  	_ =	shalt  }
0x60: {  	_ =	shalt  }
0x61: {  	_ =	shalt  }
0x62: {  	_ =	shalt  }
0x63: {  	_ =	shalt  }
0x64: {  	_ =	shalt  }
0x65: {  	_ =	shalt  }
0x66: {  	_ =	shalt  }
0x67: {  	_ =	shalt  }
0x68: {  	_ =	shalt  }
0x69: {  	_ =	shalt  }
0x6a: {  	_ =	shalt  }
0x6b: {  	_ =	shalt  }
0x6c: {  	_ =	shalt  }
0x6d: {  	_ =	shalt  }
0x6e: {  	_ =	shalt  }
0x6f: {  	_ =	shalt  }
0x70: {  	_ =	shalt  }
0x71: {  	_ =	shalt  }
0x72: {  	_ =	shalt  }
0x73: {  	_ =	shalt  }
0x74: {  	_ =	shalt  }
0x75: {  	_ =	shalt  }
0x76: {  	_ =	shalt  }
0x77: {  	_ =	shalt  }
0x78: {  	_ =	shalt  }
0x79: {  	_ =	shalt  }
0x7a: {  	_ =	shalt  }
0x7b: {  	_ =	shalt  }
0x7c: {  	_ =	shalt  }
0x7d: {  	_ =	shalt  }
0x7e: {  	_ =	shalt  }
0x7f: {  	_ =	shalt  }
0x80: {  	_ =	shalt  }
0x81: {  	_ =	shalt  }
0x82: {  	_ =	shalt  }
0x83: {  	_ =	shalt  }
0x84: {  	_ =	shalt  }
0x85: {  	_ =	shalt  }
0x86: {  	_ =	shalt  }
0x87: {  	_ =	shalt  }
.Lfunc_end0:
.L_simem_size_0:
called_computation_lowered:
.L_overlay_start_0:
0x88: {  	s2 =	sld [smem:$0x3FD9]  }
0x89: {  	s3 =	sld [smem:$0x3FFE];
	_ =	sdelay $0x1  }
0x8a: {  	s1 =	srdreg.scid  }
0x8b: {  	s0 =	sand.u32 $0x1, s1  }
0x8c: {  	s16 =	sshll.u32 s0, $0xA;
	s2 =	sadd.s32 s3, s2  }
0x8d: {  	s2 =	sadd.s32 s2, s16  }
0x8e: {  	[smem:$0x3FC6] =	sst s2  }
0x8f: {  	_ = 	snop  }
0x90: {  	(tm) =	ssettm $0x1  }
0x91: {  	s17 =	sld [smem:$0x3FFB];
	_ =	sdelay $0x3  }
0x92: {  	_ =	strace s17  }
0x93: {  	s2 =	sld [smem:$0x3FFC];
	_ =	sdelay $0x3  }
0x94: {  	_ =	strace s2  }
0x95: {  	s2 =	sld [smem:$0x3FFD];
	_ =	sdelay $0x3  }
0x96: {  	_ =	strace s2  }
0x97: {  	_ =	strace $0x8FFFFFFF  }
0x98: {  	s18 =	sld [smem:$0x3FDB];
	_ =	sdelay $0x1  }
0x99: {  	s19 =	simm.s32 $_scs_section_size  }
0x9a: {  	s4 =	simm.s32 $_size__tile_overlayer_lowered;
	s5 =	simm.s32 $_tile_overlayer_lowered  }
0x9b: {  	s22 =	simm.s32 $0x1BFF;
	s21 =	sshll.u32 s5, $0x1;
	s2 =	sadd.s32 s19, s18  }
0x9c: {  	s6 =	simm.s32 $0x0;
	s20 =	sshll.u32 s4, $0x1;
	s4 =	sadd.s32 s21, s2  }
0x9d: {  	[timem:s6], [sflag:s22] =	dma.local [hbm:s4], s20  }
0x9e: {  	_ =	swait.ge [sflag:s22], s20  }
0x9f: {  	s3 =	ssub.s32 $0x0, s20;
	[sflag:s22] =	ssyncset.done $0x0  }
0xa0: {  	[sflag:s22] =	ssyncadd.s32 s3;
	_ =	sdelay $0x1  }
0xa1: {  	s23 =	simm.s32 $0x1B8B  }
0xa2: {  	_ =	swait.ge [sflag:s23], $0x1  }
0xa3: {  	[sflag:s23] =	ssyncset.done $0x0  }
0xa4: {  	s25 =	simm.s32 $0x1B8E;
	s24 =	sld [smem:$0x3FFE];
	[sflag:s23] =	ssyncadd.s32 $0xFFFFFFFF  }
0xa5: {  	s26 =	simm.s32 $execute0_lowered;
	[smem:$0x3FD2] =	sst s25  }
0xa6: {  	s4 =	sshll.u32 s26, $0x1;
	_ =	strace $0x80000046;
	[dreg:$0x1] =	wrdreg $0xFFFFFFFF  }
0xa7: {  	s28 =	simm.s32 $_size_execute0_lowered;
	s2 =	sadd.s32 s2, s4;
	[dreg:$0x0] =	wrdreg $0x0  }
0xa8: {  	s4 =	sshll.u32 s28, $0x1;
	[dreg:$0x2] =	wrdreg s2  }
0xa9: {  	[dreg:$0x3] =	wrdreg s4  }
0xaa: {  	[dreg:$0x4] =	wrdreg $0xC0  }
0xab: {  	_ =	task [dreg:s6], $0x5FFFF  }
0xac: {  	[dreg:$0x1] =	wrdreg $0xFFFFFFFF  }
0xad: {  	[dreg:$0x0] =	wrdreg $0x60  }
0xae: {  	[dreg:$0x2] =	wrdreg s24  }
0xaf: {  	[dreg:$0x3] =	wrdreg $0x9  }
0xb0: {  	_ =	task.clear_ibuf [dreg:s6], $0x4FFFF;
	_ =	strace $0x90000046  }
0xb1: {  	s29 =	simm.s32 $0x9;
	_ =	strace $0x80000048  }
0xb2: {  	_ =	swait.ge [sflag:s29], $0x1  }
0xb3: {  	[sflag:s29] =	ssyncadd.s32 $0xFFFFFFFF  }
0xb4: {  	_ =	strace $0x90000048  }
0xb5: {  	_ =	sfence  }
0xb6: {  	s30 =	sld [smem:$0x0];
	_ =	sdelay $0x2  }
0xb7: {  	s31 =	sshll.u32 s1, $0xD;
	s1 =	sshrl.u32 s1, $0x2  }
0xb8: {  	s3 =	sand.u32 $0x4000, s31;
	s1 =	sadd.s32 s1, s30  }
0xb9: {  	s0 =	sor.u32 s3, s0;
	s1 =	sshll.u32 s1, $0x11  }
0xba: {  	s0 =	sor.u32 s1, s0  }
0xbb: {  	s0 =	sadd.s32 $0x8F2B, s0  }
0xbc: {  	[sflag:s0] =	ssyncadd.remote.s32 $0x1  }
0xbd: {  	_ =	sfence.sel $0xFFFF  }
0xbe: {  	[dreg:$0x0] =	wrdreg $0xFFFFFFFF;
	(pc) =	sbr.abs _section_cstart, $3  }
0xbf: {  	[dreg:$0x1] =	wrdreg $0xFFFFFFFF  }
0xc0: {  	_ =	task.clear_ibuf [dreg:s6], $0x2FFFF;
	_ =	strace $0x9FFFFFFF  }
0xc1: {  	(tm) =	ssettm $0x7FFFFFFF  }
tec
execute0_lowered:
.L_overlay_start_1:
0x0: {  	(tag) =	ssettag $0x1  }
0x1: {  	s0 =	rddreg [dreg:$0x0]  }
0x2: {  	s1 =	srdreg.scid;
	s4 =	stileid.u32;
	s3 =	simm.s32 $0x0  }
0x3: {  	s1 =	sand.u32 $0x1, s1;
	s2 =	sshll.u32 s4, $0x1;
	[smem:$0x7FF] =	sst s3  }
0x4: {  	s4 =	sshll.u32 s4, $0x8;
	s2 =	sor.u32 s1, s2;
	_ =	strace $0x80000047  }
0x5: {  	s4 =	sand.u32 $0xC00, s4;
	s1 =	ssub.s32 $0x2, s1;
	s28 =	sshll.u32 s2, $0x8  }
0x6: {  	s2 =	sshll.u32 s2, $0x4;
	s4 =	sadd.s32 s4, s0;
	s29 =	sshrl.u32 s1, $0x1  }
0x7: {  	vm0 =	vcmask $0x300;
	vm1 =	vcmask $0x704;
	vm2 =	vcmask $0xB08;
	s3 =	sadd.s32 s28, s0;
	s2 =	sand.u32 $0x70, s2;
	s0 =	sadd.s32 $0xC00, s0  }
0x8: {  	vm3 =	vcmask $0xF0C;
	vm4 =	vcmask $0x1310;
	vm5 =	vcmask $0x1714;
	[smem:$0x7FA] =	sst s0;
	s2 =	sadd.s32 s2, s4;
	s30 =	sadd.s32 $0x1400, s3  }
0x9: {  	vm6 =	vcmask $0x1B18;
	vm7 =	vcmask $0x1F1C;
	vm8 =	vcmask $0x2320;
	s0 =	ssub.s32 s1, s29;
	[smem:$0x7FB] =	sst s30;
	s31 =	sadd.s32 $0x3400, s2  }
0xa: {  	vm9 =	vcmask $0x2724;
	vm10 =	vcmask $0x2B28;
	vm11 =	vcmask $0x2F2C;
	s0 =	smax.u32 s0, $0x1;
	[smem:$0x7FC] =	sst s31  }
0xb: {  	vm12 =	vcmask $0x3330;
	vm13 =	vcmask $0x3734;
	vm14 =	vcmask $0x3B38;
	s3 =	simm.s32 $0x1;
	s1 =	simm.s32 $0x0;
	[smem:$0x7FD] =	sst s0  }
.LBB2_1:
0xc: {  	s0 =	sld [smem:$0x7FB];
	_ =	sdelay $0x1  }
0xd: {  	[smem:$0x7F9] =	sst s1;
	s31 =	simm.s32 $0x0  }
0xe: {  	[tilespmem:s31], [sflag:$0x1] =	stream.linear.gather [hbm4b:s0+s31], $0x800, $0x38;
	[tilespmem:$0x8A80] =	vst v63  }
0xf: {  	_ =	swait.ge [sflag:s3], $0x800  }
0x10: {  	s2 =	sld [smem:$0x7FA]  }
0x11: {  	[sflag:s3] =	ssyncset.done $0x0  }
0x12: {  	s0 =	simm.s32 $0x800;
	[sflag:s3] =	ssyncadd.s32 $0xFFFFF800  }
0x13: {  	[tilespmem:s0], [sflag:$0x1] =	stream.linear.gather [hbm4b:s2+s31], $0x3E80, $0x38;
	[tilespmem:$0x8A80] =	vst v63  }
0x14: {  	_ =	swait.ge [sflag:s3], $0x3E80  }
0x15: {  	[sflag:s3] =	ssyncset.done $0x0  }
0x16: {  	s1 =	simm.s32 $0x4680;
	s2 =	simm.s32 $0x0;
	[sflag:s3] =	ssyncadd.s32 $0xFFFFC180  }
.LBB2_2:
0x17: {  	v0 =	vmov s0;
	_ =	sdelay $0x3  }
0x18: {  	s4 =	simm.s32 $0x0  }
0x19: {  	v2 =	vld.idx.msk [tilespmem:v0+s4+$0x0 ss:$0x1], $0xffff;
	_ =	sdelay $0x4  }
0x1a: {  	(v2sf) =	vpush v2, $0x0  }
0x1b: {  	(v2sf) =	vpush v2, $0x1  }
0x1c: {  	(v2sf) =	vpush v2, $0x2  }
0x1d: {  	(v2sf) =	vpush v2, $0x3  }
0x1e: {  	(v2sf) =	vpush v2, $0x4  }
0x1f: {  	(v2sf) =	vpush v2, $0x5  }
0x20: {  	(v2sf) =	vpush v2, $0x6  }
0x21: {  	(v2sf) =	vpush v2, $0x7  }
0x22: {  	(v2sf) =	vpush v2, $0x8  }
0x23: {  	(v2sf) =	vpush v2, $0x9  }
0x24: {  	(v2sf) =	vpush v2, $0xA  }
0x25: {  	s3 =	simm.s32 $0x10;
	(v2sf) =	vpush v2, $0xB  }
0x26: {  	v1 =	vld.idx.msk [tilespmem:v0+s3+$0x0 ss:$0x1], $0xffff;
	(v2sf) =	vpush v2, $0xC  }
0x27: {  	(v2sf) =	vpush v2, $0xD  }
0x28: {  	(v2sf) =	vpush v2, $0xE  }
0x29: {  	s5 =	simm.s32 $0xC0;
	s6 =	simm.s32 $0xC;
	s7 =	spop (v2sf);
	(v2sf) =	vpush v2, $0xF  }
0x2a: {  	s30 =	simm.s32 $0x1;
	[smem:s4] =	sst s7;
	s31 =	spop (v2sf)  }
0x2b: {  	(v2sf) =	vpush v1, $0x0;
	s7 =	simm.s32 $0x2;
	[smem:s30] =	sst s31;
	s8 =	spop (v2sf)  }
0x2c: {  	s9 =	simm.s32 $0x3;
	(v2sf) =	vpush v1, $0x1;
	[smem:s7] =	sst s8;
	s10 =	spop (v2sf)  }
0x2d: {  	s11 =	simm.s32 $0x4;
	(v2sf) =	vpush v1, $0x2;
	[smem:s9] =	sst s10;
	s12 =	spop (v2sf)  }
0x2e: {  	s13 =	simm.s32 $0x5;
	(v2sf) =	vpush v1, $0x3;
	[smem:s11] =	sst s12;
	s14 =	spop (v2sf)  }
0x2f: {  	s15 =	simm.s32 $0x6;
	(v2sf) =	vpush v1, $0x4;
	[smem:s13] =	sst s14;
	s16 =	spop (v2sf)  }
0x30: {  	s17 =	simm.s32 $0x7;
	(v2sf) =	vpush v1, $0x5;
	[smem:s15] =	sst s16;
	s18 =	spop (v2sf)  }
0x31: {  	s8 =	simm.s32 $0x8;
	(v2sf) =	vpush v1, $0x6;
	[smem:s17] =	sst s18;
	s19 =	spop (v2sf)  }
0x32: {  	s20 =	simm.s32 $0x9;
	(v2sf) =	vpush v1, $0x7;
	[smem:s8] =	sst s19;
	s21 =	spop (v2sf)  }
0x33: {  	s22 =	simm.s32 $0xA;
	(v2sf) =	vpush v1, $0x8;
	[smem:s20] =	sst s21;
	s23 =	spop (v2sf)  }
0x34: {  	s24 =	simm.s32 $0xB;
	(v2sf) =	vpush v1, $0x9;
	[smem:s22] =	sst s23;
	s25 =	spop (v2sf)  }
0x35: {  	s28 =	simm.s32 $0xD;
	(v2sf) =	vpush v1, $0xA;
	[smem:s24] =	sst s25;
	s26 =	spop (v2sf)  }
0x36: {  	s4 =	simm.s32 $0x20;
	(v2sf) =	vpush v1, $0xB;
	[smem:s6] =	sst s26;
	s29 =	spop (v2sf)  }
0x37: {  	s30 =	simm.s32 $0xE;
	(v2sf) =	vpush v1, $0xC;
	[smem:s28] =	sst s29;
	s31 =	spop (v2sf)  }
0x38: {  	v15 =	vld.idx.msk [tilespmem:v0+s4+$0x0 ss:$0x1], $0xffff;
	s6 =	simm.s32 $0xF;
	(v2sf) =	vpush v1, $0xD;
	[smem:s30] =	sst s31;
	s7 =	spop (v2sf)  }
.LBB2_3:
0x39: {  	p0 =	sne.s32 s5, $0x18C0;
	[smem:s6] =	sst s7;
	s8 =	smov.u32 s5  }
0x3a: {  	(v2sf) =	vpush v1, $0xE;
	s5 =	sadd.s32 $0x40, s5;
	s6 =	smov.u32 s3;
	s3 =	smov.u32 s4  }
0x3b: {  	s7 =	sadd.s32 $0xC, s6;
	s4 =	spop (v2sf);
	(v2sf) =	vpush v1, $0xF  }
0x3c: {  	[smem:s6] =	sst s4;
	s4 =	sadd.s32 $0x1, s6;
	s9 =	spop (v2sf)  }
0x3d: {  	v1 =	vmov v15;
	(v2sf) =	vpush v15, $0x0;
	[smem:s4] =	sst s9;
	s4 =	sadd.s32 $0x2, s6;
	s9 =	spop (v2sf)  }
0x3e: {  	(v2sf) =	vpush v1, $0x1;
	[smem:s4] =	sst s9;
	s4 =	sadd.s32 $0x3, s6;
	s9 =	spop (v2sf)  }
0x3f: {  	(v2sf) =	vpush v1, $0x2;
	[smem:s4] =	sst s9;
	s4 =	sadd.s32 $0x4, s6;
	s9 =	spop (v2sf)  }
0x40: {  	(v2sf) =	vpush v1, $0x3;
	[smem:s4] =	sst s9;
	s4 =	sadd.s32 $0x5, s6;
	s9 =	spop (v2sf)  }
0x41: {  	(v2sf) =	vpush v1, $0x4;
	[smem:s4] =	sst s9;
	s4 =	sadd.s32 $0x6, s6;
	s9 =	spop (v2sf)  }
0x42: {  	(v2sf) =	vpush v1, $0x5;
	[smem:s4] =	sst s9;
	s4 =	sadd.s32 $0x7, s6;
	s9 =	spop (v2sf)  }
0x43: {  	s10 =	sadd.s32 $0x8, s6;
	(v2sf) =	vpush v1, $0x6;
	[smem:s4] =	sst s9;
	s4 =	spop (v2sf)  }
0x44: {  	(v2sf) =	vpush v1, $0x7;
	[smem:s10] =	sst s4;
	s4 =	sadd.s32 $0x9, s6;
	s9 =	spop (v2sf)  }
0x45: {  	(v2sf) =	vpush v1, $0x8;
	[smem:s4] =	sst s9;
	s4 =	sadd.s32 $0xA, s6;
	s9 =	spop (v2sf)  }
0x46: {  	[smem:s4] =	sst s9  }
.Ltmp0:
0x47: {  	(v2sf) =	vpush v1, $0x9;
	s9 =	sadd.s32 $0xB, s6;
	s10 =	spop (v2sf);
	(pc) =	sbr.rel @p0 .LBB2_3-.Ltmp0, $4  }
0x48: {  	s4 =	sshra.s32 s8, $0x2;
	(v2sf) =	vpush v1, $0xA;
	[smem:s9] =	sst s10;
	s8 =	spop (v2sf)  }
0x49: {  	v15 =	vld.idx.msk [tilespmem:v0+s4+$0x0 ss:$0x1], $0xffff;
	(v2sf) =	vpush v1, $0xB;
	[smem:s7] =	sst s8;
	s7 =	sadd.s32 $0xD, s6;
	s8 =	spop (v2sf)  }
0x4a: {  	(v2sf) =	vpush v1, $0xC;
	[smem:s7] =	sst s8;
	s7 =	sadd.s32 $0xE, s6;
	s8 =	spop (v2sf)  }
0x4b: {  	s6 =	sadd.s32 $0xF, s6;
	(v2sf) =	vpush v1, $0xD;
	[smem:s7] =	sst s8;
	s7 =	spop (v2sf)  }
0x4c: {  	(v2sf) =	vpush v1, $0xE  }
0x4d: {  	[smem:s6] =	sst s7;
	s5 =	spop (v2sf);
	(v2sf) =	vpush v1, $0xF  }
0x4e: {  	s25 =	sadd.s32 $0x1, s3;
	v0 =	vld [tilespmem:$0x0];
	[smem:s3] =	sst s5;
	s26 =	spop (v2sf);
	(v2sf) =	vpush v15, $0x0  }
0x4f: {  	s28 =	sadd.s32 $0x2, s3;
	v2 =	vld [tilespmem:$0x100];
	[smem:s25] =	sst s26;
	s29 =	spop (v2sf);
	(v2sf) =	vpush v15, $0x1  }
0x50: {  	s30 =	sadd.s32 $0x3, s3;
	v3 =	vld [tilespmem:$0x180];
	[smem:s28] =	sst s29;
	s31 =	spop (v2sf);
	(v2sf) =	vpush v15, $0x2  }
0x51: {  	s6 =	sadd.s32 $0x4, s3;
	v4 =	vld [tilespmem:$0x200];
	[smem:s30] =	sst s31;
	s7 =	spop (v2sf);
	(v2sf) =	vpush v15, $0x3  }
0x52: {  	s8 =	sadd.s32 $0x5, s3;
	v6 =	vld [tilespmem:$0x10];
	[smem:s6] =	sst s7;
	s9 =	spop (v2sf);
	(v2sf) =	vpush v15, $0x4  }
0x53: {  	s10 =	sadd.s32 $0x6, s3;
	v1 =	vld [tilespmem:$0x80];
	[smem:s8] =	sst s9;
	s11 =	spop (v2sf);
	(v2sf) =	vpush v15, $0x5  }
0x54: {  	s12 =	sadd.s32 $0x7, s3;
	v7 =	vld [tilespmem:$0x90];
	[smem:s10] =	sst s11;
	s13 =	spop (v2sf);
	(v2sf) =	vpush v15, $0x6  }
0x55: {  	v5 =	vld [tilespmem:$0x280];
	s14 =	sadd.s32 $0x8, s3;
	[smem:s12] =	sst s13;
	s15 =	spop (v2sf);
	(v2sf) =	vpush v15, $0x7  }
0x56: {  	s16 =	sadd.s32 $0x9, s3;
	v9 =	vld [tilespmem:$0x110];
	[smem:s14] =	sst s15;
	s17 =	spop (v2sf);
	(v2sf) =	vpush v15, $0x8  }
0x57: {  	v8 =	vld [tilespmem:$0x300];
	s18 =	sadd.s32 $0xA, s3;
	[smem:s16] =	sst s17;
	s19 =	spop (v2sf);
	(v2sf) =	vpush v15, $0x9  }
0x58: {  	s20 =	sadd.s32 $0xB, s3;
	v10 =	vld [tilespmem:$0x380];
	v14 =	vmul.f32 v0, v0;
	v16 =	vmul.f32 v1, v1;
	[smem:s18] =	sst s19;
	s21 =	spop (v2sf);
	(v2sf) =	vpush v15, $0xA  }
0x59: {  	s22 =	sadd.s32 $0xC, s3;
	v11 =	vld [tilespmem:$0x190];
	v17 =	vmul.f32 v6, v6;
	v18 =	vmul.f32 v7, v7;
	[smem:s20] =	sst s21;
	s23 =	spop (v2sf);
	(v2sf) =	vpush v15, $0xB  }
0x5a: {  	s24 =	sadd.s32 $0xD, s3;
	v12 =	vld [tilespmem:$0x400];
	v19 =	vmul.f32 v2, v2;
	v16 =	vadd.f32 v16, v14;
	[smem:s22] =	sst s23;
	s25 =	spop (v2sf);
	(v2sf) =	vpush v15, $0xC  }
0x5b: {  	v13 =	vld [tilespmem:$0x210];
	s26 =	sadd.s32 $0xE, s3;
	v17 =	vadd.f32 v18, v17;
	v18 =	vmul.f32 v9, v9;
	[smem:s24] =	sst s25;
	s28 =	spop (v2sf);
	(v2sf) =	vpush v15, $0xD  }
0x5c: {  	s29 =	sadd.s32 $0xF, s3;
	v20 =	vmul.f32 v3, v3;
	v14 =	vld [tilespmem:$0x480];
	v19 =	vadd.f32 v19, v16;
	[smem:s26] =	sst s28;
	s30 =	spop (v2sf);
	(v2sf) =	vpush v15, $0xE  }
0x5d: {  	v21 =	vadd.f32 v18, v17;
	v18 =	vld [tilespmem:$0x310];
	[smem:s29] =	sst s30;
	s31 =	spop (v2sf);
	(v2sf) =	vpush v15, $0xF  }
0x5e: {  	s5 =	sadd.s32 $0x1, s4;
	v22 =	vmul.f32 v11, v11;
	v23 =	vmul.f32 v4, v4;
	v19 =	vadd.f32 v20, v19;
	v15 =	vld [tilespmem:$0x290];
	[smem:s4] =	sst s31;
	s6 =	spop (v2sf)  }
0x5f: {  	s7 =	sadd.s32 $0x2, s4;
	v25 =	vmul.f32 v5, v5;
	v17 =	vld [tilespmem:$0x580];
	[smem:s5] =	sst s6;
	s8 =	spop (v2sf)  }
0x60: {  	s9 =	sadd.s32 $0x3, s4;
	v16 =	vld [tilespmem:$0x500];
	v21 =	vadd.f32 v22, v21;
	v22 =	vmul.f32 v13, v13;
	v24 =	vadd.f32 v23, v19;
	[smem:s7] =	sst s8;
	s10 =	spop (v2sf)  }
0x61: {  	s11 =	sadd.s32 $0x4, s4;
	v20 =	vld [tilespmem:$0x390];
	[smem:s9] =	sst s10;
	s12 =	spop (v2sf)  }
0x62: {  	v27 =	vmul.f32 v8, v8;
	s13 =	sadd.s32 $0x5, s4;
	v22 =	vadd.f32 v22, v21;
	v21 =	vld [tilespmem:$0x680];
	v24 =	vadd.f32 v25, v24;
	[smem:s11] =	sst s12;
	s14 =	spop (v2sf)  }
0x63: {  	s15 =	sadd.s32 $0x6, s4;
	v19 =	vld [tilespmem:$0x600];
	v26 =	vmul.f32 v15, v15;
	[smem:s13] =	sst s14;
	s16 =	spop (v2sf)  }
0x64: {  	s17 =	sadd.s32 $0x7, s4;
	v23 =	vld [tilespmem:$0x410];
	v24 =	vadd.f32 v27, v24;
	v27 =	vmul.f32 v10, v10;
	[smem:s15] =	sst s16;
	s18 =	spop (v2sf)  }
0x65: {  	s19 =	sadd.s32 $0x8, s4;
	v28 =	vmul.f32 v18, v18;
	v25 =	vld [tilespmem:$0x490];
	v26 =	vadd.f32 v26, v22;
	[smem:s17] =	sst s18;
	s20 =	spop (v2sf)  }
0x66: {  	v31 =	vmul.f32 v12, v12;
	s21 =	sadd.s32 $0x9, s4;
	v30 =	vadd.f32 v27, v24;
	v24 =	vld [tilespmem:$0x780];
	[smem:s19] =	sst s20;
	s22 =	spop (v2sf)  }
0x67: {  	s23 =	sadd.s32 $0xA, s4;
	v29 =	vmul.f32 v20, v20;
	v27 =	vld [tilespmem:$0x590];
	v28 =	vadd.f32 v28, v26;
	[smem:s21] =	sst s22;
	s24 =	spop (v2sf)  }
0x68: {  	v33 =	vmul.f32 v14, v14;
	s25 =	sadd.s32 $0xB, s4;
	v31 =	vadd.f32 v31, v30;
	v26 =	vld [tilespmem:$0x510];
	[smem:s23] =	sst s24;
	s26 =	spop (v2sf)  }
0x69: {  	s28 =	sadd.s32 $0xC, s4;
	v32 =	vmul.f32 v23, v23;
	v30 =	vld [tilespmem:$0x690];
	v29 =	vadd.f32 v29, v28;
	[smem:s25] =	sst s26;
	s29 =	spop (v2sf)  }
0x6a: {  	v35 =	vmul.f32 v16, v16;
	s30 =	sadd.s32 $0xD, s4;
	v22 =	vld [tilespmem:$0x700];
	v33 =	vadd.f32 v33, v31;
	[smem:s28] =	sst s29;
	s31 =	spop (v2sf)  }
0x6b: {  	s6 =	sadd.s32 $0xE, s4;
	v34 =	vmul.f32 v25, v25;
	v31 =	vld [tilespmem:$0x790];
	v32 =	vadd.f32 v32, v29;
	[smem:s30] =	sst s31;
	s7 =	spop (v2sf)  }
0x6c: {  	v37 =	vmul.f32 v17, v17;
	s8 =	sadd.s32 $0xF, s4;
	v33 =	vadd.f32 v35, v33;
	v28 =	vld [tilespmem:$0x610];
	[smem:s6] =	sst s7;
	s9 =	spop (v2sf)  }
0x6d: {  	v29 =	vld [tilespmem:$0x710];
	v36 =	vmul.f32 v26, v26;
	v32 =	vadd.f32 v34, v32;
	[smem:s8] =	sst s9  }
0x6e: {  	v41 =	vmul.f32 v21, v21;
	v39 =	vmul.f32 v19, v19;
	v33 =	vadd.f32 v37, v33;
	s3 =	sld [smem:$0x2]  }
0x6f: {  	v38 =	vmul.f32 v27, v27;
	v47 =	vmul.f32 v24, v24;
	v32 =	vadd.f32 v36, v32;
	s10 =	sld [smem:$0x1]  }
0x70: {  	v42 =	vmul.f32 v22, v22;
	v49 =	vmul.f32 v31, v31;
	v33 =	vadd.f32 v39, v33;
	s11 =	sld [smem:$0x0]  }
0x71: {  	v40 =	vmul.f32 v28, v28;
	v36 =	vmul.f32 v30, v30;
	v32 =	vadd.f32 v38, v32  }
0x72: {  	v33 =	vadd.f32 v41, v33;
	v37 =	vmul.f32 v29, v29;
	s12 =	sld [smem:$0xE];
	v45 =	vmul.f32 s3, v9  }
0x73: {  	v32 =	vadd.f32 v40, v32;
	v43 =	vmul.f32 s10, v7;
	s13 =	sld [smem:$0x3];
	v38 =	vmul.f32 s11, v6  }
0x74: {  	v33 =	vadd.f32 v42, v33;
	v44 =	vmul.f32 s10, v1;
	v39 =	vmul.f32 s11, v0;
	s14 =	sld [smem:$0x4]  }
0x75: {  	v46 =	vmul.f32 s3, v2;
	v32 =	vadd.f32 v36, v32;
	v35 =	vadd.f32 v43, v38  }
0x76: {  	s15 =	sld [smem:$0x5];
	v36 =	vadd.f32 v44, v39;
	v48 =	vmul.f32 s13, v11;
	v40 =	vmul.f32 s13, v3  }
0x77: {  	s16 =	sld [smem:$0x6];
	v37 =	vadd.f32 v37, v32;
	v32 =	vadd.f32 v47, v33;
	v50 =	vmul.f32 s14, v13  }
0x78: {  	s17 =	sld [smem:$0xF];
	v51 =	vmul.f32 s14, v4;
	v33 =	vmov s1;
	v34 =	vadd.f32 v45, v35  }
0x79: {  	v47 =	vmul.f32 s12, v22;
	v36 =	vadd.f32 v46, v36;
	s18 =	sld [smem:$0x7];
	v52 =	vmul.f32 s15, v15  }
0x7a: {  	v53 =	vmul.f32 s15, v5;
	s8 =	sld [smem:$0x8];
	v54 =	vmul.f32 s16, v18;
	v39 =	vadd.f32 v48, v34  }
0x7b: {  	v55 =	vmul.f32 s16, v8;
	v34 =	vadd.f32 v49, v37;
	v36 =	vadd.f32 v40, v36;
	s19 =	sld [smem:$0xD]  }
0x7c: {  	v42 =	vmul.f32 s17, v31;
	v48 =	vmul.f32 s17, v24;
	s20 =	sld [smem:$0x9];
	v38 =	vadd.f32 v50, v39  }
0x7d: {  	v41 =	vmul.f32 s18, v20;
	v56 =	vmul.f32 s18, v10;
	v35 =	vadd.f32 v51, v36;
	s21 =	sld [smem:$0xA]  }
0x7e: {  	v57 =	vmul.f32 s8, v23;
	v58 =	vmul.f32 s8, v12;
	s22 =	sld [smem:$0xC];
	v37 =	vadd.f32 v52, v38  }
0x7f: {  	v43 =	vmul.f32 s19, v30;
	v35 =	vadd.f32 v53, v35;
	v59 =	vmul.f32 s20, v25;
	s9 =	sld [smem:$0xB]  }
0x80: {  	v60 =	vmul.f32 s20, v14;
	v38 =	vmul.f32 s19, v21;
	s23 =	sld [smem:$0x12];
	v37 =	vadd.f32 v54, v37  }
0x81: {  	v44 =	vmul.f32 s21, v26;
	v45 =	vmul.f32 s21, v16;
	v35 =	vadd.f32 v55, v35;
	s24 =	sld [smem:$0x11]  }
0x82: {  	v46 =	vmul.f32 s22, v28;
	v61 =	vmul.f32 s9, v27;
	s10 =	sld [smem:$0x10];
	v37 =	vadd.f32 v41, v37  }
0x83: {  	v62 =	vmul.f32 s9, v17;
	v35 =	vadd.f32 v56, v35;
	v51 =	vmul.f32 s23, v9  }
0x84: {  	s3 =	sld [smem:$0x1E];
	v52 =	vmul.f32 s23, v2;
	v63 =	vmul.f32 s24, v1;
	v37 =	vadd.f32 v57, v37  }
0x85: {  	v49 =	vmul.f32 s24, v7;
	s25 =	sld [smem:$0x13];
	v35 =	vadd.f32 v58, v35;
	v50 =	vmul.f32 s10, v6  }
0x86: {  	v56 =	vmul.f32 s10, v0;
	s26 =	sld [smem:$0x14];
	v58 =	vmul.f32 s12, v29;
	v36 =	vadd.f32 v59, v37  }
0x87: {  	s28 =	sld [smem:$0x15];
	v37 =	vmul.f32 s22, v19;
	v35 =	vadd.f32 v60, v35;
	v59 =	vadd.f32 v49, v50  }
0x88: {  	v57 =	vmul.f32 s25, v3;
	v41 =	vadd.f32 v63, v56;
	s29 =	sld [smem:$0x16];
	v36 =	vadd.f32 v44, v36  }
0x89: {  	v60 =	vmul.f32 s25, v11;
	s6 =	sld [smem:$0x1F];
	v35 =	vadd.f32 v45, v35;
	v63 =	vadd.f32 v51, v59  }
0x8a: {  	v51 =	vmul.f32 s26, v4;
	v55 =	vmul.f32 s28, v5;
	s30 =	sld [smem:$0x17];
	v36 =	vadd.f32 v61, v36  }
0x8b: {  	v56 =	vmul.f32 s29, v18;
	s31 =	sld [smem:$0x18];
	v35 =	vadd.f32 v62, v35;
	v62 =	vadd.f32 v52, v41  }
0x8c: {  	v61 =	vmul.f32 s26, v13;
	v54 =	vadd.f32 v60, v63;
	s8 =	sld [smem:$0x1D];
	v36 =	vadd.f32 v46, v36  }
0x8d: {  	v52 =	vmul.f32 s28, v15;
	s11 =	sld [smem:$0x19];
	v35 =	vadd.f32 v37, v35;
	v53 =	vadd.f32 v57, v62  }
0x8e: {  	v59 =	vmul.f32 s30, v20;
	v57 =	vadd.f32 v61, v54;
	v36 =	vadd.f32 v43, v36  }
0x8f: {  	v39 =	vmul.f32 s30, v10;
	v38 =	vadd.f32 v38, v35;
	v37 =	vadd.f32 v51, v53  }
0x90: {  	v35 =	vmul.f32 s6, v31;
	v61 =	vadd.f32 v52, v57;
	v40 =	vmul.f32 s11, v25  }
0x91: {  	v43 =	vmul.f32 s11, v14;
	v36 =	vadd.f32 v58, v36;
	v60 =	vadd.f32 v47, v38  }
0x92: {  	v58 =	vmul.f32 s29, v8;
	v37 =	vadd.f32 v55, v37;
	v41 =	vadd.f32 v56, v61  }
0x93: {  	s10 =	sld [smem:$0x1A];
	v38 =	vmul.f32 s31, v23;
	v62 =	vadd.f32 v48, v60;
	v63 =	vadd.f32 v42, v36  }
0x94: {  	s5 =	simm.s32 $0x10;
	s9 =	sld [smem:$0x1C];
	v44 =	vadd.f32 v58, v37;
	v42 =	vmul.f32 s31, v12;
	v45 =	vadd.f32 v59, v41  }
0x95: {  	s4 =	simm.s32 $0x0;
	s7 =	simm.s32 $0x80;
	s11 =	sld [smem:$0x1B];
	v36 =	vmul.f32 s8, v30;
	v37 =	vadd.f32 v62, v32;
	v41 =	vadd.f32 v63, v34  }
.LBB2_5:
0x96: {  	s12 =	sshra.s32 s7, $0x2;
	p0 =	sne.s32 s7, $0x18C0;
	s7 =	sadd.s32 $0x40, s7;
	v39 =	vadd.f32 v39, v44;
	v44 =	vmul.f32 s10, v26;
	v46 =	vmul.f32 s8, v21  }
0x97: {  	s8 =	sld [smem:s12+$0x2];
	v38 =	vadd.f32 v38, v45;
	v45 =	vmul.f32 s10, v16;
	v37 =	vmin.f32 v37, v41  }
0x98: {  	s10 =	sld [smem:s12+$0x1];
	v39 =	vadd.f32 v42, v39;
	v41 =	vmul.f32 s11, v27;
	v42 =	vmul.f32 s9, v28;
	[tilespmem:v33+s4+$0x0 ss:$0x1] =	vst.idx.msk $0xffff, v37;
	s4 =	smov.u32 s5;
	s5 =	smov.u32 s12  }
0x99: {  	s12 =	sld [smem:s5+$0x0];
	v37 =	vadd.f32 v40, v38;
	v38 =	vmul.f32 s11, v17;
	v40 =	vmul.f32 s3, v22  }
0x9a: {  	v47 =	vmul.f32 s6, v24;
	s11 =	sld [smem:s5+$0xE];
	v39 =	vadd.f32 v43, v39;
	v43 =	vmul.f32 s9, v19  }
0x9b: {  	v48 =	vmul.f32 s10, v1;
	v49 =	vmul.f32 s10, v7;
	s6 =	sld [smem:s5+$0x3]  }
0x9c: {  	v51 =	vmul.f32 s8, v9;
	v37 =	vadd.f32 v44, v37;
	v50 =	vmul.f32 s12, v6  }
0x9d: {  	v52 =	vmul.f32 s8, v2;
	v44 =	vmul.f32 s12, v0;
	v39 =	vadd.f32 v45, v39;
	s8 =	sld [smem:s5+$0x4]  }
0x9e: {  	v37 =	vadd.f32 v41, v37;
	v41 =	vmul.f32 s3, v29;
	s3 =	smov.u32 s11;
	v45 =	vmul.f32 s6, v3  }
0x9f: {  	v44 =	vadd.f32 v48, v44;
	v48 =	vadd.f32 v49, v50;
	v49 =	vmul.f32 s6, v11;
	s9 =	sld [smem:s5+$0x5]  }
0xa0: {  	v38 =	vadd.f32 v38, v39;
	v37 =	vadd.f32 v42, v37;
	v50 =	vmul.f32 s8, v13  }
0xa1: {  	v39 =	vadd.f32 v52, v44;
	v42 =	vadd.f32 v51, v48;
	v44 =	vmul.f32 s8, v4;
	s8 =	sld [smem:s5+$0x6]  }
0xa2: {  	v38 =	vadd.f32 v43, v38;
	v36 =	vadd.f32 v36, v37;
	v48 =	vmul.f32 s9, v15;
	s6 =	sld [smem:s5+$0xF]  }
0xa3: {  	v37 =	vadd.f32 v45, v39;
	v39 =	vadd.f32 v49, v42;
	v42 =	vmul.f32 s9, v5;
	s9 =	sld [smem:s5+$0x7]  }
0xa4: {  	v38 =	vadd.f32 v46, v38;
	v36 =	vadd.f32 v41, v36;
	v43 =	vmul.f32 s8, v18  }
0xa5: {  	v37 =	vadd.f32 v44, v37;
	v39 =	vadd.f32 v50, v39;
	v41 =	vmul.f32 s8, v8;
	s10 =	sld [smem:s5+$0x8]  }
0xa6: {  	v40 =	vadd.f32 v40, v38;
	v44 =	vmul.f32 s6, v31;
	v45 =	vmul.f32 s9, v20;
	s8 =	sld [smem:s5+$0xD]  }
.Ltmp1:
0xa7: {  	v37 =	vadd.f32 v42, v37;
	v42 =	vadd.f32 v48, v39;
	v39 =	vmul.f32 s9, v10;
	s11 =	sld [smem:s5+$0x9];
	(pc) =	sbr.rel @p0 .LBB2_5-.Ltmp1, $4  }
0xa8: {  	v46 =	vadd.f32 v47, v40;
	v47 =	vadd.f32 v35, v36;
	v35 =	vmovc v44;
	v38 =	vmul.f32 s10, v23  }
0xa9: {  	v44 =	vadd.f32 v41, v37;
	v41 =	vadd.f32 v43, v42;
	v42 =	vmul.f32 s10, v12;
	s10 =	sld [smem:s5+$0xA]  }
0xaa: {  	v37 =	vadd.f32 v46, v32;
	v36 =	vmul.f32 s8, v30;
	v40 =	vmul.f32 s11, v25;
	s9 =	sld [smem:s5+$0xC]  }
0xab: {  	v45 =	vadd.f32 v45, v41;
	v43 =	vmul.f32 s11, v14;
	v41 =	vadd.f32 v47, v34;
	s11 =	sld [smem:s5+$0xB]  }
0xac: {  	v0 =	vadd.f32 v39, v44;
	_ =	sdelay $0x1  }
0xad: {  	v1 =	vadd.f32 v38, v45;
	v0 =	vadd.f32 v42, v0  }
0xae: {  	v2 =	vmul.f32 s10, v26  }
0xaf: {  	v3 =	vmul.f32 s10, v16;
	v1 =	vadd.f32 v40, v1;
	v0 =	vadd.f32 v43, v0  }
0xb0: {  	v4 =	vmul.f32 s11, v27  }
0xb1: {  	v5 =	vmul.f32 s11, v17;
	v1 =	vadd.f32 v2, v1;
	v0 =	vadd.f32 v3, v0  }
0xb2: {  	v57 =	vmul.f32 s9, v28  }
0xb3: {  	v58 =	vmul.f32 s9, v19;
	v1 =	vadd.f32 v4, v1;
	v0 =	vadd.f32 v5, v0;
	_ =	sdelay $0x1  }
0xb4: {  	v59 =	vmul.f32 s8, v21;
	v1 =	vadd.f32 v57, v1;
	v0 =	vadd.f32 v58, v0  }
0xb5: {  	v60 =	vmul.f32 s3, v22  }
0xb6: {  	v61 =	vmul.f32 s3, v29;
	v1 =	vadd.f32 v36, v1;
	v0 =	vadd.f32 v59, v0;
	_ =	sdelay $0x1  }
0xb7: {  	v62 =	vmul.f32 s6, v24;
	v1 =	vadd.f32 v61, v1;
	v0 =	vadd.f32 v60, v0  }
0xb8: {  	s2 =	sadd.s32 $0x1, s2  }
0xb9: {  	p0 =	sne.s32 s2, $0xA;
	v1 =	vadd.f32 v35, v1;
	v0 =	vadd.f32 v62, v0  }
.Ltmp2:
0xba: {  	_ = 	snop;
	(pc) =	sbr.rel @p0 .LBB2_2-.Ltmp2, $4  }
0xbb: {  	v1 =	vadd.f32 v1, v34;
	v0 =	vadd.f32 v0, v32  }
0xbc: {  	v63 =	vmin.f32 v37, v41  }
0xbd: {  	[tilespmem:v33+s4+$0x0 ss:$0x1] =	vst.idx.msk $0xffff, v63;
	v0 =	vmin.f32 v0, v1  }
0xbe: {  	s0 =	sadd.s32 $0x640, s0;
	s1 =	sadd.s32 $0x640, s1;
	[tilespmem:v33+s5+$0x0 ss:$0x1] =	vst.idx.msk $0xffff, v0  }
0xbf: {  	s0 =	simm.s32 $0x4700  }
0xc0: {  	v0 =	vld [tilespmem:s0+$0x60];
	_ =	sdelay $0x4  }
0xc1: {  	(v2sf) =	vpush v0, $0x0  }
0xc2: {  	(v2sf) =	vpush v0, $0x1  }
0xc3: {  	(v2sf) =	vpush v0, $0x2  }
0xc4: {  	(v2sf) =	vpush v0, $0x3  }
0xc5: {  	(v2sf) =	vpush v0, $0x4  }
0xc6: {  	(v2sf) =	vpush v0, $0x5  }
0xc7: {  	(v2sf) =	vpush v0, $0x6  }
0xc8: {  	(v2sf) =	vpush v0, $0x7  }
0xc9: {  	(v2sf) =	vpush v0, $0x8  }
0xca: {  	(v2sf) =	vpush v0, $0x9  }
0xcb: {  	s19 =	simm.s32 $0x4700;
	(v2sf) =	vpush v0, $0xA  }
0xcc: {  	v1 =	vld [tilespmem:s19+$0x50];
	(v2sf) =	vpush v0, $0xB  }
0xcd: {  	(v2sf) =	vpush v0, $0xC  }
0xce: {  	(v2sf) =	vpush v0, $0xD  }
0xcf: {  	(v2sf) =	vpush v0, $0xE  }
0xd0: {  	s16 =	spop (v2sf);
	(v2sf) =	vpush v0, $0xF  }
0xd1: {  	(v2sf) =	vpush v1, $0x0;
	s22 =	spop (v2sf)  }
0xd2: {  	(v2sf) =	vpush v1, $0x1;
	s24 =	spop (v2sf)  }
0xd3: {  	(v2sf) =	vpush v1, $0x2;
	s9 =	spop (v2sf)  }
0xd4: {  	(v2sf) =	vpush v1, $0x3;
	s12 =	spop (v2sf)  }
0xd5: {  	(v2sf) =	vpush v1, $0x4;
	s8 =	spop (v2sf)  }
0xd6: {  	(v2sf) =	vpush v1, $0x5;
	s10 =	spop (v2sf)  }
0xd7: {  	(v2sf) =	vpush v1, $0x6;
	s31 =	spop (v2sf)  }
0xd8: {  	(v2sf) =	vpush v1, $0x7;
	s7 =	spop (v2sf)  }
0xd9: {  	(v2sf) =	vpush v1, $0x8;
	s5 =	spop (v2sf)  }
0xda: {  	(v2sf) =	vpush v1, $0x9;
	s6 =	spop (v2sf)  }
0xdb: {  	s20 =	simm.s32 $0x4700;
	(v2sf) =	vpush v1, $0xA;
	s4 =	spop (v2sf)  }
0xdc: {  	v0 =	vld [tilespmem:s20+$0x40];
	(v2sf) =	vpush v1, $0xB;
	s3 =	spop (v2sf)  }
0xdd: {  	(v2sf) =	vpush v1, $0xC;
	s1 =	spop (v2sf)  }
0xde: {  	(v2sf) =	vpush v1, $0xD;
	s2 =	spop (v2sf)  }
0xdf: {  	(v2sf) =	vpush v1, $0xE;
	s0 =	spop (v2sf)  }
0xe0: {  	s11 =	spop (v2sf);
	(v2sf) =	vpush v1, $0xF  }
0xe1: {  	s16 =	smin.f32 s16, s22;
	(v2sf) =	vpush v0, $0x0;
	s21 =	spop (v2sf)  }
0xe2: {  	s9 =	smin.f32 s24, s9;
	(v2sf) =	vpush v0, $0x1;
	s23 =	spop (v2sf)  }
0xe3: {  	s16 =	smin.f32 s16, s9;
	(v2sf) =	vpush v0, $0x2;
	s26 =	spop (v2sf)  }
0xe4: {  	s12 =	smin.f32 s12, s8;
	(v2sf) =	vpush v0, $0x3;
	s30 =	spop (v2sf)  }
0xe5: {  	[smem:$0x79A] =	sst s23;
	(v2sf) =	vpush v0, $0x4;
	s23 =	spop (v2sf)  }
0xe6: {  	s10 =	smin.f32 s10, s31;
	(v2sf) =	vpush v0, $0x5;
	s28 =	spop (v2sf)  }
0xe7: {  	s5 =	smin.f32 s7, s5;
	(v2sf) =	vpush v0, $0x6;
	s19 =	spop (v2sf)  }
0xe8: {  	s4 =	smin.f32 s6, s4;
	(v2sf) =	vpush v0, $0x7;
	s25 =	spop (v2sf)  }
0xe9: {  	s4 =	smin.f32 s5, s4;
	(v2sf) =	vpush v0, $0x8;
	s20 =	spop (v2sf)  }
0xea: {  	[smem:$0x799] =	sst s21;
	(v2sf) =	vpush v0, $0x9;
	s21 =	spop (v2sf)  }
0xeb: {  	s18 =	simm.s32 $0x4700;
	s1 =	smin.f32 s3, s1;
	(v2sf) =	vpush v0, $0xA;
	s17 =	spop (v2sf)  }
0xec: {  	[dreg:$0x3] =	wrdreg s4;
	v1 =	vld [tilespmem:s18+$0x30];
	(v2sf) =	vpush v0, $0xB;
	s15 =	spop (v2sf)  }
0xed: {  	s0 =	smin.f32 s2, s0;
	(v2sf) =	vpush v0, $0xC;
	s13 =	spop (v2sf)  }
0xee: {  	[smem:$0x798] =	sst s11;
	(v2sf) =	vpush v0, $0xD;
	s14 =	spop (v2sf)  }
0xef: {  	s0 =	smin.f32 s1, s0;
	(v2sf) =	vpush v0, $0xE;
	s11 =	spop (v2sf)  }
0xf0: {  	[dreg:$0x4] =	wrdreg s0;
	(v2sf) =	vpush v0, $0xF;
	s29 =	spop (v2sf)  }
0xf1: {  	[smem:$0x79B] =	sst s29;
	(v2sf) =	vpush v1, $0x0;
	s29 =	spop (v2sf)  }
0xf2: {  	[smem:$0x79C] =	sst s29;
	(v2sf) =	vpush v1, $0x1;
	s29 =	spop (v2sf)  }
0xf3: {  	[smem:$0x79D] =	sst s29;
	(v2sf) =	vpush v1, $0x2;
	s29 =	spop (v2sf)  }
0xf4: {  	[smem:$0x79E] =	sst s29;
	(v2sf) =	vpush v1, $0x3;
	s29 =	spop (v2sf)  }
0xf5: {  	[smem:$0x79F] =	sst s29;
	(v2sf) =	vpush v1, $0x4;
	s29 =	spop (v2sf)  }
0xf6: {  	[smem:$0x7A0] =	sst s29;
	(v2sf) =	vpush v1, $0x5;
	s29 =	spop (v2sf)  }
0xf7: {  	[smem:$0x7A1] =	sst s29;
	(v2sf) =	vpush v1, $0x6;
	s29 =	spop (v2sf)  }
0xf8: {  	[smem:$0x7A2] =	sst s29;
	(v2sf) =	vpush v1, $0x7;
	s29 =	spop (v2sf)  }
0xf9: {  	[smem:$0x7A3] =	sst s29;
	(v2sf) =	vpush v1, $0x8;
	s29 =	spop (v2sf)  }
0xfa: {  	[smem:$0x7A4] =	sst s29;
	(v2sf) =	vpush v1, $0x9;
	s29 =	spop (v2sf)  }
0xfb: {  	[smem:$0x7A5] =	sst s29;
	(v2sf) =	vpush v1, $0xA;
	s29 =	spop (v2sf)  }
0xfc: {  	v0 =	vld [tilespmem:s18+$0x20];
	[smem:$0x7A6] =	sst s29;
	(v2sf) =	vpush v1, $0xB;
	s29 =	spop (v2sf)  }
0xfd: {  	[smem:$0x7A7] =	sst s29;
	(v2sf) =	vpush v1, $0xC;
	s29 =	spop (v2sf)  }
0xfe: {  	[smem:$0x7A8] =	sst s29;
	(v2sf) =	vpush v1, $0xD;
	s29 =	spop (v2sf)  }
0xff: {  	[smem:$0x7A9] =	sst s29;
	(v2sf) =	vpush v1, $0xE;
	s29 =	spop (v2sf)  }
0x100: {  	[smem:$0x7AA] =	sst s29;
	(v2sf) =	vpush v1, $0xF;
	s29 =	spop (v2sf)  }
0x101: {  	[smem:$0x7AB] =	sst s29;
	(v2sf) =	vpush v0, $0x0;
	s29 =	spop (v2sf)  }
0x102: {  	[smem:$0x7AC] =	sst s29;
	(v2sf) =	vpush v0, $0x1;
	s29 =	spop (v2sf)  }
0x103: {  	[smem:$0x7AD] =	sst s29;
	s29 =	spop (v2sf)  }
0x104: {  	(v2sf) =	vpush v0, $0x2;
	[smem:$0x7AE] =	sst s29;
	s29 =	spop (v2sf)  }
0x105: {  	(v2sf) =	vpush v0, $0x3;
	[smem:$0x7AF] =	sst s29;
	s29 =	spop (v2sf)  }
0x106: {  	[smem:$0x7B0] =	sst s29;
	s29 =	spop (v2sf)  }
0x107: {  	(v2sf) =	vpush v0, $0x4;
	[smem:$0x7B1] =	sst s29;
	s29 =	spop (v2sf)  }
0x108: {  	[smem:$0x7B2] =	sst s29;
	s29 =	spop (v2sf)  }
0x109: {  	(v2sf) =	vpush v0, $0x5;
	[smem:$0x7B3] =	sst s29;
	s29 =	spop (v2sf)  }
0x10a: {  	(v2sf) =	vpush v0, $0x6;
	[smem:$0x7B4] =	sst s29;
	s29 =	spop (v2sf)  }
0x10b: {  	(v2sf) =	vpush v0, $0x7;
	[smem:$0x7B5] =	sst s29;
	s29 =	spop (v2sf)  }
0x10c: {  	s3 =	sld [smem:$0x79A];
	s22 =	spop (v2sf)  }
0x10d: {  	s5 =	smin.f32 s30, s23;
	(v2sf) =	vpush v0, $0x8;
	s24 =	spop (v2sf)  }
0x10e: {  	[smem:$0x7B6] =	sst s29;
	s29 =	spop (v2sf)  }
0x10f: {  	s4 =	smin.f32 s3, s26;
	(v2sf) =	vpush v0, $0x9;
	s8 =	spop (v2sf)  }
0x110: {  	v1 =	vld [tilespmem:s18+$0x10];
	(v2sf) =	vpush v0, $0xA;
	[smem:$0x7B7] =	sst s24;
	s18 =	spop (v2sf)  }
0x111: {  	(v2sf) =	vpush v0, $0xB;
	[smem:$0x7B8] =	sst s29;
	s31 =	spop (v2sf)  }
0x112: {  	s6 =	smin.f32 s28, s19;
	(v2sf) =	vpush v0, $0xC;
	[smem:$0x7B9] =	sst s31  }
0x113: {  	s7 =	spop (v2sf);
	s31 =	smin.f32 s12, s10  }
0x114: {  	(v2sf) =	vpush v0, $0xD;
	[smem:$0x7BA] =	sst s7;
	s29 =	spop (v2sf)  }
0x115: {  	(v2sf) =	vpush v0, $0xE;
	s12 =	smin.f32 s16, s31;
	s31 =	sld [smem:$0x799]  }
0x116: {  	(v2sf) =	vpush v0, $0xF;
	s24 =	spop (v2sf);
	[dreg:$0x5] =	wrdreg s12  }
0x117: {  	s15 =	smin.f32 s15, s13;
	(v2sf) =	vpush v1, $0x0;
	[smem:$0x7BB] =	sst s24  }
0x118: {  	(v2sf) =	vpush v1, $0x1;
	s7 =	spop (v2sf);
	s24 =	sld [smem:$0x798]  }
0x119: {  	(v2sf) =	vpush v1, $0x2;
	[smem:$0x7BC] =	sst s7;
	s9 =	spop (v2sf)  }
0x11a: {  	(v2sf) =	vpush v1, $0x3;
	[smem:$0x7BD] =	sst s9;
	s10 =	spop (v2sf)  }
0x11b: {  	(v2sf) =	vpush v1, $0x4;
	s9 =	smin.f32 s25, s20;
	[smem:$0x7BE] =	sst s10  }
0x11c: {  	(v2sf) =	vpush v1, $0x5;
	s16 =	spop (v2sf);
	s1 =	smin.f32 s24, s31  }
0x11d: {  	(v2sf) =	vpush v1, $0x6;
	s10 =	smin.f32 s21, s17;
	s17 =	smin.f32 s5, s6  }
0x11e: {  	(v2sf) =	vpush v1, $0x7;
	[smem:$0x7BF] =	sst s16;
	s2 =	spop (v2sf)  }
0x11f: {  	(v2sf) =	vpush v1, $0x8;
	s16 =	smin.f32 s14, s11;
	s26 =	spop (v2sf)  }
0x120: {  	s1 =	smin.f32 s1, s4;
	(v2sf) =	vpush v1, $0x9;
	s30 =	spop (v2sf)  }
0x121: {  	[smem:$0x7C0] =	sst s2;
	(v2sf) =	vpush v1, $0xA;
	s7 =	spop (v2sf)  }
0x122: {  	s12 =	simm.s32 $0x4700;
	s25 =	smin.f32 s9, s10;
	(v2sf) =	vpush v1, $0xB;
	[smem:$0x7C1] =	sst s7  }
0x123: {  	v0 =	vld [tilespmem:s12+$0x0];
	s4 =	smin.f32 s15, s16;
	(v2sf) =	vpush v1, $0xC;
	[dreg:$0x6] =	wrdreg s25  }
0x124: {  	s1 =	smin.f32 s1, s17;
	[dreg:$0x7] =	wrdreg s4  }
0x125: {  	[dreg:$0x8] =	wrdreg s1  }
0x126: {  	s7 =	sld [smem:$0x79B]  }
0x127: {  	s9 =	sld [smem:$0x79C]  }
0x128: {  	s11 =	sld [smem:$0x79D]  }
0x129: {  	s13 =	sld [smem:$0x79E]  }
0x12a: {  	s15 =	sld [smem:$0x79F]  }
0x12b: {  	s24 =	spop (v2sf);
	s16 =	sld [smem:$0x7A0]  }
0x12c: {  	s25 =	sld [smem:$0x7A1];
	s23 =	spop (v2sf)  }
0x12d: {  	s3 =	sld [smem:$0x7A3];
	s0 =	spop (v2sf)  }
0x12e: {  	s19 =	spop (v2sf);
	s1 =	smin.f32 s7, s9  }
0x12f: {  	s4 =	smin.f32 s11, s13;
	s20 =	spop (v2sf)  }
0x130: {  	s7 =	sld [smem:$0x7A4];
	s21 =	spop (v2sf)  }
0x131: {  	s11 =	sld [smem:$0x7A6];
	s31 =	spop (v2sf)  }
0x132: {  	[smem:$0x7C2] =	sst s31  }
0x133: {  	s5 =	spop (v2sf);
	s31 =	sld [smem:$0x7A2]  }
0x134: {  	[smem:$0x7C3] =	sst s5;
	s6 =	spop (v2sf)  }
0x135: {  	s5 =	smin.f32 s15, s16;
	s16 =	sld [smem:$0x7A7]  }
0x136: {  	[smem:$0x7C4] =	sst s6;
	s10 =	spop (v2sf)  }
0x137: {  	(v2sf) =	vpush v1, $0xD;
	s0 =	smin.f32 s23, s0;
	[smem:$0x7C5] =	sst s10  }
0x138: {  	s1 =	smin.f32 s1, s4;
	s10 =	sld [smem:$0x7A5]  }
0x139: {  	(v2sf) =	vpush v1, $0xE;
	s6 =	smin.f32 s25, s31;
	s25 =	sld [smem:$0x7A9]  }
0x13a: {  	(v2sf) =	vpush v1, $0xF;
	s14 =	spop (v2sf);
	s31 =	sld [smem:$0x7AA]  }
0x13b: {  	(v2sf) =	vpush v0, $0x0;
	[smem:$0x7C6] =	sst s14;
	s17 =	spop (v2sf)  }
0x13c: {  	s5 =	smin.f32 s5, s6;
	[smem:$0x7C7] =	sst s17  }
0x13d: {  	(v2sf) =	vpush v0, $0x1;
	s14 =	spop (v2sf);
	s17 =	sld [smem:$0x7A8]  }
0x13e: {  	s1 =	smin.f32 s1, s5;
	s23 =	sld [smem:$0x7C6]  }
0x13f: {  	(v2sf) =	vpush v0, $0x2;
	s13 =	smin.f32 s10, s11;
	[dreg:$0xb] =	wrdreg s1  }
0x140: {  	(v2sf) =	vpush v0, $0x3;
	s11 =	smin.f32 s25, s31;
	s25 =	sld [smem:$0x7AB]  }
0x141: {  	s9 =	spop (v2sf);
	s31 =	sld [smem:$0x7AC]  }
0x142: {  	s7 =	smin.f32 s3, s7;
	[smem:$0x7C8] =	sst s9  }
0x143: {  	(v2sf) =	vpush v0, $0x4;
	s2 =	spop (v2sf);
	s7 =	smin.f32 s7, s13  }
0x144: {  	s10 =	smin.f32 s16, s17;
	[dreg:$0x9] =	wrdreg s7  }
0x145: {  	s16 =	spop (v2sf);
	s7 =	sld [smem:$0x7AD]  }
0x146: {  	(v2sf) =	vpush v0, $0x5;
	s3 =	spop (v2sf);
	s11 =	smin.f32 s10, s11  }
0x147: {  	s1 =	smin.f32 s25, s31;
	s25 =	sld [smem:$0x7B1]  }
0x148: {  	(v2sf) =	vpush v0, $0x6;
	s31 =	sld [smem:$0x7B2];
	s15 =	spop (v2sf)  }
0x149: {  	(v2sf) =	vpush v0, $0x7;
	[dreg:$0xa] =	wrdreg s11;
	s4 =	spop (v2sf)  }
0x14a: {  	s11 =	sld [smem:$0x7AF];
	s9 =	spop (v2sf)  }
0x14b: {  	[smem:$0x7C9] =	sst s9  }
0x14c: {  	v1 =	vld [tilespmem:s12+$0xFFFFFFF0];
	(v2sf) =	vpush v0, $0x8;
	s12 =	spop (v2sf);
	s9 =	sld [smem:$0x7AE]  }
0x14d: {  	[smem:$0x7CA] =	sst s12  }
0x14e: {  	(v2sf) =	vpush v0, $0x9;
	s13 =	spop (v2sf);
	s12 =	sld [smem:$0x7B0]  }
0x14f: {  	[smem:$0x7CB] =	sst s13;
	s6 =	spop (v2sf)  }
0x150: {  	(v2sf) =	vpush v0, $0xA;
	[smem:$0x7CC] =	sst s6;
	s5 =	smin.f32 s7, s9  }
0x151: {  	s7 =	smin.f32 s25, s31;
	s25 =	sld [smem:$0x7B5]  }
0x152: {  	(v2sf) =	vpush v0, $0xB;
	s10 =	spop (v2sf);
	s31 =	sld [smem:$0x7B6]  }
0x153: {  	[smem:$0x7CD] =	sst s10  }
0x154: {  	s6 =	smin.f32 s11, s12;
	s11 =	sld [smem:$0x7B3]  }
0x155: {  	(v2sf) =	vpush v0, $0xC;
	s13 =	spop (v2sf);
	s12 =	sld [smem:$0x7B4]  }
0x156: {  	s1 =	smin.f32 s1, s5;
	s5 =	sld [smem:$0x7B9]  }
0x157: {  	(v2sf) =	vpush v0, $0xD;
	[smem:$0x7CE] =	sst s13;
	s10 =	spop (v2sf)  }
0x158: {  	(v2sf) =	vpush v0, $0xE;
	[smem:$0x7CF] =	sst s10;
	s13 =	spop (v2sf)  }
0x159: {  	(v2sf) =	vpush v0, $0xF;
	s10 =	smin.f32 s25, s31;
	s31 =	sld [smem:$0x7B8]  }
0x15a: {  	s9 =	smin.f32 s11, s12;
	[smem:$0x7D0] =	sst s13  }
0x15b: {  	(v2sf) =	vpush v1, $0x0;
	s12 =	spop (v2sf);
	s13 =	sld [smem:$0x7B7]  }
0x15c: {  	s26 =	smin.f32 s26, s30;
	[smem:$0x7D1] =	sst s12  }
0x15d: {  	(v2sf) =	vpush v1, $0x1;
	s25 =	spop (v2sf);
	s12 =	smin.f32 s6, s7  }
0x15e: {  	[smem:$0x7D2] =	sst s25;
	s8 =	smin.f32 s31, s8  }
0x15f: {  	(v2sf) =	vpush v1, $0x2;
	s31 =	spop (v2sf);
	s1 =	smin.f32 s1, s12  }
0x160: {  	s12 =	sld [smem:$0x7BC];
	s11 =	smin.f32 s22, s13  }
0x161: {  	(v2sf) =	vpush v1, $0x3;
	s22 =	spop (v2sf);
	[dreg:$0xe] =	wrdreg s1  }
0x162: {  	(v2sf) =	vpush v1, $0x4;
	s13 =	smin.f32 s9, s10;
	s10 =	sld [smem:$0x7BB]  }
0x163: {  	s1 =	smin.f32 s18, s5;
	s18 =	sld [smem:$0x7BD]  }
0x164: {  	s28 =	spop (v2sf);
	[dreg:$0xc] =	wrdreg s13  }
0x165: {  	(v2sf) =	vpush v1, $0x5;
	s25 =	smin.f32 s11, s8;
	s8 =	sld [smem:$0x7BA]  }
0x166: {  	s7 =	spop (v2sf);
	[dreg:$0xd] =	wrdreg s25  }
0x167: {  	s11 =	spop (v2sf);
	s7 =	smin.f32 s28, s7  }
0x168: {  	(v2sf) =	vpush v1, $0x6;
	s25 =	spop (v2sf);
	s5 =	smin.f32 s8, s29  }
0x169: {  	s8 =	smin.f32 s10, s12;
	s29 =	sld [smem:$0x7BE]  }
0x16a: {  	s12 =	sld [smem:$0x7BF];
	s6 =	spop (v2sf)  }
0x16b: {  	(v2sf) =	vpush v1, $0x7;
	s1 =	smin.f32 s1, s5;
	s11 =	smin.f32 s11, s25  }
0x16c: {  	(v2sf) =	vpush v1, $0x8;
	[smem:$0x7D3] =	sst s6;
	s9 =	spop (v2sf)  }
0x16d: {  	s11 =	smin.f32 s7, s11;
	[smem:$0x7D4] =	sst s9  }
0x16e: {  	s13 =	spop (v2sf);
	[dreg:$0x18] =	wrdreg s11  }
0x16f: {  	s9 =	smin.f32 s18, s29;
	[smem:$0x7D5] =	sst s13  }
0x170: {  	s10 =	spop (v2sf);
	s13 =	sld [smem:$0x7C0]  }
0x171: {  	(v2sf) =	vpush v1, $0x9;
	[smem:$0x7D6] =	sst s10;
	s18 =	spop (v2sf)  }
0x172: {  	(v2sf) =	vpush v1, $0xA;
	s9 =	smin.f32 s8, s9;
	[smem:$0x7D7] =	sst s18  }
0x173: {  	(v2sf) =	vpush v1, $0xB;
	s18 =	sld [smem:$0x7C1];
	s10 =	smin.f32 s12, s13  }
0x174: {  	(v2sf) =	vpush v1, $0xC;
	s13 =	spop (v2sf);
	s7 =	sld [smem:$0x7D7]  }
0x175: {  	s12 =	smin.f32 s1, s9;
	[smem:$0x7D8] =	sst s13  }
0x176: {  	s17 =	simm.s32 $0x4700;
	s3 =	smin.f32 s16, s3;
	(v2sf) =	vpush v1, $0xD;
	[dreg:$0x12] =	wrdreg s12  }
0x177: {  	v0 =	vld [tilespmem:s17+$0xFFFFFFE0];
	s30 =	spop (v2sf);
	s13 =	sld [smem:$0x7C2]  }
0x178: {  	(v2sf) =	vpush v1, $0xE;
	s10 =	smin.f32 s10, s26;
	[smem:$0x7D9] =	sst s30  }
0x179: {  	s24 =	smin.f32 s18, s24;
	[dreg:$0x10] =	wrdreg s10  }
0x17a: {  	s29 =	spop (v2sf);
	s18 =	sld [smem:$0x7C3]  }
0x17b: {  	(v2sf) =	vpush v1, $0xF;
	s11 =	sld [smem:$0x7D8];
	s6 =	spop (v2sf)  }
0x17c: {  	(v2sf) =	vpush v0, $0x0;
	s0 =	smin.f32 s24, s0;
	[smem:$0x7DA] =	sst s6  }
0x17d: {  	s4 =	smin.f32 s15, s4;
	(v2sf) =	vpush v0, $0x1;
	[dreg:$0x11] =	wrdreg s0  }
0x17e: {  	s0 =	smin.f32 s19, s20;
	s20 =	sld [smem:$0x7C4]  }
0x17f: {  	s5 =	smin.f32 s21, s13;
	s21 =	sld [smem:$0x7C5]  }
0x180: {  	(v2sf) =	vpush v0, $0x2;
	s30 =	spop (v2sf);
	s13 =	sld [smem:$0x7C7]  }
0x181: {  	s26 =	spop (v2sf);
	s0 =	smin.f32 s0, s5  }
0x182: {  	(v2sf) =	vpush v0, $0x3;
	s5 =	sld [smem:$0x7CC];
	s24 =	spop (v2sf)  }
0x183: {  	(v2sf) =	vpush v0, $0x4;
	s10 =	spop (v2sf);
	s8 =	smin.f32 s18, s20  }
0x184: {  	(v2sf) =	vpush v0, $0x5;
	s12 =	smin.f32 s21, s23;
	s13 =	smin.f32 s13, s14  }
0x185: {  	v1 =	vld [tilespmem:s17+$0xFFFFFFD0];
	s20 =	sld [smem:$0x7C8];
	s17 =	spop (v2sf)  }
0x186: {  	s14 =	smin.f32 s8, s12;
	s8 =	sld [smem:$0x7CE]  }
0x187: {  	(v2sf) =	vpush v0, $0x6;
	s19 =	spop (v2sf);
	s0 =	smin.f32 s0, s14  }
0x188: {  	(v2sf) =	vpush v0, $0x7;
	s2 =	smin.f32 s20, s2;
	[dreg:$0x16] =	wrdreg s0  }
0x189: {  	(v2sf) =	vpush v0, $0x8;
	s20 =	smin.f32 s3, s4;
	s3 =	sld [smem:$0x7CA]  }
0x18a: {  	s9 =	spop (v2sf);
	s4 =	sld [smem:$0x7CB]  }
0x18b: {  	(v2sf) =	vpush v0, $0x9;
	s6 =	spop (v2sf);
	[dreg:$0x15] =	wrdreg s20  }
0x18c: {  	(v2sf) =	vpush v0, $0xA;
	[smem:$0x7DB] =	sst s6;
	s18 =	spop (v2sf)  }
0x18d: {  	(v2sf) =	vpush v0, $0xB;
	[smem:$0x7DC] =	sst s18  }
0x18e: {  	s18 =	smin.f32 s13, s2;
	s2 =	sld [smem:$0x7C9]  }
0x18f: {  	s21 =	spop (v2sf);
	s13 =	sld [smem:$0x7CF]  }
0x190: {  	s22 =	smin.f32 s31, s22;
	[smem:$0x7DD] =	sst s21  }
0x191: {  	(v2sf) =	vpush v0, $0xC;
	s23 =	spop (v2sf);
	[dreg:$0x14] =	wrdreg s18  }
0x192: {  	(v2sf) =	vpush v0, $0xD;
	[smem:$0x7DE] =	sst s23;
	s6 =	spop (v2sf)  }
0x193: {  	(v2sf) =	vpush v0, $0xE;
	[smem:$0x7DF] =	sst s6;
	s23 =	spop (v2sf)  }
0x194: {  	(v2sf) =	vpush v0, $0xF;
	s2 =	smin.f32 s2, s3;
	s6 =	sld [smem:$0x7CD]  }
0x195: {  	(v2sf) =	vpush v1, $0x0;
	s3 =	smin.f32 s4, s5;
	s5 =	sld [smem:$0x7D1]  }
0x196: {  	s16 =	spop (v2sf);
	s2 =	smin.f32 s2, s3  }
0x197: {  	(v2sf) =	vpush v1, $0x1;
	[smem:$0x7E0] =	sst s16;
	s15 =	spop (v2sf)  }
0x198: {  	(v2sf) =	vpush v1, $0x2;
	s16 =	sld [smem:$0x7D0];
	s21 =	spop (v2sf)  }
0x199: {  	(v2sf) =	vpush v1, $0x3;
	s14 =	smin.f32 s6, s8;
	s6 =	sld [smem:$0x7D2]  }
0x19a: {  	(v2sf) =	vpush v1, $0x4;
	[smem:$0x7E1] =	sst s21;
	s21 =	spop (v2sf)  }
0x19b: {  	s3 =	sld [smem:$0x7D6];
	s20 =	spop (v2sf)  }
0x19c: {  	(v2sf) =	vpush v1, $0x5;
	s16 =	smin.f32 s13, s16;
	s12 =	spop (v2sf)  }
0x19d: {  	s0 =	smin.f32 s5, s6;
	s31 =	smin.f32 s14, s16  }
0x19e: {  	(v2sf) =	vpush v1, $0x6;
	s0 =	smin.f32 s0, s22;
	s22 =	sld [smem:$0x7D3]  }
0x19f: {  	s14 =	smin.f32 s2, s31;
	s31 =	sld [smem:$0x7D4]  }
0x1a0: {  	(v2sf) =	vpush v1, $0x7;
	s18 =	spop (v2sf);
	[dreg:$0x17] =	wrdreg s0  }
0x1a1: {  	(v2sf) =	vpush v1, $0x8;
	s8 =	spop (v2sf);
	[dreg:$0x19] =	wrdreg s14  }
0x1a2: {  	(v2sf) =	vpush v1, $0x9;
	s6 =	spop (v2sf);
	s18 =	smin.f32 s18, s8  }
0x1a3: {  	s5 =	spop (v2sf);
	s2 =	smin.f32 s22, s31  }
0x1a4: {  	s31 =	sld [smem:$0x7DA];
	s13 =	spop (v2sf)  }
0x1a5: {  	s4 =	simm.s32 $0x4700;
	(v2sf) =	vpush v1, $0xA;
	s6 =	smin.f32 s6, s5;
	[smem:$0x7E2] =	sst s13  }
0x1a6: {  	v0 =	vld [tilespmem:s4+$0xFFFFFFC0];
	(v2sf) =	vpush v1, $0xB;
	s28 =	spop (v2sf);
	s5 =	smin.f32 s18, s6  }
0x1a7: {  	(v2sf) =	vpush v1, $0xC;
	s25 =	spop (v2sf);
	[dreg:$0x1e] =	wrdreg s5  }
0x1a8: {  	(v2sf) =	vpush v1, $0xD;
	[smem:$0x7E3] =	sst s25;
	s25 =	spop (v2sf)  }
0x1a9: {  	(v2sf) =	vpush v1, $0xE;
	s18 =	sld [smem:$0x7E2];
	s1 =	spop (v2sf)  }
0x1aa: {  	s24 =	smin.f32 s26, s24;
	(v2sf) =	vpush v1, $0xF;
	[smem:$0x7E4] =	sst s1  }
0x1ab: {  	(v2sf) =	vpush v0, $0x0;
	s13 =	spop (v2sf);
	s1 =	sld [smem:$0x7D5]  }
0x1ac: {  	s17 =	smin.f32 s10, s17;
	(v2sf) =	vpush v0, $0x1;
	[smem:$0x7E5] =	sst s13  }
0x1ad: {  	s16 =	spop (v2sf);
	s13 =	sld [smem:$0x7D9]  }
0x1ae: {  	s19 =	smin.f32 s19, s9;
	[smem:$0x7E6] =	sst s16  }
0x1af: {  	s16 =	spop (v2sf);
	s14 =	smin.f32 s1, s3  }
0x1b0: {  	(v2sf) =	vpush v0, $0x2;
	s22 =	spop (v2sf);
	s1 =	smin.f32 s7, s11  }
0x1b1: {  	s3 =	smin.f32 s31, s30;
	s11 =	spop (v2sf)  }
0x1b2: {  	(v2sf) =	vpush v0, $0x3;
	s0 =	smin.f32 s13, s29;
	s2 =	smin.f32 s2, s14  }
0x1b3: {  	(v2sf) =	vpush v0, $0x4;
	s3 =	smin.f32 s3, s24;
	s24 =	sld [smem:$0x7DC]  }
0x1b4: {  	s29 =	spop (v2sf);
	s0 =	smin.f32 s1, s0  }
0x1b5: {  	[dreg:$0x1a] =	wrdreg s3;
	s30 =	spop (v2sf)  }
0x1b6: {  	(v2sf) =	vpush v0, $0x5;
	s3 =	sld [smem:$0x7DE];
	s26 =	spop (v2sf)  }
0x1b7: {  	s0 =	smin.f32 s2, s0;
	s10 =	spop (v2sf)  }
0x1b8: {  	s2 =	sld [smem:$0x7DD];
	s13 =	spop (v2sf)  }
0x1b9: {  	(v2sf) =	vpush v0, $0x6;
	[dreg:$0x1c] =	wrdreg s0;
	s9 =	spop (v2sf)  }
0x1ba: {  	(v2sf) =	vpush v0, $0x7;
	s10 =	smin.f32 s26, s10;
	s14 =	spop (v2sf)  }
0x1bb: {  	v1 =	vld [tilespmem:s4+$0xFFFFFFB0];
	[smem:$0x7EA] =	sst s14;
	s4 =	spop (v2sf)  }
0x1bc: {  	(v2sf) =	vpush v0, $0x8;
	s14 =	smin.f32 s17, s19;
	s19 =	sld [smem:$0x7DB]  }
0x1bd: {  	s9 =	smin.f32 s13, s9;
	[smem:$0x7EB] =	sst s4  }
0x1be: {  	s10 =	smin.f32 s10, s9;
	[dreg:$0x1b] =	wrdreg s14  }
0x1bf: {  	s17 =	spop (v2sf);
	[smem:$0x7E8] =	sst s10  }
0x1c0: {  	(v2sf) =	vpush v0, $0x9;
	s29 =	smin.f32 s29, s30;
	[smem:$0x7EC] =	sst s17  }
0x1c1: {  	(v2sf) =	vpush v0, $0xA;
	s31 =	spop (v2sf);
	s26 =	sld [smem:$0x7EB]  }
0x1c2: {  	s1 =	spop (v2sf);
	s9 =	sld [smem:$0x7EC]  }
0x1c3: {  	(v2sf) =	vpush v0, $0xB;
	s14 =	smin.f32 s2, s3;
	[smem:$0x7ED] =	sst s1  }
0x1c4: {  	(v2sf) =	vpush v0, $0xC;
	s4 =	smin.f32 s19, s24;
	s1 =	sld [smem:$0x7DF]  }
0x1c5: {  	s19 =	sld [smem:$0x7E0];
	s24 =	spop (v2sf)  }
0x1c6: {  	(v2sf) =	vpush v0, $0xD;
	s3 =	smin.f32 s4, s14;
	s10 =	sld [smem:$0x7ED]  }
0x1c7: {  	(v2sf) =	vpush v0, $0xE;
	s31 =	smin.f32 s9, s31;
	s2 =	smin.f32 s1, s23  }
0x1c8: {  	s23 =	spop (v2sf);
	s1 =	smin.f32 s19, s15  }
0x1c9: {  	(v2sf) =	vpush v0, $0xF;
	s19 =	sld [smem:$0x7E1];
	s15 =	spop (v2sf)  }
0x1ca: {  	(v2sf) =	vpush v1, $0x0;
	s2 =	smin.f32 s2, s1;
	s1 =	smin.f32 s18, s28  }
0x1cb: {  	s10 =	smin.f32 s10, s24;
	s17 =	spop (v2sf)  }
0x1cc: {  	(v2sf) =	vpush v1, $0x1;
	s6 =	smin.f32 s3, s2;
	s2 =	sld [smem:$0x7E4]  }
0x1cd: {  	(v2sf) =	vpush v1, $0x2;
	s23 =	smin.f32 s23, s15;
	s0 =	smin.f32 s19, s21  }
0x1ce: {  	(v2sf) =	vpush v1, $0x3;
	s19 =	smin.f32 s20, s12;
	[dreg:$0x1f] =	wrdreg s6  }
0x1cf: {  	(v2sf) =	vpush v1, $0x4;
	s12 =	spop (v2sf);
	s6 =	sld [smem:$0x7E5]  }
0x1d0: {  	(v2sf) =	vpush v1, $0x5;
	s10 =	smin.f32 s10, s23;
	s8 =	spop (v2sf)  }
0x1d1: {  	(v2sf) =	vpush v1, $0x6;
	s0 =	smin.f32 s0, s19;
	s19 =	sld [smem:$0x7E3]  }
0x1d2: {  	(v2sf) =	vpush v1, $0x7;
	s12 =	smin.f32 s17, s12;
	s20 =	spop (v2sf)  }
0x1d3: {  	(v2sf) =	vpush v1, $0x8;
	[dreg:$0x1d] =	wrdreg s0;
	s21 =	spop (v2sf)  }
0x1d4: {  	(v2sf) =	vpush v1, $0x9;
	s2 =	smin.f32 s2, s6;
	s8 =	smin.f32 s8, s20  }
0x1d5: {  	s7 =	simm.s32 $0x4700;
	(v2sf) =	vpush v1, $0xA;
	s4 =	spop (v2sf);
	s3 =	smin.f32 s19, s25  }
0x1d6: {  	v0 =	vld [tilespmem:s7+$0xFFFFFFA0];
	(v2sf) =	vpush v1, $0xB;
	s19 =	smin.f32 s22, s11;
	s7 =	spop (v2sf)  }
0x1d7: {  	(v2sf) =	vpush v1, $0xC;
	s1 =	smin.f32 s1, s3;
	s0 =	smin.f32 s19, s29  }
0x1d8: {  	(v2sf) =	vpush v1, $0xD;
	s20 =	smin.f32 s21, s4;
	s5 =	spop (v2sf)  }
0x1d9: {  	(v2sf) =	vpush v1, $0xE;
	[smem:$0x7E7] =	sst s0;
	s14 =	spop (v2sf)  }
0x1da: {  	(v2sf) =	vpush v1, $0xF;
	s5 =	smin.f32 s7, s5;
	[smem:$0x7F1] =	sst s14  }
0x1db: {  	(v2sf) =	vpush v0, $0x0;
	s28 =	spop (v2sf);
	s14 =	sld [smem:$0x7E6]  }
0x1dc: {  	(v2sf) =	vpush v0, $0x1;
	s5 =	smin.f32 s20, s5;
	s25 =	spop (v2sf)  }
0x1dd: {  	(v2sf) =	vpush v0, $0x2;
	[smem:$0x7EF] =	sst s5;
	s18 =	spop (v2sf)  }
0x1de: {  	[smem:$0x7F2] =	sst s25;
	(v2sf) =	vpush v0, $0x3;
	s25 =	spop (v2sf)  }
0x1df: {  	s7 =	sld [smem:$0x7F1];
	(v2sf) =	vpush v0, $0x4;
	s6 =	spop (v2sf)  }
0x1e0: {  	s16 =	smin.f32 s14, s16;
	(v2sf) =	vpush v0, $0x5;
	s11 =	spop (v2sf)  }
0x1e1: {  	s2 =	smin.f32 s2, s16;
	(v2sf) =	vpush v0, $0x6;
	s30 =	spop (v2sf)  }
0x1e2: {  	s16 =	sld [smem:$0x7EA];
	(v2sf) =	vpush v0, $0x7;
	s13 =	spop (v2sf)  }
0x1e3: {  	s1 =	smin.f32 s1, s2;
	(v2sf) =	vpush v0, $0x8;
	s22 =	spop (v2sf)  }
0x1e4: {  	s6 =	smin.f32 s25, s6;
	(v2sf) =	vpush v0, $0x9;
	s14 =	spop (v2sf)  }
0x1e5: {  	s19 =	simm.s32 $0x4700;
	[smem:$0x7E9] =	sst s1;
	(v2sf) =	vpush v0, $0xA;
	s29 =	spop (v2sf)  }
0x1e6: {  	v1 =	vld [tilespmem:s19+$0xFFFFFF90];
	s16 =	smin.f32 s16, s26;
	(v2sf) =	vpush v0, $0xB;
	s0 =	spop (v2sf)  }
0x1e7: {  	s11 =	smin.f32 s11, s30;
	(v2sf) =	vpush v0, $0xC;
	s2 =	spop (v2sf)  }
0x1e8: {  	s16 =	smin.f32 s16, s31;
	(v2sf) =	vpush v0, $0xD;
	s1 =	spop (v2sf)  }
0x1e9: {  	s6 =	smin.f32 s6, s11;
	(v2sf) =	vpush v0, $0xE;
	s9 =	spop (v2sf)  }
0x1ea: {  	s31 =	smin.f32 s16, s10;
	(v2sf) =	vpush v0, $0xF;
	s26 =	spop (v2sf)  }
0x1eb: {  	s10 =	sld [smem:$0x7F2];
	(v2sf) =	vpush v1, $0x0;
	s15 =	spop (v2sf)  }
0x1ec: {  	s13 =	smin.f32 s13, s22;
	(v2sf) =	vpush v1, $0x1;
	s17 =	spop (v2sf)  }
0x1ed: {  	[smem:$0x7F0] =	sst s31;
	(v2sf) =	vpush v1, $0x2;
	s3 =	spop (v2sf)  }
0x1ee: {  	s16 =	smin.f32 s14, s29;
	(v2sf) =	vpush v1, $0x3;
	s24 =	spop (v2sf)  }
0x1ef: {  	s18 =	smin.f32 s10, s18;
	(v2sf) =	vpush v1, $0x4;
	s4 =	spop (v2sf)  }
0x1f0: {  	[smem:$0x7F6] =	sst s26;
	(v2sf) =	vpush v1, $0x5;
	s21 =	spop (v2sf)  }
0x1f1: {  	s26 =	smin.f32 s12, s8;
	(v2sf) =	vpush v1, $0x6;
	s23 =	spop (v2sf)  }
0x1f2: {  	[smem:$0x7EE] =	sst s26;
	(v2sf) =	vpush v1, $0x7;
	s26 =	spop (v2sf)  }
0x1f3: {  	s0 =	smin.f32 s0, s2;
	(v2sf) =	vpush v1, $0x8;
	s8 =	spop (v2sf)  }
0x1f4: {  	[smem:$0x7F7] =	sst s21;
	(v2sf) =	vpush v1, $0x9;
	s21 =	spop (v2sf)  }
0x1f5: {  	s12 =	smin.f32 s7, s28;
	(v2sf) =	vpush v1, $0xA;
	s7 =	spop (v2sf)  }
0x1f6: {  	v2 =	vld [tilespmem:s19+$0xFFFFFF80];
	s1 =	smin.f32 s1, s9;
	(v2sf) =	vpush v1, $0xB;
	s20 =	spop (v2sf)  }
0x1f7: {  	s0 =	smin.f32 s0, s1;
	(v2sf) =	vpush v1, $0xC;
	s5 =	spop (v2sf)  }
0x1f8: {  	s14 =	smin.f32 s12, s18;
	(v2sf) =	vpush v1, $0xD;
	s25 =	spop (v2sf)  }
0x1f9: {  	[smem:$0x7F4] =	sst s0;
	(v2sf) =	vpush v1, $0xE;
	s22 =	spop (v2sf)  }
0x1fa: {  	s2 =	smin.f32 s14, s6;
	(v2sf) =	vpush v1, $0xF;
	s31 =	spop (v2sf)  }
0x1fb: {  	s6 =	sld [smem:$0x7F6];
	(v2sf) =	vpush v2, $0x0;
	s28 =	spop (v2sf)  }
0x1fc: {  	[smem:$0x7F5] =	sst s2;
	(v2sf) =	vpush v2, $0x1;
	s29 =	spop (v2sf)  }
0x1fd: {  	s3 =	smin.f32 s17, s3;
	(v2sf) =	vpush v2, $0x2;
	s18 =	spop (v2sf)  }
0x1fe: {  	[smem:$0x7F8] =	sst s31;
	(v2sf) =	vpush v2, $0x3;
	s30 =	spop (v2sf)  }
0x1ff: {  	s31 =	smin.f32 s13, s16;
	(v2sf) =	vpush v2, $0x4;
	s16 =	spop (v2sf)  }
0x200: {  	s9 =	smin.f32 s6, s15;
	(v2sf) =	vpush v2, $0x5;
	s10 =	spop (v2sf)  }
0x201: {  	[smem:$0x7F3] =	sst s31;
	(v2sf) =	vpush v2, $0x6;
	s31 =	spop (v2sf)  }
0x202: {  	s4 =	smin.f32 s24, s4;
	(v2sf) =	vpush v2, $0x7;
	s15 =	spop (v2sf)  }
0x203: {  	s1 =	smin.f32 s9, s3;
	(v2sf) =	vpush v2, $0x8;
	s17 =	spop (v2sf)  }
0x204: {  	s19 =	simm.s32 $0x4700;
	s11 =	sld [smem:$0x7F7];
	(v2sf) =	vpush v2, $0x9;
	s24 =	spop (v2sf)  }
0x205: {  	s8 =	smin.f32 s26, s8;
	s13 =	simm.s32 $0x4700;
	(v2sf) =	vpush v2, $0xA;
	s14 =	spop (v2sf)  }
0x206: {  	v0 =	vld [tilespmem:s19+$0x70];
	[dreg:$0x2] =	wrdreg s13;
	(v2sf) =	vpush v2, $0xB;
	s13 =	spop (v2sf)  }
0x207: {  	s12 =	smin.f32 s11, s23;
	(v2sf) =	vpush v2, $0xC;
	s0 =	spop (v2sf)  }
0x208: {  	s23 =	smin.f32 s20, s5;
	(v2sf) =	vpush v2, $0xD;
	s20 =	spop (v2sf)  }
0x209: {  	s7 =	smin.f32 s21, s7;
	(v2sf) =	vpush v2, $0xE;
	s26 =	spop (v2sf)  }
0x20a: {  	s4 =	smin.f32 s4, s12;
	(v2sf) =	vpush v2, $0xF;
	s9 =	spop (v2sf)  }
0x20b: {  	s22 =	smin.f32 s25, s22;
	(v2sf) =	vpush v0, $0x0;
	s5 =	spop (v2sf)  }
0x20c: {  	s11 =	sld [smem:$0x7F8];
	(v2sf) =	vpush v0, $0x1;
	s6 =	spop (v2sf)  }
0x20d: {  	s22 =	smin.f32 s23, s22;
	(v2sf) =	vpush v0, $0x2;
	s3 =	spop (v2sf)  }
0x20e: {  	s23 =	smin.f32 s1, s4;
	(v2sf) =	vpush v0, $0x3;
	s1 =	spop (v2sf)  }
0x20f: {  	s12 =	smin.f32 s11, s28;
	(v2sf) =	vpush v0, $0x4;
	s11 =	spop (v2sf)  }
0x210: {  	s21 =	smin.f32 s8, s7;
	(v2sf) =	vpush v0, $0x5;
	s7 =	spop (v2sf)  }
0x211: {  	s28 =	smin.f32 s29, s18;
	(v2sf) =	vpush v0, $0x6;
	s8 =	spop (v2sf)  }
0x212: {  	s31 =	smin.f32 s10, s31;
	(v2sf) =	vpush v0, $0x7;
	s10 =	spop (v2sf)  }
0x213: {  	s15 =	smin.f32 s15, s17;
	(v2sf) =	vpush v0, $0x8;
	s4 =	spop (v2sf)  }
0x214: {  	s17 =	smin.f32 s24, s14;
	(v2sf) =	vpush v0, $0x9;
	s14 =	spop (v2sf)  }
0x215: {  	s18 =	smin.f32 s13, s0;
	(v2sf) =	vpush v0, $0xA;
	s13 =	spop (v2sf)  }
0x216: {  	s19 =	smin.f32 s30, s16;
	(v2sf) =	vpush v0, $0xB;
	s16 =	spop (v2sf)  }
0x217: {  	s25 =	smin.f32 s20, s26;
	(v2sf) =	vpush v0, $0xC;
	s20 =	spop (v2sf)  }
0x218: {  	s2 =	simm.s32 $0x40;
	s26 =	smin.f32 s12, s28;
	(v2sf) =	vpush v0, $0xD;
	s24 =	spop (v2sf)  }
0x219: {  	s28 =	smin.f32 s19, s31;
	s19 =	simm.s32 $0x0;
	(v2sf) =	vpush v0, $0xE;
	s0 =	spop (v2sf)  }
.LBB2_8:
0x21a: {  	[dreg:$0xf] =	wrdreg s2;
	s15 =	smin.f32 s15, s17  }
0x21b: {  	s29 =	spop (v2sf);
	s17 =	smin.f32 s18, s25  }
0x21c: {  	s18 =	smin.f32 s26, s28;
	s5 =	smin.f32 s9, s5  }
0x21d: {  	s3 =	smin.f32 s6, s3;
	s1 =	smin.f32 s1, s11  }
0x21e: {  	s7 =	smin.f32 s7, s8;
	s4 =	smin.f32 s10, s4  }
0x21f: {  	s13 =	smin.f32 s14, s13;
	s16 =	smin.f32 s16, s20  }
0x220: {  	s0 =	smin.f32 s24, s0;
	s25 =	spop (v2sf)  }
0x221: {  	s3 =	smin.f32 s5, s3;
	s1 =	smin.f32 s1, s7  }
0x222: {  	s4 =	smin.f32 s4, s13;
	s13 =	rddreg [dreg:$0x19]  }
0x223: {  	s17 =	smin.f32 s15, s17;
	s15 =	rddreg [dreg:$0x15]  }
0x224: {  	s0 =	smin.f32 s16, s0;
	s16 =	rddreg [dreg:$0x16]  }
0x225: {  	s26 =	spop (v2sf);
	s1 =	smin.f32 s3, s1  }
0x226: {  	s25 =	smin.f32 s29, s25;
	s29 =	sld [smem:$0x7F0]  }
0x227: {  	s0 =	smin.f32 s4, s0;
	s4 =	sld [smem:$0x7E9]  }
0x228: {  	s9 =	spop (v2sf);
	s0 =	smin.f32 s1, s0  }
0x229: {  	s1 =	smin.f32 s18, s17;
	s17 =	rddreg [dreg:$0x10]  }
0x22a: {  	s18 =	rddreg [dreg:$0x11];
	s6 =	spop (v2sf)  }
0x22b: {  	s9 =	smin.f32 s26, s9;
	s26 =	sld [smem:$0x7EF]  }
0x22c: {  	s11 =	spop (v2sf);
	s9 =	smin.f32 s25, s9  }
0x22d: {  	(v2sf) =	vpush v0, $0xF;
	s25 =	sld [smem:$0x7EE];
	s8 =	spop (v2sf)  }
0x22e: {  	s6 =	smin.f32 s6, s11;
	s10 =	spop (v2sf)  }
0x22f: {  	s11 =	rddreg [dreg:$0x17];
	s14 =	spop (v2sf)  }
0x230: {  	s8 =	smin.f32 s8, s10;
	s10 =	rddreg [dreg:$0x1c]  }
0x231: {  	s20 =	spop (v2sf);
	s6 =	smin.f32 s6, s8  }
0x232: {  	s8 =	rddreg [dreg:$0x1a];
	s24 =	spop (v2sf)  }
0x233: {  	s14 =	smin.f32 s14, s20;
	s6 =	smin.f32 s9, s6  }
0x234: {  	s20 =	smin.f32 s21, s22;
	s22 =	sld [smem:$0x7F3]  }
0x235: {  	s9 =	rddreg [dreg:$0x1b];
	s5 =	spop (v2sf)  }
0x236: {  	s21 =	smin.f32 s23, s20;
	s23 =	sld [smem:$0x7F4]  }
0x237: {  	s20 =	rddreg [dreg:$0x12];
	s30 =	spop (v2sf)  }
0x238: {  	s5 =	smin.f32 s24, s5;
	s24 =	sld [smem:$0x7F5]  }
0x239: {  	s31 =	spop (v2sf);
	s5 =	smin.f32 s14, s5  }
0x23a: {  	p0 =	sne.s32 s2, $0xFC0;
	s14 =	rddreg [dreg:$0x14];
	s2 =	spop (v2sf)  }
0x23b: {  	s7 =	smin.f32 s30, s31;
	s30 =	sld [smem:$0x7E7]  }
0x23c: {  	s31 =	sld [smem:$0x7E8];
	s12 =	spop (v2sf)  }
0x23d: {  	s3 =	smin.f32 s2, s12;
	s12 =	rddreg [dreg:$0x18]  }
0x23e: {  	s2 =	smin.f32 s22, s23;
	s22 =	rddreg [dreg:$0xd]  }
0x23f: {  	s23 =	rddreg [dreg:$0xe];
	s3 =	smin.f32 s7, s3  }
0x240: {  	s7 =	rddreg [dreg:$0x1f];
	s3 =	smin.f32 s5, s3  }
0x241: {  	s5 =	rddreg [dreg:$0x1d];
	s3 =	smin.f32 s6, s3  }
0x242: {  	s6 =	rddreg [dreg:$0x1e];
	v0 =	vmov s3  }
0x243: {  	s3 =	rddreg [dreg:$0x3];
	v0 =	vsel vm0, s0, v0  }
0x244: {  	v0 =	vsel vm1, s1, v0;
	s1 =	smin.f32 s24, s2;
	s24 =	rddreg [dreg:$0x9]  }
0x245: {  	s2 =	smin.f32 s25, s26;
	s25 =	rddreg [dreg:$0xa]  }
0x246: {  	s26 =	rddreg [dreg:$0xb]  }
0x247: {  	v0 =	vsel vm2, s21, v0;
	s21 =	rddreg [dreg:$0xc]  }
0x248: {  	s0 =	smin.f32 s29, s2;
	s29 =	rddreg [dreg:$0x6]  }
0x249: {  	s2 =	smin.f32 s30, s31;
	s30 =	rddreg [dreg:$0x7]  }
0x24a: {  	s31 =	rddreg [dreg:$0x8]  }
0x24b: {  	v0 =	vsel vm3, s1, v0;
	s1 =	smin.f32 s4, s2;
	s4 =	rddreg [dreg:$0x4]  }
0x24c: {  	s2 =	smin.f32 s5, s6;
	s5 =	rddreg [dreg:$0x5];
	v0 =	vsel vm4, s0, v0  }
0x24d: {  	s0 =	smin.f32 s7, s2;
	s2 =	smin.f32 s8, s9;
	v0 =	vsel vm5, s1, v0  }
0x24e: {  	s1 =	smin.f32 s10, s2;
	s2 =	smin.f32 s11, s12;
	v0 =	vsel vm6, s0, v0  }
0x24f: {  	s0 =	smin.f32 s13, s2;
	s2 =	smin.f32 s14, s15;
	v0 =	vsel vm7, s1, v0  }
0x250: {  	s1 =	smin.f32 s16, s2;
	s2 =	smin.f32 s17, s18;
	v0 =	vsel vm8, s0, v0  }
0x251: {  	s0 =	smin.f32 s20, s2;
	s2 =	smin.f32 s21, s22;
	v0 =	vsel vm9, s1, v0  }
0x252: {  	s1 =	smin.f32 s23, s2;
	s2 =	smin.f32 s24, s25;
	v0 =	vsel vm10, s0, v0  }
0x253: {  	s0 =	smin.f32 s26, s2;
	s2 =	smin.f32 s29, s30;
	v0 =	vsel vm11, s1, v0  }
0x254: {  	s1 =	smin.f32 s31, s2;
	s2 =	smin.f32 s3, s4;
	v0 =	vsel vm12, s0, v0  }
0x255: {  	s0 =	smin.f32 s5, s2;
	v0 =	vsel vm13, s1, v0  }
0x256: {  	s6 =	sshra.s32 s19, $0x2;
	s9 =	rddreg [dreg:$0x2];
	v0 =	vsel vm14, s0, v0  }
0x257: {  	s19 =	sadd.s32 $0x100, s9;
	[tilespmem:s6+$0x8680] =	vst v0  }
0x258: {  	v0 =	vld [tilespmem:s19+$0x60];
	_ =	sdelay $0x4  }
0x259: {  	(v2sf) =	vpush v0, $0x0  }
0x25a: {  	(v2sf) =	vpush v0, $0x1  }
0x25b: {  	(v2sf) =	vpush v0, $0x2  }
0x25c: {  	(v2sf) =	vpush v0, $0x3  }
0x25d: {  	(v2sf) =	vpush v0, $0x4  }
0x25e: {  	(v2sf) =	vpush v0, $0x5  }
0x25f: {  	(v2sf) =	vpush v0, $0x6  }
0x260: {  	(v2sf) =	vpush v0, $0x7  }
0x261: {  	(v2sf) =	vpush v0, $0x8  }
0x262: {  	(v2sf) =	vpush v0, $0x9  }
0x263: {  	(v2sf) =	vpush v0, $0xA  }
0x264: {  	v1 =	vld [tilespmem:s19+$0x50];
	(v2sf) =	vpush v0, $0xB  }
0x265: {  	(v2sf) =	vpush v0, $0xC  }
0x266: {  	(v2sf) =	vpush v0, $0xD  }
0x267: {  	(v2sf) =	vpush v0, $0xE  }
0x268: {  	s10 =	spop (v2sf);
	(v2sf) =	vpush v0, $0xF  }
0x269: {  	(v2sf) =	vpush v1, $0x0;
	s24 =	spop (v2sf)  }
0x26a: {  	(v2sf) =	vpush v1, $0x1;
	s9 =	spop (v2sf)  }
0x26b: {  	(v2sf) =	vpush v1, $0x2;
	s23 =	spop (v2sf)  }
0x26c: {  	(v2sf) =	vpush v1, $0x3;
	s14 =	spop (v2sf)  }
0x26d: {  	(v2sf) =	vpush v1, $0x4;
	s16 =	spop (v2sf)  }
0x26e: {  	(v2sf) =	vpush v1, $0x5;
	s25 =	spop (v2sf)  }
0x26f: {  	(v2sf) =	vpush v1, $0x6;
	s28 =	spop (v2sf)  }
0x270: {  	(v2sf) =	vpush v1, $0x7;
	s15 =	spop (v2sf)  }
0x271: {  	(v2sf) =	vpush v1, $0x8;
	s20 =	spop (v2sf)  }
0x272: {  	(v2sf) =	vpush v1, $0x9;
	s30 =	spop (v2sf)  }
0x273: {  	(v2sf) =	vpush v1, $0xA;
	s4 =	spop (v2sf)  }
0x274: {  	v0 =	vld [tilespmem:s19+$0x40];
	(v2sf) =	vpush v1, $0xB;
	s5 =	spop (v2sf)  }
0x275: {  	(v2sf) =	vpush v1, $0xC;
	s1 =	spop (v2sf)  }
0x276: {  	(v2sf) =	vpush v1, $0xD;
	s31 =	spop (v2sf)  }
0x277: {  	(v2sf) =	vpush v1, $0xE;
	s0 =	spop (v2sf)  }
0x278: {  	s11 =	spop (v2sf);
	(v2sf) =	vpush v1, $0xF  }
0x279: {  	(v2sf) =	vpush v0, $0x0;
	s12 =	spop (v2sf)  }
0x27a: {  	(v2sf) =	vpush v0, $0x1;
	s13 =	spop (v2sf)  }
0x27b: {  	(v2sf) =	vpush v0, $0x2;
	s17 =	spop (v2sf)  }
0x27c: {  	(v2sf) =	vpush v0, $0x3;
	s18 =	spop (v2sf)  }
0x27d: {  	[smem:$0x73F] =	sst s10;
	(v2sf) =	vpush v0, $0x4;
	s10 =	spop (v2sf)  }
0x27e: {  	(v2sf) =	vpush v0, $0x5;
	s21 =	spop (v2sf)  }
0x27f: {  	[smem:$0x745] =	sst s21;
	(v2sf) =	vpush v0, $0x6;
	s21 =	spop (v2sf)  }
0x280: {  	(v2sf) =	vpush v0, $0x7;
	s29 =	spop (v2sf)  }
0x281: {  	s7 =	rddreg [dreg:$0xf];
	(v2sf) =	vpush v0, $0x8;
	s6 =	spop (v2sf)  }
0x282: {  	s8 =	smov.u32 s7;
	[smem:$0x742] =	sst s13;
	(v2sf) =	vpush v0, $0x9;
	s13 =	spop (v2sf)  }
0x283: {  	[dreg:$0x13] =	wrdreg s8;
	(v2sf) =	vpush v0, $0xA;
	s7 =	spop (v2sf)  }
0x284: {  	v1 =	vld [tilespmem:s19+$0x30];
	[smem:$0x740] =	sst s11;
	(v2sf) =	vpush v0, $0xB;
	s11 =	spop (v2sf)  }
0x285: {  	s14 =	smin.f32 s14, s16;
	(v2sf) =	vpush v0, $0xC;
	s26 =	spop (v2sf)  }
0x286: {  	s15 =	smin.f32 s15, s20;
	(v2sf) =	vpush v0, $0xD;
	s3 =	spop (v2sf)  }
0x287: {  	s4 =	smin.f32 s30, s4;
	(v2sf) =	vpush v0, $0xE;
	s2 =	spop (v2sf)  }
0x288: {  	s4 =	smin.f32 s15, s4;
	s22 =	spop (v2sf);
	(v2sf) =	vpush v0, $0xF  }
0x289: {  	[smem:$0x741] =	sst s12;
	(v2sf) =	vpush v1, $0x0;
	s12 =	spop (v2sf)  }
0x28a: {  	[smem:$0x743] =	sst s17;
	(v2sf) =	vpush v1, $0x1;
	s17 =	spop (v2sf)  }
0x28b: {  	[smem:$0x744] =	sst s18;
	(v2sf) =	vpush v1, $0x2;
	s18 =	spop (v2sf)  }
0x28c: {  	[smem:$0x746] =	sst s22;
	(v2sf) =	vpush v1, $0x3;
	s22 =	spop (v2sf)  }
0x28d: {  	[smem:$0x747] =	sst s12;
	(v2sf) =	vpush v1, $0x4;
	s12 =	spop (v2sf)  }
0x28e: {  	[smem:$0x748] =	sst s17;
	(v2sf) =	vpush v1, $0x5;
	s17 =	spop (v2sf)  }
0x28f: {  	[smem:$0x749] =	sst s18;
	(v2sf) =	vpush v1, $0x6;
	s18 =	spop (v2sf)  }
0x290: {  	[smem:$0x74A] =	sst s22;
	(v2sf) =	vpush v1, $0x7;
	s22 =	spop (v2sf)  }
0x291: {  	[smem:$0x74B] =	sst s12;
	(v2sf) =	vpush v1, $0x8;
	s12 =	spop (v2sf)  }
0x292: {  	[smem:$0x74C] =	sst s17;
	(v2sf) =	vpush v1, $0x9;
	s17 =	spop (v2sf)  }
0x293: {  	[smem:$0x74E] =	sst s22;
	(v2sf) =	vpush v1, $0xA;
	s22 =	spop (v2sf)  }
0x294: {  	[smem:$0x74D] =	sst s18;
	(v2sf) =	vpush v1, $0xB;
	s18 =	spop (v2sf)  }
0x295: {  	[smem:$0x74F] =	sst s12;
	(v2sf) =	vpush v1, $0xC;
	s12 =	spop (v2sf)  }
0x296: {  	[smem:$0x750] =	sst s17;
	s17 =	spop (v2sf)  }
0x297: {  	[dreg:$0x3] =	wrdreg s4;
	s8 =	spop (v2sf)  }
0x298: {  	[smem:$0x751] =	sst s18;
	s18 =	spop (v2sf)  }
0x299: {  	v0 =	vld [tilespmem:s19+$0x20];
	[smem:$0x752] =	sst s18;
	s18 =	spop (v2sf)  }
0x29a: {  	(v2sf) =	vpush v1, $0xD;
	[smem:$0x753] =	sst s18;
	s18 =	spop (v2sf)  }
0x29b: {  	[smem:$0x754] =	sst s18;
	s18 =	spop (v2sf)  }
0x29c: {  	(v2sf) =	vpush v1, $0xE;
	[smem:$0x755] =	sst s18;
	s18 =	spop (v2sf)  }
0x29d: {  	(v2sf) =	vpush v1, $0xF;
	[smem:$0x756] =	sst s18;
	s18 =	spop (v2sf)  }
0x29e: {  	(v2sf) =	vpush v0, $0x0;
	[smem:$0x757] =	sst s18;
	s18 =	spop (v2sf)  }
0x29f: {  	(v2sf) =	vpush v0, $0x1;
	[smem:$0x758] =	sst s18;
	s18 =	spop (v2sf)  }
0x2a0: {  	(v2sf) =	vpush v0, $0x2;
	[smem:$0x759] =	sst s18;
	s18 =	spop (v2sf)  }
0x2a1: {  	(v2sf) =	vpush v0, $0x3;
	[smem:$0x75A] =	sst s18;
	s18 =	spop (v2sf)  }
0x2a2: {  	(v2sf) =	vpush v0, $0x4;
	[smem:$0x75B] =	sst s18;
	s18 =	spop (v2sf)  }
0x2a3: {  	(v2sf) =	vpush v0, $0x5;
	[smem:$0x75C] =	sst s18;
	s18 =	spop (v2sf)  }
0x2a4: {  	(v2sf) =	vpush v0, $0x6;
	[smem:$0x75D] =	sst s18;
	s18 =	spop (v2sf)  }
0x2a5: {  	s16 =	smin.f32 s25, s28;
	[smem:$0x75E] =	sst s18  }
0x2a6: {  	s14 =	smin.f32 s14, s16;
	(v2sf) =	vpush v0, $0x7;
	s18 =	sld [smem:$0x73F]  }
0x2a7: {  	s1 =	smin.f32 s5, s1;
	s15 =	sld [smem:$0x740]  }
0x2a8: {  	s0 =	smin.f32 s31, s0;
	s16 =	sld [smem:$0x741];
	(v2sf) =	vpush v0, $0x8  }
0x2a9: {  	(v2sf) =	vpush v0, $0x9;
	s18 =	smin.f32 s18, s24;
	s24 =	spop (v2sf)  }
0x2aa: {  	s0 =	smin.f32 s1, s0;
	[smem:$0x75F] =	sst s24  }
0x2ab: {  	(v2sf) =	vpush v0, $0xA;
	s24 =	smin.f32 s9, s23;
	s23 =	spop (v2sf)  }
0x2ac: {  	[dreg:$0x4] =	wrdreg s0;
	s9 =	spop (v2sf)  }
0x2ad: {  	s1 =	smin.f32 s15, s16;
	(v2sf) =	vpush v0, $0xB;
	s25 =	spop (v2sf)  }
0x2ae: {  	s6 =	smin.f32 s29, s6;
	v1 =	vld [tilespmem:s19+$0x10];
	(v2sf) =	vpush v0, $0xC;
	s28 =	spop (v2sf)  }
0x2af: {  	s5 =	smin.f32 s18, s24;
	s30 =	spop (v2sf)  }
0x2b0: {  	(v2sf) =	vpush v0, $0xD;
	s5 =	smin.f32 s5, s14;
	s20 =	spop (v2sf)  }
0x2b1: {  	(v2sf) =	vpush v0, $0xE;
	[dreg:$0x5] =	wrdreg s5;
	s31 =	spop (v2sf)  }
0x2b2: {  	(v2sf) =	vpush v0, $0xF;
	[smem:$0x760] =	sst s20;
	s24 =	spop (v2sf)  }
0x2b3: {  	(v2sf) =	vpush v1, $0x0;
	[smem:$0x761] =	sst s24;
	s20 =	spop (v2sf)  }
0x2b4: {  	s7 =	smin.f32 s13, s7;
	(v2sf) =	vpush v1, $0x1;
	[smem:$0x762] =	sst s20  }
0x2b5: {  	(v2sf) =	vpush v1, $0x2;
	s24 =	spop (v2sf);
	s20 =	sld [smem:$0x742]  }
0x2b6: {  	s11 =	smin.f32 s11, s26;
	(v2sf) =	vpush v1, $0x3;
	[smem:$0x763] =	sst s24  }
0x2b7: {  	(v2sf) =	vpush v1, $0x4;
	s4 =	spop (v2sf);
	s24 =	sld [smem:$0x743]  }
0x2b8: {  	(v2sf) =	vpush v1, $0x5;
	[smem:$0x764] =	sst s4;
	s14 =	spop (v2sf)  }
0x2b9: {  	s26 =	smin.f32 s6, s7;
	(v2sf) =	vpush v1, $0x6;
	[smem:$0x765] =	sst s14  }
0x2ba: {  	(v2sf) =	vpush v1, $0x7;
	s18 =	spop (v2sf);
	s14 =	sld [smem:$0x744]  }
0x2bb: {  	(v2sf) =	vpush v1, $0x8;
	[smem:$0x766] =	sst s18;
	s4 =	smin.f32 s20, s24  }
0x2bc: {  	(v2sf) =	vpush v1, $0x9;
	s5 =	spop (v2sf);
	s20 =	sld [smem:$0x745]  }
0x2bd: {  	(v2sf) =	vpush v1, $0xA;
	[smem:$0x767] =	sst s5;
	s18 =	spop (v2sf)  }
0x2be: {  	s2 =	smin.f32 s3, s2;
	(v2sf) =	vpush v1, $0xB;
	[smem:$0x768] =	sst s18  }
0x2bf: {  	s2 =	smin.f32 s11, s2;
	v0 =	vld [tilespmem:s19+$0x0];
	(v2sf) =	vpush v1, $0xC;
	[dreg:$0x6] =	wrdreg s26  }
0x2c0: {  	s1 =	smin.f32 s1, s4;
	[dreg:$0x7] =	wrdreg s2  }
0x2c1: {  	s15 =	smin.f32 s14, s10;
	[dreg:$0x2] =	wrdreg s19  }
0x2c2: {  	s24 =	smin.f32 s20, s21;
	s7 =	sld [smem:$0x746]  }
0x2c3: {  	s14 =	spop (v2sf);
	s11 =	sld [smem:$0x747]  }
0x2c4: {  	s20 =	smin.f32 s15, s24;
	s15 =	sld [smem:$0x748]  }
0x2c5: {  	s26 =	sld [smem:$0x74C];
	s10 =	spop (v2sf)  }
0x2c6: {  	s1 =	smin.f32 s1, s20;
	s20 =	sld [smem:$0x74A]  }
0x2c7: {  	s0 =	spop (v2sf);
	[dreg:$0x8] =	wrdreg s1  }
0x2c8: {  	s21 =	spop (v2sf);
	s1 =	smin.f32 s7, s11  }
0x2c9: {  	s11 =	sld [smem:$0x74E];
	s16 =	spop (v2sf)  }
0x2ca: {  	[smem:$0x769] =	sst s16  }
0x2cb: {  	s18 =	spop (v2sf);
	s16 =	sld [smem:$0x749]  }
0x2cc: {  	[smem:$0x76A] =	sst s18;
	s24 =	spop (v2sf)  }
0x2cd: {  	s8 =	smin.f32 s17, s8;
	[smem:$0x76B] =	sst s24  }
0x2ce: {  	s29 =	spop (v2sf);
	s24 =	sld [smem:$0x74B]  }
0x2cf: {  	[smem:$0x76C] =	sst s29;
	s5 =	spop (v2sf)  }
0x2d0: {  	(v2sf) =	vpush v1, $0xD;
	s4 =	smin.f32 s15, s16;
	s29 =	sld [smem:$0x74D]  }
0x2d1: {  	(v2sf) =	vpush v1, $0xE;
	[smem:$0x76D] =	sst s5;
	s6 =	spop (v2sf)  }
0x2d2: {  	(v2sf) =	vpush v1, $0xF;
	[smem:$0x76E] =	sst s6;
	s13 =	spop (v2sf)  }
0x2d3: {  	s1 =	smin.f32 s1, s4;
	[smem:$0x76F] =	sst s13  }
0x2d4: {  	(v2sf) =	vpush v0, $0x0;
	s18 =	spop (v2sf);
	s13 =	sld [smem:$0x74F]  }
0x2d5: {  	s7 =	smin.f32 s26, s29;
	s26 =	sld [smem:$0x750]  }
0x2d6: {  	(v2sf) =	vpush v0, $0x1;
	s5 =	smin.f32 s20, s24;
	[smem:$0x770] =	sst s18  }
0x2d7: {  	s6 =	spop (v2sf);
	s17 =	smin.f32 s5, s7  }
0x2d8: {  	s5 =	sld [smem:$0x756];
	s3 =	spop (v2sf)  }
0x2d9: {  	(v2sf) =	vpush v0, $0x2;
	s1 =	smin.f32 s1, s17;
	s17 =	sld [smem:$0x754]  }
0x2da: {  	[smem:$0x771] =	sst s3;
	s15 =	smin.f32 s11, s13  }
0x2db: {  	(v2sf) =	vpush v0, $0x3;
	s29 =	spop (v2sf);
	s11 =	sld [smem:$0x751]  }
0x2dc: {  	s3 =	smin.f32 s26, s22;
	[dreg:$0xb] =	wrdreg s1  }
0x2dd: {  	(v2sf) =	vpush v0, $0x4;
	s13 =	sld [smem:$0x752];
	s24 =	spop (v2sf)  }
0x2de: {  	s26 =	smin.f32 s15, s3;
	s15 =	sld [smem:$0x753]  }
0x2df: {  	s2 =	spop (v2sf);
	[dreg:$0x9] =	wrdreg s26  }
0x2e0: {  	(v2sf) =	vpush v0, $0x5;
	s16 =	smin.f32 s11, s12;
	s20 =	spop (v2sf)  }
0x2e1: {  	s18 =	spop (v2sf);
	s3 =	smin.f32 s16, s8  }
0x2e2: {  	(v2sf) =	vpush v0, $0x6;
	s1 =	smin.f32 s13, s15;
	s15 =	sld [smem:$0x75A]  }
0x2e3: {  	s22 =	spop (v2sf);
	[dreg:$0xa] =	wrdreg s3  }
0x2e4: {  	(v2sf) =	vpush v0, $0x7;
	s2 =	smin.f32 s24, s2;
	[smem:$0x772] =	sst s22  }
0x2e5: {  	s7 =	spop (v2sf);
	s22 =	sld [smem:$0x755]  }
0x2e6: {  	(v2sf) =	vpush v0, $0x8;
	s18 =	smin.f32 s20, s18;
	[smem:$0x773] =	sst s7  }
0x2e7: {  	s2 =	smin.f32 s2, s18;
	s7 =	sld [smem:$0x757]  }
0x2e8: {  	s11 =	spop (v2sf);
	[dreg:$0x15] =	wrdreg s2  }
0x2e9: {  	(v2sf) =	vpush v0, $0x9;
	[smem:$0x774] =	sst s11  }
0x2ea: {  	(v2sf) =	vpush v0, $0xA;
	s12 =	spop (v2sf);
	s11 =	sld [smem:$0x758]  }
0x2eb: {  	[smem:$0x775] =	sst s12  }
0x2ec: {  	s16 =	spop (v2sf);
	s12 =	sld [smem:$0x759]  }
0x2ed: {  	(v2sf) =	vpush v0, $0xB;
	s3 =	smin.f32 s17, s22;
	s22 =	sld [smem:$0x75C]  }
0x2ee: {  	[smem:$0x776] =	sst s16  }
0x2ef: {  	(v2sf) =	vpush v0, $0xC;
	s26 =	spop (v2sf);
	s16 =	sld [smem:$0x75B]  }
0x2f0: {  	v1 =	vld [tilespmem:s19+$0xFFFFFFF0];
	s4 =	smin.f32 s5, s7;
	[smem:$0x777] =	sst s26  }
0x2f1: {  	(v2sf) =	vpush v0, $0xD;
	s8 =	spop (v2sf);
	s26 =	sld [smem:$0x75D]  }
0x2f2: {  	(v2sf) =	vpush v0, $0xE;
	[smem:$0x778] =	sst s8;
	s5 =	smin.f32 s11, s12  }
0x2f3: {  	s13 =	spop (v2sf);
	s11 =	sld [smem:$0x75E]  }
0x2f4: {  	(v2sf) =	vpush v0, $0xF;
	[smem:$0x779] =	sst s13;
	s7 =	smin.f32 s15, s16  }
0x2f5: {  	(v2sf) =	vpush v1, $0x0;
	s17 =	spop (v2sf);
	s13 =	sld [smem:$0x75F]  }
0x2f6: {  	(v2sf) =	vpush v1, $0x1;
	s5 =	smin.f32 s4, s5;
	s18 =	sld [smem:$0x778]  }
0x2f7: {  	[smem:$0x77A] =	sst s17;
	s12 =	smin.f32 s22, s26  }
0x2f8: {  	s16 =	spop (v2sf);
	s17 =	smin.f32 s23, s9  }
0x2f9: {  	s22 =	smin.f32 s1, s3;
	s26 =	spop (v2sf)  }
0x2fa: {  	(v2sf) =	vpush v1, $0x2;
	s8 =	smin.f32 s7, s12;
	s5 =	smin.f32 s22, s5  }
0x2fb: {  	s22 =	sld [smem:$0x761];
	s15 =	smin.f32 s11, s13  }
0x2fc: {  	(v2sf) =	vpush v1, $0x3;
	s9 =	spop (v2sf);
	[dreg:$0xc] =	wrdreg s8  }
0x2fd: {  	[dreg:$0xe] =	wrdreg s5;
	s5 =	smin.f32 s25, s28  }
0x2fe: {  	(v2sf) =	vpush v1, $0x4;
	s25 =	sld [smem:$0x762];
	s23 =	spop (v2sf)  }
0x2ff: {  	(v2sf) =	vpush v1, $0x5;
	s11 =	smin.f32 s15, s17;
	s15 =	sld [smem:$0x760]  }
0x300: {  	s4 =	spop (v2sf);
	[dreg:$0xd] =	wrdreg s11  }
0x301: {  	s3 =	spop (v2sf);
	s4 =	smin.f32 s23, s4  }
0x302: {  	(v2sf) =	vpush v1, $0x6;
	s7 =	smin.f32 s30, s15;
	s30 =	sld [smem:$0x763]  }
0x303: {  	(v2sf) =	vpush v1, $0x7;
	s1 =	spop (v2sf);
	s15 =	sld [smem:$0x764]  }
0x304: {  	s12 =	spop (v2sf);
	s7 =	smin.f32 s5, s7  }
0x305: {  	[smem:$0x77B] =	sst s12;
	s13 =	spop (v2sf)  }
0x306: {  	s1 =	smin.f32 s3, s1;
	[smem:$0x77C] =	sst s13  }
0x307: {  	s13 =	smin.f32 s25, s30;
	s25 =	sld [smem:$0x766]  }
0x308: {  	(v2sf) =	vpush v1, $0x8;
	s4 =	smin.f32 s4, s1;
	s30 =	sld [smem:$0x767]  }
0x309: {  	(v2sf) =	vpush v1, $0x9;
	s17 =	spop (v2sf);
	[dreg:$0x18] =	wrdreg s4  }
0x30a: {  	(v2sf) =	vpush v1, $0xA;
	s12 =	smin.f32 s31, s22;
	[smem:$0x77D] =	sst s17  }
0x30b: {  	s31 =	spop (v2sf);
	s17 =	sld [smem:$0x765]  }
0x30c: {  	(v2sf) =	vpush v1, $0xB;
	s12 =	smin.f32 s12, s13;
	s13 =	sld [smem:$0x769]  }
0x30d: {  	s11 =	spop (v2sf);
	s12 =	smin.f32 s7, s12  }
0x30e: {  	(v2sf) =	vpush v1, $0xC;
	[smem:$0x77E] =	sst s11;
	s22 =	spop (v2sf)  }
0x30f: {  	v0 =	vld [tilespmem:s19+$0xFFFFFFE0];
	[dreg:$0x12] =	wrdreg s12;
	s15 =	smin.f32 s15, s17  }
0x310: {  	(v2sf) =	vpush v1, $0xD;
	[smem:$0x77F] =	sst s22;
	s17 =	smin.f32 s25, s30  }
0x311: {  	(v2sf) =	vpush v1, $0xE;
	s11 =	spop (v2sf);
	s22 =	sld [smem:$0x768]  }
0x312: {  	[smem:$0x780] =	sst s11;
	s25 =	spop (v2sf)  }
0x313: {  	(v2sf) =	vpush v1, $0xF;
	s11 =	smin.f32 s15, s17;
	s15 =	sld [smem:$0x76B]  }
0x314: {  	(v2sf) =	vpush v0, $0x0;
	[smem:$0x781] =	sst s25  }
0x315: {  	[dreg:$0x10] =	wrdreg s11  }
0x316: {  	s0 =	smin.f32 s10, s0;
	s25 =	sld [smem:$0x76D]  }
0x317: {  	(v2sf) =	vpush v0, $0x1;
	s30 =	spop (v2sf);
	s1 =	sld [smem:$0x780]  }
0x318: {  	s14 =	smin.f32 s22, s14;
	s8 =	spop (v2sf)  }
0x319: {  	(v2sf) =	vpush v0, $0x2;
	[smem:$0x782] =	sst s30;
	s10 =	spop (v2sf)  }
0x31a: {  	s0 =	smin.f32 s14, s0;
	s14 =	sld [smem:$0x76A]  }
0x31b: {  	[smem:$0x783] =	sst s10;
	s11 =	spop (v2sf)  }
0x31c: {  	(v2sf) =	vpush v0, $0x3;
	[dreg:$0x11] =	wrdreg s0;
	s0 =	smin.f32 s21, s13  }
0x31d: {  	(v2sf) =	vpush v0, $0x4;
	s21 =	sld [smem:$0x76C];
	s22 =	spop (v2sf)  }
0x31e: {  	s7 =	smin.f32 s14, s15;
	s14 =	sld [smem:$0x76E]  }
0x31f: {  	s30 =	spop (v2sf);
	s15 =	sld [smem:$0x76F]  }
0x320: {  	s17 =	spop (v2sf);
	s12 =	smin.f32 s21, s25  }
0x321: {  	(v2sf) =	vpush v0, $0x5;
	s25 =	sld [smem:$0x770];
	s0 =	smin.f32 s0, s7  }
0x322: {  	(v2sf) =	vpush v0, $0x6;
	s7 =	sld [smem:$0x775];
	s13 =	spop (v2sf)  }
0x323: {  	s22 =	smin.f32 s22, s30;
	s10 =	spop (v2sf)  }
0x324: {  	(v2sf) =	vpush v0, $0x7;
	s14 =	smin.f32 s14, s15;
	s15 =	sld [smem:$0x771]  }
0x325: {  	(v2sf) =	vpush v0, $0x8;
	s13 =	smin.f32 s17, s13;
	[smem:$0x784] =	sst s10  }
0x326: {  	(v2sf) =	vpush v0, $0x9;
	s21 =	spop (v2sf);
	s6 =	smin.f32 s25, s6  }
0x327: {  	(v2sf) =	vpush v0, $0xA;
	s12 =	smin.f32 s12, s14;
	s30 =	smin.f32 s22, s13  }
0x328: {  	[smem:$0x785] =	sst s21;
	s10 =	spop (v2sf)  }
0x329: {  	s0 =	smin.f32 s0, s12;
	[dreg:$0x1b] =	wrdreg s30  }
0x32a: {  	(v2sf) =	vpush v0, $0xB;
	[smem:$0x786] =	sst s10;
	s21 =	smin.f32 s15, s29  }
0x32b: {  	(v2sf) =	vpush v0, $0xC;
	s29 =	spop (v2sf);
	[dreg:$0x16] =	wrdreg s0  }
0x32c: {  	v1 =	vld [tilespmem:s19+$0xFFFFFFD0];
	s15 =	sld [smem:$0x777];
	s25 =	spop (v2sf)  }
0x32d: {  	s6 =	smin.f32 s6, s21;
	s21 =	sld [smem:$0x772]  }
0x32e: {  	(v2sf) =	vpush v0, $0xD;
	[smem:$0x787] =	sst s25  }
0x32f: {  	(v2sf) =	vpush v0, $0xE;
	[dreg:$0x14] =	wrdreg s6  }
0x330: {  	(v2sf) =	vpush v0, $0xF;
	s5 =	spop (v2sf);
	s25 =	sld [smem:$0x773]  }
0x331: {  	(v2sf) =	vpush v1, $0x0;
	s6 =	sld [smem:$0x774];
	s10 =	spop (v2sf)  }
0x332: {  	s9 =	smin.f32 s26, s9;
	(v2sf) =	vpush v1, $0x1;
	[smem:$0x788] =	sst s10  }
0x333: {  	(v2sf) =	vpush v1, $0x2;
	s24 =	spop (v2sf);
	s10 =	sld [smem:$0x776]  }
0x334: {  	(v2sf) =	vpush v1, $0x3;
	s28 =	spop (v2sf);
	s2 =	smin.f32 s21, s25  }
0x335: {  	s12 =	smin.f32 s6, s7;
	s14 =	spop (v2sf)  }
0x336: {  	(v2sf) =	vpush v1, $0x4;
	s21 =	sld [smem:$0x779];
	s20 =	spop (v2sf)  }
0x337: {  	s15 =	smin.f32 s10, s15;
	s10 =	sld [smem:$0x77A]  }
0x338: {  	(v2sf) =	vpush v1, $0x5;
	s2 =	smin.f32 s2, s12;
	[smem:$0x789] =	sst s20  }
0x339: {  	s20 =	spop (v2sf);
	s18 =	smin.f32 s18, s21  }
0x33a: {  	(v2sf) =	vpush v1, $0x6;
	s7 =	spop (v2sf);
	s16 =	smin.f32 s10, s16  }
0x33b: {  	(v2sf) =	vpush v1, $0x7;
	s15 =	smin.f32 s15, s18;
	s23 =	smin.f32 s16, s9  }
0x33c: {  	s9 =	smin.f32 s2, s15;
	s15 =	sld [smem:$0x77C]  }
0x33d: {  	(v2sf) =	vpush v1, $0x8;
	s25 =	spop (v2sf);
	s16 =	sld [smem:$0x77D]  }
0x33e: {  	s21 =	spop (v2sf);
	s2 =	sld [smem:$0x781]  }
0x33f: {  	(v2sf) =	vpush v1, $0x9;
	s10 =	spop (v2sf);
	[dreg:$0x17] =	wrdreg s23  }
0x340: {  	(v2sf) =	vpush v1, $0xA;
	[dreg:$0x19] =	wrdreg s9;
	s6 =	spop (v2sf)  }
0x341: {  	[smem:$0x78A] =	sst s6;
	s26 =	spop (v2sf)  }
0x342: {  	(v2sf) =	vpush v1, $0xB;
	[smem:$0x78B] =	sst s26;
	s6 =	spop (v2sf)  }
0x343: {  	[smem:$0x78C] =	sst s6;
	s12 =	spop (v2sf)  }
0x344: {  	v0 =	vld [tilespmem:s19+$0xFFFFFFC0];
	(v2sf) =	vpush v1, $0xC;
	s21 =	smin.f32 s21, s10;
	[smem:$0x78D] =	sst s12  }
0x345: {  	s18 =	spop (v2sf);
	s12 =	sld [smem:$0x77B]  }
0x346: {  	(v2sf) =	vpush v1, $0xD;
	s3 =	smin.f32 s16, s31;
	[smem:$0x78E] =	sst s18  }
0x347: {  	(v2sf) =	vpush v1, $0xE;
	s26 =	spop (v2sf);
	s18 =	sld [smem:$0x77E]  }
0x348: {  	(v2sf) =	vpush v1, $0xF;
	s2 =	smin.f32 s1, s2;
	[smem:$0x78F] =	sst s26  }
0x349: {  	(v2sf) =	vpush v0, $0x0;
	s6 =	spop (v2sf);
	s26 =	sld [smem:$0x77F]  }
0x34a: {  	(v2sf) =	vpush v0, $0x1;
	[smem:$0x790] =	sst s6;
	s9 =	spop (v2sf)  }
0x34b: {  	s4 =	smin.f32 s12, s15;
	s6 =	sld [smem:$0x782]  }
0x34c: {  	(v2sf) =	vpush v0, $0x2;
	s12 =	sld [smem:$0x783];
	s23 =	spop (v2sf)  }
0x34d: {  	(v2sf) =	vpush v0, $0x3;
	s3 =	smin.f32 s4, s3;
	s4 =	sld [smem:$0x785]  }
0x34e: {  	s31 =	spop (v2sf);
	s16 =	smin.f32 s18, s26  }
0x34f: {  	(v2sf) =	vpush v0, $0x4;
	s26 =	spop (v2sf);
	s1 =	smin.f32 s6, s8  }
0x350: {  	s0 =	smin.f32 s12, s11;
	s2 =	smin.f32 s16, s2  }
0x351: {  	(v2sf) =	vpush v0, $0x5;
	s18 =	spop (v2sf);
	s0 =	smin.f32 s1, s0  }
0x352: {  	(v2sf) =	vpush v0, $0x6;
	s2 =	smin.f32 s3, s2;
	s3 =	sld [smem:$0x784]  }
0x353: {  	(v2sf) =	vpush v0, $0x7;
	s15 =	spop (v2sf);
	[dreg:$0x1a] =	wrdreg s0  }
0x354: {  	(v2sf) =	vpush v0, $0x8;
	[dreg:$0x1c] =	wrdreg s2;
	s0 =	smin.f32 s7, s25  }
0x355: {  	s18 =	smin.f32 s26, s18;
	s8 =	spop (v2sf)  }
0x356: {  	s0 =	smin.f32 s0, s21;
	s12 =	spop (v2sf)  }
0x357: {  	(v2sf) =	vpush v0, $0x9;
	s21 =	sld [smem:$0x78A];
	s11 =	spop (v2sf)  }
0x358: {  	[dreg:$0x1e] =	wrdreg s0;
	s6 =	spop (v2sf)  }
0x359: {  	(v2sf) =	vpush v0, $0xA;
	[smem:$0x791] =	sst s6;
	s16 =	spop (v2sf)  }
0x35a: {  	s6 =	smin.f32 s3, s4;
	s3 =	sld [smem:$0x787]  }
0x35b: {  	(v2sf) =	vpush v0, $0xB;
	s4 =	sld [smem:$0x788];
	s17 =	spop (v2sf)  }
0x35c: {  	v1 =	vld [tilespmem:s19+$0xFFFFFFB0];
	(v2sf) =	vpush v0, $0xC;
	[smem:$0x792] =	sst s17;
	s1 =	spop (v2sf)  }
0x35d: {  	(v2sf) =	vpush v0, $0xD;
	s11 =	smin.f32 s12, s11;
	[smem:$0x793] =	sst s1  }
0x35e: {  	(v2sf) =	vpush v0, $0xE;
	s30 =	spop (v2sf);
	s1 =	sld [smem:$0x786]  }
0x35f: {  	s3 =	smin.f32 s3, s5;
	s5 =	smin.f32 s4, s24  }
0x360: {  	(v2sf) =	vpush v0, $0xF;
	s17 =	spop (v2sf);
	s3 =	smin.f32 s3, s5  }
0x361: {  	(v2sf) =	vpush v1, $0x0;
	s22 =	spop (v2sf);
	s29 =	smin.f32 s1, s29  }
0x362: {  	s13 =	spop (v2sf);
	s1 =	smin.f32 s28, s14  }
0x363: {  	(v2sf) =	vpush v1, $0x1;
	s14 =	sld [smem:$0x789];
	s24 =	spop (v2sf)  }
0x364: {  	s29 =	smin.f32 s6, s29;
	s13 =	smin.f32 s22, s13  }
0x365: {  	(v2sf) =	vpush v1, $0x2;
	s4 =	smin.f32 s29, s3;
	s29 =	sld [smem:$0x78B]  }
0x366: {  	s28 =	spop (v2sf);
	s3 =	sld [smem:$0x78D]  }
0x367: {  	s20 =	smin.f32 s14, s20;
	[dreg:$0x1f] =	wrdreg s4  }
0x368: {  	s14 =	spop (v2sf);
	s4 =	sld [smem:$0x78E]  }
0x369: {  	(v2sf) =	vpush v1, $0x3;
	s28 =	smin.f32 s24, s28;
	s1 =	smin.f32 s1, s20  }
0x36a: {  	s7 =	spop (v2sf);
	[dreg:$0x1d] =	wrdreg s1  }
0x36b: {  	s25 =	spop (v2sf);
	s1 =	sld [smem:$0x78C]  }
0x36c: {  	(v2sf) =	vpush v1, $0x4;
	s22 =	smin.f32 s14, s7;
	s6 =	spop (v2sf)  }
0x36d: {  	(v2sf) =	vpush v1, $0x5;
	s22 =	smin.f32 s28, s22;
	s5 =	spop (v2sf)  }
0x36e: {  	(v2sf) =	vpush v1, $0x6;
	s6 =	smin.f32 s25, s6;
	[smem:$0x7EE] =	sst s22  }
0x36f: {  	(v2sf) =	vpush v1, $0x7;
	s10 =	spop (v2sf);
	s3 =	smin.f32 s1, s3  }
0x370: {  	(v2sf) =	vpush v1, $0x8;
	s1 =	sld [smem:$0x790];
	s2 =	spop (v2sf)  }
0x371: {  	(v2sf) =	vpush v1, $0x9;
	s10 =	smin.f32 s5, s10;
	[smem:$0x794] =	sst s2  }
0x372: {  	(v2sf) =	vpush v1, $0xA;
	s20 =	spop (v2sf);
	s2 =	smin.f32 s21, s29  }
0x373: {  	v0 =	vld [tilespmem:s19+$0xFFFFFFA0];
	(v2sf) =	vpush v1, $0xB;
	s21 =	sld [smem:$0x78F];
	s6 =	smin.f32 s6, s10  }
0x374: {  	(v2sf) =	vpush v1, $0xC;
	[smem:$0x795] =	sst s20;
	s29 =	spop (v2sf)  }
0x375: {  	(v2sf) =	vpush v1, $0xD;
	s0 =	smin.f32 s1, s9;
	s1 =	smin.f32 s23, s31  }
0x376: {  	(v2sf) =	vpush v1, $0xE;
	s31 =	smin.f32 s15, s8;
	[smem:$0x7EF] =	sst s6  }
0x377: {  	(v2sf) =	vpush v1, $0xF;
	s3 =	smin.f32 s2, s3;
	s6 =	sld [smem:$0x794]  }
0x378: {  	(v2sf) =	vpush v0, $0x0;
	s20 =	spop (v2sf);
	s1 =	smin.f32 s1, s18  }
0x379: {  	(v2sf) =	vpush v0, $0x1;
	s31 =	smin.f32 s31, s11;
	s11 =	sld [smem:$0x792]  }
0x37a: {  	(v2sf) =	vpush v0, $0x2;
	s10 =	sld [smem:$0x795];
	s4 =	smin.f32 s4, s21  }
0x37b: {  	(v2sf) =	vpush v0, $0x3;
	s21 =	spop (v2sf);
	[smem:$0x7E7] =	sst s1  }
0x37c: {  	[smem:$0x7E8] =	sst s31;
	(v2sf) =	vpush v0, $0x4;
	s9 =	spop (v2sf)  }
0x37d: {  	s1 =	sld [smem:$0x791];
	(v2sf) =	vpush v0, $0x5;
	s23 =	spop (v2sf)  }
0x37e: {  	s31 =	sld [smem:$0x793];
	(v2sf) =	vpush v0, $0x6;
	s26 =	spop (v2sf)  }
0x37f: {  	s20 =	smin.f32 s29, s20;
	(v2sf) =	vpush v0, $0x7;
	s8 =	spop (v2sf)  }
0x380: {  	s0 =	smin.f32 s4, s0;
	(v2sf) =	vpush v0, $0x8;
	s15 =	spop (v2sf)  }
0x381: {  	s0 =	smin.f32 s3, s0;
	(v2sf) =	vpush v0, $0x9;
	s2 =	spop (v2sf)  }
0x382: {  	s22 =	smin.f32 s21, s9;
	(v2sf) =	vpush v0, $0xA;
	s12 =	spop (v2sf)  }
0x383: {  	v1 =	vld [tilespmem:s19+$0xFFFFFF90];
	[smem:$0x7E9] =	sst s0;
	(v2sf) =	vpush v0, $0xB;
	s4 =	spop (v2sf)  }
0x384: {  	s0 =	smin.f32 s1, s16;
	(v2sf) =	vpush v0, $0xC;
	s18 =	spop (v2sf)  }
0x385: {  	s31 =	smin.f32 s11, s31;
	(v2sf) =	vpush v0, $0xD;
	s3 =	spop (v2sf)  }
0x386: {  	s1 =	smin.f32 s30, s17;
	(v2sf) =	vpush v0, $0xE;
	s16 =	spop (v2sf)  }
0x387: {  	s0 =	smin.f32 s0, s31;
	s11 =	spop (v2sf);
	(v2sf) =	vpush v0, $0xF  }
0x388: {  	s13 =	smin.f32 s1, s13;
	(v2sf) =	vpush v1, $0x0;
	s30 =	spop (v2sf)  }
0x389: {  	[smem:$0x796] =	sst s11;
	(v2sf) =	vpush v1, $0x1;
	s11 =	spop (v2sf)  }
0x38a: {  	s23 =	smin.f32 s23, s26;
	(v2sf) =	vpush v1, $0x2;
	s17 =	spop (v2sf)  }
0x38b: {  	s0 =	smin.f32 s0, s13;
	(v2sf) =	vpush v1, $0x3;
	s7 =	spop (v2sf)  }
0x38c: {  	s22 =	smin.f32 s22, s23;
	(v2sf) =	vpush v1, $0x4;
	s14 =	spop (v2sf)  }
0x38d: {  	[smem:$0x7F0] =	sst s0;
	(v2sf) =	vpush v1, $0x5;
	s5 =	spop (v2sf)  }
0x38e: {  	s0 =	smin.f32 s6, s10;
	(v2sf) =	vpush v1, $0x6;
	s24 =	spop (v2sf)  }
0x38f: {  	s26 =	smin.f32 s8, s15;
	(v2sf) =	vpush v1, $0x7;
	s1 =	spop (v2sf)  }
0x390: {  	s0 =	smin.f32 s0, s20;
	(v2sf) =	vpush v1, $0x8;
	s25 =	spop (v2sf)  }
0x391: {  	s2 =	smin.f32 s2, s12;
	(v2sf) =	vpush v1, $0x9;
	s28 =	spop (v2sf)  }
0x392: {  	s0 =	smin.f32 s0, s22;
	(v2sf) =	vpush v1, $0xA;
	s13 =	spop (v2sf)  }
0x393: {  	v2 =	vld [tilespmem:s19+$0xFFFFFF80];
	s2 =	smin.f32 s26, s2;
	(v2sf) =	vpush v1, $0xB;
	s6 =	spop (v2sf)  }
0x394: {  	[smem:$0x7F5] =	sst s0;
	(v2sf) =	vpush v1, $0xC;
	s29 =	spop (v2sf)  }
0x395: {  	s31 =	smin.f32 s4, s18;
	(v2sf) =	vpush v1, $0xD;
	s9 =	spop (v2sf)  }
0x396: {  	[smem:$0x7F3] =	sst s2;
	(v2sf) =	vpush v1, $0xE;
	s21 =	spop (v2sf)  }
0x397: {  	s3 =	smin.f32 s3, s16;
	s15 =	spop (v2sf);
	(v2sf) =	vpush v1, $0xF  }
0x398: {  	s16 =	smin.f32 s31, s3;
	(v2sf) =	vpush v2, $0x0;
	s10 =	spop (v2sf)  }
0x399: {  	s23 =	sld [smem:$0x796];
	(v2sf) =	vpush v2, $0x1;
	s8 =	spop (v2sf)  }
0x39a: {  	[smem:$0x797] =	sst s15;
	(v2sf) =	vpush v2, $0x2;
	s15 =	spop (v2sf)  }
0x39b: {  	[smem:$0x7F4] =	sst s16;
	(v2sf) =	vpush v2, $0x3;
	s18 =	spop (v2sf)  }
0x39c: {  	s11 =	smin.f32 s11, s17;
	(v2sf) =	vpush v2, $0x4;
	s4 =	spop (v2sf)  }
0x39d: {  	s0 =	smin.f32 s23, s30;
	(v2sf) =	vpush v2, $0x5;
	s20 =	spop (v2sf)  }
0x39e: {  	s7 =	smin.f32 s7, s14;
	(v2sf) =	vpush v2, $0x6;
	s26 =	spop (v2sf)  }
0x39f: {  	s11 =	smin.f32 s0, s11;
	(v2sf) =	vpush v2, $0x7;
	s31 =	spop (v2sf)  }
0x3a0: {  	s2 =	smin.f32 s5, s24;
	(v2sf) =	vpush v2, $0x8;
	s30 =	spop (v2sf)  }
0x3a1: {  	s7 =	smin.f32 s7, s2;
	(v2sf) =	vpush v2, $0x9;
	s17 =	spop (v2sf)  }
0x3a2: {  	s1 =	smin.f32 s1, s25;
	(v2sf) =	vpush v2, $0xA;
	s16 =	spop (v2sf)  }
0x3a3: {  	v0 =	vld [tilespmem:s19+$0x70];
	s23 =	smin.f32 s11, s7;
	(v2sf) =	vpush v2, $0xB;
	s19 =	spop (v2sf)  }
0x3a4: {  	s13 =	smin.f32 s28, s13;
	(v2sf) =	vpush v2, $0xC;
	s24 =	spop (v2sf)  }
0x3a5: {  	s0 =	smin.f32 s1, s13;
	(v2sf) =	vpush v2, $0xD;
	s25 =	spop (v2sf)  }
0x3a6: {  	s12 =	smin.f32 s6, s29;
	(v2sf) =	vpush v2, $0xE;
	s28 =	spop (v2sf)  }
0x3a7: {  	s21 =	smin.f32 s9, s21;
	s9 =	spop (v2sf);
	(v2sf) =	vpush v2, $0xF  }
0x3a8: {  	s29 =	sld [smem:$0x797];
	s5 =	spop (v2sf);
	(v2sf) =	vpush v0, $0x0  }
0x3a9: {  	s22 =	smin.f32 s12, s21;
	s6 =	spop (v2sf);
	(v2sf) =	vpush v0, $0x1  }
0x3aa: {  	s2 =	smin.f32 s8, s15;
	s3 =	spop (v2sf);
	(v2sf) =	vpush v0, $0x2  }
0x3ab: {  	s29 =	smin.f32 s29, s10;
	s1 =	spop (v2sf);
	(v2sf) =	vpush v0, $0x3  }
0x3ac: {  	s12 =	smin.f32 s18, s4;
	s11 =	spop (v2sf);
	(v2sf) =	vpush v0, $0x4  }
0x3ad: {  	s21 =	smin.f32 s20, s26;
	s7 =	spop (v2sf);
	(v2sf) =	vpush v0, $0x5  }
0x3ae: {  	s26 =	smin.f32 s29, s2;
	s8 =	spop (v2sf);
	(v2sf) =	vpush v0, $0x6  }
0x3af: {  	s15 =	smin.f32 s31, s30;
	s10 =	spop (v2sf);
	(v2sf) =	vpush v0, $0x7  }
0x3b0: {  	s31 =	rddreg [dreg:$0xf];
	s4 =	spop (v2sf);
	(v2sf) =	vpush v0, $0x8  }
0x3b1: {  	s17 =	smin.f32 s17, s16;
	s14 =	spop (v2sf);
	(v2sf) =	vpush v0, $0x9  }
.Ltmp3:
0x3b2: {  	s13 =	spop (v2sf);
	(v2sf) =	vpush v0, $0xA;
	(pc) =	sbr.rel @p0 .LBB2_8-.Ltmp3, $4  }
0x3b3: {  	s18 =	smin.f32 s19, s24;
	s16 =	spop (v2sf);
	(v2sf) =	vpush v0, $0xB  }
0x3b4: {  	s19 =	rddreg [dreg:$0x13];
	s20 =	spop (v2sf);
	(v2sf) =	vpush v0, $0xC  }
0x3b5: {  	s2 =	sadd.s32 $0x40, s31;
	s25 =	smin.f32 s25, s28;
	s24 =	spop (v2sf);
	(v2sf) =	vpush v0, $0xD  }
0x3b6: {  	s28 =	smin.f32 s12, s21;
	s21 =	smov.u32 s0;
	s0 =	spop (v2sf);
	(v2sf) =	vpush v0, $0xE  }
0x3b7: {  	s2 =	smin.f32 s15, s17  }
0x3b8: {  	s12 =	smin.f32 s18, s25;
	s15 =	smin.f32 s26, s28  }
0x3b9: {  	s5 =	smin.f32 s9, s5;
	s3 =	smin.f32 s6, s3  }
0x3ba: {  	s1 =	smin.f32 s1, s11;
	s7 =	smin.f32 s7, s8  }
0x3bb: {  	s8 =	spop (v2sf);
	s4 =	smin.f32 s10, s4  }
0x3bc: {  	s26 =	smin.f32 s14, s13;
	s29 =	smin.f32 s16, s20  }
0x3bd: {  	s0 =	smin.f32 s24, s0;
	s13 =	sld [smem:$0x7F3]  }
0x3be: {  	s14 =	sld [smem:$0x7F4];
	s25 =	spop (v2sf)  }
0x3bf: {  	s3 =	smin.f32 s5, s3;
	s1 =	smin.f32 s1, s7  }
0x3c0: {  	s4 =	smin.f32 s4, s26;
	s0 =	smin.f32 s29, s0  }
0x3c1: {  	s28 =	spop (v2sf);
	s1 =	smin.f32 s3, s1  }
0x3c2: {  	s7 =	smin.f32 s8, s25;
	s0 =	smin.f32 s4, s0  }
0x3c3: {  	s4 =	rddreg [dreg:$0x19];
	s30 =	spop (v2sf)  }
0x3c4: {  	s0 =	smin.f32 s1, s0;
	s31 =	spop (v2sf)  }
0x3c5: {  	s10 =	smin.f32 s28, s30;
	s16 =	spop (v2sf)  }
0x3c6: {  	s7 =	smin.f32 s7, s10;
	s10 =	smin.f32 s2, s12  }
0x3c7: {  	s2 =	smin.f32 s13, s14;
	s13 =	rddreg [dreg:$0xe]  }
0x3c8: {  	s14 =	rddreg [dreg:$0x9];
	s17 =	spop (v2sf)  }
0x3c9: {  	(v2sf) =	vpush v0, $0xF;
	s1 =	smin.f32 s15, s10;
	s15 =	sld [smem:$0x7F5]  }
0x3ca: {  	s5 =	smin.f32 s31, s16;
	s16 =	sld [smem:$0x7EE]  }
0x3cb: {  	s10 =	rddreg [dreg:$0x12];
	s18 =	spop (v2sf)  }
0x3cc: {  	s6 =	smin.f32 s17, s18;
	s17 =	sld [smem:$0x7EF]  }
0x3cd: {  	s20 =	spop (v2sf);
	s18 =	sld [smem:$0x7F0]  }
0x3ce: {  	s24 =	spop (v2sf);
	s5 =	smin.f32 s5, s6  }
0x3cf: {  	s6 =	rddreg [dreg:$0x15];
	s25 =	spop (v2sf)  }
0x3d0: {  	s3 =	smin.f32 s20, s24;
	s20 =	sld [smem:$0x7E7]  }
0x3d1: {  	s5 =	smin.f32 s7, s5;
	s24 =	rddreg [dreg:$0x1e]  }
0x3d2: {  	s7 =	rddreg [dreg:$0x16];
	s26 =	spop (v2sf)  }
0x3d3: {  	s8 =	smin.f32 s25, s26;
	s25 =	rddreg [dreg:$0x1f]  }
0x3d4: {  	s28 =	spop (v2sf);
	s26 =	rddreg [dreg:$0x1a]  }
0x3d5: {  	s29 =	spop (v2sf);
	s3 =	smin.f32 s3, s8  }
0x3d6: {  	s8 =	rddreg [dreg:$0x10];
	s30 =	spop (v2sf)  }
0x3d7: {  	s9 =	smin.f32 s28, s29;
	s28 =	rddreg [dreg:$0x1b]  }
0x3d8: {  	s29 =	rddreg [dreg:$0x1c];
	s31 =	spop (v2sf)  }
0x3d9: {  	s11 =	smin.f32 s30, s31;
	s30 =	rddreg [dreg:$0x17]  }
0x3da: {  	s31 =	rddreg [dreg:$0x18];
	s9 =	smin.f32 s9, s11  }
0x3db: {  	s11 =	smin.f32 s21, s22;
	s21 =	sld [smem:$0x7E8]  }
0x3dc: {  	s22 =	sld [smem:$0x7E9];
	s3 =	smin.f32 s3, s9  }
0x3dd: {  	s12 =	smin.f32 s23, s11;
	s23 =	rddreg [dreg:$0x1d]  }
0x3de: {  	s9 =	rddreg [dreg:$0x11];
	s3 =	smin.f32 s5, s3  }
0x3df: {  	s11 =	rddreg [dreg:$0xc];
	v63 =	vmov s3  }
0x3e0: {  	s5 =	rddreg [dreg:$0x14];
	v0 =	vsel vm0, s0, v63  }
0x3e1: {  	v0 =	vsel vm1, s1, v0;
	s1 =	smin.f32 s15, s2;
	s15 =	rddreg [dreg:$0xa]  }
0x3e2: {  	s2 =	smin.f32 s16, s17;
	s16 =	rddreg [dreg:$0xb]  }
0x3e3: {  	s17 =	rddreg [dreg:$0x6]  }
0x3e4: {  	v0 =	vsel vm2, s12, v0;
	s12 =	rddreg [dreg:$0xd]  }
0x3e5: {  	s0 =	smin.f32 s18, s2;
	s18 =	rddreg [dreg:$0x7]  }
0x3e6: {  	s2 =	smin.f32 s20, s21;
	s20 =	rddreg [dreg:$0x8]  }
0x3e7: {  	s21 =	rddreg [dreg:$0x3]  }
0x3e8: {  	v0 =	vsel vm3, s1, v0;
	s1 =	smin.f32 s22, s2;
	s22 =	rddreg [dreg:$0x4]  }
0x3e9: {  	s2 =	smin.f32 s23, s24;
	s23 =	rddreg [dreg:$0x5];
	v0 =	vsel vm4, s0, v0  }
0x3ea: {  	s0 =	smin.f32 s25, s2;
	s2 =	smin.f32 s26, s28;
	v0 =	vsel vm5, s1, v0  }
0x3eb: {  	s1 =	smin.f32 s29, s2;
	s2 =	smin.f32 s30, s31;
	v0 =	vsel vm6, s0, v0  }
0x3ec: {  	s0 =	smin.f32 s4, s2;
	s2 =	smin.f32 s5, s6;
	v0 =	vsel vm7, s1, v0  }
0x3ed: {  	s1 =	smin.f32 s7, s2;
	s2 =	smin.f32 s8, s9;
	v0 =	vsel vm8, s0, v0  }
0x3ee: {  	s0 =	smin.f32 s10, s2;
	s2 =	smin.f32 s11, s12;
	v0 =	vsel vm9, s1, v0  }
0x3ef: {  	s1 =	smin.f32 s13, s2;
	s2 =	smin.f32 s14, s15;
	v0 =	vsel vm10, s0, v0  }
0x3f0: {  	s0 =	smin.f32 s16, s2;
	s2 =	smin.f32 s17, s18;
	v0 =	vsel vm11, s1, v0  }
0x3f1: {  	s1 =	smin.f32 s20, s2;
	s2 =	smin.f32 s21, s22;
	v0 =	vsel vm12, s0, v0  }
0x3f2: {  	s25 =	sld [smem:$0x7FC];
	s0 =	smin.f32 s23, s2;
	v0 =	vsel vm13, s1, v0  }
0x3f3: {  	s3 =	simm.s32 $0x1;
	s24 =	sshra.s32 s19, $0x2;
	v0 =	vsel vm14, s0, v0  }
0x3f4: {  	s26 =	simm.s32 $0x80;
	s28 =	simm.s32 $0x400;
	s29 =	simm.s32 $0x8680;
	[tilespmem:s24+$0x8680] =	vst v0  }
0x3f5: {  	[hbm4b:s25+s26] =	stream.strided.scatter [tilespmem:s29], [sflag:$0x1], $0x400, s28, s26, $0x38;
	[tilespmem:$0x8A80] =	vst v63  }
0x3f6: {  	_ =	swait.ge [sflag:s3], $0x400  }
0x3f7: {  	s30 =	sld [smem:$0x7F9]  }
0x3f8: {  	s31 =	sld [smem:$0x7FD];
	_ =	sdelay $0x1  }
0x3f9: {  	s1 =	sadd.s32 $0x1, s30  }
0x3fa: {  	p0 =	sne.s32 s1, s31  }
.Ltmp4:
0x3fb: {  	_ = 	snop;
	(pc) =	sbr.rel @p0 .LBB2_1-.Ltmp4, $3  }
0x3fc: {  	_ =	sdelay $0x1  }
0x3fd: {  	[sflag:s3] =	ssyncset.done $0x0  }
0x3fe: {  	[sflag:s3] =	ssyncadd.s32 $0xFFFFFC00  }
0x3ff: {  	_ =	sfence.sel $0x180000  }
0x400: {  	[bflag:$0x0] =	sbarrier.arrive $0xFFFF  }
0x401: {  	_ =	strace $0x90000047  }
0x402: {  	s0 =	stileid.u32;
	[bflag:$0x2] =	sbarrier.arrive $0xFFFF  }
0x403: {  	p0 =	sne.s32 s0, $0x0;
	s0 =	rddreg [dreg:$0x1]  }
0x404: {  	s0 =	sadd.s32 @!p0 $0x100000, s0  }
0x405: {  	[sflag:s0] =	ssyncadd.tile.s32 @!p0 $0x1;
	_ =	shalt  }
.Lfunc_end2:
_tile_overlayer_lowered:
.L_overlay_start_2:
0x406: {  	(tag) =	ssettag $0x2  }
0x407: {  	s0 =	rddreg [dreg:$0x0];
	s2 =	stileid.u32  }
0x408: {  	s1 =	rddreg [dreg:$0x1];
	p0 =	sne.s32 s2, $0x0  }
0x409: {  	s3 =	rddreg [dreg:$0x2];
	[bflag:$0x3] =	sbarrier.arrive $0xFFFF;
	s2 =	simm.s32 @!p0 $0x1C01  }
0x40a: {  	[timem:s3], [sflag:s2] =	dma.local @!p0 [hbm:s0], s1  }
0x40b: {  	s0 =	simm.s32 @!p0 $0x1  }
0x40c: {  	_ =	swait.ge @!p0 [sflag:s0], s1  }
0x40d: {  	s1 =	ssub.s32 @!p0 $0x0, s1;
	[sflag:s0] =	ssyncset.done @!p0 $0x0  }
0x40e: {  	[sflag:s0] =	ssyncadd.s32 @!p0 s1  }
0x40f: {  	[bflag:$0x3] =	sbarrier.arrive $0xFFFF  }
0x410: {  	_ =	shalt  }

// kernel: kernel.8.cloned.1.call-start
scs
__scs_entry_jumppad:
0x0: {  	(pc) =	sbr.rel $0x88, $3  }
0x1: {  	(tag) =	ssettag $0x0;
	lr =	simm.s32 $0x1  }
0x2: {  	[smem:$0x3F9F] =	sst lr;
	_ =	strace $0xD0000000  }
0x3: {  	_ = 	snop  }
0x4: {  	_ = 	snop  }
0x5: {  	_ = 	snop  }
0x6: {  	_ = 	snop  }
0x7: {  	_ = 	snop  }
__scs_overlays_trampoline_lowered:
0x8: {  	[smem:$0x3FAE] =	sst s0  }
0x9: {  	[smem:$0x3FAF] =	sst s1  }
0xa: {  	[smem:$0x3FB0] =	sst s2  }
0xb: {  	[smem:$0x3FB1] =	sst s3  }
0xc: {  	[smem:$0x3FB2] =	sst s4  }
0xd: {  	[smem:$0x3FB3] =	sst s5  }
0xe: {  	[smem:$0x3FB4] =	sst s6  }
0xf: {  	[smem:$0x3FB5] =	sst s7  }
0x10: {  	[smem:$0x3FB6] =	sst s8  }
0x11: {  	[smem:$0x3FB7] =	sst s9;
	s0 =	simm.s32 @!p0 $0x0  }
0x12: {  	s1 =	sld [smem:$0x3F9D];
	s0 =	simm.s32 @p0 $0x1  }
0x13: {  	[smem:$0x3FB8] =	sst s0;
	s0 =	simm.s32 @!p1 $0x0  }
0x14: {  	s2 =	sld [smem:$0x3F9C];
	s0 =	simm.s32 @p1 $0x1  }
0x15: {  	[smem:$0x3FB9] =	sst s0;
	s0 =	simm.s32 @!p2 $0x0  }
0x16: {  	s3 =	sld [smem:$0x3FDB];
	s0 =	simm.s32 @p2 $0x1  }
0x17: {  	s4 =	simm.s32 $0x1BF5;
	[smem:$0x3FBB] =	sst s0  }
0x18: {  	s0 =	sld [smem:$0x3F9E];
	_ =	swait.ge [sflag:s4], $0x0  }
0x19: {  	s7 =	sld [smem:$0x3F9F]  }
0x1a: {  	s8 =	sadd.s32 $0xFFFFE003, lr  }
0x1b: {  	s9 =	sadd.s32 $0xFFFFFEF7, lr;
	s5 =	simm.s32 $0xFFFFFFFF;
	p2 =	slt.u32 s8, $0xFFFFF086  }
0x1c: {  	p1 =	slt.u32 s9, $0xF7A;
	s5 =	simm.s32 @!p2 $0x0  }
0x1d: {  	s5 =	simm.s32 @p1 $0x1;
	p0 =	seq.s32 s7, s2  }
0x1e: {  	s7 =	smul.u32 @!p0 $0xF7A, s2;
	p2 =	seq.s32 @!p0 s5, $0x0  }
0x1f: {  	s9 =	smul.u32 $0xF7A, s1;
	s8 =	simm.s32 @!p0 $0x1BF5;
	p2 =	por !p2, p0  }
0x20: {  	[sflag:s8] =	ssyncset.s32 @!p0 $0xFFFFF086;
	s6 =	sadd.s32 @!p0 s3, s7;
	s7 =	simm.s32 @!p0 $0x108  }
0x21: {  	s3 =	sadd.s32 s3, s9;
	s6 =	sadd.s32 @!p0 $0x88, s6;
	s7 =	simm.s32 @p2 $0x1082  }
0x22: {  	[simem:s7], [sflag:s8] =	dma.local @!p0 [hbm:s6], $0xF7A  }
0x23: {  	s9 =	sor.u32 $0xD0000000, s2;
	s6 =	simm.s32 $0x108;
	_ =	swait.ge @!p0 [sflag:s8], $0x0  }
0x24: {  	s3 =	sadd.s32 $0x88, s3;
	s6 =	simm.s32 @!p1 $0x1082;
	[sflag:s4] =	ssyncset.s32 $0xFFFFF086  }
0x25: {  	[simem:s6], [sflag:s4] =	dma.local [hbm:s3], $0xF7A  }
0x26: {  	[smem:$0x3F9F] =	sst s1;
	(tag) =	ssettag s2;
	_ =	strace s9  }
0x27: {  	s1 =	sld [smem:$0x3FAF]  }
0x28: {  	s2 =	sld [smem:$0x3FB0]  }
0x29: {  	s4 =	sld [smem:$0x3FB2]  }
0x2a: {  	p0 =	seq.s32 s5, $0x0;
	s5 =	sld [smem:$0x3FB3]  }
0x2b: {  	s6 =	sld [smem:$0x3FB4]  }
0x2c: {  	s7 =	sld [smem:$0x3FB5]  }
0x2d: {  	s3 =	simm.s32 $0x108;
	s8 =	sld [smem:$0x3FB6]  }
0x2e: {  	s3 =	simm.s32 @!p0 $0x1082;
	s9 =	sld [smem:$0x3FB7]  }
0x2f: {  	lr =	sadd.s32 s0, s3;
	s0 =	sld [smem:$0x3FAE]  }
0x30: {  	s3 =	sld [smem:$0x3FB1]  }
0x31: {  	[smem:$0x3FBA] =	sst s10  }
0x32: {  	s10 =	sld [smem:$0x3FB8];
	_ =	sdelay $0x3  }
0x33: {  	p0 =	seq.s32 s10, $0x1;
	s10 =	sld [smem:$0x3FBA];
	_ =	sdelay $0x3  }
0x34: {  	[smem:$0x3FBA] =	sst s10  }
0x35: {  	s10 =	sld [smem:$0x3FB9];
	_ =	sdelay $0x3  }
0x36: {  	p1 =	seq.s32 s10, $0x1;
	s10 =	sld [smem:$0x3FBA];
	_ =	sdelay $0x3  }
0x37: {  	[smem:$0x3FBA] =	sst s10  }
0x38: {  	s10 =	sld [smem:$0x3FBB]  }
0x39: {  	_ = 	snop;
	(pc) =	sbr.ind lr, $3  }
0x3a: {  	_ = 	snop  }
0x3b: {  	_ = 	snop  }
0x3c: {  	p2 =	seq.s32 s10, $0x1;
	s10 =	sld [smem:$0x3FBA]  }
0x3d: {  	_ =	shalt  }
0x3e: {  	_ =	shalt  }
0x3f: {  	_ =	shalt  }
0x40: {  	_ =	shalt  }
0x41: {  	_ =	shalt  }
0x42: {  	_ =	shalt  }
0x43: {  	_ =	shalt  }
0x44: {  	_ =	shalt  }
0x45: {  	_ =	shalt  }
0x46: {  	_ =	shalt  }
0x47: {  	_ =	shalt  }
0x48: {  	_ =	shalt  }
0x49: {  	_ =	shalt  }
0x4a: {  	_ =	shalt  }
0x4b: {  	_ =	shalt  }
0x4c: {  	_ =	shalt  }
0x4d: {  	_ =	shalt  }
0x4e: {  	_ =	shalt  }
0x4f: {  	_ =	shalt  }
0x50: {  	_ =	shalt  }
0x51: {  	_ =	shalt  }
0x52: {  	_ =	shalt  }
0x53: {  	_ =	shalt  }
0x54: {  	_ =	shalt  }
0x55: {  	_ =	shalt  }
0x56: {  	_ =	shalt  }
0x57: {  	_ =	shalt  }
0x58: {  	_ =	shalt  }
0x59: {  	_ =	shalt  }
0x5a: {  	_ =	shalt  }
0x5b: {  	_ =	shalt  }
0x5c: {  	_ =	shalt  }
0x5d: {  	_ =	shalt  }
0x5e: {  	_ =	shalt  }
0x5f: {  	_ =	shalt  }
0x60: {  	_ =	shalt  }
0x61: {  	_ =	shalt  }
0x62: {  	_ =	shalt  }
0x63: {  	_ =	shalt  }
0x64: {  	_ =	shalt  }
0x65: {  	_ =	shalt  }
0x66: {  	_ =	shalt  }
0x67: {  	_ =	shalt  }
0x68: {  	_ =	shalt  }
0x69: {  	_ =	shalt  }
0x6a: {  	_ =	shalt  }
0x6b: {  	_ =	shalt  }
0x6c: {  	_ =	shalt  }
0x6d: {  	_ =	shalt  }
0x6e: {  	_ =	shalt  }
0x6f: {  	_ =	shalt  }
0x70: {  	_ =	shalt  }
0x71: {  	_ =	shalt  }
0x72: {  	_ =	shalt  }
0x73: {  	_ =	shalt  }
0x74: {  	_ =	shalt  }
0x75: {  	_ =	shalt  }
0x76: {  	_ =	shalt  }
0x77: {  	_ =	shalt  }
0x78: {  	_ =	shalt  }
0x79: {  	_ =	shalt  }
0x7a: {  	_ =	shalt  }
0x7b: {  	_ =	shalt  }
0x7c: {  	_ =	shalt  }
0x7d: {  	_ =	shalt  }
0x7e: {  	_ =	shalt  }
0x7f: {  	_ =	shalt  }
0x80: {  	_ =	shalt  }
0x81: {  	_ =	shalt  }
0x82: {  	_ =	shalt  }
0x83: {  	_ =	shalt  }
0x84: {  	_ =	shalt  }
0x85: {  	_ =	shalt  }
0x86: {  	_ =	shalt  }
0x87: {  	_ =	shalt  }
.Lfunc_end0:
.L_simem_size_0:
called_computation.1_lowered:
.L_overlay_start_0:
0x88: {  	s2 =	sld [smem:$0x3FD9]  }
0x89: {  	s3 =	sld [smem:$0x3FFE];
	_ =	sdelay $0x1  }
0x8a: {  	s1 =	srdreg.scid  }
0x8b: {  	s0 =	sand.u32 $0x1, s1  }
0x8c: {  	s17 =	sshll.u32 s0, $0xA;
	s2 =	sadd.s32 s3, s2  }
0x8d: {  	s2 =	sadd.s32 s2, s17  }
0x8e: {  	[smem:$0x3FC6] =	sst s2  }
0x8f: {  	_ = 	snop  }
0x90: {  	s2 =	sld [smem:$0x3FD0];
	(tm) =	ssettm $0x1  }
0x91: {  	s18 =	sld [smem:$0x3FFB];
	_ =	sdelay $0x3  }
0x92: {  	_ =	strace s18  }
0x93: {  	s3 =	sld [smem:$0x3FFC];
	_ =	sdelay $0x3  }
0x94: {  	_ =	strace s3  }
0x95: {  	s3 =	sld [smem:$0x3FFD];
	_ =	sdelay $0x3  }
0x96: {  	_ =	strace s3  }
0x97: {  	_ =	strace $0x8FFFFFFF  }
0x98: {  	s19 =	sld [smem:$0x3FDB];
	_ =	sdelay $0x1  }
0x99: {  	s4 =	simm.s32 $_scs_section_size  }
0x9a: {  	s5 =	simm.s32 $_size__tile_overlayer_lowered;
	s6 =	simm.s32 $_tile_overlayer_lowered  }
0x9b: {  	s22 =	simm.s32 $0x1BFF;
	s21 =	sshll.u32 s6, $0x1;
	s3 =	sadd.s32 s4, s19  }
0x9c: {  	s7 =	simm.s32 $0x0;
	s20 =	sshll.u32 s5, $0x1;
	s5 =	sadd.s32 s21, s3  }
0x9d: {  	[timem:s7], [sflag:s22] =	dma.local [hbm:s5], s20  }
0x9e: {  	_ =	swait.ge [sflag:s22], s20  }
0x9f: {  	s4 =	ssub.s32 $0x0, s20;
	[sflag:s22] =	ssyncset.done $0x0  }
0xa0: {  	[sflag:s22] =	ssyncadd.s32 s4;
	_ =	sdelay $0x1  }
0xa1: {  	s23 =	simm.s32 $0x1B8B  }
0xa2: {  	_ =	swait.ge [sflag:s23], $0x1  }
0xa3: {  	[sflag:s23] =	ssyncset.done $0x0  }
0xa4: {  	s25 =	simm.s32 $0x1B8E;
	s24 =	sld [smem:$0x3FFE];
	[sflag:s23] =	ssyncadd.s32 $0xFFFFFFFF  }
0xa5: {  	s26 =	simm.s32 $execute0_lowered;
	[smem:$0x3FD2] =	sst s25  }
0xa6: {  	s5 =	sshll.u32 s26, $0x1;
	_ =	strace $0x80000049;
	[dreg:$0x1] =	wrdreg $0xFFFFFFFF  }
0xa7: {  	s28 =	simm.s32 $_size_execute0_lowered;
	s3 =	sadd.s32 s3, s5;
	[dreg:$0x0] =	wrdreg $0x0  }
0xa8: {  	s5 =	sshll.u32 s28, $0x1;
	[dreg:$0x2] =	wrdreg s3  }
0xa9: {  	[dreg:$0x3] =	wrdreg s5  }
0xaa: {  	[dreg:$0x4] =	wrdreg $0xC0  }
0xab: {  	_ =	task [dreg:s7], $0x5FFFF  }
0xac: {  	[dreg:$0x1] =	wrdreg $0xFFFFFFFF  }
0xad: {  	[dreg:$0x0] =	wrdreg $0x60  }
0xae: {  	[dreg:$0x2] =	wrdreg s24  }
0xaf: {  	[dreg:$0x3] =	wrdreg s2  }
0xb0: {  	[dreg:$0x4] =	wrdreg $0x9  }
0xb1: {  	_ =	task.clear_ibuf [dreg:s7], $0x5FFFF;
	_ =	strace $0x90000049  }
0xb2: {  	s29 =	simm.s32 $0x9;
	_ =	strace $0x8000004B  }
0xb3: {  	_ =	swait.ge [sflag:s29], $0x1  }
0xb4: {  	[sflag:s29] =	ssyncadd.s32 $0xFFFFFFFF  }
0xb5: {  	_ =	strace $0x9000004B  }
0xb6: {  	_ =	sfence  }
0xb7: {  	s30 =	sld [smem:$0x0];
	_ =	sdelay $0x2  }
0xb8: {  	s31 =	sshll.u32 s1, $0xD;
	s1 =	sshrl.u32 s1, $0x2  }
0xb9: {  	s3 =	sand.u32 $0x4000, s31;
	s1 =	sadd.s32 s1, s30  }
0xba: {  	s0 =	sor.u32 s3, s0;
	s1 =	sshll.u32 s1, $0x11  }
0xbb: {  	s0 =	sor.u32 s1, s0  }
0xbc: {  	s0 =	sadd.s32 $0x8F2B, s0  }
0xbd: {  	[sflag:s0] =	ssyncadd.remote.s32 $0x1  }
0xbe: {  	_ =	sfence.sel $0xFFFF  }
0xbf: {  	[dreg:$0x0] =	wrdreg $0xFFFFFFFF;
	(pc) =	sbr.abs _section_cstart, $3  }
0xc0: {  	[dreg:$0x1] =	wrdreg $0xFFFFFFFF  }
0xc1: {  	_ =	task.clear_ibuf [dreg:s7], $0x2FFFF;
	_ =	strace $0x9FFFFFFF  }
0xc2: {  	(tm) =	ssettm $0x7FFFFFFF  }
0xc3: {  	_ =	shalt  }
tec
execute0_lowered:
.L_overlay_start_1:
0x0: {  	(tag) =	ssettag $0x1  }
0x1: {  	s0 =	srdreg.scid  }
0x2: {  	s4 =	sand.u32 $0x1, s0;
	s0 =	stileid.u32  }
0x3: {  	s3 =	sor.u32 s0, s4  }
0x4: {  	p0 =	sne.s32 s3, $0x0  }
.Ltmp0:
0x5: {  	_ = 	snop;
	(pc) =	sbr.rel @p0 .LBB2_5-.Ltmp0, $4  }
0x6: {  	_ = 	snop  }
0x7: {  	s5 =	rddreg [dreg:$0x0]  }
0x8: {  	s2 =	rddreg [dreg:$0x1]  }
0x9: {  	s1 =	rddreg [dreg:$0x2];
	_ =	strace $0x8000004A  }
0xa: {  	s3 =	sadd.s32 $0x3400, s5;
	s6 =	ssub.s32 $0x2, s4;
	v0 =	vlaneseq.u32  }
0xb: {  	s4 =	sadd.s32 $0x4400, s5;
	s5 =	sadd.s32 $0x4600, s5;
	s8 =	simm.s32 $0x1;
	v0 =	vmul.u32 $0xFFFFFFFF, v0  }
0xc: {  	s9 =	simm.s32 $0x8400;
	s10 =	simm.s32 $0xC400;
	s7 =	sshrl.u32 s6, $0x1  }
0xd: {  	s11 =	simm.s32 $0x0;
	s6 =	ssub.s32 s6, s7;
	s7 =	simm.s32 $0x0;
	v0 =	vadd.s32 $0x3E8, v0  }
.LBB2_2:
0xe: {  	[tilespmem:s7], [sflag:$0x1] =	stream.linear.gather [hbm4b:s3+s7], $0x8000, $0x38;
	[tilespmem:$0xC480] =	vst v63  }
0xf: {  	_ =	swait.ge [sflag:s8], $0x8000  }
0x10: {  	[sflag:s8] =	ssyncset.done $0x0  }
0x11: {  	s14 =	simm.s32 $0x8000;
	[sflag:s8] =	ssyncadd.s32 $0xFFFF8000  }
0x12: {  	[tilespmem:s14], [sflag:$0x1] =	stream.linear.gather [hbm4b:s4+s7], $0x400, $0x38;
	[tilespmem:$0xC480] =	vst v63  }
0x13: {  	_ =	swait.ge [sflag:s8], $0x400  }
0x14: {  	[sflag:s8] =	ssyncset.done $0x0  }
0x15: {  	[sflag:s8] =	ssyncadd.s32 $0xFFFFFC00  }
0x16: {  	[tilespmem:s9], [sflag:$0x1] =	stream.linear.gather [hbm4b:s5+s7], $0x4000, $0x38;
	[tilespmem:$0xC480] =	vst v63  }
0x17: {  	_ =	swait.ge [sflag:s8], $0x4000  }
0x18: {  	[sflag:s8] =	ssyncset.done $0x0  }
0x19: {  	s12 =	sand.u32 $0x70, s7;
	s13 =	sand.u32 $0x1C00, s7;
	[sflag:s8] =	ssyncadd.s32 $0xFFFFC000  }
0x1a: {  	s12 =	sor.u32 s12, s13;
	v13 =	vld [tilespmem:s14+$0x0]  }
0x1b: {  	v1 =	vld [tilespmem:s12+$0x6200]  }
0x1c: {  	v3 =	vld [tilespmem:s12+$0x6100]  }
0x1d: {  	v4 =	vld [tilespmem:s12+$0x6000]  }
0x1e: {  	v5 =	vld [tilespmem:s12+$0x4300]  }
0x1f: {  	v6 =	vld [tilespmem:s12+$0x4200]  }
0x20: {  	v7 =	vld [tilespmem:s12+$0x4100]  }
0x21: {  	v8 =	vld [tilespmem:s12+$0x4000]  }
0x22: {  	v9 =	vld [tilespmem:s12+$0x2300]  }
0x23: {  	v10 =	vld [tilespmem:s12+$0x2200]  }
0x24: {  	v11 =	vld [tilespmem:s12+$0x2100]  }
0x25: {  	v12 =	vld [tilespmem:s12+$0x2000]  }
0x26: {  	v14 =	vld [tilespmem:s12+$0x300]  }
0x27: {  	v15 =	vld [tilespmem:s12+$0x200]  }
0x28: {  	v16 =	vld [tilespmem:s12+$0x100]  }
0x29: {  	v2 =	vimm.f32 $0.0e+00;
	s16 =	simm.s32 $0x10;
	s15 =	simm.s32 $0x0;
	s13 =	simm.s32 $0x0;
	v17 =	vld [tilespmem:s12+$0x0]  }
.LBB2_3:
0x2a: {  	p0 =	sne.s32 s16, $0x3F0;
	v18 =	vld [tilespmem:s12+$0x8400]  }
0x2b: {  	v19 =	vld [tilespmem:s12+$0x8480]  }
0x2c: {  	v20 =	vld [tilespmem:s12+$0x80]  }
0x2d: {  	v21 =	vld [tilespmem:s12+$0x8500]  }
0x2e: {  	v22 =	vld [tilespmem:s12+$0x180]  }
0x2f: {  	v23 =	vld [tilespmem:s12+$0x8580]  }
0x30: {  	s17 =	sor.u32 s13, s15;
	v13 =	vmin.f32 v17, v13;
	v18 =	vmul.f32 v18, v18;
	v17 =	vld [tilespmem:s12+$0x280];
	v19 =	vmul.f32 v19, v19  }
0x31: {  	s18 =	sor.u32 $0x380, s17;
	v13 =	vmin.f32 v13, v20;
	v20 =	vld [tilespmem:s12+$0x8600]  }
0x32: {  	v13 =	vmin.f32 v13, v16;
	v16 =	vld [tilespmem:s18+$0x0];
	v18 =	vadd.f32 v19, v18;
	v19 =	vmul.f32 v21, v21  }
0x33: {  	v13 =	vmin.f32 v13, v22;
	v21 =	vld [tilespmem:s12+$0x8680]  }
0x34: {  	v13 =	vmin.f32 v13, v15;
	v15 =	vld [tilespmem:s12+$0x2080];
	v18 =	vadd.f32 v19, v18;
	v19 =	vmul.f32 v23, v23  }
0x35: {  	v13 =	vmin.f32 v13, v17;
	v17 =	vld [tilespmem:s12+$0x8700]  }
0x36: {  	v13 =	vmin.f32 v13, v14;
	v14 =	vld [tilespmem:s12+$0x2180];
	v18 =	vadd.f32 v19, v18;
	v19 =	vmul.f32 v20, v20  }
0x37: {  	v13 =	vmin.f32 v13, v16;
	v16 =	vld [tilespmem:s18+$0x8400]  }
0x38: {  	v12 =	vmin.f32 v13, v12;
	v13 =	vld [tilespmem:s12+$0x2280];
	v18 =	vadd.f32 v19, v18;
	v19 =	vmul.f32 v21, v21  }
0x39: {  	s17 =	sor.u32 $0x2380, s17;
	v12 =	vmin.f32 v12, v15;
	v15 =	vld [tilespmem:s12+$0xA400]  }
0x3a: {  	v11 =	vmin.f32 v12, v11;
	v12 =	vld [tilespmem:s17+$0x0];
	v18 =	vadd.f32 v19, v18;
	v17 =	vmul.f32 v17, v17  }
0x3b: {  	v11 =	vmin.f32 v11, v14;
	v14 =	vld [tilespmem:s12+$0xA480]  }
0x3c: {  	v10 =	vmin.f32 v11, v10;
	v11 =	vld [tilespmem:s12+$0x4080];
	v17 =	vadd.f32 v17, v18;
	v16 =	vmul.f32 v16, v16  }
0x3d: {  	v10 =	vmin.f32 v10, v13;
	v13 =	vld [tilespmem:s12+$0xA500]  }
0x3e: {  	v9 =	vmin.f32 v10, v9;
	v10 =	vld [tilespmem:s12+$0x4180];
	v16 =	vadd.f32 v16, v17;
	v15 =	vmul.f32 v15, v15  }
0x3f: {  	v9 =	vmin.f32 v9, v12;
	v12 =	vld [tilespmem:s12+$0xA580]  }
0x40: {  	v8 =	vmin.f32 v9, v8;
	v9 =	vld [tilespmem:s12+$0x4280];
	v15 =	vadd.f32 v15, v16;
	v14 =	vmul.f32 v14, v14  }
0x41: {  	v8 =	vmin.f32 v8, v11;
	v11 =	vld [tilespmem:s12+$0xA600]  }
0x42: {  	v7 =	vmin.f32 v8, v7;
	v8 =	vld [tilespmem:s12+$0x4380];
	v14 =	vadd.f32 v14, v15;
	v13 =	vmul.f32 v13, v13  }
0x43: {  	v7 =	vmin.f32 v7, v10;
	v10 =	vld [tilespmem:s12+$0xA680]  }
0x44: {  	v6 =	vmin.f32 v7, v6;
	v7 =	vld [tilespmem:s12+$0x6080];
	v13 =	vadd.f32 v13, v14;
	v12 =	vmul.f32 v12, v12  }
0x45: {  	v6 =	vmin.f32 v6, v9;
	v9 =	vld [tilespmem:s12+$0xA700]  }
0x46: {  	v5 =	vmin.f32 v6, v5;
	v6 =	vld [tilespmem:s12+$0x6180];
	v12 =	vadd.f32 v12, v13;
	v11 =	vmul.f32 v11, v11  }
0x47: {  	v5 =	vmin.f32 v5, v8;
	v8 =	vld [tilespmem:s17+$0x8400]  }
0x48: {  	v4 =	vmin.f32 v5, v4;
	v5 =	vld [tilespmem:s12+$0x6280];
	v11 =	vadd.f32 v11, v12;
	v10 =	vmul.f32 v10, v10  }
0x49: {  	s15 =	sadd.s32 $0x80, s15;
	v4 =	vmin.f32 v4, v7;
	v7 =	vld [tilespmem:s12+$0x6300]  }
0x4a: {  	s14 =	sadd.s32 $0x10, s14;
	s18 =	sand.u32 $0x1C00, s15;
	s17 =	sand.u32 $0x70, s16;
	v3 =	vmin.f32 v4, v3;
	v12 =	vld [tilespmem:s12+$0x6380];
	v4 =	vadd.f32 v10, v11;
	v9 =	vmul.f32 v9, v9  }
0x4b: {  	s12 =	sor.u32 s17, s18;
	v13 =	vld [tilespmem:s14+$0x0];
	v3 =	vmin.f32 v3, v6  }
0x4c: {  	v6 =	vmin.f32 v3, v1;
	v1 =	vld [tilespmem:s12+$0x6200];
	v9 =	vadd.f32 v9, v4;
	v8 =	vmul.f32 v8, v8  }
0x4d: {  	v3 =	vld [tilespmem:s12+$0x6100];
	v5 =	vmin.f32 v6, v5  }
0x4e: {  	v4 =	vld [tilespmem:s12+$0x6000];
	v6 =	vmin.f32 v5, v7;
	v7 =	vadd.f32 v8, v9  }
0x4f: {  	v5 =	vld [tilespmem:s12+$0x4300];
	v8 =	vmin.f32 v6, v12  }
0x50: {  	v9 =	vmov s13;
	s13 =	smov.u32 s16;
	v6 =	vld [tilespmem:s12+$0x4200];
	v10 =	vadd.f32 v7, v8  }
0x51: {  	vm0 =	vlt.u32 v9, v0;
	v7 =	vld [tilespmem:s12+$0x4100]  }
0x52: {  	v8 =	vld [tilespmem:s12+$0x4000];
	v10 =	vnsel vm0, $0x0, v10  }
0x53: {  	v9 =	vld [tilespmem:s12+$0x2300];
	v2 =	vadd.f32 v10, v2  }
0x54: {  	v10 =	vld [tilespmem:s12+$0x2200]  }
0x55: {  	v11 =	vld [tilespmem:s12+$0x2100]  }
.Ltmp1:
0x56: {  	v12 =	vld [tilespmem:s12+$0x2000];
	(pc) =	sbr.rel @p0 .LBB2_3-.Ltmp1, $4  }
0x57: {  	v14 =	vld [tilespmem:s12+$0x300]  }
0x58: {  	v15 =	vld [tilespmem:s12+$0x200]  }
0x59: {  	v16 =	vld [tilespmem:s12+$0x100]  }
0x5a: {  	s16 =	sadd.s32 $0x10, s16;
	v17 =	vld [tilespmem:s12+$0x0]  }
0x5b: {  	v18 =	vld [tilespmem:s12+$0x8400]  }
0x5c: {  	v19 =	vld [tilespmem:s12+$0x8480]  }
0x5d: {  	v20 =	vld [tilespmem:s12+$0x80]  }
0x5e: {  	v21 =	vld [tilespmem:s12+$0x8500]  }
0x5f: {  	v22 =	vld [tilespmem:s12+$0x180]  }
0x60: {  	v23 =	vld [tilespmem:s12+$0x8580]  }
0x61: {  	v31 =	vld [tilespmem:s12+$0x280];
	s14 =	sor.u32 s13, s15;
	v13 =	vmin.f32 v17, v13;
	v18 =	vmul.f32 v18, v18;
	v19 =	vmul.f32 v19, v19  }
0x62: {  	v32 =	vld [tilespmem:s12+$0x8600];
	s15 =	sor.u32 $0x380, s14;
	v13 =	vmin.f32 v13, v20  }
0x63: {  	v33 =	vld [tilespmem:s15+$0x0];
	v34 =	vmul.f32 v21, v21;
	v13 =	vmin.f32 v13, v16;
	v18 =	vadd.f32 v19, v18  }
0x64: {  	v35 =	vld [tilespmem:s12+$0x8680];
	v13 =	vmin.f32 v13, v22  }
0x65: {  	v36 =	vld [tilespmem:s12+$0x2080];
	v37 =	vmul.f32 v23, v23;
	v13 =	vmin.f32 v13, v15;
	v18 =	vadd.f32 v34, v18  }
0x66: {  	v38 =	vld [tilespmem:s12+$0x8700];
	v13 =	vmin.f32 v13, v31  }
0x67: {  	v39 =	vld [tilespmem:s12+$0x2180];
	v40 =	vmul.f32 v32, v32;
	v13 =	vmin.f32 v13, v14;
	v18 =	vadd.f32 v37, v18  }
0x68: {  	v41 =	vld [tilespmem:s15+$0x8400];
	v13 =	vmin.f32 v13, v33  }
0x69: {  	v42 =	vld [tilespmem:s12+$0x2280];
	v43 =	vmul.f32 v35, v35;
	v12 =	vmin.f32 v13, v12;
	v18 =	vadd.f32 v40, v18  }
0x6a: {  	v44 =	vld [tilespmem:s12+$0xA400];
	s14 =	sor.u32 $0x2380, s14;
	v12 =	vmin.f32 v12, v36  }
0x6b: {  	v45 =	vld [tilespmem:s14+$0x0];
	v17 =	vmul.f32 v38, v38;
	v11 =	vmin.f32 v12, v11;
	v18 =	vadd.f32 v43, v18  }
0x6c: {  	v46 =	vld [tilespmem:s12+$0xA480];
	v11 =	vmin.f32 v11, v39  }
0x6d: {  	v47 =	vld [tilespmem:s12+$0x4080];
	v16 =	vmul.f32 v41, v41;
	v10 =	vmin.f32 v11, v10;
	v17 =	vadd.f32 v17, v18  }
0x6e: {  	v48 =	vld [tilespmem:s12+$0xA500];
	v10 =	vmin.f32 v10, v42  }
0x6f: {  	v49 =	vld [tilespmem:s12+$0x4180];
	v15 =	vmul.f32 v44, v44;
	v9 =	vmin.f32 v10, v9;
	v16 =	vadd.f32 v16, v17  }
0x70: {  	v50 =	vld [tilespmem:s12+$0xA580];
	v9 =	vmin.f32 v9, v45  }
0x71: {  	v51 =	vld [tilespmem:s12+$0x4280];
	v14 =	vmul.f32 v46, v46;
	v8 =	vmin.f32 v9, v8;
	v15 =	vadd.f32 v15, v16  }
0x72: {  	v52 =	vld [tilespmem:s12+$0xA600];
	v8 =	vmin.f32 v8, v47  }
0x73: {  	v53 =	vld [tilespmem:s12+$0x4380];
	v13 =	vmul.f32 v48, v48;
	v7 =	vmin.f32 v8, v7;
	v14 =	vadd.f32 v14, v15  }
0x74: {  	v54 =	vld [tilespmem:s12+$0xA680];
	v7 =	vmin.f32 v7, v49  }
0x75: {  	v55 =	vld [tilespmem:s12+$0x6080];
	v12 =	vmul.f32 v50, v50;
	v6 =	vmin.f32 v7, v6;
	v13 =	vadd.f32 v13, v14  }
0x76: {  	v56 =	vld [tilespmem:s12+$0xA700];
	v6 =	vmin.f32 v6, v51  }
0x77: {  	v57 =	vld [tilespmem:s12+$0x6180];
	v11 =	vmul.f32 v52, v52;
	v5 =	vmin.f32 v6, v5;
	v12 =	vadd.f32 v12, v13  }
0x78: {  	v58 =	vld [tilespmem:s14+$0x8400];
	v5 =	vmin.f32 v5, v53  }
0x79: {  	v59 =	vld [tilespmem:s12+$0x6280];
	v10 =	vmul.f32 v54, v54;
	v4 =	vmin.f32 v5, v4;
	v11 =	vadd.f32 v11, v12  }
0x7a: {  	v60 =	vld [tilespmem:s12+$0x6300];
	v4 =	vmin.f32 v4, v55  }
0x7b: {  	v61 =	vld [tilespmem:s12+$0x6380];
	v9 =	vmul.f32 v56, v56;
	v3 =	vmin.f32 v4, v3;
	v10 =	vadd.f32 v10, v11  }
0x7c: {  	v3 =	vmin.f32 v3, v57  }
0x7d: {  	v62 =	vmul.f32 v58, v58;
	v1 =	vmin.f32 v3, v1;
	v3 =	vadd.f32 v9, v10  }
0x7e: {  	v1 =	vmin.f32 v1, v59  }
0x7f: {  	v1 =	vmin.f32 v1, v60;
	v3 =	vadd.f32 v62, v3  }
0x80: {  	v1 =	vmin.f32 v1, v61  }
0x81: {  	v63 =	vmov s13;
	v1 =	vadd.f32 v3, v1  }
0x82: {  	vm0 =	vlt.u32 v63, v0  }
0x83: {  	v1 =	vnsel vm0, $0x0, v1  }
0x84: {  	v1 =	vadd.f32 v1, v2;
	_ =	sdelay $0x1  }
0x85: {  	(v2sf) =	vpush v1, $0x0  }
0x86: {  	(v2sf) =	vpush v1, $0x1;
	_ =	sdelay $0x1  }
0x87: {  	(v2sf) =	vpush v1, $0x2;
	_ =	sdelay $0x1  }
0x88: {  	(v2sf) =	vpush v1, $0x3;
	_ =	sdelay $0x1  }
0x89: {  	(v2sf) =	vpush v1, $0x4;
	_ =	sdelay $0x1  }
0x8a: {  	(v2sf) =	vpush v1, $0x5;
	_ =	sdelay $0x1  }
0x8b: {  	(v2sf) =	vpush v1, $0x6;
	_ =	sdelay $0x1  }
0x8c: {  	(v2sf) =	vpush v1, $0x7;
	_ =	sdelay $0x1  }
0x8d: {  	s15 =	spop (v2sf);
	(v2sf) =	vpush v1, $0x8  }
0x8e: {  	s16 =	spop (v2sf)  }
0x8f: {  	(v2sf) =	vpush v1, $0x9;
	s12 =	sadd.f32 s16, s15  }
0x90: {  	s17 =	spop (v2sf)  }
0x91: {  	(v2sf) =	vpush v1, $0xA;
	s12 =	sadd.f32 s12, s17  }
0x92: {  	s18 =	spop (v2sf)  }
0x93: {  	(v2sf) =	vpush v1, $0xB;
	s12 =	sadd.f32 s12, s18  }
0x94: {  	s19 =	spop (v2sf)  }
0x95: {  	(v2sf) =	vpush v1, $0xC;
	s12 =	sadd.f32 s12, s19  }
0x96: {  	s20 =	spop (v2sf)  }
0x97: {  	(v2sf) =	vpush v1, $0xD;
	s12 =	sadd.f32 s12, s20  }
0x98: {  	s21 =	spop (v2sf)  }
0x99: {  	(v2sf) =	vpush v1, $0xE;
	s12 =	sadd.f32 s12, s21  }
0x9a: {  	s22 =	spop (v2sf)  }
0x9b: {  	(v2sf) =	vpush v1, $0xF;
	s12 =	sadd.f32 s12, s22  }
0x9c: {  	s23 =	spop (v2sf)  }
0x9d: {  	s12 =	sadd.f32 s12, s23  }
0x9e: {  	s24 =	spop (v2sf)  }
0x9f: {  	s12 =	sadd.f32 s12, s24  }
0xa0: {  	s25 =	spop (v2sf)  }
0xa1: {  	s12 =	sadd.f32 s12, s25  }
0xa2: {  	s26 =	spop (v2sf)  }
0xa3: {  	s12 =	sadd.f32 s12, s26  }
0xa4: {  	s28 =	spop (v2sf)  }
0xa5: {  	s12 =	sadd.f32 s12, s28  }
0xa6: {  	s29 =	spop (v2sf)  }
0xa7: {  	s12 =	sadd.f32 s12, s29  }
0xa8: {  	s30 =	spop (v2sf)  }
0xa9: {  	s12 =	sadd.f32 s12, s30  }
0xaa: {  	s31 =	spop (v2sf)  }
0xab: {  	s12 =	sadd.f32 s12, s31;
	_ =	sdelay $0x1  }
0xac: {  	s12 =	smul.f32 $1.000000050e-03, s12  }
0xad: {  	s11 =	sadd.s32 $0x1, s11  }
0xae: {  	p0 =	sne.s32 s11, s6;
	v1 =	vmov s12  }
.Ltmp2:
0xaf: {  	[tilespmem:$0xC400] =	vst v1;
	(pc) =	sbr.rel @p0 .LBB2_2-.Ltmp2, $4  }
0xb0: {  	[hbm4b:s2+s7] =	stream.linear.scatter [tilespmem:s10], [sflag:$0x1], $0x80, $0x38;
	[tilespmem:$0xC480] =	vst v63  }
0xb1: {  	_ =	swait.ge [sflag:s8], $0x80  }
0xb2: {  	[sflag:s8] =	ssyncset.done $0x0  }
0xb3: {  	[sflag:s8] =	ssyncadd.s32 $0xFFFFFF80  }
.LBB2_5:
0xb4: {  	_ =	sfence.sel $0x180000  }
0xb5: {  	[bflag:$0x0] =	sbarrier.arrive $0xFFFF  }
0xb6: {  	p0 =	sne.s32 s0, $0x0;
	_ =	strace $0x9000004A  }
0xb7: {  	s0 =	sadd.s32 @!p0 $0x100000, s1;
	[bflag:$0x2] =	sbarrier.arrive $0xFFFF  }
0xb8: {  	[sflag:s0] =	ssyncadd.tile.s32 @!p0 $0x1;
	_ =	shalt  }
.Lfunc_end2:
_tile_overlayer_lowered:
.L_overlay_start_2:
0xb9: {  	(tag) =	ssettag $0x2  }
0xba: {  	s0 =	rddreg [dreg:$0x0];
	s2 =	stileid.u32  }
0xbb: {  	s1 =	rddreg [dreg:$0x1];
	p0 =	sne.s32 s2, $0x0  }
0xbc: {  	s3 =	rddreg [dreg:$0x2];
	[bflag:$0x3] =	sbarrier.arrive $0xFFFF;
	s2 =	simm.s32 @!p0 $0x1C01  }
0xbd: {  	[timem:s3], [sflag:s2] =	dma.local @!p0 [hbm:s0], s1  }
0xbe: {  	s0 =	simm.s32 @!p0 $0x1  }
0xbf: {  	_ =	swait.ge @!p0 [sflag:s0], s1  }
0xc0: {  	s1 =	ssub.s32 @!p0 $0x0, s1;
	[sflag:s0] =	ssyncset.done @!p0 $0x0  }
0xc1: {  	[sflag:s0] =	ssyncadd.s32 @!p0 s1  }
0xc2: {  	[bflag:$0x3] =	sbarrier.arrive $0xFFFF  }
0xc3: {  	_ =	shalt  }

</sc_bundles>
